<compile_context>
chip_gen: v7x
topology: tpu7x:2x2x1
jax: 0.10.2.dev20260603
libtpu: 0.0.44.dev20260713+nightly
codegen_flags: <defaults>
</compile_context>

<pallas_src>
import functools

import jax
import jax.numpy as jnp
import numpy as np
from jax import lax
from jax.experimental import pallas as pl
from jax.experimental.pallas import tpu as pltpu
from jax.experimental.pallas import tpu_sc as plsc

K = 16
F = 26
B = 4096


_T_MAIN = 999936
_T_C = 1792
_T_NCHUNK = _T_MAIN // _T_C


def _sc_transpose(emb_T, tail_flat):
    n = emb_T.shape[1]
    info = plsc.get_sparse_core_info()
    nc, ns = info.num_cores, info.num_subcores
    nw = nc * ns
    iters = (_T_NCHUNK + nw - 1) // nw

    mesh = plsc.VectorSubcoreMesh(core_axis_name="c", subcore_axis_name="s")

    @functools.partial(
        pl.kernel,
        mesh=mesh,
        out_type=jax.ShapeDtypeStruct((n * K,), jnp.float32),
        scratch_types=[
            pltpu.VMEM((K, _T_C), jnp.float32),
            pltpu.VMEM((K, _T_C), jnp.float32),
            pltpu.VMEM((_T_C * K,), jnp.float32),
            pltpu.VMEM((_T_C * K,), jnp.float32),
            pltpu.SemaphoreType.DMA,
            pltpu.SemaphoreType.DMA,
            pltpu.SemaphoreType.DMA,
        ],
        compiler_params=pltpu.CompilerParams(
            use_tc_tiling_on_sc=True, needs_layout_passes=False),
    )
    def transpose_kernel(emb_hbm, tail_hbm, out_hbm, in_v0, in_v1,
                         out_v0, out_v1, sem_a, sem_b, sem_out):
        wid = lax.axis_index("s") * nc + lax.axis_index("c")
        scat_iota = lax.iota(jnp.int32, 16) * K
        idx_vecs = [scat_iota + k for k in range(K)]
        in_sems = (sem_a, sem_b)
        in_bufs = (in_v0, in_v1)
        out_bufs = (out_v0, out_v1)

        def _in_desc(ci, buf):
            return (emb_hbm.at[:, pl.ds(ci * _T_C, _T_C)], in_bufs[buf],
                    in_sems[buf])

        def _out_desc(ci, buf):
            return (out_bufs[buf],
                    out_hbm.at[pl.ds(ci * _T_C * K, _T_C * K)], sem_out)

        def in_start(ci, buf):
            pltpu.async_copy(*_in_desc(ci, buf))

        def in_wait(ci, buf):
            pltpu.make_async_copy(*_in_desc(ci, buf)).wait()

        def out_start(ci, buf):
            pltpu.async_copy(*_out_desc(ci, buf))

        def out_wait(ci, buf):
            pltpu.make_async_copy(*_out_desc(ci, buf)).wait()

        @pl.when(wid < _T_NCHUNK)
        def _():
            in_start(wid, 0)

        for t in range(iters):
            ci = wid + t * nw
            cur = t % 2

            @pl.when(ci < _T_NCHUNK)
            def _():
                in_wait(ci, cur)
                @pl.when(ci + nw < _T_NCHUNK)
                def _():
                    in_start(ci + nw, 1 - cur)

                src = in_bufs[cur]
                dst = out_bufs[cur]

                def row_body(j, _):
                    dslice = dst.at[pl.ds(j * 256, 256)]
                    vs = [src[k, pl.ds(j * 16, 16)] for k in range(K)]
                    for k in range(K):
                        plsc.store_scatter(dslice, [idx_vecs[k]], vs[k])
                    return 0

                lax.fori_loop(0, _T_C // 16, row_body, 0)

                if t > 0:
                    out_wait(ci - nw, 1 - cur)
                out_start(ci, cur)

        last_t = iters - 1
        last_ci = wid + last_t * nw
        is_last_valid = last_ci < _T_NCHUNK
        @pl.when(is_last_valid)
        def _():
            out_wait(last_ci, last_t % 2)
        @pl.when(jnp.logical_not(is_last_valid))
        def _():
            out_wait(wid + (last_t - 1) * nw, (last_t - 1) % 2)

        @pl.when(wid == 0)
        def _():
            tail_n = (n - _T_MAIN) * K
            pltpu.sync_copy(tail_hbm, out_v0.at[pl.ds(0, tail_n)])
            pltpu.sync_copy(out_v0.at[pl.ds(0, tail_n)],
                            out_hbm.at[pl.ds(_T_MAIN * K, tail_n)])

    return transpose_kernel(emb_T, tail_flat)


def _sc_gather(x_flat, emb_v, w1_flat):
    info = plsc.get_sparse_core_info()
    nc, ns = info.num_cores, info.num_subcores
    nw = nc * ns
    bf = x_flat.shape[0]
    per_w = bf // nw
    assert per_w * nw == bf and per_w % 8 == 0

    mesh = plsc.VectorSubcoreMesh(core_axis_name="c", subcore_axis_name="s")

    @functools.partial(
        pl.kernel,
        mesh=mesh,
        out_type=[
            jax.ShapeDtypeStruct((bf, K), jnp.float32),
            jax.ShapeDtypeStruct((bf,), jnp.float32),
        ],
        scratch_types=[
            pltpu.VMEM((per_w,), jnp.int32),
            pltpu.VMEM((per_w, K), jnp.float32),
            pltpu.VMEM((per_w,), jnp.float32),
            pltpu.SemaphoreType.DMA,
            pltpu.SemaphoreType.DMA,
        ],
        compiler_params=pltpu.CompilerParams(use_tc_tiling_on_sc=False),
    )
    def gather_kernel(x_hbm, emb_hbm, w1_hbm, rows_out, w1_out,
                      idx_v, rows_v, w1_v, sem_r, sem_w):
        wid = lax.axis_index("s") * nc + lax.axis_index("c")
        base = wid * per_w
        pltpu.sync_copy(x_hbm.at[pl.ds(base, per_w)], idx_v)
        cp_r = pltpu.async_copy(emb_hbm.at[idx_v], rows_v, sem_r)
        cp_w = pltpu.async_copy(w1_hbm.at[idx_v], w1_v, sem_w)
        cp_r.wait()
        cp_w.wait()
        pltpu.sync_copy(rows_v, rows_out.at[pl.ds(base, per_w)])
        pltpu.sync_copy(w1_v, w1_out.at[pl.ds(base, per_w)])

    return gather_kernel(x_flat, emb_v, w1_flat)


def _tc_body(di_ref, w1v_ref, W1_ref, b1_ref, W2_ref, b2_ref, W3_ref, b3_ref,
             Wh_ref, cvec_ref, scal_ref, out_ref):
    mm = functools.partial(
        lax.dot_general,
        dimension_numbers=(((1,), (0,)), ((), ())),
        preferred_element_type=jnp.float32,
        precision=lax.Precision.DEFAULT,
    )
    di = di_ref[...]
    h = jnp.maximum(mm(di, W1_ref[...]) + b1_ref[...], 0.0)
    h = jnp.maximum(mm(h, W2_ref[...]) + b2_ref[...], 0.0)
    h = jnp.maximum(mm(h, W3_ref[...]) + b3_ref[...], 0.0)
    fm2 = jnp.sum(di * di * cvec_ref[...], axis=1, keepdims=True)
    fm1 = jnp.sum(w1v_ref[...], axis=1, keepdims=True)
    wfm = scal_ref[0]
    c0 = scal_ref[1]
    logit = mm(h, Wh_ref[...]) + (fm1 + fm2) * wfm + c0
    out_ref[...] = jax.nn.sigmoid(logit)


def _tc_dense(di, w1v, W1, b1, W2, b2, W3, b3, Wh, cvec, scal):
    blk = 512
    nb = B // blk
    d_in = di.shape[1]
    d_h = W2.shape[0]
    const = lambda i: (0, 0)
    return pl.pallas_call(
        _tc_body,
        grid=(nb,),
        in_specs=[
            pl.BlockSpec((blk, d_in), lambda i: (i, 0)),
            pl.BlockSpec((blk, F), lambda i: (i, 0)),
            pl.BlockSpec((d_in, d_h), const),
            pl.BlockSpec((1, d_h), const),
            pl.BlockSpec((d_h, d_h), const),
            pl.BlockSpec((1, d_h), const),
            pl.BlockSpec((d_h, d_h), const),
            pl.BlockSpec((1, d_h), const),
            pl.BlockSpec((d_h, 1), const),
            pl.BlockSpec((1, d_in), const),
            pl.BlockSpec(memory_space=pltpu.SMEM),
        ],
        out_specs=pl.BlockSpec((blk, 1), lambda i: (i, 0)),
        out_shape=jax.ShapeDtypeStruct((B, 1), jnp.float32),
        compiler_params=pltpu.CompilerParams(
            dimension_semantics=("arbitrary",),
        ),
    )(di, w1v, W1, b1, W2, b2, W3, b3, Wh, cvec, scal)


def kernel(x, emb_v, w0, w1, W1, b1, W2, b2, W3, b3, W_out, b_out):
    x_flat = x.reshape(-1)
    w1_flat = w1.reshape(-1)
    tail_flat = emb_v[_T_MAIN:].reshape(-1)
    emb_rowmajor = _sc_transpose(emb_v.T, tail_flat).reshape(emb_v.shape)
    rows, w1_vals = _sc_gather(x_flat, emb_rowmajor, w1_flat)
    di = rows.reshape(B, F * K)
    w1v = w1_vals.reshape(B, F)

    counts = (F - 1 - np.arange(F)).astype(np.float32)
    cvec = jnp.asarray(np.repeat(counts, K)[None, :])
    Wh = W_out[:-1]
    wfm = W_out[-1, 0]
    c0 = w0 * wfm + b_out[0]
    scal = jnp.stack([wfm, c0])

    return _tc_dense(di, w1v, W1, b1.reshape(1, -1), W2, b2.reshape(1, -1),
                     W3, b3.reshape(1, -1), Wh, cvec, scal)

# --- scband reference (transcript-rebuilt; emitter-appended) ---
"""Pipeline reference for scband-deep-fm-22187801051245 (READ-ONLY COPY).

The authoritative reference and input builder live on the scoring server;
editing this copy changes nothing except your own understanding.
"""

import jax, jax.numpy as jnp
import numpy as np

HASH_SIZE = 1000000
K = 16
N_FIELDS = 26
BATCH = 4096
HIDDEN = [400, 400, 400]


def setup_inputs(seed: int = 0) -> dict:
    key = jax.random.key(seed)
    ks = jax.random.split(key, 16)
    x = jax.random.randint(ks[0], (BATCH, N_FIELDS), 0, HASH_SIZE, dtype=jnp.int64 if jax.config.jax_enable_x64 else jnp.int32)
    x = x.astype(jnp.int32)
    emb_v = jax.random.normal(ks[1], (HASH_SIZE, K), dtype=jnp.float32) * 0.01
    w0 = jax.random.normal(ks[2], (), dtype=jnp.float32) * 0.01
    w1 = jax.random.normal(ks[3], (HASH_SIZE, 1), dtype=jnp.float32) * 0.01
    dims = [N_FIELDS * K] + HIDDEN
    W_deep = []
    b_deep = []
    for i in range(len(HIDDEN)):
        W_deep.append(jax.random.normal(ks[4 + i], (dims[i], dims[i + 1]), dtype=jnp.float32) * (1.0 / np.sqrt(dims[i])))
        b_deep.append(jnp.zeros((dims[i + 1],), dtype=jnp.float32))
    W_out = jax.random.normal(ks[10], (HIDDEN[-1] + 1, 1), dtype=jnp.float32) * 0.05
    b_out = jnp.zeros((1,), dtype=jnp.float32)
    return {
        "x": x,
        "emb_v": emb_v,
        "w0": w0,
        "w1": w1,
        "W1": W_deep[0], "b1": b_deep[0],
        "W2": W_deep[1], "b2": b_deep[1],
        "W3": W_deep[2], "b3": b_deep[2],
        "W_out": W_out, "b_out": b_out,
    }


def reference(x, emb_v, w0, w1, W1, b1, W2, b2, W3, b3, W_out, b_out):
    B, F = x.shape
    # Embedding part: V[i] = embedding_lookup(emb_v, x_i)
    V = jnp.take(emb_v, x, axis=0)  # [B, F, K]
    # FM layer (faithful to original, including the V[i]*V[i] in the pair loop):
    # VV.append(reduce_sum(V[i] * V[i], 1)) for each pair (i, j), i < j
    sq = jnp.sum(V * V, axis=2)  # [B, F]
    counts = (F - 1 - jnp.arange(F)).astype(jnp.float32)  # number of j>i per i
    fm2 = jnp.sum(sq * counts[None, :], axis=1)  # [B]
    # fm1 = sum over fields of w_1 lookup
    fm1 = jnp.sum(jnp.take(w1, x, axis=0).reshape(B, F), axis=1)  # [B]
    fm = w0 + fm1 + fm2
    fm = fm.reshape(-1, 1)  # [B, 1]
    # Deep part
    deep_input = V.reshape(B, F * V.shape[2])  # concat(V, 1)
    h = jax.nn.relu(jnp.matmul(deep_input, W1) + b1)
    h = jax.nn.relu(jnp.matmul(h, W2) + b2)
    h = jax.nn.relu(jnp.matmul(h, W3) + b3)
    # Output
    output_in = jnp.concatenate([h, fm], axis=1)
    logit = jnp.matmul(output_in, W_out) + b_out
    prob = jax.nn.sigmoid(logit)
    return prob

if __name__ == "__main__":
    import jax
    _d = setup_inputs()
    print(jax.jit(kernel)(*tuple(_d.values())))

</pallas_src>

<mosaic_0001>
#map = affine_map<(d0, d1) -> (0)>
#map1 = affine_map<(d0, d1) -> (0, 0)>
module attributes {stable_mosaic.version = 14 : i64} {
  func.func @gather_kernel(%arg0: i32, %arg1: i32, %arg2: memref<106496xi32, #tpu.memory_space<hbm>>, %arg3: memref<1000000x16xf32, #tpu.memory_space<hbm>>, %arg4: memref<1000000xf32, #tpu.memory_space<hbm>>, %arg5: memref<106496x16xf32, #tpu.memory_space<hbm>>, %arg6: memref<106496xf32, #tpu.memory_space<hbm>>, %arg7: memref<3328xi32, #tpu.memory_space<vmem>>, %arg8: memref<3328x16xf32, #tpu.memory_space<vmem>>, %arg9: memref<3328xf32, #tpu.memory_space<vmem>>, %arg10: memref<!tpu.dma_semaphore, #tpu.memory_space<semaphore_mem>>, %arg11: memref<!tpu.dma_semaphore, #tpu.memory_space<semaphore_mem>>) attributes {dimension_semantics = [#tpu.dimension_semantics<core_parallel>, #tpu.dimension_semantics<subcore_parallel>], iteration_bounds = array<i64: 2, 16>, scalar_prefetch = 0 : i64, scratch_operands = 5 : i64, tpu.core_type = #tpu.core_type<sc_vector_subcore>, window_params = [{transform_indices = #map}, {transform_indices = #map1}, {transform_indices = #map}, {transform_indices = #map1}, {transform_indices = #map}]} {
    %mul3A = arith.constant 2 : i32
    %mul3A_0 = arith.muli %arg1, %mul3A : i32
    %add3A = arith.addi %mul3A_0, %arg0 : i32
    %mul3A_1 = arith.constant 3328 : i32
    %mul3A_2 = arith.muli %add3A, %mul3A_1 : i32
    "tpu.region"() ({
      %run_scoped3A = tpu.sem_alloc : memref<!tpu.dma_semaphore, #tpu.memory_space<semaphore_mem>>
      %dma_start3A_11 = tpu.memref_slice %arg2[%mul3A_2] : memref<106496xi32, #tpu.memory_space<hbm>> -> memref<3328xi32, #tpu.memory_space<hbm>>
      %dma_start3A_12 = tpu.memref_slice %arg2[%mul3A_2] : memref<106496xi32, #tpu.memory_space<hbm>> -> memref<3328xi32, #tpu.memory_space<hbm>>
      tpu.enqueue_dma source(%dma_start3A_12 : memref<3328xi32, #tpu.memory_space<hbm>>) target(%arg7 : memref<3328xi32, #tpu.memory_space<vmem>>) target_semaphore(%run_scoped3A : memref<!tpu.dma_semaphore, #tpu.memory_space<semaphore_mem>>)
      %dma_wait3A_13 = tpu.memref_slice %arg2[%mul3A_2] : memref<106496xi32, #tpu.memory_space<hbm>> -> memref<3328xi32, #tpu.memory_space<hbm>>
      %dma_wait3A_14 = tpu.memref_slice %arg2[%mul3A_2] : memref<106496xi32, #tpu.memory_space<hbm>> -> memref<3328xi32, #tpu.memory_space<hbm>>
      tpu.wait_dma2 semaphore(%run_scoped3A : memref<!tpu.dma_semaphore, #tpu.memory_space<semaphore_mem>>) src(%dma_wait3A_14 : memref<3328xi32, #tpu.memory_space<hbm>>) dst(%arg7 : memref<3328xi32, #tpu.memory_space<vmem>>)
      tpu.yield
    }) : () -> ()
    %dma_start3A = arith.constant 0 : i32
    %dma_start3A_3 = arith.constant 0 : i32
    %dma_start3A_4 = tpu.memref_slice %arg3[%dma_start3A, %dma_start3A_3] : memref<1000000x16xf32, #tpu.memory_space<hbm>> -> memref<1000000x16xf32, #tpu.memory_space<hbm>>
    tpu.enqueue_indirect_dma source(%dma_start3A_4 : memref<1000000x16xf32, #tpu.memory_space<hbm>>) target(%arg8 : memref<3328x16xf32, #tpu.memory_space<vmem>>) offsets(%arg7 : memref<3328xi32, #tpu.memory_space<vmem>>) semaphore(%arg10 : memref<!tpu.dma_semaphore, #tpu.memory_space<semaphore_mem>>)
    %dma_start3A_5 = arith.constant 0 : i32
    %dma_start3A_6 = tpu.memref_slice %arg4[%dma_start3A_5] : memref<1000000xf32, #tpu.memory_space<hbm>> -> memref<1000000xf32, #tpu.memory_space<hbm>>
    tpu.enqueue_indirect_dma source(%dma_start3A_6 : memref<1000000xf32, #tpu.memory_space<hbm>>) target(%arg9 : memref<3328xf32, #tpu.memory_space<vmem>>) offsets(%arg7 : memref<3328xi32, #tpu.memory_space<vmem>>) semaphore(%arg11 : memref<!tpu.dma_semaphore, #tpu.memory_space<semaphore_mem>>)
    %dma_wait3A = arith.constant 0 : i32
    %dma_wait3A_7 = arith.constant 0 : i32
    %dma_wait3A_8 = tpu.memref_slice %arg3[%dma_wait3A, %dma_wait3A_7] : memref<1000000x16xf32, #tpu.memory_space<hbm>> -> memref<1000000x16xf32, #tpu.memory_space<hbm>>
    tpu.wait_indirect_dma semaphore(%arg10 : memref<!tpu.dma_semaphore, #tpu.memory_space<semaphore_mem>>) src(%dma_wait3A_8 : memref<1000000x16xf32, #tpu.memory_space<hbm>>) dst(%arg8 : memref<3328x16xf32, #tpu.memory_space<vmem>>)
    %dma_wait3A_9 = arith.constant 0 : i32
    %dma_wait3A_10 = tpu.memref_slice %arg4[%dma_wait3A_9] : memref<1000000xf32, #tpu.memory_space<hbm>> -> memref<1000000xf32, #tpu.memory_space<hbm>>
    tpu.wait_indirect_dma semaphore(%arg11 : memref<!tpu.dma_semaphore, #tpu.memory_space<semaphore_mem>>) src(%dma_wait3A_10 : memref<1000000xf32, #tpu.memory_space<hbm>>) dst(%arg9 : memref<3328xf32, #tpu.memory_space<vmem>>)
    "tpu.region"() ({
      %run_scoped3A = tpu.sem_alloc : memref<!tpu.dma_semaphore, #tpu.memory_space<semaphore_mem>>
      %dma_start3A_11 = arith.constant 0 : i32
      %dma_start3A_12 = tpu.memref_slice %arg5[%mul3A_2, %dma_start3A_11] : memref<106496x16xf32, #tpu.memory_space<hbm>> -> memref<3328x16xf32, #tpu.memory_space<hbm>>
      %dma_start3A_13 = arith.constant 0 : i32
      %dma_start3A_14 = tpu.memref_slice %arg5[%mul3A_2, %dma_start3A_13] : memref<106496x16xf32, #tpu.memory_space<hbm>> -> memref<3328x16xf32, #tpu.memory_space<hbm>>
      tpu.enqueue_dma source(%arg8 : memref<3328x16xf32, #tpu.memory_space<vmem>>) target(%dma_start3A_14 : memref<3328x16xf32, #tpu.memory_space<hbm>>) target_semaphore(%run_scoped3A : memref<!tpu.dma_semaphore, #tpu.memory_space<semaphore_mem>>)
      %dma_wait3A_15 = arith.constant 0 : i32
      %dma_wait3A_16 = tpu.memref_slice %arg5[%mul3A_2, %dma_wait3A_15] : memref<106496x16xf32, #tpu.memory_space<hbm>> -> memref<3328x16xf32, #tpu.memory_space<hbm>>
      %dma_wait3A_17 = arith.constant 0 : i32
      %dma_wait3A_18 = tpu.memref_slice %arg5[%mul3A_2, %dma_wait3A_17] : memref<106496x16xf32, #tpu.memory_space<hbm>> -> memref<3328x16xf32, #tpu.memory_space<hbm>>
      tpu.wait_dma2 semaphore(%run_scoped3A : memref<!tpu.dma_semaphore, #tpu.memory_space<semaphore_mem>>) src(%arg8 : memref<3328x16xf32, #tpu.memory_space<vmem>>) dst(%dma_wait3A_18 : memref<3328x16xf32, #tpu.memory_space<hbm>>)
      tpu.yield
    }) : () -> ()
    "tpu.region"() ({
      %run_scoped3A = tpu.sem_alloc : memref<!tpu.dma_semaphore, #tpu.memory_space<semaphore_mem>>
      %dma_start3A_11 = tpu.memref_slice %arg6[%mul3A_2] : memref<106496xf32, #tpu.memory_space<hbm>> -> memref<3328xf32, #tpu.memory_space<hbm>>
      %dma_start3A_12 = tpu.memref_slice %arg6[%mul3A_2] : memref<106496xf32, #tpu.memory_space<hbm>> -> memref<3328xf32, #tpu.memory_space<hbm>>
      tpu.enqueue_dma source(%arg9 : memref<3328xf32, #tpu.memory_space<vmem>>) target(%dma_start3A_12 : memref<3328xf32, #tpu.memory_space<hbm>>) target_semaphore(%run_scoped3A : memref<!tpu.dma_semaphore, #tpu.memory_space<semaphore_mem>>)
      %dma_wait3A_13 = tpu.memref_slice %arg6[%mul3A_2] : memref<106496xf32, #tpu.memory_space<hbm>> -> memref<3328xf32, #tpu.memory_space<hbm>>
      %dma_wait3A_14 = tpu.memref_slice %arg6[%mul3A_2] : memref<106496xf32, #tpu.memory_space<hbm>> -> memref<3328xf32, #tpu.memory_space<hbm>>
      tpu.wait_dma2 semaphore(%run_scoped3A : memref<!tpu.dma_semaphore, #tpu.memory_space<semaphore_mem>>) src(%arg9 : memref<3328xf32, #tpu.memory_space<vmem>>) dst(%dma_wait3A_14 : memref<3328xf32, #tpu.memory_space<hbm>>)
      tpu.yield
    }) : () -> ()
    return
  }
}

#map = affine_map<(d0, d1) -> (0, 0)>
#map1 = affine_map<(d0, d1) -> (0)>
module attributes {stable_mosaic.version = 14 : i64} {
  func.func @transpose_kernel(%arg0: i32, %arg1: i32, %arg2: memref<16x1000000xf32, #tpu.memory_space<hbm>>, %arg3: memref<1024xf32, #tpu.memory_space<hbm>>, %arg4: memref<16000000xf32, #tpu.memory_space<hbm>>, %arg5: memref<16x1792xf32, #tpu.memory_space<vmem>>, %arg6: memref<16x1792xf32, #tpu.memory_space<vmem>>, %arg7: memref<28672xf32, #tpu.memory_space<vmem>>, %arg8: memref<28672xf32, #tpu.memory_space<vmem>>, %arg9: memref<!tpu.dma_semaphore, #tpu.memory_space<semaphore_mem>>, %arg10: memref<!tpu.dma_semaphore, #tpu.memory_space<semaphore_mem>>, %arg11: memref<!tpu.dma_semaphore, #tpu.memory_space<semaphore_mem>>) attributes {dimension_semantics = [#tpu.dimension_semantics<core_parallel>, #tpu.dimension_semantics<subcore_parallel>], iteration_bounds = array<i64: 2, 16>, scalar_prefetch = 0 : i64, scratch_operands = 7 : i64, tpu.core_type = #tpu.core_type<sc_vector_subcore>, window_params = [{transform_indices = #map}, {transform_indices = #map1}, {transform_indices = #map1}]} {
    %mul3A = arith.constant 2 : i32
    %mul3A_0 = arith.muli %arg1, %mul3A : i32
    %add3A = arith.addi %mul3A_0, %arg0 : i32
    %iota3A = tpu.iota {dimensions = array<i32: 0>} : vector<16xi32>
    %mul3A_1 = arith.constant 16 : i32
    %mul3A_2 = vector.broadcast %mul3A_1 : i32 to vector<16xi32>
    %mul3A_3 = arith.muli %iota3A, %mul3A_2 : vector<16xi32>
    %add3A_4 = arith.constant 0 : i32
    %add3A_5 = vector.broadcast %add3A_4 : i32 to vector<16xi32>
    %add3A_6 = arith.addi %mul3A_3, %add3A_5 : vector<16xi32>
    %add3A_7 = arith.constant 1 : i32
    %add3A_8 = vector.broadcast %add3A_7 : i32 to vector<16xi32>
    %add3A_9 = arith.addi %mul3A_3, %add3A_8 : vector<16xi32>
    %add3A_10 = arith.constant 2 : i32
    %add3A_11 = vector.broadcast %add3A_10 : i32 to vector<16xi32>
    %add3A_12 = arith.addi %mul3A_3, %add3A_11 : vector<16xi32>
    %add3A_13 = arith.constant 3 : i32
    %add3A_14 = vector.broadcast %add3A_13 : i32 to vector<16xi32>
    %add3A_15 = arith.addi %mul3A_3, %add3A_14 : vector<16xi32>
    %add3A_16 = arith.constant 4 : i32
    %add3A_17 = vector.broadcast %add3A_16 : i32 to vector<16xi32>
    %add3A_18 = arith.addi %mul3A_3, %add3A_17 : vector<16xi32>
    %add3A_19 = arith.constant 5 : i32
    %add3A_20 = vector.broadcast %add3A_19 : i32 to vector<16xi32>
    %add3A_21 = arith.addi %mul3A_3, %add3A_20 : vector<16xi32>
    %add3A_22 = arith.constant 6 : i32
    %add3A_23 = vector.broadcast %add3A_22 : i32 to vector<16xi32>
    %add3A_24 = arith.addi %mul3A_3, %add3A_23 : vector<16xi32>
    %add3A_25 = arith.constant 7 : i32
    %add3A_26 = vector.broadcast %add3A_25 : i32 to vector<16xi32>
    %add3A_27 = arith.addi %mul3A_3, %add3A_26 : vector<16xi32>
    %add3A_28 = arith.constant 8 : i32
    %add3A_29 = vector.broadcast %add3A_28 : i32 to vector<16xi32>
    %add3A_30 = arith.addi %mul3A_3, %add3A_29 : vector<16xi32>
    %add3A_31 = arith.constant 9 : i32
    %add3A_32 = vector.broadcast %add3A_31 : i32 to vector<16xi32>
    %add3A_33 = arith.addi %mul3A_3, %add3A_32 : vector<16xi32>
    %add3A_34 = arith.constant 10 : i32
    %add3A_35 = vector.broadcast %add3A_34 : i32 to vector<16xi32>
    %add3A_36 = arith.addi %mul3A_3, %add3A_35 : vector<16xi32>
    %add3A_37 = arith.constant 11 : i32
    %add3A_38 = vector.broadcast %add3A_37 : i32 to vector<16xi32>
    %add3A_39 = arith.addi %mul3A_3, %add3A_38 : vector<16xi32>
    %add3A_40 = arith.constant 12 : i32
    %add3A_41 = vector.broadcast %add3A_40 : i32 to vector<16xi32>
    %add3A_42 = arith.addi %mul3A_3, %add3A_41 : vector<16xi32>
    %add3A_43 = arith.constant 13 : i32
    %add3A_44 = vector.broadcast %add3A_43 : i32 to vector<16xi32>
    %add3A_45 = arith.addi %mul3A_3, %add3A_44 : vector<16xi32>
    %add3A_46 = arith.constant 14 : i32
    %add3A_47 = vector.broadcast %add3A_46 : i32 to vector<16xi32>
    %add3A_48 = arith.addi %mul3A_3, %add3A_47 : vector<16xi32>
    %add3A_49 = arith.constant 15 : i32
    %add3A_50 = vector.broadcast %add3A_49 : i32 to vector<16xi32>
    %add3A_51 = arith.addi %mul3A_3, %add3A_50 : vector<16xi32>
    %lt3A = arith.constant 558 : i32
    %lt3A_52 = arith.cmpi slt, %add3A, %lt3A : i32
    %convert_element_type3A = arith.extui %lt3A_52 : i1 to i32
    %cond3A = arith.constant 0 : i32
    %cond3A_53 = arith.cmpi ne, %convert_element_type3A, %cond3A : i32
    scf.if %cond3A_53 {
      %mul3A_195 = arith.constant 1792 : i32
      %mul3A_196 = arith.muli %add3A, %mul3A_195 : i32
      %dma_start3A = arith.constant 0 : i32
      %dma_start3A_197 = tpu.memref_slice %arg2[%dma_start3A, %mul3A_196] : memref<16x1000000xf32, #tpu.memory_space<hbm>> -> memref<16x1792xf32, #tpu.memory_space<hbm>>
      %dma_start3A_198 = arith.constant 0 : i32
      %dma_start3A_199 = tpu.memref_slice %arg2[%dma_start3A_198, %mul3A_196] : memref<16x1000000xf32, #tpu.memory_space<hbm>> -> memref<16x1792xf32, #tpu.memory_space<hbm>>
      tpu.enqueue_dma source(%dma_start3A_199 : memref<16x1792xf32, #tpu.memory_space<hbm>>) target(%arg5 : memref<16x1792xf32, #tpu.memory_space<vmem>>) target_semaphore(%arg9 : memref<!tpu.dma_semaphore, #tpu.memory_space<semaphore_mem>>)
    } else {
    }
    %add3A_54 = arith.constant 0 : i32
    %add3A_55 = arith.addi %add3A, %add3A_54 : i32
    %lt3A_56 = arith.constant 558 : i32
    %lt3A_57 = arith.cmpi slt, %add3A_55, %lt3A_56 : i32
    %convert_element_type3A_58 = arith.extui %lt3A_57 : i1 to i32
    %cond3A_59 = arith.constant 0 : i32
    %cond3A_60 = arith.cmpi ne, %convert_element_type3A_58, %cond3A_59 : i32
    scf.if %cond3A_60 {
      %mul3A_195 = arith.constant 1792 : i32
      %mul3A_196 = arith.muli %add3A_55, %mul3A_195 : i32
      %dma_wait3A = arith.constant 0 : i32
      %dma_wait3A_197 = tpu.memref_slice %arg2[%dma_wait3A, %mul3A_196] : memref<16x1000000xf32, #tpu.memory_space<hbm>> -> memref<16x1792xf32, #tpu.memory_space<hbm>>
      %dma_wait3A_198 = arith.constant 0 : i32
      %dma_wait3A_199 = tpu.memref_slice %arg2[%dma_wait3A_198, %mul3A_196] : memref<16x1000000xf32, #tpu.memory_space<hbm>> -> memref<16x1792xf32, #tpu.memory_space<hbm>>
      tpu.wait_dma2 semaphore(%arg9 : memref<!tpu.dma_semaphore, #tpu.memory_space<semaphore_mem>>) src(%dma_wait3A_199 : memref<16x1792xf32, #tpu.memory_space<hbm>>) dst(%arg5 : memref<16x1792xf32, #tpu.memory_space<vmem>>)
      %add3A_200 = arith.constant 32 : i32
      %add3A_201 = arith.addi %add3A_55, %add3A_200 : i32
      %lt3A_202 = arith.constant 558 : i32
      %lt3A_203 = arith.cmpi slt, %add3A_201, %lt3A_202 : i32
      %convert_element_type3A_204 = arith.extui %lt3A_203 : i1 to i32
      %cond3A_205 = arith.constant 0 : i32
      %cond3A_206 = arith.cmpi ne, %convert_element_type3A_204, %cond3A_205 : i32
      scf.if %cond3A_206 {
        %add3A_218 = arith.constant 32 : i32
        %add3A_219 = arith.addi %add3A_55, %add3A_218 : i32
        %mul3A_220 = arith.constant 1792 : i32
        %mul3A_221 = arith.muli %add3A_219, %mul3A_220 : i32
        %dma_start3A_222 = arith.constant 0 : i32
        %dma_start3A_223 = tpu.memref_slice %arg2[%dma_start3A_222, %mul3A_221] : memref<16x1000000xf32, #tpu.memory_space<hbm>> -> memref<16x1792xf32, #tpu.memory_space<hbm>>
        %dma_start3A_224 = arith.constant 0 : i32
        %dma_start3A_225 = tpu.memref_slice %arg2[%dma_start3A_224, %mul3A_221] : memref<16x1000000xf32, #tpu.memory_space<hbm>> -> memref<16x1792xf32, #tpu.memory_space<hbm>>
        tpu.enqueue_dma source(%dma_start3A_225 : memref<16x1792xf32, #tpu.memory_space<hbm>>) target(%arg6 : memref<16x1792xf32, #tpu.memory_space<vmem>>) target_semaphore(%arg10 : memref<!tpu.dma_semaphore, #tpu.memory_space<semaphore_mem>>)
      } else {
      }
      %scan3A = arith.constant 0 : i32
      %scan3A_207 = arith.constant 0 : i32
      %scan3A_208 = arith.constant 112 : i32
      %scan3A_209 = arith.addi %scan3A_207, %scan3A_208 : i32
      %scan3A_210 = arith.constant 1 : i32
      %scan3A_211 = scf.for %scan3A_218 = %scan3A_207 to %scan3A_209 step %scan3A_210 iter_args(%scan3A_219 = %scan3A) -> (i32)  : i32 {
        %mul3A_220 = arith.constant 256 : i32
        %mul3A_221 = arith.muli %scan3A_218, %mul3A_220 : i32
        %mul3A_222 = arith.constant 16 : i32
        %mul3A_223 = arith.muli %scan3A_218, %mul3A_222 : i32
        %get3A = arith.constant 0 : i32
        %get3A_224 = arith.index_cast %get3A : i32 to index
        %get3A_225 = arith.index_cast %mul3A_223 : i32 to index
        %get3A_226 = tpu.vector_load %arg5[%get3A_224, %get3A_225] {strides = array<i32>} : memref<16x1792xf32, #tpu.memory_space<vmem>>, vector<16xf32>,
        %mul3A_227 = arith.constant 16 : i32
        %mul3A_228 = arith.muli %scan3A_218, %mul3A_227 : i32
        %get3A_229 = arith.constant 1 : i32
        %get3A_230 = arith.index_cast %get3A_229 : i32 to index
        %get3A_231 = arith.index_cast %mul3A_228 : i32 to index
        %get3A_232 = tpu.vector_load %arg5[%get3A_230, %get3A_231] {strides = array<i32>} : memref<16x1792xf32, #tpu.memory_space<vmem>>, vector<16xf32>,
        %mul3A_233 = arith.constant 16 : i32
        %mul3A_234 = arith.muli %scan3A_218, %mul3A_233 : i32
        %get3A_235 = arith.constant 2 : i32
        %get3A_236 = arith.index_cast %get3A_235 : i32 to index
        %get3A_237 = arith.index_cast %mul3A_234 : i32 to index
        %get3A_238 = tpu.vector_load %arg5[%get3A_236, %get3A_237] {strides = array<i32>} : memref<16x1792xf32, #tpu.memory_space<vmem>>, vector<16xf32>,
        %mul3A_239 = arith.constant 16 : i32
        %mul3A_240 = arith.muli %scan3A_218, %mul3A_239 : i32
        %get3A_241 = arith.constant 3 : i32
        %get3A_242 = arith.index_cast %get3A_241 : i32 to index
        %get3A_243 = arith.index_cast %mul3A_240 : i32 to index
        %get3A_244 = tpu.vector_load %arg5[%get3A_242, %get3A_243] {strides = array<i32>} : memref<16x1792xf32, #tpu.memory_space<vmem>>, vector<16xf32>,
        %mul3A_245 = arith.constant 16 : i32
        %mul3A_246 = arith.muli %scan3A_218, %mul3A_245 : i32
        %get3A_247 = arith.constant 4 : i32
        %get3A_248 = arith.index_cast %get3A_247 : i32 to index
        %get3A_249 = arith.index_cast %mul3A_246 : i32 to index
        %get3A_250 = tpu.vector_load %arg5[%get3A_248, %get3A_249] {strides = array<i32>} : memref<16x1792xf32, #tpu.memory_space<vmem>>, vector<16xf32>,
        %mul3A_251 = arith.constant 16 : i32
        %mul3A_252 = arith.muli %scan3A_218, %mul3A_251 : i32
        %get3A_253 = arith.constant 5 : i32
        %get3A_254 = arith.index_cast %get3A_253 : i32 to index
        %get3A_255 = arith.index_cast %mul3A_252 : i32 to index
        %get3A_256 = tpu.vector_load %arg5[%get3A_254, %get3A_255] {strides = array<i32>} : memref<16x1792xf32, #tpu.memory_space<vmem>>, vector<16xf32>,
        %mul3A_257 = arith.constant 16 : i32
        %mul3A_258 = arith.muli %scan3A_218, %mul3A_257 : i32
        %get3A_259 = arith.constant 6 : i32
        %get3A_260 = arith.index_cast %get3A_259 : i32 to index
        %get3A_261 = arith.index_cast %mul3A_258 : i32 to index
        %get3A_262 = tpu.vector_load %arg5[%get3A_260, %get3A_261] {strides = array<i32>} : memref<16x1792xf32, #tpu.memory_space<vmem>>, vector<16xf32>,
        %mul3A_263 = arith.constant 16 : i32
        %mul3A_264 = arith.muli %scan3A_218, %mul3A_263 : i32
        %get3A_265 = arith.constant 7 : i32
        %get3A_266 = arith.index_cast %get3A_265 : i32 to index
        %get3A_267 = arith.index_cast %mul3A_264 : i32 to index
        %get3A_268 = tpu.vector_load %arg5[%get3A_266, %get3A_267] {strides = array<i32>} : memref<16x1792xf32, #tpu.memory_space<vmem>>, vector<16xf32>,
        %mul3A_269 = arith.constant 16 : i32
        %mul3A_270 = arith.muli %scan3A_218, %mul3A_269 : i32
        %get3A_271 = arith.constant 8 : i32
        %get3A_272 = arith.index_cast %get3A_271 : i32 to index
        %get3A_273 = arith.index_cast %mul3A_270 : i32 to index
        %get3A_274 = tpu.vector_load %arg5[%get3A_272, %get3A_273] {strides = array<i32>} : memref<16x1792xf32, #tpu.memory_space<vmem>>, vector<16xf32>,
        %mul3A_275 = arith.constant 16 : i32
        %mul3A_276 = arith.muli %scan3A_218, %mul3A_275 : i32
        %get3A_277 = arith.constant 9 : i32
        %get3A_278 = arith.index_cast %get3A_277 : i32 to index
        %get3A_279 = arith.index_cast %mul3A_276 : i32 to index
        %get3A_280 = tpu.vector_load %arg5[%get3A_278, %get3A_279] {strides = array<i32>} : memref<16x1792xf32, #tpu.memory_space<vmem>>, vector<16xf32>,
        %mul3A_281 = arith.constant 16 : i32
        %mul3A_282 = arith.muli %scan3A_218, %mul3A_281 : i32
        %get3A_283 = arith.constant 10 : i32
        %get3A_284 = arith.index_cast %get3A_283 : i32 to index
        %get3A_285 = arith.index_cast %mul3A_282 : i32 to index
        %get3A_286 = tpu.vector_load %arg5[%get3A_284, %get3A_285] {strides = array<i32>} : memref<16x1792xf32, #tpu.memory_space<vmem>>, vector<16xf32>,
        %mul3A_287 = arith.constant 16 : i32
        %mul3A_288 = arith.muli %scan3A_218, %mul3A_287 : i32
        %get3A_289 = arith.constant 11 : i32
        %get3A_290 = arith.index_cast %get3A_289 : i32 to index
        %get3A_291 = arith.index_cast %mul3A_288 : i32 to index
        %get3A_292 = tpu.vector_load %arg5[%get3A_290, %get3A_291] {strides = array<i32>} : memref<16x1792xf32, #tpu.memory_space<vmem>>, vector<16xf32>,
        %mul3A_293 = arith.constant 16 : i32
        %mul3A_294 = arith.muli %scan3A_218, %mul3A_293 : i32
        %get3A_295 = arith.constant 12 : i32
        %get3A_296 = arith.index_cast %get3A_295 : i32 to index
        %get3A_297 = arith.index_cast %mul3A_294 : i32 to index
        %get3A_298 = tpu.vector_load %arg5[%get3A_296, %get3A_297] {strides = array<i32>} : memref<16x1792xf32, #tpu.memory_space<vmem>>, vector<16xf32>,
        %mul3A_299 = arith.constant 16 : i32
        %mul3A_300 = arith.muli %scan3A_218, %mul3A_299 : i32
        %get3A_301 = arith.constant 13 : i32
        %get3A_302 = arith.index_cast %get3A_301 : i32 to index
        %get3A_303 = arith.index_cast %mul3A_300 : i32 to index
        %get3A_304 = tpu.vector_load %arg5[%get3A_302, %get3A_303] {strides = array<i32>} : memref<16x1792xf32, #tpu.memory_space<vmem>>, vector<16xf32>,
        %mul3A_305 = arith.constant 16 : i32
        %mul3A_306 = arith.muli %scan3A_218, %mul3A_305 : i32
        %get3A_307 = arith.constant 14 : i32
        %get3A_308 = arith.index_cast %get3A_307 : i32 to index
        %get3A_309 = arith.index_cast %mul3A_306 : i32 to index
        %get3A_310 = tpu.vector_load %arg5[%get3A_308, %get3A_309] {strides = array<i32>} : memref<16x1792xf32, #tpu.memory_space<vmem>>, vector<16xf32>,
        %mul3A_311 = arith.constant 16 : i32
        %mul3A_312 = arith.muli %scan3A_218, %mul3A_311 : i32
        %get3A_313 = arith.constant 15 : i32
        %get3A_314 = arith.index_cast %get3A_313 : i32 to index
        %get3A_315 = arith.index_cast %mul3A_312 : i32 to index
        %get3A_316 = tpu.vector_load %arg5[%get3A_314, %get3A_315] {strides = array<i32>} : memref<16x1792xf32, #tpu.memory_space<vmem>>, vector<16xf32>,
        %scatter3A = tpu.memref_slice %arg7[%mul3A_221] : memref<28672xf32, #tpu.memory_space<vmem>> -> memref<256xf32, #tpu.memory_space<vmem>>
        tpu.vector_store_idx %scatter3A[%add3A_6], %get3A_226 : memref<256xf32, #tpu.memory_space<vmem>>[vector<16xi32>], vector<16xf32>,
        %scatter3A_317 = tpu.memref_slice %arg7[%mul3A_221] : memref<28672xf32, #tpu.memory_space<vmem>> -> memref<256xf32, #tpu.memory_space<vmem>>
        tpu.vector_store_idx %scatter3A_317[%add3A_9], %get3A_232 : memref<256xf32, #tpu.memory_space<vmem>>[vector<16xi32>], vector<16xf32>,
        %scatter3A_318 = tpu.memref_slice %arg7[%mul3A_221] : memref<28672xf32, #tpu.memory_space<vmem>> -> memref<256xf32, #tpu.memory_space<vmem>>
        tpu.vector_store_idx %scatter3A_318[%add3A_12], %get3A_238 : memref<256xf32, #tpu.memory_space<vmem>>[vector<16xi32>], vector<16xf32>,
        %scatter3A_319 = tpu.memref_slice %arg7[%mul3A_221] : memref<28672xf32, #tpu.memory_space<vmem>> -> memref<256xf32, #tpu.memory_space<vmem>>
        tpu.vector_store_idx %scatter3A_319[%add3A_15], %get3A_244 : memref<256xf32, #tpu.memory_space<vmem>>[vector<16xi32>], vector<16xf32>,
        %scatter3A_320 = tpu.memref_slice %arg7[%mul3A_221] : memref<28672xf32, #tpu.memory_space<vmem>> -> memref<256xf32, #tpu.memory_space<vmem>>
        tpu.vector_store_idx %scatter3A_320[%add3A_18], %get3A_250 : memref<256xf32, #tpu.memory_space<vmem>>[vector<16xi32>], vector<16xf32>,
        %scatter3A_321 = tpu.memref_slice %arg7[%mul3A_221] : memref<28672xf32, #tpu.memory_space<vmem>> -> memref<256xf32, #tpu.memory_space<vmem>>
        tpu.vector_store_idx %scatter3A_321[%add3A_21], %get3A_256 : memref<256xf32, #tpu.memory_space<vmem>>[vector<16xi32>], vector<16xf32>,
        %scatter3A_322 = tpu.memref_slice %arg7[%mul3A_221] : memref<28672xf32, #tpu.memory_space<vmem>> -> memref<256xf32, #tpu.memory_space<vmem>>
        tpu.vector_store_idx %scatter3A_322[%add3A_24], %get3A_262 : memref<256xf32, #tpu.memory_space<vmem>>[vector<16xi32>], vector<16xf32>,
        %scatter3A_323 = tpu.memref_slice %arg7[%mul3A_221] : memref<28672xf32, #tpu.memory_space<vmem>> -> memref<256xf32, #tpu.memory_space<vmem>>
        tpu.vector_store_idx %scatter3A_323[%add3A_27], %get3A_268 : memref<256xf32, #tpu.memory_space<vmem>>[vector<16xi32>], vector<16xf32>,
        %scatter3A_324 = tpu.memref_slice %arg7[%mul3A_221] : memref<28672xf32, #tpu.memory_space<vmem>> -> memref<256xf32, #tpu.memory_space<vmem>>
        tpu.vector_store_idx %scatter3A_324[%add3A_30], %get3A_274 : memref<256xf32, #tpu.memory_space<vmem>>[vector<16xi32>], vector<16xf32>,
        %scatter3A_325 = tpu.memref_slice %arg7[%mul3A_221] : memref<28672xf32, #tpu.memory_space<vmem>> -> memref<256xf32, #tpu.memory_space<vmem>>
        tpu.vector_store_idx %scatter3A_325[%add3A_33], %get3A_280 : memref<256xf32, #tpu.memory_space<vmem>>[vector<16xi32>], vector<16xf32>,
        %scatter3A_326 = tpu.memref_slice %arg7[%mul3A_221] : memref<28672xf32, #tpu.memory_space<vmem>> -> memref<256xf32, #tpu.memory_space<vmem>>
        tpu.vector_store_idx %scatter3A_326[%add3A_36], %get3A_286 : memref<256xf32, #tpu.memory_space<vmem>>[vector<16xi32>], vector<16xf32>,
        %scatter3A_327 = tpu.memref_slice %arg7[%mul3A_221] : memref<28672xf32, #tpu.memory_space<vmem>> -> memref<256xf32, #tpu.memory_space<vmem>>
        tpu.vector_store_idx %scatter3A_327[%add3A_39], %get3A_292 : memref<256xf32, #tpu.memory_space<vmem>>[vector<16xi32>], vector<16xf32>,
        %scatter3A_328 = tpu.memref_slice %arg7[%mul3A_221] : memref<28672xf32, #tpu.memory_space<vmem>> -> memref<256xf32, #tpu.memory_space<vmem>>
        tpu.vector_store_idx %scatter3A_328[%add3A_42], %get3A_298 : memref<256xf32, #tpu.memory_space<vmem>>[vector<16xi32>], vector<16xf32>,
        %scatter3A_329 = tpu.memref_slice %arg7[%mul3A_221] : memref<28672xf32, #tpu.memory_space<vmem>> -> memref<256xf32, #tpu.memory_space<vmem>>
        tpu.vector_store_idx %scatter3A_329[%add3A_45], %get3A_304 : memref<256xf32, #tpu.memory_space<vmem>>[vector<16xi32>], vector<16xf32>,
        %scatter3A_330 = tpu.memref_slice %arg7[%mul3A_221] : memref<28672xf32, #tpu.memory_space<vmem>> -> memref<256xf32, #tpu.memory_space<vmem>>
        tpu.vector_store_idx %scatter3A_330[%add3A_48], %get3A_310 : memref<256xf32, #tpu.memory_space<vmem>>[vector<16xi32>], vector<16xf32>,
        %scatter3A_331 = tpu.memref_slice %arg7[%mul3A_221] : memref<28672xf32, #tpu.memory_space<vmem>> -> memref<256xf32, #tpu.memory_space<vmem>>
        tpu.vector_store_idx %scatter3A_331[%add3A_51], %get3A_316 : memref<256xf32, #tpu.memory_space<vmem>>[vector<16xi32>], vector<16xf32>,
        %scan3A_332 = arith.constant 0 : i32
        scf.yield %scan3A_332 : i32
      }
      %scan3A_212 = arith.constant 112 : i32
      %mul3A_213 = arith.constant 1792 : i32
      %mul3A_214 = arith.muli %add3A_55, %mul3A_213 : i32
      %mul3A_215 = arith.constant 16 : i32
      %mul3A_216 = arith.muli %mul3A_214, %mul3A_215 : i32
      %dma_start3A = tpu.memref_slice %arg4[%mul3A_216] : memref<16000000xf32, #tpu.memory_space<hbm>> -> memref<28672xf32, #tpu.memory_space<hbm>>
      %dma_start3A_217 = tpu.memref_slice %arg4[%mul3A_216] : memref<16000000xf32, #tpu.memory_space<hbm>> -> memref<28672xf32, #tpu.memory_space<hbm>>
      tpu.enqueue_dma source(%arg7 : memref<28672xf32, #tpu.memory_space<vmem>>) target(%dma_start3A_217 : memref<28672xf32, #tpu.memory_space<hbm>>) target_semaphore(%arg11 : memref<!tpu.dma_semaphore, #tpu.memory_space<semaphore_mem>>)
    } else {
    }
    %add3A_61 = arith.constant 32 : i32
    %add3A_62 = arith.addi %add3A, %add3A_61 : i32
    %lt3A_63 = arith.constant 558 : i32
    %lt3A_64 = arith.cmpi slt, %add3A_62, %lt3A_63 : i32
    %convert_element_type3A_65 = arith.extui %lt3A_64 : i1 to i32
    %cond3A_66 = arith.constant 0 : i32
    %cond3A_67 = arith.cmpi ne, %convert_element_type3A_65, %cond3A_66 : i32
    scf.if %cond3A_67 {
      %mul3A_195 = arith.constant 1792 : i32
      %mul3A_196 = arith.muli %add3A_62, %mul3A_195 : i32
      %dma_wait3A = arith.constant 0 : i32
      %dma_wait3A_197 = tpu.memref_slice %arg2[%dma_wait3A, %mul3A_196] : memref<16x1000000xf32, #tpu.memory_space<hbm>> -> memref<16x1792xf32, #tpu.memory_space<hbm>>
      %dma_wait3A_198 = arith.constant 0 : i32
      %dma_wait3A_199 = tpu.memref_slice %arg2[%dma_wait3A_198, %mul3A_196] : memref<16x1000000xf32, #tpu.memory_space<hbm>> -> memref<16x1792xf32, #tpu.memory_space<hbm>>
      tpu.wait_dma2 semaphore(%arg10 : memref<!tpu.dma_semaphore, #tpu.memory_space<semaphore_mem>>) src(%dma_wait3A_199 : memref<16x1792xf32, #tpu.memory_space<hbm>>) dst(%arg6 : memref<16x1792xf32, #tpu.memory_space<vmem>>)
      %add3A_200 = arith.constant 32 : i32
      %add3A_201 = arith.addi %add3A_62, %add3A_200 : i32
      %lt3A_202 = arith.constant 558 : i32
      %lt3A_203 = arith.cmpi slt, %add3A_201, %lt3A_202 : i32
      %convert_element_type3A_204 = arith.extui %lt3A_203 : i1 to i32
      %cond3A_205 = arith.constant 0 : i32
      %cond3A_206 = arith.cmpi ne, %convert_element_type3A_204, %cond3A_205 : i32
      scf.if %cond3A_206 {
        %add3A_225 = arith.constant 32 : i32
        %add3A_226 = arith.addi %add3A_62, %add3A_225 : i32
        %mul3A_227 = arith.constant 1792 : i32
        %mul3A_228 = arith.muli %add3A_226, %mul3A_227 : i32
        %dma_start3A_229 = arith.constant 0 : i32
        %dma_start3A_230 = tpu.memref_slice %arg2[%dma_start3A_229, %mul3A_228] : memref<16x1000000xf32, #tpu.memory_space<hbm>> -> memref<16x1792xf32, #tpu.memory_space<hbm>>
        %dma_start3A_231 = arith.constant 0 : i32
        %dma_start3A_232 = tpu.memref_slice %arg2[%dma_start3A_231, %mul3A_228] : memref<16x1000000xf32, #tpu.memory_space<hbm>> -> memref<16x1792xf32, #tpu.memory_space<hbm>>
        tpu.enqueue_dma source(%dma_start3A_232 : memref<16x1792xf32, #tpu.memory_space<hbm>>) target(%arg5 : memref<16x1792xf32, #tpu.memory_space<vmem>>) target_semaphore(%arg9 : memref<!tpu.dma_semaphore, #tpu.memory_space<semaphore_mem>>)
      } else {
      }
      %scan3A = arith.constant 0 : i32
      %scan3A_207 = arith.constant 0 : i32
      %scan3A_208 = arith.constant 112 : i32
      %scan3A_209 = arith.addi %scan3A_207, %scan3A_208 : i32
      %scan3A_210 = arith.constant 1 : i32
      %scan3A_211 = scf.for %scan3A_225 = %scan3A_207 to %scan3A_209 step %scan3A_210 iter_args(%scan3A_226 = %scan3A) -> (i32)  : i32 {
        %mul3A_227 = arith.constant 256 : i32
        %mul3A_228 = arith.muli %scan3A_225, %mul3A_227 : i32
        %mul3A_229 = arith.constant 16 : i32
        %mul3A_230 = arith.muli %scan3A_225, %mul3A_229 : i32
        %get3A = arith.constant 0 : i32
        %get3A_231 = arith.index_cast %get3A : i32 to index
        %get3A_232 = arith.index_cast %mul3A_230 : i32 to index
        %get3A_233 = tpu.vector_load %arg6[%get3A_231, %get3A_232] {strides = array<i32>} : memref<16x1792xf32, #tpu.memory_space<vmem>>, vector<16xf32>,
        %mul3A_234 = arith.constant 16 : i32
        %mul3A_235 = arith.muli %scan3A_225, %mul3A_234 : i32
        %get3A_236 = arith.constant 1 : i32
        %get3A_237 = arith.index_cast %get3A_236 : i32 to index
        %get3A_238 = arith.index_cast %mul3A_235 : i32 to index
        %get3A_239 = tpu.vector_load %arg6[%get3A_237, %get3A_238] {strides = array<i32>} : memref<16x1792xf32, #tpu.memory_space<vmem>>, vector<16xf32>,
        %mul3A_240 = arith.constant 16 : i32
        %mul3A_241 = arith.muli %scan3A_225, %mul3A_240 : i32
        %get3A_242 = arith.constant 2 : i32
        %get3A_243 = arith.index_cast %get3A_242 : i32 to index
        %get3A_244 = arith.index_cast %mul3A_241 : i32 to index
        %get3A_245 = tpu.vector_load %arg6[%get3A_243, %get3A_244] {strides = array<i32>} : memref<16x1792xf32, #tpu.memory_space<vmem>>, vector<16xf32>,
        %mul3A_246 = arith.constant 16 : i32
        %mul3A_247 = arith.muli %scan3A_225, %mul3A_246 : i32
        %get3A_248 = arith.constant 3 : i32
        %get3A_249 = arith.index_cast %get3A_248 : i32 to index
        %get3A_250 = arith.index_cast %mul3A_247 : i32 to index
        %get3A_251 = tpu.vector_load %arg6[%get3A_249, %get3A_250] {strides = array<i32>} : memref<16x1792xf32, #tpu.memory_space<vmem>>, vector<16xf32>,
        %mul3A_252 = arith.constant 16 : i32
        %mul3A_253 = arith.muli %scan3A_225, %mul3A_252 : i32
        %get3A_254 = arith.constant 4 : i32
        %get3A_255 = arith.index_cast %get3A_254 : i32 to index
        %get3A_256 = arith.index_cast %mul3A_253 : i32 to index
        %get3A_257 = tpu.vector_load %arg6[%get3A_255, %get3A_256] {strides = array<i32>} : memref<16x1792xf32, #tpu.memory_space<vmem>>, vector<16xf32>,
        %mul3A_258 = arith.constant 16 : i32
        %mul3A_259 = arith.muli %scan3A_225, %mul3A_258 : i32
        %get3A_260 = arith.constant 5 : i32
        %get3A_261 = arith.index_cast %get3A_260 : i32 to index
        %get3A_262 = arith.index_cast %mul3A_259 : i32 to index
        %get3A_263 = tpu.vector_load %arg6[%get3A_261, %get3A_262] {strides = array<i32>} : memref<16x1792xf32, #tpu.memory_space<vmem>>, vector<16xf32>,
        %mul3A_264 = arith.constant 16 : i32
        %mul3A_265 = arith.muli %scan3A_225, %mul3A_264 : i32
        %get3A_266 = arith.constant 6 : i32
        %get3A_267 = arith.index_cast %get3A_266 : i32 to index
        %get3A_268 = arith.index_cast %mul3A_265 : i32 to index
        %get3A_269 = tpu.vector_load %arg6[%get3A_267, %get3A_268] {strides = array<i32>} : memref<16x1792xf32, #tpu.memory_space<vmem>>, vector<16xf32>,
        %mul3A_270 = arith.constant 16 : i32
        %mul3A_271 = arith.muli %scan3A_225, %mul3A_270 : i32
        %get3A_272 = arith.constant 7 : i32
        %get3A_273 = arith.index_cast %get3A_272 : i32 to index
        %get3A_274 = arith.index_cast %mul3A_271 : i32 to index
        %get3A_275 = tpu.vector_load %arg6[%get3A_273, %get3A_274] {strides = array<i32>} : memref<16x1792xf32, #tpu.memory_space<vmem>>, vector<16xf32>,
        %mul3A_276 = arith.constant 16 : i32
        %mul3A_277 = arith.muli %scan3A_225, %mul3A_276 : i32
        %get3A_278 = arith.constant 8 : i32
        %get3A_279 = arith.index_cast %get3A_278 : i32 to index
        %get3A_280 = arith.index_cast %mul3A_277 : i32 to index
        %get3A_281 = tpu.vector_load %arg6[%get3A_279, %get3A_280] {strides = array<i32>} : memref<16x1792xf32, #tpu.memory_space<vmem>>, vector<16xf32>,
        %mul3A_282 = arith.constant 16 : i32
        %mul3A_283 = arith.muli %scan3A_225, %mul3A_282 : i32
        %get3A_284 = arith.constant 9 : i32
        %get3A_285 = arith.index_cast %get3A_284 : i32 to index
        %get3A_286 = arith.index_cast %mul3A_283 : i32 to index
        %get3A_287 = tpu.vector_load %arg6[%get3A_285, %get3A_286] {strides = array<i32>} : memref<16x1792xf32, #tpu.memory_space<vmem>>, vector<16xf32>,
        %mul3A_288 = arith.constant 16 : i32
        %mul3A_289 = arith.muli %scan3A_225, %mul3A_288 : i32
        %get3A_290 = arith.constant 10 : i32
        %get3A_291 = arith.index_cast %get3A_290 : i32 to index
        %get3A_292 = arith.index_cast %mul3A_289 : i32 to index
        %get3A_293 = tpu.vector_load %arg6[%get3A_291, %get3A_292] {strides = array<i32>} : memref<16x1792xf32, #tpu.memory_space<vmem>>, vector<16xf32>,
        %mul3A_294 = arith.constant 16 : i32
        %mul3A_295 = arith.muli %scan3A_225, %mul3A_294 : i32
        %get3A_296 = arith.constant 11 : i32
        %get3A_297 = arith.index_cast %get3A_296 : i32 to index
        %get3A_298 = arith.index_cast %mul3A_295 : i32 to index
        %get3A_299 = tpu.vector_load %arg6[%get3A_297, %get3A_298] {strides = array<i32>} : memref<16x1792xf32, #tpu.memory_space<vmem>>, vector<16xf32>,
        %mul3A_300 = arith.constant 16 : i32
        %mul3A_301 = arith.muli %scan3A_225, %mul3A_300 : i32
        %get3A_302 = arith.constant 12 : i32
        %get3A_303 = arith.index_cast %get3A_302 : i32 to index
        %get3A_304 = arith.index_cast %mul3A_301 : i32 to index
        %get3A_305 = tpu.vector_load %arg6[%get3A_303, %get3A_304] {strides = array<i32>} : memref<16x1792xf32, #tpu.memory_space<vmem>>, vector<16xf32>,
        %mul3A_306 = arith.constant 16 : i32
        %mul3A_307 = arith.muli %scan3A_225, %mul3A_306 : i32
        %get3A_308 = arith.constant 13 : i32
        %get3A_309 = arith.index_cast %get3A_308 : i32 to index
        %get3A_310 = arith.index_cast %mul3A_307 : i32 to index
        %get3A_311 = tpu.vector_load %arg6[%get3A_309, %get3A_310] {strides = array<i32>} : memref<16x1792xf32, #tpu.memory_space<vmem>>, vector<16xf32>,
        %mul3A_312 = arith.constant 16 : i32
        %mul3A_313 = arith.muli %scan3A_225, %mul3A_312 : i32
        %get3A_314 = arith.constant 14 : i32
        %get3A_315 = arith.index_cast %get3A_314 : i32 to index
        %get3A_316 = arith.index_cast %mul3A_313 : i32 to index
        %get3A_317 = tpu.vector_load %arg6[%get3A_315, %get3A_316] {strides = array<i32>} : memref<16x1792xf32, #tpu.memory_space<vmem>>, vector<16xf32>,
        %mul3A_318 = arith.constant 16 : i32
        %mul3A_319 = arith.muli %scan3A_225, %mul3A_318 : i32
        %get3A_320 = arith.constant 15 : i32
        %get3A_321 = arith.index_cast %get3A_320 : i32 to index
        %get3A_322 = arith.index_cast %mul3A_319 : i32 to index
        %get3A_323 = tpu.vector_load %arg6[%get3A_321, %get3A_322] {strides = array<i32>} : memref<16x1792xf32, #tpu.memory_space<vmem>>, vector<16xf32>,
        %scatter3A = tpu.memref_slice %arg8[%mul3A_228] : memref<28672xf32, #tpu.memory_space<vmem>> -> memref<256xf32, #tpu.memory_space<vmem>>
        tpu.vector_store_idx %scatter3A[%add3A_6], %get3A_233 : memref<256xf32, #tpu.memory_space<vmem>>[vector<16xi32>], vector<16xf32>,
        %scatter3A_324 = tpu.memref_slice %arg8[%mul3A_228] : memref<28672xf32, #tpu.memory_space<vmem>> -> memref<256xf32, #tpu.memory_space<vmem>>
        tpu.vector_store_idx %scatter3A_324[%add3A_9], %get3A_239 : memref<256xf32, #tpu.memory_space<vmem>>[vector<16xi32>], vector<16xf32>,
        %scatter3A_325 = tpu.memref_slice %arg8[%mul3A_228] : memref<28672xf32, #tpu.memory_space<vmem>> -> memref<256xf32, #tpu.memory_space<vmem>>
        tpu.vector_store_idx %scatter3A_325[%add3A_12], %get3A_245 : memref<256xf32, #tpu.memory_space<vmem>>[vector<16xi32>], vector<16xf32>,
        %scatter3A_326 = tpu.memref_slice %arg8[%mul3A_228] : memref<28672xf32, #tpu.memory_space<vmem>> -> memref<256xf32, #tpu.memory_space<vmem>>
        tpu.vector_store_idx %scatter3A_326[%add3A_15], %get3A_251 : memref<256xf32, #tpu.memory_space<vmem>>[vector<16xi32>], vector<16xf32>,
        %scatter3A_327 = tpu.memref_slice %arg8[%mul3A_228] : memref<28672xf32, #tpu.memory_space<vmem>> -> memref<256xf32, #tpu.memory_space<vmem>>
        tpu.vector_store_idx %scatter3A_327[%add3A_18], %get3A_257 : memref<256xf32, #tpu.memory_space<vmem>>[vector<16xi32>], vector<16xf32>,
        %scatter3A_328 = tpu.memref_slice %arg8[%mul3A_228] : memref<28672xf32, #tpu.memory_space<vmem>> -> memref<256xf32, #tpu.memory_space<vmem>>
        tpu.vector_store_idx %scatter3A_328[%add3A_21], %get3A_263 : memref<256xf32, #tpu.memory_space<vmem>>[vector<16xi32>], vector<16xf32>,
        %scatter3A_329 = tpu.memref_slice %arg8[%mul3A_228] : memref<28672xf32, #tpu.memory_space<vmem>> -> memref<256xf32, #tpu.memory_space<vmem>>
        tpu.vector_store_idx %scatter3A_329[%add3A_24], %get3A_269 : memref<256xf32, #tpu.memory_space<vmem>>[vector<16xi32>], vector<16xf32>,
        %scatter3A_330 = tpu.memref_slice %arg8[%mul3A_228] : memref<28672xf32, #tpu.memory_space<vmem>> -> memref<256xf32, #tpu.memory_space<vmem>>
        tpu.vector_store_idx %scatter3A_330[%add3A_27], %get3A_275 : memref<256xf32, #tpu.memory_space<vmem>>[vector<16xi32>], vector<16xf32>,
        %scatter3A_331 = tpu.memref_slice %arg8[%mul3A_228] : memref<28672xf32, #tpu.memory_space<vmem>> -> memref<256xf32, #tpu.memory_space<vmem>>
        tpu.vector_store_idx %scatter3A_331[%add3A_30], %get3A_281 : memref<256xf32, #tpu.memory_space<vmem>>[vector<16xi32>], vector<16xf32>,
        %scatter3A_332 = tpu.memref_slice %arg8[%mul3A_228] : memref<28672xf32, #tpu.memory_space<vmem>> -> memref<256xf32, #tpu.memory_space<vmem>>
        tpu.vector_store_idx %scatter3A_332[%add3A_33], %get3A_287 : memref<256xf32, #tpu.memory_space<vmem>>[vector<16xi32>], vector<16xf32>,
        %scatter3A_333 = tpu.memref_slice %arg8[%mul3A_228] : memref<28672xf32, #tpu.memory_space<vmem>> -> memref<256xf32, #tpu.memory_space<vmem>>
        tpu.vector_store_idx %scatter3A_333[%add3A_36], %get3A_293 : memref<256xf32, #tpu.memory_space<vmem>>[vector<16xi32>], vector<16xf32>,
        %scatter3A_334 = tpu.memref_slice %arg8[%mul3A_228] : memref<28672xf32, #tpu.memory_space<vmem>> -> memref<256xf32, #tpu.memory_space<vmem>>
        tpu.vector_store_idx %scatter3A_334[%add3A_39], %get3A_299 : memref<256xf32, #tpu.memory_space<vmem>>[vector<16xi32>], vector<16xf32>,
        %scatter3A_335 = tpu.memref_slice %arg8[%mul3A_228] : memref<28672xf32, #tpu.memory_space<vmem>> -> memref<256xf32, #tpu.memory_space<vmem>>
        tpu.vector_store_idx %scatter3A_335[%add3A_42], %get3A_305 : memref<256xf32, #tpu.memory_space<vmem>>[vector<16xi32>], vector<16xf32>,
        %scatter3A_336 = tpu.memref_slice %arg8[%mul3A_228] : memref<28672xf32, #tpu.memory_space<vmem>> -> memref<256xf32, #tpu.memory_space<vmem>>
        tpu.vector_store_idx %scatter3A_336[%add3A_45], %get3A_311 : memref<256xf32, #tpu.memory_space<vmem>>[vector<16xi32>], vector<16xf32>,
        %scatter3A_337 = tpu.memref_slice %arg8[%mul3A_228] : memref<28672xf32, #tpu.memory_space<vmem>> -> memref<256xf32, #tpu.memory_space<vmem>>
        tpu.vector_store_idx %scatter3A_337[%add3A_48], %get3A_317 : memref<256xf32, #tpu.memory_space<vmem>>[vector<16xi32>], vector<16xf32>,
        %scatter3A_338 = tpu.memref_slice %arg8[%mul3A_228] : memref<28672xf32, #tpu.memory_space<vmem>> -> memref<256xf32, #tpu.memory_space<vmem>>
        tpu.vector_store_idx %scatter3A_338[%add3A_51], %get3A_323 : memref<256xf32, #tpu.memory_space<vmem>>[vector<16xi32>], vector<16xf32>,
        %scan3A_339 = arith.constant 0 : i32
        scf.yield %scan3A_339 : i32
      }
      %scan3A_212 = arith.constant 112 : i32
      %sub3A = arith.constant 32 : i32
      %sub3A_213 = arith.subi %add3A_62, %sub3A : i32
      %mul3A_214 = arith.constant 1792 : i32
      %mul3A_215 = arith.muli %sub3A_213, %mul3A_214 : i32
      %mul3A_216 = arith.constant 16 : i32
      %mul3A_217 = arith.muli %mul3A_215, %mul3A_216 : i32
      %dma_wait3A_218 = tpu.memref_slice %arg4[%mul3A_217] : memref<16000000xf32, #tpu.memory_space<hbm>> -> memref<28672xf32, #tpu.memory_space<hbm>>
      %dma_wait3A_219 = tpu.memref_slice %arg4[%mul3A_217] : memref<16000000xf32, #tpu.memory_space<hbm>> -> memref<28672xf32, #tpu.memory_space<hbm>>
      tpu.wait_dma2 semaphore(%arg11 : memref<!tpu.dma_semaphore, #tpu.memory_space<semaphore_mem>>) src(%arg7 : memref<28672xf32, #tpu.memory_space<vmem>>) dst(%dma_wait3A_219 : memref<28672xf32, #tpu.memory_space<hbm>>)
      %mul3A_220 = arith.constant 1792 : i32
      %mul3A_221 = arith.muli %add3A_62, %mul3A_220 : i32
      %mul3A_222 = arith.constant 16 : i32
      %mul3A_223 = arith.muli %mul3A_221, %mul3A_222 : i32
      %dma_start3A = tpu.memref_slice %arg4[%mul3A_223] : memref<16000000xf32, #tpu.memory_space<hbm>> -> memref<28672xf32, #tpu.memory_space<hbm>>
      %dma_start3A_224 = tpu.memref_slice %arg4[%mul3A_223] : memref<16000000xf32, #tpu.memory_space<hbm>> -> memref<28672xf32, #tpu.memory_space<hbm>>
      tpu.enqueue_dma source(%arg8 : memref<28672xf32, #tpu.memory_space<vmem>>) target(%dma_start3A_224 : memref<28672xf32, #tpu.memory_space<hbm>>) target_semaphore(%arg11 : memref<!tpu.dma_semaphore, #tpu.memory_space<semaphore_mem>>)
    } else {
    }
    %add3A_68 = arith.constant 64 : i32
    %add3A_69 = arith.addi %add3A, %add3A_68 : i32
    %lt3A_70 = arith.constant 558 : i32
    %lt3A_71 = arith.cmpi slt, %add3A_69, %lt3A_70 : i32
    %convert_element_type3A_72 = arith.extui %lt3A_71 : i1 to i32
    %cond3A_73 = arith.constant 0 : i32
    %cond3A_74 = arith.cmpi ne, %convert_element_type3A_72, %cond3A_73 : i32
    scf.if %cond3A_74 {
      %mul3A_195 = arith.constant 1792 : i32
      %mul3A_196 = arith.muli %add3A_69, %mul3A_195 : i32
      %dma_wait3A = arith.constant 0 : i32
      %dma_wait3A_197 = tpu.memref_slice %arg2[%dma_wait3A, %mul3A_196] : memref<16x1000000xf32, #tpu.memory_space<hbm>> -> memref<16x1792xf32, #tpu.memory_space<hbm>>
      %dma_wait3A_198 = arith.constant 0 : i32
      %dma_wait3A_199 = tpu.memref_slice %arg2[%dma_wait3A_198, %mul3A_196] : memref<16x1000000xf32, #tpu.memory_space<hbm>> -> memref<16x1792xf32, #tpu.memory_space<hbm>>
      tpu.wait_dma2 semaphore(%arg9 : memref<!tpu.dma_semaphore, #tpu.memory_space<semaphore_mem>>) src(%dma_wait3A_199 : memref<16x1792xf32, #tpu.memory_space<hbm>>) dst(%arg5 : memref<16x1792xf32, #tpu.memory_space<vmem>>)
      %add3A_200 = arith.constant 32 : i32
      %add3A_201 = arith.addi %add3A_69, %add3A_200 : i32
      %lt3A_202 = arith.constant 558 : i32
      %lt3A_203 = arith.cmpi slt, %add3A_201, %lt3A_202 : i32
      %convert_element_type3A_204 = arith.extui %lt3A_203 : i1 to i32
      %cond3A_205 = arith.constant 0 : i32
      %cond3A_206 = arith.cmpi ne, %convert_element_type3A_204, %cond3A_205 : i32
      scf.if %cond3A_206 {
        %add3A_225 = arith.constant 32 : i32
        %add3A_226 = arith.addi %add3A_69, %add3A_225 : i32
        %mul3A_227 = arith.constant 1792 : i32
        %mul3A_228 = arith.muli %add3A_226, %mul3A_227 : i32
        %dma_start3A_229 = arith.constant 0 : i32
        %dma_start3A_230 = tpu.memref_slice %arg2[%dma_start3A_229, %mul3A_228] : memref<16x1000000xf32, #tpu.memory_space<hbm>> -> memref<16x1792xf32, #tpu.memory_space<hbm>>
        %dma_start3A_231 = arith.constant 0 : i32
        %dma_start3A_232 = tpu.memref_slice %arg2[%dma_start3A_231, %mul3A_228] : memref<16x1000000xf32, #tpu.memory_space<hbm>> -> memref<16x1792xf32, #tpu.memory_space<hbm>>
        tpu.enqueue_dma source(%dma_start3A_232 : memref<16x1792xf32, #tpu.memory_space<hbm>>) target(%arg6 : memref<16x1792xf32, #tpu.memory_space<vmem>>) target_semaphore(%arg10 : memref<!tpu.dma_semaphore, #tpu.memory_space<semaphore_mem>>)
      } else {
      }
      %scan3A = arith.constant 0 : i32
      %scan3A_207 = arith.constant 0 : i32
      %scan3A_208 = arith.constant 112 : i32
      %scan3A_209 = arith.addi %scan3A_207, %scan3A_208 : i32
      %scan3A_210 = arith.constant 1 : i32
      %scan3A_211 = scf.for %scan3A_225 = %scan3A_207 to %scan3A_209 step %scan3A_210 iter_args(%scan3A_226 = %scan3A) -> (i32)  : i32 {
        %mul3A_227 = arith.constant 256 : i32
        %mul3A_228 = arith.muli %scan3A_225, %mul3A_227 : i32
        %mul3A_229 = arith.constant 16 : i32
        %mul3A_230 = arith.muli %scan3A_225, %mul3A_229 : i32
        %get3A = arith.constant 0 : i32
        %get3A_231 = arith.index_cast %get3A : i32 to index
        %get3A_232 = arith.index_cast %mul3A_230 : i32 to index
        %get3A_233 = tpu.vector_load %arg5[%get3A_231, %get3A_232] {strides = array<i32>} : memref<16x1792xf32, #tpu.memory_space<vmem>>, vector<16xf32>,
        %mul3A_234 = arith.constant 16 : i32
        %mul3A_235 = arith.muli %scan3A_225, %mul3A_234 : i32
        %get3A_236 = arith.constant 1 : i32
        %get3A_237 = arith.index_cast %get3A_236 : i32 to index
        %get3A_238 = arith.index_cast %mul3A_235 : i32 to index
        %get3A_239 = tpu.vector_load %arg5[%get3A_237, %get3A_238] {strides = array<i32>} : memref<16x1792xf32, #tpu.memory_space<vmem>>, vector<16xf32>,
        %mul3A_240 = arith.constant 16 : i32
        %mul3A_241 = arith.muli %scan3A_225, %mul3A_240 : i32
        %get3A_242 = arith.constant 2 : i32
        %get3A_243 = arith.index_cast %get3A_242 : i32 to index
        %get3A_244 = arith.index_cast %mul3A_241 : i32 to index
        %get3A_245 = tpu.vector_load %arg5[%get3A_243, %get3A_244] {strides = array<i32>} : memref<16x1792xf32, #tpu.memory_space<vmem>>, vector<16xf32>,
        %mul3A_246 = arith.constant 16 : i32
        %mul3A_247 = arith.muli %scan3A_225, %mul3A_246 : i32
        %get3A_248 = arith.constant 3 : i32
        %get3A_249 = arith.index_cast %get3A_248 : i32 to index
        %get3A_250 = arith.index_cast %mul3A_247 : i32 to index
        %get3A_251 = tpu.vector_load %arg5[%get3A_249, %get3A_250] {strides = array<i32>} : memref<16x1792xf32, #tpu.memory_space<vmem>>, vector<16xf32>,
        %mul3A_252 = arith.constant 16 : i32
        %mul3A_253 = arith.muli %scan3A_225, %mul3A_252 : i32
        %get3A_254 = arith.constant 4 : i32
        %get3A_255 = arith.index_cast %get3A_254 : i32 to index
        %get3A_256 = arith.index_cast %mul3A_253 : i32 to index
        %get3A_257 = tpu.vector_load %arg5[%get3A_255, %get3A_256] {strides = array<i32>} : memref<16x1792xf32, #tpu.memory_space<vmem>>, vector<16xf32>,
        %mul3A_258 = arith.constant 16 : i32
        %mul3A_259 = arith.muli %scan3A_225, %mul3A_258 : i32
        %get3A_260 = arith.constant 5 : i32
        %get3A_261 = arith.index_cast %get3A_260 : i32 to index
        %get3A_262 = arith.index_cast %mul3A_259 : i32 to index
        %get3A_263 = tpu.vector_load %arg5[%get3A_261, %get3A_262] {strides = array<i32>} : memref<16x1792xf32, #tpu.memory_space<vmem>>, vector<16xf32>,
        %mul3A_264 = arith.constant 16 : i32
        %mul3A_265 = arith.muli %scan3A_225, %mul3A_264 : i32
        %get3A_266 = arith.constant 6 : i32
        %get3A_267 = arith.index_cast %get3A_266 : i32 to index
        %get3A_268 = arith.index_cast %mul3A_265 : i32 to index
        %get3A_269 = tpu.vector_load %arg5[%get3A_267, %get3A_268] {strides = array<i32>} : memref<16x1792xf32, #tpu.memory_space<vmem>>, vector<16xf32>,
        %mul3A_270 = arith.constant 16 : i32
        %mul3A_271 = arith.muli %scan3A_225, %mul3A_270 : i32
        %get3A_272 = arith.constant 7 : i32
        %get3A_273 = arith.index_cast %get3A_272 : i32 to index
        %get3A_274 = arith.index_cast %mul3A_271 : i32 to index
        %get3A_275 = tpu.vector_load %arg5[%get3A_273, %get3A_274] {strides = array<i32>} : memref<16x1792xf32, #tpu.memory_space<vmem>>, vector<16xf32>,
        %mul3A_276 = arith.constant 16 : i32
        %mul3A_277 = arith.muli %scan3A_225, %mul3A_276 : i32
        %get3A_278 = arith.constant 8 : i32
        %get3A_279 = arith.index_cast %get3A_278 : i32 to index
        %get3A_280 = arith.index_cast %mul3A_277 : i32 to index
        %get3A_281 = tpu.vector_load %arg5[%get3A_279, %get3A_280] {strides = array<i32>} : memref<16x1792xf32, #tpu.memory_space<vmem>>, vector<16xf32>,
        %mul3A_282 = arith.constant 16 : i32
        %mul3A_283 = arith.muli %scan3A_225, %mul3A_282 : i32
        %get3A_284 = arith.constant 9 : i32
        %get3A_285 = arith.index_cast %get3A_284 : i32 to index
        %get3A_286 = arith.index_cast %mul3A_283 : i32 to index
        %get3A_287 = tpu.vector_load %arg5[%get3A_285, %get3A_286] {strides = array<i32>} : memref<16x1792xf32, #tpu.memory_space<vmem>>, vector<16xf32>,
        %mul3A_288 = arith.constant 16 : i32
        %mul3A_289 = arith.muli %scan3A_225, %mul3A_288 : i32
        %get3A_290 = arith.constant 10 : i32
        %get3A_291 = arith.index_cast %get3A_290 : i32 to index
        %get3A_292 = arith.index_cast %mul3A_289 : i32 to index
        %get3A_293 = tpu.vector_load %arg5[%get3A_291, %get3A_292] {strides = array<i32>} : memref<16x1792xf32, #tpu.memory_space<vmem>>, vector<16xf32>,
        %mul3A_294 = arith.constant 16 : i32
        %mul3A_295 = arith.muli %scan3A_225, %mul3A_294 : i32
        %get3A_296 = arith.constant 11 : i32
        %get3A_297 = arith.index_cast %get3A_296 : i32 to index
        %get3A_298 = arith.index_cast %mul3A_295 : i32 to index
        %get3A_299 = tpu.vector_load %arg5[%get3A_297, %get3A_298] {strides = array<i32>} : memref<16x1792xf32, #tpu.memory_space<vmem>>, vector<16xf32>,
        %mul3A_300 = arith.constant 16 : i32
        %mul3A_301 = arith.muli %scan3A_225, %mul3A_300 : i32
        %get3A_302 = arith.constant 12 : i32
        %get3A_303 = arith.index_cast %get3A_302 : i32 to index
        %get3A_304 = arith.index_cast %mul3A_301 : i32 to index
        %get3A_305 = tpu.vector_load %arg5[%get3A_303, %get3A_304] {strides = array<i32>} : memref<16x1792xf32, #tpu.memory_space<vmem>>, vector<16xf32>,
        %mul3A_306 = arith.constant 16 : i32
        %mul3A_307 = arith.muli %scan3A_225, %mul3A_306 : i32
        %get3A_308 = arith.constant 13 : i32
        %get3A_309 = arith.index_cast %get3A_308 : i32 to index
        %get3A_310 = arith.index_cast %mul3A_307 : i32 to index
        %get3A_311 = tpu.vector_load %arg5[%get3A_309, %get3A_310] {strides = array<i32>} : memref<16x1792xf32, #tpu.memory_space<vmem>>, vector<16xf32>,
        %mul3A_312 = arith.constant 16 : i32
        %mul3A_313 = arith.muli %scan3A_225, %mul3A_312 : i32
        %get3A_314 = arith.constant 14 : i32
        %get3A_315 = arith.index_cast %get3A_314 : i32 to index
        %get3A_316 = arith.index_cast %mul3A_313 : i32 to index
        %get3A_317 = tpu.vector_load %arg5[%get3A_315, %get3A_316] {strides = array<i32>} : memref<16x1792xf32, #tpu.memory_space<vmem>>, vector<16xf32>,
        %mul3A_318 = arith.constant 16 : i32
        %mul3A_319 = arith.muli %scan3A_225, %mul3A_318 : i32
        %get3A_320 = arith.constant 15 : i32
        %get3A_321 = arith.index_cast %get3A_320 : i32 to index
        %get3A_322 = arith.index_cast %mul3A_319 : i32 to index
        %get3A_323 = tpu.vector_load %arg5[%get3A_321, %get3A_322] {strides = array<i32>} : memref<16x1792xf32, #tpu.memory_space<vmem>>, vector<16xf32>,
        %scatter3A = tpu.memref_slice %arg7[%mul3A_228] : memref<28672xf32, #tpu.memory_space<vmem>> -> memref<256xf32, #tpu.memory_space<vmem>>
        tpu.vector_store_idx %scatter3A[%add3A_6], %get3A_233 : memref<256xf32, #tpu.memory_space<vmem>>[vector<16xi32>], vector<16xf32>,
        %scatter3A_324 = tpu.memref_slice %arg7[%mul3A_228] : memref<28672xf32, #tpu.memory_space<vmem>> -> memref<256xf32, #tpu.memory_space<vmem>>
        tpu.vector_store_idx %scatter3A_324[%add3A_9], %get3A_239 : memref<256xf32, #tpu.memory_space<vmem>>[vector<16xi32>], vector<16xf32>,
        %scatter3A_325 = tpu.memref_slice %arg7[%mul3A_228] : memref<28672xf32, #tpu.memory_space<vmem>> -> memref<256xf32, #tpu.memory_space<vmem>>
        tpu.vector_store_idx %scatter3A_325[%add3A_12], %get3A_245 : memref<256xf32, #tpu.memory_space<vmem>>[vector<16xi32>], vector<16xf32>,
        %scatter3A_326 = tpu.memref_slice %arg7[%mul3A_228] : memref<28672xf32, #tpu.memory_space<vmem>> -> memref<256xf32, #tpu.memory_space<vmem>>
        tpu.vector_store_idx %scatter3A_326[%add3A_15], %get3A_251 : memref<256xf32, #tpu.memory_space<vmem>>[vector<16xi32>], vector<16xf32>,
        %scatter3A_327 = tpu.memref_slice %arg7[%mul3A_228] : memref<28672xf32, #tpu.memory_space<vmem>> -> memref<256xf32, #tpu.memory_space<vmem>>
        tpu.vector_store_idx %scatter3A_327[%add3A_18], %get3A_257 : memref<256xf32, #tpu.memory_space<vmem>>[vector<16xi32>], vector<16xf32>,
        %scatter3A_328 = tpu.memref_slice %arg7[%mul3A_228] : memref<28672xf32, #tpu.memory_space<vmem>> -> memref<256xf32, #tpu.memory_space<vmem>>
        tpu.vector_store_idx %scatter3A_328[%add3A_21], %get3A_263 : memref<256xf32, #tpu.memory_space<vmem>>[vector<16xi32>], vector<16xf32>,
        %scatter3A_329 = tpu.memref_slice %arg7[%mul3A_228] : memref<28672xf32, #tpu.memory_space<vmem>> -> memref<256xf32, #tpu.memory_space<vmem>>
        tpu.vector_store_idx %scatter3A_329[%add3A_24], %get3A_269 : memref<256xf32, #tpu.memory_space<vmem>>[vector<16xi32>], vector<16xf32>,
        %scatter3A_330 = tpu.memref_slice %arg7[%mul3A_228] : memref<28672xf32, #tpu.memory_space<vmem>> -> memref<256xf32, #tpu.memory_space<vmem>>
        tpu.vector_store_idx %scatter3A_330[%add3A_27], %get3A_275 : memref<256xf32, #tpu.memory_space<vmem>>[vector<16xi32>], vector<16xf32>,
        %scatter3A_331 = tpu.memref_slice %arg7[%mul3A_228] : memref<28672xf32, #tpu.memory_space<vmem>> -> memref<256xf32, #tpu.memory_space<vmem>>
        tpu.vector_store_idx %scatter3A_331[%add3A_30], %get3A_281 : memref<256xf32, #tpu.memory_space<vmem>>[vector<16xi32>], vector<16xf32>,
        %scatter3A_332 = tpu.memref_slice %arg7[%mul3A_228] : memref<28672xf32, #tpu.memory_space<vmem>> -> memref<256xf32, #tpu.memory_space<vmem>>
        tpu.vector_store_idx %scatter3A_332[%add3A_33], %get3A_287 : memref<256xf32, #tpu.memory_space<vmem>>[vector<16xi32>], vector<16xf32>,
        %scatter3A_333 = tpu.memref_slice %arg7[%mul3A_228] : memref<28672xf32, #tpu.memory_space<vmem>> -> memref<256xf32, #tpu.memory_space<vmem>>
        tpu.vector_store_idx %scatter3A_333[%add3A_36], %get3A_293 : memref<256xf32, #tpu.memory_space<vmem>>[vector<16xi32>], vector<16xf32>,
        %scatter3A_334 = tpu.memref_slice %arg7[%mul3A_228] : memref<28672xf32, #tpu.memory_space<vmem>> -> memref<256xf32, #tpu.memory_space<vmem>>
        tpu.vector_store_idx %scatter3A_334[%add3A_39], %get3A_299 : memref<256xf32, #tpu.memory_space<vmem>>[vector<16xi32>], vector<16xf32>,
        %scatter3A_335 = tpu.memref_slice %arg7[%mul3A_228] : memref<28672xf32, #tpu.memory_space<vmem>> -> memref<256xf32, #tpu.memory_space<vmem>>
        tpu.vector_store_idx %scatter3A_335[%add3A_42], %get3A_305 : memref<256xf32, #tpu.memory_space<vmem>>[vector<16xi32>], vector<16xf32>,
        %scatter3A_336 = tpu.memref_slice %arg7[%mul3A_228] : memref<28672xf32, #tpu.memory_space<vmem>> -> memref<256xf32, #tpu.memory_space<vmem>>
        tpu.vector_store_idx %scatter3A_336[%add3A_45], %get3A_311 : memref<256xf32, #tpu.memory_space<vmem>>[vector<16xi32>], vector<16xf32>,
        %scatter3A_337 = tpu.memref_slice %arg7[%mul3A_228] : memref<28672xf32, #tpu.memory_space<vmem>> -> memref<256xf32, #tpu.memory_space<vmem>>
        tpu.vector_store_idx %scatter3A_337[%add3A_48], %get3A_317 : memref<256xf32, #tpu.memory_space<vmem>>[vector<16xi32>], vector<16xf32>,
        %scatter3A_338 = tpu.memref_slice %arg7[%mul3A_228] : memref<28672xf32, #tpu.memory_space<vmem>> -> memref<256xf32, #tpu.memory_space<vmem>>
        tpu.vector_store_idx %scatter3A_338[%add3A_51], %get3A_323 : memref<256xf32, #tpu.memory_space<vmem>>[vector<16xi32>], vector<16xf32>,
        %scan3A_339 = arith.constant 0 : i32
        scf.yield %scan3A_339 : i32
      }
      %scan3A_212 = arith.constant 112 : i32
      %sub3A = arith.constant 32 : i32
      %sub3A_213 = arith.subi %add3A_69, %sub3A : i32
      %mul3A_214 = arith.constant 1792 : i32
      %mul3A_215 = arith.muli %sub3A_213, %mul3A_214 : i32
      %mul3A_216 = arith.constant 16 : i32
      %mul3A_217 = arith.muli %mul3A_215, %mul3A_216 : i32
      %dma_wait3A_218 = tpu.memref_slice %arg4[%mul3A_217] : memref<16000000xf32, #tpu.memory_space<hbm>> -> memref<28672xf32, #tpu.memory_space<hbm>>
      %dma_wait3A_219 = tpu.memref_slice %arg4[%mul3A_217] : memref<16000000xf32, #tpu.memory_space<hbm>> -> memref<28672xf32, #tpu.memory_space<hbm>>
      tpu.wait_dma2 semaphore(%arg11 : memref<!tpu.dma_semaphore, #tpu.memory_space<semaphore_mem>>) src(%arg8 : memref<28672xf32, #tpu.memory_space<vmem>>) dst(%dma_wait3A_219 : memref<28672xf32, #tpu.memory_space<hbm>>)
      %mul3A_220 = arith.constant 1792 : i32
      %mul3A_221 = arith.muli %add3A_69, %mul3A_220 : i32
      %mul3A_222 = arith.constant 16 : i32
      %mul3A_223 = arith.muli %mul3A_221, %mul3A_222 : i32
      %dma_start3A = tpu.memref_slice %arg4[%mul3A_223] : memref<16000000xf32, #tpu.memory_space<hbm>> -> memref<28672xf32, #tpu.memory_space<hbm>>
      %dma_start3A_224 = tpu.memref_slice %arg4[%mul3A_223] : memref<16000000xf32, #tpu.memory_space<hbm>> -> memref<28672xf32, #tpu.memory_space<hbm>>
      tpu.enqueue_dma source(%arg7 : memref<28672xf32, #tpu.memory_space<vmem>>) target(%dma_start3A_224 : memref<28672xf32, #tpu.memory_space<hbm>>) target_semaphore(%arg11 : memref<!tpu.dma_semaphore, #tpu.memory_space<semaphore_mem>>)
    } else {
    }
    %add3A_75 = arith.constant 96 : i32
    %add3A_76 = arith.addi %add3A, %add3A_75 : i32
    %lt3A_77 = arith.constant 558 : i32
    %lt3A_78 = arith.cmpi slt, %add3A_76, %lt3A_77 : i32
    %convert_element_type3A_79 = arith.extui %lt3A_78 : i1 to i32
    %cond3A_80 = arith.constant 0 : i32
    %cond3A_81 = arith.cmpi ne, %convert_element_type3A_79, %cond3A_80 : i32
    scf.if %cond3A_81 {
      %mul3A_195 = arith.constant 1792 : i32
      %mul3A_196 = arith.muli %add3A_76, %mul3A_195 : i32
      %dma_wait3A = arith.constant 0 : i32
      %dma_wait3A_197 = tpu.memref_slice %arg2[%dma_wait3A, %mul3A_196] : memref<16x1000000xf32, #tpu.memory_space<hbm>> -> memref<16x1792xf32, #tpu.memory_space<hbm>>
      %dma_wait3A_198 = arith.constant 0 : i32
      %dma_wait3A_199 = tpu.memref_slice %arg2[%dma_wait3A_198, %mul3A_196] : memref<16x1000000xf32, #tpu.memory_space<hbm>> -> memref<16x1792xf32, #tpu.memory_space<hbm>>
      tpu.wait_dma2 semaphore(%arg10 : memref<!tpu.dma_semaphore, #tpu.memory_space<semaphore_mem>>) src(%dma_wait3A_199 : memref<16x1792xf32, #tpu.memory_space<hbm>>) dst(%arg6 : memref<16x1792xf32, #tpu.memory_space<vmem>>)
      %add3A_200 = arith.constant 32 : i32
      %add3A_201 = arith.addi %add3A_76, %add3A_200 : i32
      %lt3A_202 = arith.constant 558 : i32
      %lt3A_203 = arith.cmpi slt, %add3A_201, %lt3A_202 : i32
      %convert_element_type3A_204 = arith.extui %lt3A_203 : i1 to i32
      %cond3A_205 = arith.constant 0 : i32
      %cond3A_206 = arith.cmpi ne, %convert_element_type3A_204, %cond3A_205 : i32
      scf.if %cond3A_206 {
        %add3A_225 = arith.constant 32 : i32
        %add3A_226 = arith.addi %add3A_76, %add3A_225 : i32
        %mul3A_227 = arith.constant 1792 : i32
        %mul3A_228 = arith.muli %add3A_226, %mul3A_227 : i32
        %dma_start3A_229 = arith.constant 0 : i32
        %dma_start3A_230 = tpu.memref_slice %arg2[%dma_start3A_229, %mul3A_228] : memref<16x1000000xf32, #tpu.memory_space<hbm>> -> memref<16x1792xf32, #tpu.memory_space<hbm>>
        %dma_start3A_231 = arith.constant 0 : i32
        %dma_start3A_232 = tpu.memref_slice %arg2[%dma_start3A_231, %mul3A_228] : memref<16x1000000xf32, #tpu.memory_space<hbm>> -> memref<16x1792xf32, #tpu.memory_space<hbm>>
        tpu.enqueue_dma source(%dma_start3A_232 : memref<16x1792xf32, #tpu.memory_space<hbm>>) target(%arg5 : memref<16x1792xf32, #tpu.memory_space<vmem>>) target_semaphore(%arg9 : memref<!tpu.dma_semaphore, #tpu.memory_space<semaphore_mem>>)
      } else {
      }
      %scan3A = arith.constant 0 : i32
      %scan3A_207 = arith.constant 0 : i32
      %scan3A_208 = arith.constant 112 : i32
      %scan3A_209 = arith.addi %scan3A_207, %scan3A_208 : i32
      %scan3A_210 = arith.constant 1 : i32
      %scan3A_211 = scf.for %scan3A_225 = %scan3A_207 to %scan3A_209 step %scan3A_210 iter_args(%scan3A_226 = %scan3A) -> (i32)  : i32 {
        %mul3A_227 = arith.constant 256 : i32
        %mul3A_228 = arith.muli %scan3A_225, %mul3A_227 : i32
        %mul3A_229 = arith.constant 16 : i32
        %mul3A_230 = arith.muli %scan3A_225, %mul3A_229 : i32
        %get3A = arith.constant 0 : i32
        %get3A_231 = arith.index_cast %get3A : i32 to index
        %get3A_232 = arith.index_cast %mul3A_230 : i32 to index
        %get3A_233 = tpu.vector_load %arg6[%get3A_231, %get3A_232] {strides = array<i32>} : memref<16x1792xf32, #tpu.memory_space<vmem>>, vector<16xf32>,
        %mul3A_234 = arith.constant 16 : i32
        %mul3A_235 = arith.muli %scan3A_225, %mul3A_234 : i32
        %get3A_236 = arith.constant 1 : i32
        %get3A_237 = arith.index_cast %get3A_236 : i32 to index
        %get3A_238 = arith.index_cast %mul3A_235 : i32 to index
        %get3A_239 = tpu.vector_load %arg6[%get3A_237, %get3A_238] {strides = array<i32>} : memref<16x1792xf32, #tpu.memory_space<vmem>>, vector<16xf32>,
        %mul3A_240 = arith.constant 16 : i32
        %mul3A_241 = arith.muli %scan3A_225, %mul3A_240 : i32
        %get3A_242 = arith.constant 2 : i32
        %get3A_243 = arith.index_cast %get3A_242 : i32 to index
        %get3A_244 = arith.index_cast %mul3A_241 : i32 to index
        %get3A_245 = tpu.vector_load %arg6[%get3A_243, %get3A_244] {strides = array<i32>} : memref<16x1792xf32, #tpu.memory_space<vmem>>, vector<16xf32>,
        %mul3A_246 = arith.constant 16 : i32
        %mul3A_247 = arith.muli %scan3A_225, %mul3A_246 : i32
        %get3A_248 = arith.constant 3 : i32
        %get3A_249 = arith.index_cast %get3A_248 : i32 to index
        %get3A_250 = arith.index_cast %mul3A_247 : i32 to index
        %get3A_251 = tpu.vector_load %arg6[%get3A_249, %get3A_250] {strides = array<i32>} : memref<16x1792xf32, #tpu.memory_space<vmem>>, vector<16xf32>,
        %mul3A_252 = arith.constant 16 : i32
        %mul3A_253 = arith.muli %scan3A_225, %mul3A_252 : i32
        %get3A_254 = arith.constant 4 : i32
        %get3A_255 = arith.index_cast %get3A_254 : i32 to index
        %get3A_256 = arith.index_cast %mul3A_253 : i32 to index
        %get3A_257 = tpu.vector_load %arg6[%get3A_255, %get3A_256] {strides = array<i32>} : memref<16x1792xf32, #tpu.memory_space<vmem>>, vector<16xf32>,
        %mul3A_258 = arith.constant 16 : i32
        %mul3A_259 = arith.muli %scan3A_225, %mul3A_258 : i32
        %get3A_260 = arith.constant 5 : i32
        %get3A_261 = arith.index_cast %get3A_260 : i32 to index
        %get3A_262 = arith.index_cast %mul3A_259 : i32 to index
        %get3A_263 = tpu.vector_load %arg6[%get3A_261, %get3A_262] {strides = array<i32>} : memref<16x1792xf32, #tpu.memory_space<vmem>>, vector<16xf32>,
        %mul3A_264 = arith.constant 16 : i32
        %mul3A_265 = arith.muli %scan3A_225, %mul3A_264 : i32
        %get3A_266 = arith.constant 6 : i32
        %get3A_267 = arith.index_cast %get3A_266 : i32 to index
        %get3A_268 = arith.index_cast %mul3A_265 : i32 to index
        %get3A_269 = tpu.vector_load %arg6[%get3A_267, %get3A_268] {strides = array<i32>} : memref<16x1792xf32, #tpu.memory_space<vmem>>, vector<16xf32>,
        %mul3A_270 = arith.constant 16 : i32
        %mul3A_271 = arith.muli %scan3A_225, %mul3A_270 : i32
        %get3A_272 = arith.constant 7 : i32
        %get3A_273 = arith.index_cast %get3A_272 : i32 to index
        %get3A_274 = arith.index_cast %mul3A_271 : i32 to index
        %get3A_275 = tpu.vector_load %arg6[%get3A_273, %get3A_274] {strides = array<i32>} : memref<16x1792xf32, #tpu.memory_space<vmem>>, vector<16xf32>,
        %mul3A_276 = arith.constant 16 : i32
        %mul3A_277 = arith.muli %scan3A_225, %mul3A_276 : i32
        %get3A_278 = arith.constant 8 : i32
        %get3A_279 = arith.index_cast %get3A_278 : i32 to index
        %get3A_280 = arith.index_cast %mul3A_277 : i32 to index
        %get3A_281 = tpu.vector_load %arg6[%get3A_279, %get3A_280] {strides = array<i32>} : memref<16x1792xf32, #tpu.memory_space<vmem>>, vector<16xf32>,
        %mul3A_282 = arith.constant 16 : i32
        %mul3A_283 = arith.muli %scan3A_225, %mul3A_282 : i32
        %get3A_284 = arith.constant 9 : i32
        %get3A_285 = arith.index_cast %get3A_284 : i32 to index
        %get3A_286 = arith.index_cast %mul3A_283 : i32 to index
        %get3A_287 = tpu.vector_load %arg6[%get3A_285, %get3A_286] {strides = array<i32>} : memref<16x1792xf32, #tpu.memory_space<vmem>>, vector<16xf32>,
        %mul3A_288 = arith.constant 16 : i32
        %mul3A_289 = arith.muli %scan3A_225, %mul3A_288 : i32
        %get3A_290 = arith.constant 10 : i32
        %get3A_291 = arith.index_cast %get3A_290 : i32 to index
        %get3A_292 = arith.index_cast %mul3A_289 : i32 to index
        %get3A_293 = tpu.vector_load %arg6[%get3A_291, %get3A_292] {strides = array<i32>} : memref<16x1792xf32, #tpu.memory_space<vmem>>, vector<16xf32>,
        %mul3A_294 = arith.constant 16 : i32
        %mul3A_295 = arith.muli %scan3A_225, %mul3A_294 : i32
        %get3A_296 = arith.constant 11 : i32
        %get3A_297 = arith.index_cast %get3A_296 : i32 to index
        %get3A_298 = arith.index_cast %mul3A_295 : i32 to index
        %get3A_299 = tpu.vector_load %arg6[%get3A_297, %get3A_298] {strides = array<i32>} : memref<16x1792xf32, #tpu.memory_space<vmem>>, vector<16xf32>,
        %mul3A_300 = arith.constant 16 : i32
        %mul3A_301 = arith.muli %scan3A_225, %mul3A_300 : i32
        %get3A_302 = arith.constant 12 : i32
        %get3A_303 = arith.index_cast %get3A_302 : i32 to index
        %get3A_304 = arith.index_cast %mul3A_301 : i32 to index
        %get3A_305 = tpu.vector_load %arg6[%get3A_303, %get3A_304] {strides = array<i32>} : memref<16x1792xf32, #tpu.memory_space<vmem>>, vector<16xf32>,
        %mul3A_306 = arith.constant 16 : i32
        %mul3A_307 = arith.muli %scan3A_225, %mul3A_306 : i32
        %get3A_308 = arith.constant 13 : i32
        %get3A_309 = arith.index_cast %get3A_308 : i32 to index
        %get3A_310 = arith.index_cast %mul3A_307 : i32 to index
        %get3A_311 = tpu.vector_load %arg6[%get3A_309, %get3A_310] {strides = array<i32>} : memref<16x1792xf32, #tpu.memory_space<vmem>>, vector<16xf32>,
        %mul3A_312 = arith.constant 16 : i32
        %mul3A_313 = arith.muli %scan3A_225, %mul3A_312 : i32
        %get3A_314 = arith.constant 14 : i32
        %get3A_315 = arith.index_cast %get3A_314 : i32 to index
        %get3A_316 = arith.index_cast %mul3A_313 : i32 to index
        %get3A_317 = tpu.vector_load %arg6[%get3A_315, %get3A_316] {strides = array<i32>} : memref<16x1792xf32, #tpu.memory_space<vmem>>, vector<16xf32>,
        %mul3A_318 = arith.constant 16 : i32
        %mul3A_319 = arith.muli %scan3A_225, %mul3A_318 : i32
        %get3A_320 = arith.constant 15 : i32
        %get3A_321 = arith.index_cast %get3A_320 : i32 to index
        %get3A_322 = arith.index_cast %mul3A_319 : i32 to index
        %get3A_323 = tpu.vector_load %arg6[%get3A_321, %get3A_322] {strides = array<i32>} : memref<16x1792xf32, #tpu.memory_space<vmem>>, vector<16xf32>,
        %scatter3A = tpu.memref_slice %arg8[%mul3A_228] : memref<28672xf32, #tpu.memory_space<vmem>> -> memref<256xf32, #tpu.memory_space<vmem>>
        tpu.vector_store_idx %scatter3A[%add3A_6], %get3A_233 : memref<256xf32, #tpu.memory_space<vmem>>[vector<16xi32>], vector<16xf32>,
        %scatter3A_324 = tpu.memref_slice %arg8[%mul3A_228] : memref<28672xf32, #tpu.memory_space<vmem>> -> memref<256xf32, #tpu.memory_space<vmem>>
        tpu.vector_store_idx %scatter3A_324[%add3A_9], %get3A_239 : memref<256xf32, #tpu.memory_space<vmem>>[vector<16xi32>], vector<16xf32>,
        %scatter3A_325 = tpu.memref_slice %arg8[%mul3A_228] : memref<28672xf32, #tpu.memory_space<vmem>> -> memref<256xf32, #tpu.memory_space<vmem>>
        tpu.vector_store_idx %scatter3A_325[%add3A_12], %get3A_245 : memref<256xf32, #tpu.memory_space<vmem>>[vector<16xi32>], vector<16xf32>,
        %scatter3A_326 = tpu.memref_slice %arg8[%mul3A_228] : memref<28672xf32, #tpu.memory_space<vmem>> -> memref<256xf32, #tpu.memory_space<vmem>>
        tpu.vector_store_idx %scatter3A_326[%add3A_15], %get3A_251 : memref<256xf32, #tpu.memory_space<vmem>>[vector<16xi32>], vector<16xf32>,
        %scatter3A_327 = tpu.memref_slice %arg8[%mul3A_228] : memref<28672xf32, #tpu.memory_space<vmem>> -> memref<256xf32, #tpu.memory_space<vmem>>
        tpu.vector_store_idx %scatter3A_327[%add3A_18], %get3A_257 : memref<256xf32, #tpu.memory_space<vmem>>[vector<16xi32>], vector<16xf32>,
        %scatter3A_328 = tpu.memref_slice %arg8[%mul3A_228] : memref<28672xf32, #tpu.memory_space<vmem>> -> memref<256xf32, #tpu.memory_space<vmem>>
        tpu.vector_store_idx %scatter3A_328[%add3A_21], %get3A_263 : memref<256xf32, #tpu.memory_space<vmem>>[vector<16xi32>], vector<16xf32>,
        %scatter3A_329 = tpu.memref_slice %arg8[%mul3A_228] : memref<28672xf32, #tpu.memory_space<vmem>> -> memref<256xf32, #tpu.memory_space<vmem>>
        tpu.vector_store_idx %scatter3A_329[%add3A_24], %get3A_269 : memref<256xf32, #tpu.memory_space<vmem>>[vector<16xi32>], vector<16xf32>,
        %scatter3A_330 = tpu.memref_slice %arg8[%mul3A_228] : memref<28672xf32, #tpu.memory_space<vmem>> -> memref<256xf32, #tpu.memory_space<vmem>>
        tpu.vector_store_idx %scatter3A_330[%add3A_27], %get3A_275 : memref<256xf32, #tpu.memory_space<vmem>>[vector<16xi32>], vector<16xf32>,
        %scatter3A_331 = tpu.memref_slice %arg8[%mul3A_228] : memref<28672xf32, #tpu.memory_space<vmem>> -> memref<256xf32, #tpu.memory_space<vmem>>
        tpu.vector_store_idx %scatter3A_331[%add3A_30], %get3A_281 : memref<256xf32, #tpu.memory_space<vmem>>[vector<16xi32>], vector<16xf32>,
        %scatter3A_332 = tpu.memref_slice %arg8[%mul3A_228] : memref<28672xf32, #tpu.memory_space<vmem>> -> memref<256xf32, #tpu.memory_space<vmem>>
        tpu.vector_store_idx %scatter3A_332[%add3A_33], %get3A_287 : memref<256xf32, #tpu.memory_space<vmem>>[vector<16xi32>], vector<16xf32>,
        %scatter3A_333 = tpu.memref_slice %arg8[%mul3A_228] : memref<28672xf32, #tpu.memory_space<vmem>> -> memref<256xf32, #tpu.memory_space<vmem>>
        tpu.vector_store_idx %scatter3A_333[%add3A_36], %get3A_293 : memref<256xf32, #tpu.memory_space<vmem>>[vector<16xi32>], vector<16xf32>,
        %scatter3A_334 = tpu.memref_slice %arg8[%mul3A_228] : memref<28672xf32, #tpu.memory_space<vmem>> -> memref<256xf32, #tpu.memory_space<vmem>>
        tpu.vector_store_idx %scatter3A_334[%add3A_39], %get3A_299 : memref<256xf32, #tpu.memory_space<vmem>>[vector<16xi32>], vector<16xf32>,
        %scatter3A_335 = tpu.memref_slice %arg8[%mul3A_228] : memref<28672xf32, #tpu.memory_space<vmem>> -> memref<256xf32, #tpu.memory_space<vmem>>
        tpu.vector_store_idx %scatter3A_335[%add3A_42], %get3A_305 : memref<256xf32, #tpu.memory_space<vmem>>[vector<16xi32>], vector<16xf32>,
        %scatter3A_336 = tpu.memref_slice %arg8[%mul3A_228] : memref<28672xf32, #tpu.memory_space<vmem>> -> memref<256xf32, #tpu.memory_space<vmem>>
        tpu.vector_store_idx %scatter3A_336[%add3A_45], %get3A_311 : memref<256xf32, #tpu.memory_space<vmem>>[vector<16xi32>], vector<16xf32>,
        %scatter3A_337 = tpu.memref_slice %arg8[%mul3A_228] : memref<28672xf32, #tpu.memory_space<vmem>> -> memref<256xf32, #tpu.memory_space<vmem>>
        tpu.vector_store_idx %scatter3A_337[%add3A_48], %get3A_317 : memref<256xf32, #tpu.memory_space<vmem>>[vector<16xi32>], vector<16xf32>,
        %scatter3A_338 = tpu.memref_slice %arg8[%mul3A_228] : memref<28672xf32, #tpu.memory_space<vmem>> -> memref<256xf32, #tpu.memory_space<vmem>>
        tpu.vector_store_idx %scatter3A_338[%add3A_51], %get3A_323 : memref<256xf32, #tpu.memory_space<vmem>>[vector<16xi32>], vector<16xf32>,
        %scan3A_339 = arith.constant 0 : i32
        scf.yield %scan3A_339 : i32
      }
      %scan3A_212 = arith.constant 112 : i32
      %sub3A = arith.constant 32 : i32
      %sub3A_213 = arith.subi %add3A_76, %sub3A : i32
      %mul3A_214 = arith.constant 1792 : i32
      %mul3A_215 = arith.muli %sub3A_213, %mul3A_214 : i32
      %mul3A_216 = arith.constant 16 : i32
      %mul3A_217 = arith.muli %mul3A_215, %mul3A_216 : i32
      %dma_wait3A_218 = tpu.memref_slice %arg4[%mul3A_217] : memref<16000000xf32, #tpu.memory_space<hbm>> -> memref<28672xf32, #tpu.memory_space<hbm>>
      %dma_wait3A_219 = tpu.memref_slice %arg4[%mul3A_217] : memref<16000000xf32, #tpu.memory_space<hbm>> -> memref<28672xf32, #tpu.memory_space<hbm>>
      tpu.wait_dma2 semaphore(%arg11 : memref<!tpu.dma_semaphore, #tpu.memory_space<semaphore_mem>>) src(%arg7 : memref<28672xf32, #tpu.memory_space<vmem>>) dst(%dma_wait3A_219 : memref<28672xf32, #tpu.memory_space<hbm>>)
      %mul3A_220 = arith.constant 1792 : i32
      %mul3A_221 = arith.muli %add3A_76, %mul3A_220 : i32
      %mul3A_222 = arith.constant 16 : i32
      %mul3A_223 = arith.muli %mul3A_221, %mul3A_222 : i32
      %dma_start3A = tpu.memref_slice %arg4[%mul3A_223] : memref<16000000xf32, #tpu.memory_space<hbm>> -> memref<28672xf32, #tpu.memory_space<hbm>>
      %dma_start3A_224 = tpu.memref_slice %arg4[%mul3A_223] : memref<16000000xf32, #tpu.memory_space<hbm>> -> memref<28672xf32, #tpu.memory_space<hbm>>
      tpu.enqueue_dma source(%arg8 : memref<28672xf32, #tpu.memory_space<vmem>>) target(%dma_start3A_224 : memref<28672xf32, #tpu.memory_space<hbm>>) target_semaphore(%arg11 : memref<!tpu.dma_semaphore, #tpu.memory_space<semaphore_mem>>)
    } else {
    }
    %add3A_82 = arith.constant 128 : i32
    %add3A_83 = arith.addi %add3A, %add3A_82 : i32
    %lt3A_84 = arith.constant 558 : i32
    %lt3A_85 = arith.cmpi slt, %add3A_83, %lt3A_84 : i32
    %convert_element_type3A_86 = arith.extui %lt3A_85 : i1 to i32
    %cond3A_87 = arith.constant 0 : i32
    %cond3A_88 = arith.cmpi ne, %convert_element_type3A_86, %cond3A_87 : i32
    scf.if %cond3A_88 {
      %mul3A_195 = arith.constant 1792 : i32
      %mul3A_196 = arith.muli %add3A_83, %mul3A_195 : i32
      %dma_wait3A = arith.constant 0 : i32
      %dma_wait3A_197 = tpu.memref_slice %arg2[%dma_wait3A, %mul3A_196] : memref<16x1000000xf32, #tpu.memory_space<hbm>> -> memref<16x1792xf32, #tpu.memory_space<hbm>>
      %dma_wait3A_198 = arith.constant 0 : i32
      %dma_wait3A_199 = tpu.memref_slice %arg2[%dma_wait3A_198, %mul3A_196] : memref<16x1000000xf32, #tpu.memory_space<hbm>> -> memref<16x1792xf32, #tpu.memory_space<hbm>>
      tpu.wait_dma2 semaphore(%arg9 : memref<!tpu.dma_semaphore, #tpu.memory_space<semaphore_mem>>) src(%dma_wait3A_199 : memref<16x1792xf32, #tpu.memory_space<hbm>>) dst(%arg5 : memref<16x1792xf32, #tpu.memory_space<vmem>>)
      %add3A_200 = arith.constant 32 : i32
      %add3A_201 = arith.addi %add3A_83, %add3A_200 : i32
      %lt3A_202 = arith.constant 558 : i32
      %lt3A_203 = arith.cmpi slt, %add3A_201, %lt3A_202 : i32
      %convert_element_type3A_204 = arith.extui %lt3A_203 : i1 to i32
      %cond3A_205 = arith.constant 0 : i32
      %cond3A_206 = arith.cmpi ne, %convert_element_type3A_204, %cond3A_205 : i32
      scf.if %cond3A_206 {
        %add3A_225 = arith.constant 32 : i32
        %add3A_226 = arith.addi %add3A_83, %add3A_225 : i32
        %mul3A_227 = arith.constant 1792 : i32
        %mul3A_228 = arith.muli %add3A_226, %mul3A_227 : i32
        %dma_start3A_229 = arith.constant 0 : i32
        %dma_start3A_230 = tpu.memref_slice %arg2[%dma_start3A_229, %mul3A_228] : memref<16x1000000xf32, #tpu.memory_space<hbm>> -> memref<16x1792xf32, #tpu.memory_space<hbm>>
        %dma_start3A_231 = arith.constant 0 : i32
        %dma_start3A_232 = tpu.memref_slice %arg2[%dma_start3A_231, %mul3A_228] : memref<16x1000000xf32, #tpu.memory_space<hbm>> -> memref<16x1792xf32, #tpu.memory_space<hbm>>
        tpu.enqueue_dma source(%dma_start3A_232 : memref<16x1792xf32, #tpu.memory_space<hbm>>) target(%arg6 : memref<16x1792xf32, #tpu.memory_space<vmem>>) target_semaphore(%arg10 : memref<!tpu.dma_semaphore, #tpu.memory_space<semaphore_mem>>)
      } else {
      }
      %scan3A = arith.constant 0 : i32
      %scan3A_207 = arith.constant 0 : i32
      %scan3A_208 = arith.constant 112 : i32
      %scan3A_209 = arith.addi %scan3A_207, %scan3A_208 : i32
      %scan3A_210 = arith.constant 1 : i32
      %scan3A_211 = scf.for %scan3A_225 = %scan3A_207 to %scan3A_209 step %scan3A_210 iter_args(%scan3A_226 = %scan3A) -> (i32)  : i32 {
        %mul3A_227 = arith.constant 256 : i32
        %mul3A_228 = arith.muli %scan3A_225, %mul3A_227 : i32
        %mul3A_229 = arith.constant 16 : i32
        %mul3A_230 = arith.muli %scan3A_225, %mul3A_229 : i32
        %get3A = arith.constant 0 : i32
        %get3A_231 = arith.index_cast %get3A : i32 to index
        %get3A_232 = arith.index_cast %mul3A_230 : i32 to index
        %get3A_233 = tpu.vector_load %arg5[%get3A_231, %get3A_232] {strides = array<i32>} : memref<16x1792xf32, #tpu.memory_space<vmem>>, vector<16xf32>,
        %mul3A_234 = arith.constant 16 : i32
        %mul3A_235 = arith.muli %scan3A_225, %mul3A_234 : i32
        %get3A_236 = arith.constant 1 : i32
        %get3A_237 = arith.index_cast %get3A_236 : i32 to index
        %get3A_238 = arith.index_cast %mul3A_235 : i32 to index
        %get3A_239 = tpu.vector_load %arg5[%get3A_237, %get3A_238] {strides = array<i32>} : memref<16x1792xf32, #tpu.memory_space<vmem>>, vector<16xf32>,
        %mul3A_240 = arith.constant 16 : i32
        %mul3A_241 = arith.muli %scan3A_225, %mul3A_240 : i32
        %get3A_242 = arith.constant 2 : i32
        %get3A_243 = arith.index_cast %get3A_242 : i32 to index
        %get3A_244 = arith.index_cast %mul3A_241 : i32 to index
        %get3A_245 = tpu.vector_load %arg5[%get3A_243, %get3A_244] {strides = array<i32>} : memref<16x1792xf32, #tpu.memory_space<vmem>>, vector<16xf32>,
        %mul3A_246 = arith.constant 16 : i32
        %mul3A_247 = arith.muli %scan3A_225, %mul3A_246 : i32
        %get3A_248 = arith.constant 3 : i32
        %get3A_249 = arith.index_cast %get3A_248 : i32 to index
        %get3A_250 = arith.index_cast %mul3A_247 : i32 to index
        %get3A_251 = tpu.vector_load %arg5[%get3A_249, %get3A_250] {strides = array<i32>} : memref<16x1792xf32, #tpu.memory_space<vmem>>, vector<16xf32>,
        %mul3A_252 = arith.constant 16 : i32
        %mul3A_253 = arith.muli %scan3A_225, %mul3A_252 : i32
        %get3A_254 = arith.constant 4 : i32
        %get3A_255 = arith.index_cast %get3A_254 : i32 to index
        %get3A_256 = arith.index_cast %mul3A_253 : i32 to index
        %get3A_257 = tpu.vector_load %arg5[%get3A_255, %get3A_256] {strides = array<i32>} : memref<16x1792xf32, #tpu.memory_space<vmem>>, vector<16xf32>,
        %mul3A_258 = arith.constant 16 : i32
        %mul3A_259 = arith.muli %scan3A_225, %mul3A_258 : i32
        %get3A_260 = arith.constant 5 : i32
        %get3A_261 = arith.index_cast %get3A_260 : i32 to index
        %get3A_262 = arith.index_cast %mul3A_259 : i32 to index
        %get3A_263 = tpu.vector_load %arg5[%get3A_261, %get3A_262] {strides = array<i32>} : memref<16x1792xf32, #tpu.memory_space<vmem>>, vector<16xf32>,
        %mul3A_264 = arith.constant 16 : i32
        %mul3A_265 = arith.muli %scan3A_225, %mul3A_264 : i32
        %get3A_266 = arith.constant 6 : i32
        %get3A_267 = arith.index_cast %get3A_266 : i32 to index
        %get3A_268 = arith.index_cast %mul3A_265 : i32 to index
        %get3A_269 = tpu.vector_load %arg5[%get3A_267, %get3A_268] {strides = array<i32>} : memref<16x1792xf32, #tpu.memory_space<vmem>>, vector<16xf32>,
        %mul3A_270 = arith.constant 16 : i32
        %mul3A_271 = arith.muli %scan3A_225, %mul3A_270 : i32
        %get3A_272 = arith.constant 7 : i32
        %get3A_273 = arith.index_cast %get3A_272 : i32 to index
        %get3A_274 = arith.index_cast %mul3A_271 : i32 to index
        %get3A_275 = tpu.vector_load %arg5[%get3A_273, %get3A_274] {strides = array<i32>} : memref<16x1792xf32, #tpu.memory_space<vmem>>, vector<16xf32>,
        %mul3A_276 = arith.constant 16 : i32
        %mul3A_277 = arith.muli %scan3A_225, %mul3A_276 : i32
        %get3A_278 = arith.constant 8 : i32
        %get3A_279 = arith.index_cast %get3A_278 : i32 to index
        %get3A_280 = arith.index_cast %mul3A_277 : i32 to index
        %get3A_281 = tpu.vector_load %arg5[%get3A_279, %get3A_280] {strides = array<i32>} : memref<16x1792xf32, #tpu.memory_space<vmem>>, vector<16xf32>,
        %mul3A_282 = arith.constant 16 : i32
        %mul3A_283 = arith.muli %scan3A_225, %mul3A_282 : i32
        %get3A_284 = arith.constant 9 : i32
        %get3A_285 = arith.index_cast %get3A_284 : i32 to index
        %get3A_286 = arith.index_cast %mul3A_283 : i32 to index
        %get3A_287 = tpu.vector_load %arg5[%get3A_285, %get3A_286] {strides = array<i32>} : memref<16x1792xf32, #tpu.memory_space<vmem>>, vector<16xf32>,
        %mul3A_288 = arith.constant 16 : i32
        %mul3A_289 = arith.muli %scan3A_225, %mul3A_288 : i32
        %get3A_290 = arith.constant 10 : i32
        %get3A_291 = arith.index_cast %get3A_290 : i32 to index
        %get3A_292 = arith.index_cast %mul3A_289 : i32 to index
        %get3A_293 = tpu.vector_load %arg5[%get3A_291, %get3A_292] {strides = array<i32>} : memref<16x1792xf32, #tpu.memory_space<vmem>>, vector<16xf32>,
        %mul3A_294 = arith.constant 16 : i32
        %mul3A_295 = arith.muli %scan3A_225, %mul3A_294 : i32
        %get3A_296 = arith.constant 11 : i32
        %get3A_297 = arith.index_cast %get3A_296 : i32 to index
        %get3A_298 = arith.index_cast %mul3A_295 : i32 to index
        %get3A_299 = tpu.vector_load %arg5[%get3A_297, %get3A_298] {strides = array<i32>} : memref<16x1792xf32, #tpu.memory_space<vmem>>, vector<16xf32>,
        %mul3A_300 = arith.constant 16 : i32
        %mul3A_301 = arith.muli %scan3A_225, %mul3A_300 : i32
        %get3A_302 = arith.constant 12 : i32
        %get3A_303 = arith.index_cast %get3A_302 : i32 to index
        %get3A_304 = arith.index_cast %mul3A_301 : i32 to index
        %get3A_305 = tpu.vector_load %arg5[%get3A_303, %get3A_304] {strides = array<i32>} : memref<16x1792xf32, #tpu.memory_space<vmem>>, vector<16xf32>,
        %mul3A_306 = arith.constant 16 : i32
        %mul3A_307 = arith.muli %scan3A_225, %mul3A_306 : i32
        %get3A_308 = arith.constant 13 : i32
        %get3A_309 = arith.index_cast %get3A_308 : i32 to index
        %get3A_310 = arith.index_cast %mul3A_307 : i32 to index
        %get3A_311 = tpu.vector_load %arg5[%get3A_309, %get3A_310] {strides = array<i32>} : memref<16x1792xf32, #tpu.memory_space<vmem>>, vector<16xf32>,
        %mul3A_312 = arith.constant 16 : i32
        %mul3A_313 = arith.muli %scan3A_225, %mul3A_312 : i32
        %get3A_314 = arith.constant 14 : i32
        %get3A_315 = arith.index_cast %get3A_314 : i32 to index
        %get3A_316 = arith.index_cast %mul3A_313 : i32 to index
        %get3A_317 = tpu.vector_load %arg5[%get3A_315, %get3A_316] {strides = array<i32>} : memref<16x1792xf32, #tpu.memory_space<vmem>>, vector<16xf32>,
        %mul3A_318 = arith.constant 16 : i32
        %mul3A_319 = arith.muli %scan3A_225, %mul3A_318 : i32
        %get3A_320 = arith.constant 15 : i32
        %get3A_321 = arith.index_cast %get3A_320 : i32 to index
        %get3A_322 = arith.index_cast %mul3A_319 : i32 to index
        %get3A_323 = tpu.vector_load %arg5[%get3A_321, %get3A_322] {strides = array<i32>} : memref<16x1792xf32, #tpu.memory_space<vmem>>, vector<16xf32>,
        %scatter3A = tpu.memref_slice %arg7[%mul3A_228] : memref<28672xf32, #tpu.memory_space<vmem>> -> memref<256xf32, #tpu.memory_space<vmem>>
        tpu.vector_store_idx %scatter3A[%add3A_6], %get3A_233 : memref<256xf32, #tpu.memory_space<vmem>>[vector<16xi32>], vector<16xf32>,
        %scatter3A_324 = tpu.memref_slice %arg7[%mul3A_228] : memref<28672xf32, #tpu.memory_space<vmem>> -> memref<256xf32, #tpu.memory_space<vmem>>
        tpu.vector_store_idx %scatter3A_324[%add3A_9], %get3A_239 : memref<256xf32, #tpu.memory_space<vmem>>[vector<16xi32>], vector<16xf32>,
        %scatter3A_325 = tpu.memref_slice %arg7[%mul3A_228] : memref<28672xf32, #tpu.memory_space<vmem>> -> memref<256xf32, #tpu.memory_space<vmem>>
        tpu.vector_store_idx %scatter3A_325[%add3A_12], %get3A_245 : memref<256xf32, #tpu.memory_space<vmem>>[vector<16xi32>], vector<16xf32>,
        %scatter3A_326 = tpu.memref_slice %arg7[%mul3A_228] : memref<28672xf32, #tpu.memory_space<vmem>> -> memref<256xf32, #tpu.memory_space<vmem>>
        tpu.vector_store_idx %scatter3A_326[%add3A_15], %get3A_251 : memref<256xf32, #tpu.memory_space<vmem>>[vector<16xi32>], vector<16xf32>,
        %scatter3A_327 = tpu.memref_slice %arg7[%mul3A_228] : memref<28672xf32, #tpu.memory_space<vmem>> -> memref<256xf32, #tpu.memory_space<vmem>>
        tpu.vector_store_idx %scatter3A_327[%add3A_18], %get3A_257 : memref<256xf32, #tpu.memory_space<vmem>>[vector<16xi32>], vector<16xf32>,
        %scatter3A_328 = tpu.memref_slice %arg7[%mul3A_228] : memref<28672xf32, #tpu.memory_space<vmem>> -> memref<256xf32, #tpu.memory_space<vmem>>
        tpu.vector_store_idx %scatter3A_328[%add3A_21], %get3A_263 : memref<256xf32, #tpu.memory_space<vmem>>[vector<16xi32>], vector<16xf32>,
        %scatter3A_329 = tpu.memref_slice %arg7[%mul3A_228] : memref<28672xf32, #tpu.memory_space<vmem>> -> memref<256xf32, #tpu.memory_space<vmem>>
        tpu.vector_store_idx %scatter3A_329[%add3A_24], %get3A_269 : memref<256xf32, #tpu.memory_space<vmem>>[vector<16xi32>], vector<16xf32>,
        %scatter3A_330 = tpu.memref_slice %arg7[%mul3A_228] : memref<28672xf32, #tpu.memory_space<vmem>> -> memref<256xf32, #tpu.memory_space<vmem>>
        tpu.vector_store_idx %scatter3A_330[%add3A_27], %get3A_275 : memref<256xf32, #tpu.memory_space<vmem>>[vector<16xi32>], vector<16xf32>,
        %scatter3A_331 = tpu.memref_slice %arg7[%mul3A_228] : memref<28672xf32, #tpu.memory_space<vmem>> -> memref<256xf32, #tpu.memory_space<vmem>>
        tpu.vector_store_idx %scatter3A_331[%add3A_30], %get3A_281 : memref<256xf32, #tpu.memory_space<vmem>>[vector<16xi32>], vector<16xf32>,
        %scatter3A_332 = tpu.memref_slice %arg7[%mul3A_228] : memref<28672xf32, #tpu.memory_space<vmem>> -> memref<256xf32, #tpu.memory_space<vmem>>
        tpu.vector_store_idx %scatter3A_332[%add3A_33], %get3A_287 : memref<256xf32, #tpu.memory_space<vmem>>[vector<16xi32>], vector<16xf32>,
        %scatter3A_333 = tpu.memref_slice %arg7[%mul3A_228] : memref<28672xf32, #tpu.memory_space<vmem>> -> memref<256xf32, #tpu.memory_space<vmem>>
        tpu.vector_store_idx %scatter3A_333[%add3A_36], %get3A_293 : memref<256xf32, #tpu.memory_space<vmem>>[vector<16xi32>], vector<16xf32>,
        %scatter3A_334 = tpu.memref_slice %arg7[%mul3A_228] : memref<28672xf32, #tpu.memory_space<vmem>> -> memref<256xf32, #tpu.memory_space<vmem>>
        tpu.vector_store_idx %scatter3A_334[%add3A_39], %get3A_299 : memref<256xf32, #tpu.memory_space<vmem>>[vector<16xi32>], vector<16xf32>,
        %scatter3A_335 = tpu.memref_slice %arg7[%mul3A_228] : memref<28672xf32, #tpu.memory_space<vmem>> -> memref<256xf32, #tpu.memory_space<vmem>>
        tpu.vector_store_idx %scatter3A_335[%add3A_42], %get3A_305 : memref<256xf32, #tpu.memory_space<vmem>>[vector<16xi32>], vector<16xf32>,
        %scatter3A_336 = tpu.memref_slice %arg7[%mul3A_228] : memref<28672xf32, #tpu.memory_space<vmem>> -> memref<256xf32, #tpu.memory_space<vmem>>
        tpu.vector_store_idx %scatter3A_336[%add3A_45], %get3A_311 : memref<256xf32, #tpu.memory_space<vmem>>[vector<16xi32>], vector<16xf32>,
        %scatter3A_337 = tpu.memref_slice %arg7[%mul3A_228] : memref<28672xf32, #tpu.memory_space<vmem>> -> memref<256xf32, #tpu.memory_space<vmem>>
        tpu.vector_store_idx %scatter3A_337[%add3A_48], %get3A_317 : memref<256xf32, #tpu.memory_space<vmem>>[vector<16xi32>], vector<16xf32>,
        %scatter3A_338 = tpu.memref_slice %arg7[%mul3A_228] : memref<28672xf32, #tpu.memory_space<vmem>> -> memref<256xf32, #tpu.memory_space<vmem>>
        tpu.vector_store_idx %scatter3A_338[%add3A_51], %get3A_323 : memref<256xf32, #tpu.memory_space<vmem>>[vector<16xi32>], vector<16xf32>,
        %scan3A_339 = arith.constant 0 : i32
        scf.yield %scan3A_339 : i32
      }
      %scan3A_212 = arith.constant 112 : i32
      %sub3A = arith.constant 32 : i32
      %sub3A_213 = arith.subi %add3A_83, %sub3A : i32
      %mul3A_214 = arith.constant 1792 : i32
      %mul3A_215 = arith.muli %sub3A_213, %mul3A_214 : i32
      %mul3A_216 = arith.constant 16 : i32
      %mul3A_217 = arith.muli %mul3A_215, %mul3A_216 : i32
      %dma_wait3A_218 = tpu.memref_slice %arg4[%mul3A_217] : memref<16000000xf32, #tpu.memory_space<hbm>> -> memref<28672xf32, #tpu.memory_space<hbm>>
      %dma_wait3A_219 = tpu.memref_slice %arg4[%mul3A_217] : memref<16000000xf32, #tpu.memory_space<hbm>> -> memref<28672xf32, #tpu.memory_space<hbm>>
      tpu.wait_dma2 semaphore(%arg11 : memref<!tpu.dma_semaphore, #tpu.memory_space<semaphore_mem>>) src(%arg8 : memref<28672xf32, #tpu.memory_space<vmem>>) dst(%dma_wait3A_219 : memref<28672xf32, #tpu.memory_space<hbm>>)
      %mul3A_220 = arith.constant 1792 : i32
      %mul3A_221 = arith.muli %add3A_83, %mul3A_220 : i32
      %mul3A_222 = arith.constant 16 : i32
      %mul3A_223 = arith.muli %mul3A_221, %mul3A_222 : i32
      %dma_start3A = tpu.memref_slice %arg4[%mul3A_223] : memref<16000000xf32, #tpu.memory_space<hbm>> -> memref<28672xf32, #tpu.memory_space<hbm>>
      %dma_start3A_224 = tpu.memref_slice %arg4[%mul3A_223] : memref<16000000xf32, #tpu.memory_space<hbm>> -> memref<28672xf32, #tpu.memory_space<hbm>>
      tpu.enqueue_dma source(%arg7 : memref<28672xf32, #tpu.memory_space<vmem>>) target(%dma_start3A_224 : memref<28672xf32, #tpu.memory_space<hbm>>) target_semaphore(%arg11 : memref<!tpu.dma_semaphore, #tpu.memory_space<semaphore_mem>>)
    } else {
    }
    %add3A_89 = arith.constant 160 : i32
    %add3A_90 = arith.addi %add3A, %add3A_89 : i32
    %lt3A_91 = arith.constant 558 : i32
    %lt3A_92 = arith.cmpi slt, %add3A_90, %lt3A_91 : i32
    %convert_element_type3A_93 = arith.extui %lt3A_92 : i1 to i32
    %cond3A_94 = arith.constant 0 : i32
    %cond3A_95 = arith.cmpi ne, %convert_element_type3A_93, %cond3A_94 : i32
    scf.if %cond3A_95 {
      %mul3A_195 = arith.constant 1792 : i32
      %mul3A_196 = arith.muli %add3A_90, %mul3A_195 : i32
      %dma_wait3A = arith.constant 0 : i32
      %dma_wait3A_197 = tpu.memref_slice %arg2[%dma_wait3A, %mul3A_196] : memref<16x1000000xf32, #tpu.memory_space<hbm>> -> memref<16x1792xf32, #tpu.memory_space<hbm>>
      %dma_wait3A_198 = arith.constant 0 : i32
      %dma_wait3A_199 = tpu.memref_slice %arg2[%dma_wait3A_198, %mul3A_196] : memref<16x1000000xf32, #tpu.memory_space<hbm>> -> memref<16x1792xf32, #tpu.memory_space<hbm>>
      tpu.wait_dma2 semaphore(%arg10 : memref<!tpu.dma_semaphore, #tpu.memory_space<semaphore_mem>>) src(%dma_wait3A_199 : memref<16x1792xf32, #tpu.memory_space<hbm>>) dst(%arg6 : memref<16x1792xf32, #tpu.memory_space<vmem>>)
      %add3A_200 = arith.constant 32 : i32
      %add3A_201 = arith.addi %add3A_90, %add3A_200 : i32
      %lt3A_202 = arith.constant 558 : i32
      %lt3A_203 = arith.cmpi slt, %add3A_201, %lt3A_202 : i32
      %convert_element_type3A_204 = arith.extui %lt3A_203 : i1 to i32
      %cond3A_205 = arith.constant 0 : i32
      %cond3A_206 = arith.cmpi ne, %convert_element_type3A_204, %cond3A_205 : i32
      scf.if %cond3A_206 {
        %add3A_225 = arith.constant 32 : i32
        %add3A_226 = arith.addi %add3A_90, %add3A_225 : i32
        %mul3A_227 = arith.constant 1792 : i32
        %mul3A_228 = arith.muli %add3A_226, %mul3A_227 : i32
        %dma_start3A_229 = arith.constant 0 : i32
        %dma_start3A_230 = tpu.memref_slice %arg2[%dma_start3A_229, %mul3A_228] : memref<16x1000000xf32, #tpu.memory_space<hbm>> -> memref<16x1792xf32, #tpu.memory_space<hbm>>
        %dma_start3A_231 = arith.constant 0 : i32
        %dma_start3A_232 = tpu.memref_slice %arg2[%dma_start3A_231, %mul3A_228] : memref<16x1000000xf32, #tpu.memory_space<hbm>> -> memref<16x1792xf32, #tpu.memory_space<hbm>>
        tpu.enqueue_dma source(%dma_start3A_232 : memref<16x1792xf32, #tpu.memory_space<hbm>>) target(%arg5 : memref<16x1792xf32, #tpu.memory_space<vmem>>) target_semaphore(%arg9 : memref<!tpu.dma_semaphore, #tpu.memory_space<semaphore_mem>>)
      } else {
      }
      %scan3A = arith.constant 0 : i32
      %scan3A_207 = arith.constant 0 : i32
      %scan3A_208 = arith.constant 112 : i32
      %scan3A_209 = arith.addi %scan3A_207, %scan3A_208 : i32
      %scan3A_210 = arith.constant 1 : i32
      %scan3A_211 = scf.for %scan3A_225 = %scan3A_207 to %scan3A_209 step %scan3A_210 iter_args(%scan3A_226 = %scan3A) -> (i32)  : i32 {
        %mul3A_227 = arith.constant 256 : i32
        %mul3A_228 = arith.muli %scan3A_225, %mul3A_227 : i32
        %mul3A_229 = arith.constant 16 : i32
        %mul3A_230 = arith.muli %scan3A_225, %mul3A_229 : i32
        %get3A = arith.constant 0 : i32
        %get3A_231 = arith.index_cast %get3A : i32 to index
        %get3A_232 = arith.index_cast %mul3A_230 : i32 to index
        %get3A_233 = tpu.vector_load %arg6[%get3A_231, %get3A_232] {strides = array<i32>} : memref<16x1792xf32, #tpu.memory_space<vmem>>, vector<16xf32>,
        %mul3A_234 = arith.constant 16 : i32
        %mul3A_235 = arith.muli %scan3A_225, %mul3A_234 : i32
        %get3A_236 = arith.constant 1 : i32
        %get3A_237 = arith.index_cast %get3A_236 : i32 to index
        %get3A_238 = arith.index_cast %mul3A_235 : i32 to index
        %get3A_239 = tpu.vector_load %arg6[%get3A_237, %get3A_238] {strides = array<i32>} : memref<16x1792xf32, #tpu.memory_space<vmem>>, vector<16xf32>,
        %mul3A_240 = arith.constant 16 : i32
        %mul3A_241 = arith.muli %scan3A_225, %mul3A_240 : i32
        %get3A_242 = arith.constant 2 : i32
        %get3A_243 = arith.index_cast %get3A_242 : i32 to index
        %get3A_244 = arith.index_cast %mul3A_241 : i32 to index
        %get3A_245 = tpu.vector_load %arg6[%get3A_243, %get3A_244] {strides = array<i32>} : memref<16x1792xf32, #tpu.memory_space<vmem>>, vector<16xf32>,
        %mul3A_246 = arith.constant 16 : i32
        %mul3A_247 = arith.muli %scan3A_225, %mul3A_246 : i32
        %get3A_248 = arith.constant 3 : i32
        %get3A_249 = arith.index_cast %get3A_248 : i32 to index
        %get3A_250 = arith.index_cast %mul3A_247 : i32 to index
        %get3A_251 = tpu.vector_load %arg6[%get3A_249, %get3A_250] {strides = array<i32>} : memref<16x1792xf32, #tpu.memory_space<vmem>>, vector<16xf32>,
        %mul3A_252 = arith.constant 16 : i32
        %mul3A_253 = arith.muli %scan3A_225, %mul3A_252 : i32
        %get3A_254 = arith.constant 4 : i32
        %get3A_255 = arith.index_cast %get3A_254 : i32 to index
        %get3A_256 = arith.index_cast %mul3A_253 : i32 to index
        %get3A_257 = tpu.vector_load %arg6[%get3A_255, %get3A_256] {strides = array<i32>} : memref<16x1792xf32, #tpu.memory_space<vmem>>, vector<16xf32>,
        %mul3A_258 = arith.constant 16 : i32
        %mul3A_259 = arith.muli %scan3A_225, %mul3A_258 : i32
        %get3A_260 = arith.constant 5 : i32
        %get3A_261 = arith.index_cast %get3A_260 : i32 to index
        %get3A_262 = arith.index_cast %mul3A_259 : i32 to index
        %get3A_263 = tpu.vector_load %arg6[%get3A_261, %get3A_262] {strides = array<i32>} : memref<16x1792xf32, #tpu.memory_space<vmem>>, vector<16xf32>,
        %mul3A_264 = arith.constant 16 : i32
        %mul3A_265 = arith.muli %scan3A_225, %mul3A_264 : i32
        %get3A_266 = arith.constant 6 : i32
        %get3A_267 = arith.index_cast %get3A_266 : i32 to index
        %get3A_268 = arith.index_cast %mul3A_265 : i32 to index
        %get3A_269 = tpu.vector_load %arg6[%get3A_267, %get3A_268] {strides = array<i32>} : memref<16x1792xf32, #tpu.memory_space<vmem>>, vector<16xf32>,
        %mul3A_270 = arith.constant 16 : i32
        %mul3A_271 = arith.muli %scan3A_225, %mul3A_270 : i32
        %get3A_272 = arith.constant 7 : i32
        %get3A_273 = arith.index_cast %get3A_272 : i32 to index
        %get3A_274 = arith.index_cast %mul3A_271 : i32 to index
        %get3A_275 = tpu.vector_load %arg6[%get3A_273, %get3A_274] {strides = array<i32>} : memref<16x1792xf32, #tpu.memory_space<vmem>>, vector<16xf32>,
        %mul3A_276 = arith.constant 16 : i32
        %mul3A_277 = arith.muli %scan3A_225, %mul3A_276 : i32
        %get3A_278 = arith.constant 8 : i32
        %get3A_279 = arith.index_cast %get3A_278 : i32 to index
        %get3A_280 = arith.index_cast %mul3A_277 : i32 to index
        %get3A_281 = tpu.vector_load %arg6[%get3A_279, %get3A_280] {strides = array<i32>} : memref<16x1792xf32, #tpu.memory_space<vmem>>, vector<16xf32>,
        %mul3A_282 = arith.constant 16 : i32
        %mul3A_283 = arith.muli %scan3A_225, %mul3A_282 : i32
        %get3A_284 = arith.constant 9 : i32
        %get3A_285 = arith.index_cast %get3A_284 : i32 to index
        %get3A_286 = arith.index_cast %mul3A_283 : i32 to index
        %get3A_287 = tpu.vector_load %arg6[%get3A_285, %get3A_286] {strides = array<i32>} : memref<16x1792xf32, #tpu.memory_space<vmem>>, vector<16xf32>,
        %mul3A_288 = arith.constant 16 : i32
        %mul3A_289 = arith.muli %scan3A_225, %mul3A_288 : i32
        %get3A_290 = arith.constant 10 : i32
        %get3A_291 = arith.index_cast %get3A_290 : i32 to index
        %get3A_292 = arith.index_cast %mul3A_289 : i32 to index
        %get3A_293 = tpu.vector_load %arg6[%get3A_291, %get3A_292] {strides = array<i32>} : memref<16x1792xf32, #tpu.memory_space<vmem>>, vector<16xf32>,
        %mul3A_294 = arith.constant 16 : i32
        %mul3A_295 = arith.muli %scan3A_225, %mul3A_294 : i32
        %get3A_296 = arith.constant 11 : i32
        %get3A_297 = arith.index_cast %get3A_296 : i32 to index
        %get3A_298 = arith.index_cast %mul3A_295 : i32 to index
        %get3A_299 = tpu.vector_load %arg6[%get3A_297, %get3A_298] {strides = array<i32>} : memref<16x1792xf32, #tpu.memory_space<vmem>>, vector<16xf32>,
        %mul3A_300 = arith.constant 16 : i32
        %mul3A_301 = arith.muli %scan3A_225, %mul3A_300 : i32
        %get3A_302 = arith.constant 12 : i32
        %get3A_303 = arith.index_cast %get3A_302 : i32 to index
        %get3A_304 = arith.index_cast %mul3A_301 : i32 to index
        %get3A_305 = tpu.vector_load %arg6[%get3A_303, %get3A_304] {strides = array<i32>} : memref<16x1792xf32, #tpu.memory_space<vmem>>, vector<16xf32>,
        %mul3A_306 = arith.constant 16 : i32
        %mul3A_307 = arith.muli %scan3A_225, %mul3A_306 : i32
        %get3A_308 = arith.constant 13 : i32
        %get3A_309 = arith.index_cast %get3A_308 : i32 to index
        %get3A_310 = arith.index_cast %mul3A_307 : i32 to index
        %get3A_311 = tpu.vector_load %arg6[%get3A_309, %get3A_310] {strides = array<i32>} : memref<16x1792xf32, #tpu.memory_space<vmem>>, vector<16xf32>,
        %mul3A_312 = arith.constant 16 : i32
        %mul3A_313 = arith.muli %scan3A_225, %mul3A_312 : i32
        %get3A_314 = arith.constant 14 : i32
        %get3A_315 = arith.index_cast %get3A_314 : i32 to index
        %get3A_316 = arith.index_cast %mul3A_313 : i32 to index
        %get3A_317 = tpu.vector_load %arg6[%get3A_315, %get3A_316] {strides = array<i32>} : memref<16x1792xf32, #tpu.memory_space<vmem>>, vector<16xf32>,
        %mul3A_318 = arith.constant 16 : i32
        %mul3A_319 = arith.muli %scan3A_225, %mul3A_318 : i32
        %get3A_320 = arith.constant 15 : i32
        %get3A_321 = arith.index_cast %get3A_320 : i32 to index
        %get3A_322 = arith.index_cast %mul3A_319 : i32 to index
        %get3A_323 = tpu.vector_load %arg6[%get3A_321, %get3A_322] {strides = array<i32>} : memref<16x1792xf32, #tpu.memory_space<vmem>>, vector<16xf32>,
        %scatter3A = tpu.memref_slice %arg8[%mul3A_228] : memref<28672xf32, #tpu.memory_space<vmem>> -> memref<256xf32, #tpu.memory_space<vmem>>
        tpu.vector_store_idx %scatter3A[%add3A_6], %get3A_233 : memref<256xf32, #tpu.memory_space<vmem>>[vector<16xi32>], vector<16xf32>,
        %scatter3A_324 = tpu.memref_slice %arg8[%mul3A_228] : memref<28672xf32, #tpu.memory_space<vmem>> -> memref<256xf32, #tpu.memory_space<vmem>>
        tpu.vector_store_idx %scatter3A_324[%add3A_9], %get3A_239 : memref<256xf32, #tpu.memory_space<vmem>>[vector<16xi32>], vector<16xf32>,
        %scatter3A_325 = tpu.memref_slice %arg8[%mul3A_228] : memref<28672xf32, #tpu.memory_space<vmem>> -> memref<256xf32, #tpu.memory_space<vmem>>
        tpu.vector_store_idx %scatter3A_325[%add3A_12], %get3A_245 : memref<256xf32, #tpu.memory_space<vmem>>[vector<16xi32>], vector<16xf32>,
        %scatter3A_326 = tpu.memref_slice %arg8[%mul3A_228] : memref<28672xf32, #tpu.memory_space<vmem>> -> memref<256xf32, #tpu.memory_space<vmem>>
        tpu.vector_store_idx %scatter3A_326[%add3A_15], %get3A_251 : memref<256xf32, #tpu.memory_space<vmem>>[vector<16xi32>], vector<16xf32>,
        %scatter3A_327 = tpu.memref_slice %arg8[%mul3A_228] : memref<28672xf32, #tpu.memory_space<vmem>> -> memref<256xf32, #tpu.memory_space<vmem>>
        tpu.vector_store_idx %scatter3A_327[%add3A_18], %get3A_257 : memref<256xf32, #tpu.memory_space<vmem>>[vector<16xi32>], vector<16xf32>,
        %scatter3A_328 = tpu.memref_slice %arg8[%mul3A_228] : memref<28672xf32, #tpu.memory_space<vmem>> -> memref<256xf32, #tpu.memory_space<vmem>>
        tpu.vector_store_idx %scatter3A_328[%add3A_21], %get3A_263 : memref<256xf32, #tpu.memory_space<vmem>>[vector<16xi32>], vector<16xf32>,
        %scatter3A_329 = tpu.memref_slice %arg8[%mul3A_228] : memref<28672xf32, #tpu.memory_space<vmem>> -> memref<256xf32, #tpu.memory_space<vmem>>
        tpu.vector_store_idx %scatter3A_329[%add3A_24], %get3A_269 : memref<256xf32, #tpu.memory_space<vmem>>[vector<16xi32>], vector<16xf32>,
        %scatter3A_330 = tpu.memref_slice %arg8[%mul3A_228] : memref<28672xf32, #tpu.memory_space<vmem>> -> memref<256xf32, #tpu.memory_space<vmem>>
        tpu.vector_store_idx %scatter3A_330[%add3A_27], %get3A_275 : memref<256xf32, #tpu.memory_space<vmem>>[vector<16xi32>], vector<16xf32>,
        %scatter3A_331 = tpu.memref_slice %arg8[%mul3A_228] : memref<28672xf32, #tpu.memory_space<vmem>> -> memref<256xf32, #tpu.memory_space<vmem>>
        tpu.vector_store_idx %scatter3A_331[%add3A_30], %get3A_281 : memref<256xf32, #tpu.memory_space<vmem>>[vector<16xi32>], vector<16xf32>,
        %scatter3A_332 = tpu.memref_slice %arg8[%mul3A_228] : memref<28672xf32, #tpu.memory_space<vmem>> -> memref<256xf32, #tpu.memory_space<vmem>>
        tpu.vector_store_idx %scatter3A_332[%add3A_33], %get3A_287 : memref<256xf32, #tpu.memory_space<vmem>>[vector<16xi32>], vector<16xf32>,
        %scatter3A_333 = tpu.memref_slice %arg8[%mul3A_228] : memref<28672xf32, #tpu.memory_space<vmem>> -> memref<256xf32, #tpu.memory_space<vmem>>
        tpu.vector_store_idx %scatter3A_333[%add3A_36], %get3A_293 : memref<256xf32, #tpu.memory_space<vmem>>[vector<16xi32>], vector<16xf32>,
        %scatter3A_334 = tpu.memref_slice %arg8[%mul3A_228] : memref<28672xf32, #tpu.memory_space<vmem>> -> memref<256xf32, #tpu.memory_space<vmem>>
        tpu.vector_store_idx %scatter3A_334[%add3A_39], %get3A_299 : memref<256xf32, #tpu.memory_space<vmem>>[vector<16xi32>], vector<16xf32>,
        %scatter3A_335 = tpu.memref_slice %arg8[%mul3A_228] : memref<28672xf32, #tpu.memory_space<vmem>> -> memref<256xf32, #tpu.memory_space<vmem>>
        tpu.vector_store_idx %scatter3A_335[%add3A_42], %get3A_305 : memref<256xf32, #tpu.memory_space<vmem>>[vector<16xi32>], vector<16xf32>,
        %scatter3A_336 = tpu.memref_slice %arg8[%mul3A_228] : memref<28672xf32, #tpu.memory_space<vmem>> -> memref<256xf32, #tpu.memory_space<vmem>>
        tpu.vector_store_idx %scatter3A_336[%add3A_45], %get3A_311 : memref<256xf32, #tpu.memory_space<vmem>>[vector<16xi32>], vector<16xf32>,
        %scatter3A_337 = tpu.memref_slice %arg8[%mul3A_228] : memref<28672xf32, #tpu.memory_space<vmem>> -> memref<256xf32, #tpu.memory_space<vmem>>
        tpu.vector_store_idx %scatter3A_337[%add3A_48], %get3A_317 : memref<256xf32, #tpu.memory_space<vmem>>[vector<16xi32>], vector<16xf32>,
        %scatter3A_338 = tpu.memref_slice %arg8[%mul3A_228] : memref<28672xf32, #tpu.memory_space<vmem>> -> memref<256xf32, #tpu.memory_space<vmem>>
        tpu.vector_store_idx %scatter3A_338[%add3A_51], %get3A_323 : memref<256xf32, #tpu.memory_space<vmem>>[vector<16xi32>], vector<16xf32>,
        %scan3A_339 = arith.constant 0 : i32
        scf.yield %scan3A_339 : i32
      }
      %scan3A_212 = arith.constant 112 : i32
      %sub3A = arith.constant 32 : i32
      %sub3A_213 = arith.subi %add3A_90, %sub3A : i32
      %mul3A_214 = arith.constant 1792 : i32
      %mul3A_215 = arith.muli %sub3A_213, %mul3A_214 : i32
      %mul3A_216 = arith.constant 16 : i32
      %mul3A_217 = arith.muli %mul3A_215, %mul3A_216 : i32
      %dma_wait3A_218 = tpu.memref_slice %arg4[%mul3A_217] : memref<16000000xf32, #tpu.memory_space<hbm>> -> memref<28672xf32, #tpu.memory_space<hbm>>
      %dma_wait3A_219 = tpu.memref_slice %arg4[%mul3A_217] : memref<16000000xf32, #tpu.memory_space<hbm>> -> memref<28672xf32, #tpu.memory_space<hbm>>
      tpu.wait_dma2 semaphore(%arg11 : memref<!tpu.dma_semaphore, #tpu.memory_space<semaphore_mem>>) src(%arg7 : memref<28672xf32, #tpu.memory_space<vmem>>) dst(%dma_wait3A_219 : memref<28672xf32, #tpu.memory_space<hbm>>)
      %mul3A_220 = arith.constant 1792 : i32
      %mul3A_221 = arith.muli %add3A_90, %mul3A_220 : i32
      %mul3A_222 = arith.constant 16 : i32
      %mul3A_223 = arith.muli %mul3A_221, %mul3A_222 : i32
      %dma_start3A = tpu.memref_slice %arg4[%mul3A_223] : memref<16000000xf32, #tpu.memory_space<hbm>> -> memref<28672xf32, #tpu.memory_space<hbm>>
      %dma_start3A_224 = tpu.memref_slice %arg4[%mul3A_223] : memref<16000000xf32, #tpu.memory_space<hbm>> -> memref<28672xf32, #tpu.memory_space<hbm>>
      tpu.enqueue_dma source(%arg8 : memref<28672xf32, #tpu.memory_space<vmem>>) target(%dma_start3A_224 : memref<28672xf32, #tpu.memory_space<hbm>>) target_semaphore(%arg11 : memref<!tpu.dma_semaphore, #tpu.memory_space<semaphore_mem>>)
    } else {
    }
    %add3A_96 = arith.constant 192 : i32
    %add3A_97 = arith.addi %add3A, %add3A_96 : i32
    %lt3A_98 = arith.constant 558 : i32
    %lt3A_99 = arith.cmpi slt, %add3A_97, %lt3A_98 : i32
    %convert_element_type3A_100 = arith.extui %lt3A_99 : i1 to i32
    %cond3A_101 = arith.constant 0 : i32
    %cond3A_102 = arith.cmpi ne, %convert_element_type3A_100, %cond3A_101 : i32
    scf.if %cond3A_102 {
      %mul3A_195 = arith.constant 1792 : i32
      %mul3A_196 = arith.muli %add3A_97, %mul3A_195 : i32
      %dma_wait3A = arith.constant 0 : i32
      %dma_wait3A_197 = tpu.memref_slice %arg2[%dma_wait3A, %mul3A_196] : memref<16x1000000xf32, #tpu.memory_space<hbm>> -> memref<16x1792xf32, #tpu.memory_space<hbm>>
      %dma_wait3A_198 = arith.constant 0 : i32
      %dma_wait3A_199 = tpu.memref_slice %arg2[%dma_wait3A_198, %mul3A_196] : memref<16x1000000xf32, #tpu.memory_space<hbm>> -> memref<16x1792xf32, #tpu.memory_space<hbm>>
      tpu.wait_dma2 semaphore(%arg9 : memref<!tpu.dma_semaphore, #tpu.memory_space<semaphore_mem>>) src(%dma_wait3A_199 : memref<16x1792xf32, #tpu.memory_space<hbm>>) dst(%arg5 : memref<16x1792xf32, #tpu.memory_space<vmem>>)
      %add3A_200 = arith.constant 32 : i32
      %add3A_201 = arith.addi %add3A_97, %add3A_200 : i32
      %lt3A_202 = arith.constant 558 : i32
      %lt3A_203 = arith.cmpi slt, %add3A_201, %lt3A_202 : i32
      %convert_element_type3A_204 = arith.extui %lt3A_203 : i1 to i32
      %cond3A_205 = arith.constant 0 : i32
      %cond3A_206 = arith.cmpi ne, %convert_element_type3A_204, %cond3A_205 : i32
      scf.if %cond3A_206 {
        %add3A_225 = arith.constant 32 : i32
        %add3A_226 = arith.addi %add3A_97, %add3A_225 : i32
        %mul3A_227 = arith.constant 1792 : i32
        %mul3A_228 = arith.muli %add3A_226, %mul3A_227 : i32
        %dma_start3A_229 = arith.constant 0 : i32
        %dma_start3A_230 = tpu.memref_slice %arg2[%dma_start3A_229, %mul3A_228] : memref<16x1000000xf32, #tpu.memory_space<hbm>> -> memref<16x1792xf32, #tpu.memory_space<hbm>>
        %dma_start3A_231 = arith.constant 0 : i32
        %dma_start3A_232 = tpu.memref_slice %arg2[%dma_start3A_231, %mul3A_228] : memref<16x1000000xf32, #tpu.memory_space<hbm>> -> memref<16x1792xf32, #tpu.memory_space<hbm>>
        tpu.enqueue_dma source(%dma_start3A_232 : memref<16x1792xf32, #tpu.memory_space<hbm>>) target(%arg6 : memref<16x1792xf32, #tpu.memory_space<vmem>>) target_semaphore(%arg10 : memref<!tpu.dma_semaphore, #tpu.memory_space<semaphore_mem>>)
      } else {
      }
      %scan3A = arith.constant 0 : i32
      %scan3A_207 = arith.constant 0 : i32
      %scan3A_208 = arith.constant 112 : i32
      %scan3A_209 = arith.addi %scan3A_207, %scan3A_208 : i32
      %scan3A_210 = arith.constant 1 : i32
      %scan3A_211 = scf.for %scan3A_225 = %scan3A_207 to %scan3A_209 step %scan3A_210 iter_args(%scan3A_226 = %scan3A) -> (i32)  : i32 {
        %mul3A_227 = arith.constant 256 : i32
        %mul3A_228 = arith.muli %scan3A_225, %mul3A_227 : i32
        %mul3A_229 = arith.constant 16 : i32
        %mul3A_230 = arith.muli %scan3A_225, %mul3A_229 : i32
        %get3A = arith.constant 0 : i32
        %get3A_231 = arith.index_cast %get3A : i32 to index
        %get3A_232 = arith.index_cast %mul3A_230 : i32 to index
        %get3A_233 = tpu.vector_load %arg5[%get3A_231, %get3A_232] {strides = array<i32>} : memref<16x1792xf32, #tpu.memory_space<vmem>>, vector<16xf32>,
        %mul3A_234 = arith.constant 16 : i32
        %mul3A_235 = arith.muli %scan3A_225, %mul3A_234 : i32
        %get3A_236 = arith.constant 1 : i32
        %get3A_237 = arith.index_cast %get3A_236 : i32 to index
        %get3A_238 = arith.index_cast %mul3A_235 : i32 to index
        %get3A_239 = tpu.vector_load %arg5[%get3A_237, %get3A_238] {strides = array<i32>} : memref<16x1792xf32, #tpu.memory_space<vmem>>, vector<16xf32>,
        %mul3A_240 = arith.constant 16 : i32
        %mul3A_241 = arith.muli %scan3A_225, %mul3A_240 : i32
        %get3A_242 = arith.constant 2 : i32
        %get3A_243 = arith.index_cast %get3A_242 : i32 to index
        %get3A_244 = arith.index_cast %mul3A_241 : i32 to index
        %get3A_245 = tpu.vector_load %arg5[%get3A_243, %get3A_244] {strides = array<i32>} : memref<16x1792xf32, #tpu.memory_space<vmem>>, vector<16xf32>,
        %mul3A_246 = arith.constant 16 : i32
        %mul3A_247 = arith.muli %scan3A_225, %mul3A_246 : i32
        %get3A_248 = arith.constant 3 : i32
        %get3A_249 = arith.index_cast %get3A_248 : i32 to index
        %get3A_250 = arith.index_cast %mul3A_247 : i32 to index
        %get3A_251 = tpu.vector_load %arg5[%get3A_249, %get3A_250] {strides = array<i32>} : memref<16x1792xf32, #tpu.memory_space<vmem>>, vector<16xf32>,
        %mul3A_252 = arith.constant 16 : i32
        %mul3A_253 = arith.muli %scan3A_225, %mul3A_252 : i32
        %get3A_254 = arith.constant 4 : i32
        %get3A_255 = arith.index_cast %get3A_254 : i32 to index
        %get3A_256 = arith.index_cast %mul3A_253 : i32 to index
        %get3A_257 = tpu.vector_load %arg5[%get3A_255, %get3A_256] {strides = array<i32>} : memref<16x1792xf32, #tpu.memory_space<vmem>>, vector<16xf32>,
        %mul3A_258 = arith.constant 16 : i32
        %mul3A_259 = arith.muli %scan3A_225, %mul3A_258 : i32
        %get3A_260 = arith.constant 5 : i32
        %get3A_261 = arith.index_cast %get3A_260 : i32 to index
        %get3A_262 = arith.index_cast %mul3A_259 : i32 to index
        %get3A_263 = tpu.vector_load %arg5[%get3A_261, %get3A_262] {strides = array<i32>} : memref<16x1792xf32, #tpu.memory_space<vmem>>, vector<16xf32>,
        %mul3A_264 = arith.constant 16 : i32
        %mul3A_265 = arith.muli %scan3A_225, %mul3A_264 : i32
        %get3A_266 = arith.constant 6 : i32
        %get3A_267 = arith.index_cast %get3A_266 : i32 to index
        %get3A_268 = arith.index_cast %mul3A_265 : i32 to index
        %get3A_269 = tpu.vector_load %arg5[%get3A_267, %get3A_268] {strides = array<i32>} : memref<16x1792xf32, #tpu.memory_space<vmem>>, vector<16xf32>,
        %mul3A_270 = arith.constant 16 : i32
        %mul3A_271 = arith.muli %scan3A_225, %mul3A_270 : i32
        %get3A_272 = arith.constant 7 : i32
        %get3A_273 = arith.index_cast %get3A_272 : i32 to index
        %get3A_274 = arith.index_cast %mul3A_271 : i32 to index
        %get3A_275 = tpu.vector_load %arg5[%get3A_273, %get3A_274] {strides = array<i32>} : memref<16x1792xf32, #tpu.memory_space<vmem>>, vector<16xf32>,
        %mul3A_276 = arith.constant 16 : i32
        %mul3A_277 = arith.muli %scan3A_225, %mul3A_276 : i32
        %get3A_278 = arith.constant 8 : i32
        %get3A_279 = arith.index_cast %get3A_278 : i32 to index
        %get3A_280 = arith.index_cast %mul3A_277 : i32 to index
        %get3A_281 = tpu.vector_load %arg5[%get3A_279, %get3A_280] {strides = array<i32>} : memref<16x1792xf32, #tpu.memory_space<vmem>>, vector<16xf32>,
        %mul3A_282 = arith.constant 16 : i32
        %mul3A_283 = arith.muli %scan3A_225, %mul3A_282 : i32
        %get3A_284 = arith.constant 9 : i32
        %get3A_285 = arith.index_cast %get3A_284 : i32 to index
        %get3A_286 = arith.index_cast %mul3A_283 : i32 to index
        %get3A_287 = tpu.vector_load %arg5[%get3A_285, %get3A_286] {strides = array<i32>} : memref<16x1792xf32, #tpu.memory_space<vmem>>, vector<16xf32>,
        %mul3A_288 = arith.constant 16 : i32
        %mul3A_289 = arith.muli %scan3A_225, %mul3A_288 : i32
        %get3A_290 = arith.constant 10 : i32
        %get3A_291 = arith.index_cast %get3A_290 : i32 to index
        %get3A_292 = arith.index_cast %mul3A_289 : i32 to index
        %get3A_293 = tpu.vector_load %arg5[%get3A_291, %get3A_292] {strides = array<i32>} : memref<16x1792xf32, #tpu.memory_space<vmem>>, vector<16xf32>,
        %mul3A_294 = arith.constant 16 : i32
        %mul3A_295 = arith.muli %scan3A_225, %mul3A_294 : i32
        %get3A_296 = arith.constant 11 : i32
        %get3A_297 = arith.index_cast %get3A_296 : i32 to index
        %get3A_298 = arith.index_cast %mul3A_295 : i32 to index
        %get3A_299 = tpu.vector_load %arg5[%get3A_297, %get3A_298] {strides = array<i32>} : memref<16x1792xf32, #tpu.memory_space<vmem>>, vector<16xf32>,
        %mul3A_300 = arith.constant 16 : i32
        %mul3A_301 = arith.muli %scan3A_225, %mul3A_300 : i32
        %get3A_302 = arith.constant 12 : i32
        %get3A_303 = arith.index_cast %get3A_302 : i32 to index
        %get3A_304 = arith.index_cast %mul3A_301 : i32 to index
        %get3A_305 = tpu.vector_load %arg5[%get3A_303, %get3A_304] {strides = array<i32>} : memref<16x1792xf32, #tpu.memory_space<vmem>>, vector<16xf32>,
        %mul3A_306 = arith.constant 16 : i32
        %mul3A_307 = arith.muli %scan3A_225, %mul3A_306 : i32
        %get3A_308 = arith.constant 13 : i32
        %get3A_309 = arith.index_cast %get3A_308 : i32 to index
        %get3A_310 = arith.index_cast %mul3A_307 : i32 to index
        %get3A_311 = tpu.vector_load %arg5[%get3A_309, %get3A_310] {strides = array<i32>} : memref<16x1792xf32, #tpu.memory_space<vmem>>, vector<16xf32>,
        %mul3A_312 = arith.constant 16 : i32
        %mul3A_313 = arith.muli %scan3A_225, %mul3A_312 : i32
        %get3A_314 = arith.constant 14 : i32
        %get3A_315 = arith.index_cast %get3A_314 : i32 to index
        %get3A_316 = arith.index_cast %mul3A_313 : i32 to index
        %get3A_317 = tpu.vector_load %arg5[%get3A_315, %get3A_316] {strides = array<i32>} : memref<16x1792xf32, #tpu.memory_space<vmem>>, vector<16xf32>,
        %mul3A_318 = arith.constant 16 : i32
        %mul3A_319 = arith.muli %scan3A_225, %mul3A_318 : i32
        %get3A_320 = arith.constant 15 : i32
        %get3A_321 = arith.index_cast %get3A_320 : i32 to index
        %get3A_322 = arith.index_cast %mul3A_319 : i32 to index
        %get3A_323 = tpu.vector_load %arg5[%get3A_321, %get3A_322] {strides = array<i32>} : memref<16x1792xf32, #tpu.memory_space<vmem>>, vector<16xf32>,
        %scatter3A = tpu.memref_slice %arg7[%mul3A_228] : memref<28672xf32, #tpu.memory_space<vmem>> -> memref<256xf32, #tpu.memory_space<vmem>>
        tpu.vector_store_idx %scatter3A[%add3A_6], %get3A_233 : memref<256xf32, #tpu.memory_space<vmem>>[vector<16xi32>], vector<16xf32>,
        %scatter3A_324 = tpu.memref_slice %arg7[%mul3A_228] : memref<28672xf32, #tpu.memory_space<vmem>> -> memref<256xf32, #tpu.memory_space<vmem>>
        tpu.vector_store_idx %scatter3A_324[%add3A_9], %get3A_239 : memref<256xf32, #tpu.memory_space<vmem>>[vector<16xi32>], vector<16xf32>,
        %scatter3A_325 = tpu.memref_slice %arg7[%mul3A_228] : memref<28672xf32, #tpu.memory_space<vmem>> -> memref<256xf32, #tpu.memory_space<vmem>>
        tpu.vector_store_idx %scatter3A_325[%add3A_12], %get3A_245 : memref<256xf32, #tpu.memory_space<vmem>>[vector<16xi32>], vector<16xf32>,
        %scatter3A_326 = tpu.memref_slice %arg7[%mul3A_228] : memref<28672xf32, #tpu.memory_space<vmem>> -> memref<256xf32, #tpu.memory_space<vmem>>
        tpu.vector_store_idx %scatter3A_326[%add3A_15], %get3A_251 : memref<256xf32, #tpu.memory_space<vmem>>[vector<16xi32>], vector<16xf32>,
        %scatter3A_327 = tpu.memref_slice %arg7[%mul3A_228] : memref<28672xf32, #tpu.memory_space<vmem>> -> memref<256xf32, #tpu.memory_space<vmem>>
        tpu.vector_store_idx %scatter3A_327[%add3A_18], %get3A_257 : memref<256xf32, #tpu.memory_space<vmem>>[vector<16xi32>], vector<16xf32>,
        %scatter3A_328 = tpu.memref_slice %arg7[%mul3A_228] : memref<28672xf32, #tpu.memory_space<vmem>> -> memref<256xf32, #tpu.memory_space<vmem>>
        tpu.vector_store_idx %scatter3A_328[%add3A_21], %get3A_263 : memref<256xf32, #tpu.memory_space<vmem>>[vector<16xi32>], vector<16xf32>,
        %scatter3A_329 = tpu.memref_slice %arg7[%mul3A_228] : memref<28672xf32, #tpu.memory_space<vmem>> -> memref<256xf32, #tpu.memory_space<vmem>>
        tpu.vector_store_idx %scatter3A_329[%add3A_24], %get3A_269 : memref<256xf32, #tpu.memory_space<vmem>>[vector<16xi32>], vector<16xf32>,
        %scatter3A_330 = tpu.memref_slice %arg7[%mul3A_228] : memref<28672xf32, #tpu.memory_space<vmem>> -> memref<256xf32, #tpu.memory_space<vmem>>
        tpu.vector_store_idx %scatter3A_330[%add3A_27], %get3A_275 : memref<256xf32, #tpu.memory_space<vmem>>[vector<16xi32>], vector<16xf32>,
        %scatter3A_331 = tpu.memref_slice %arg7[%mul3A_228] : memref<28672xf32, #tpu.memory_space<vmem>> -> memref<256xf32, #tpu.memory_space<vmem>>
        tpu.vector_store_idx %scatter3A_331[%add3A_30], %get3A_281 : memref<256xf32, #tpu.memory_space<vmem>>[vector<16xi32>], vector<16xf32>,
        %scatter3A_332 = tpu.memref_slice %arg7[%mul3A_228] : memref<28672xf32, #tpu.memory_space<vmem>> -> memref<256xf32, #tpu.memory_space<vmem>>
        tpu.vector_store_idx %scatter3A_332[%add3A_33], %get3A_287 : memref<256xf32, #tpu.memory_space<vmem>>[vector<16xi32>], vector<16xf32>,
        %scatter3A_333 = tpu.memref_slice %arg7[%mul3A_228] : memref<28672xf32, #tpu.memory_space<vmem>> -> memref<256xf32, #tpu.memory_space<vmem>>
        tpu.vector_store_idx %scatter3A_333[%add3A_36], %get3A_293 : memref<256xf32, #tpu.memory_space<vmem>>[vector<16xi32>], vector<16xf32>,
        %scatter3A_334 = tpu.memref_slice %arg7[%mul3A_228] : memref<28672xf32, #tpu.memory_space<vmem>> -> memref<256xf32, #tpu.memory_space<vmem>>
        tpu.vector_store_idx %scatter3A_334[%add3A_39], %get3A_299 : memref<256xf32, #tpu.memory_space<vmem>>[vector<16xi32>], vector<16xf32>,
        %scatter3A_335 = tpu.memref_slice %arg7[%mul3A_228] : memref<28672xf32, #tpu.memory_space<vmem>> -> memref<256xf32, #tpu.memory_space<vmem>>
        tpu.vector_store_idx %scatter3A_335[%add3A_42], %get3A_305 : memref<256xf32, #tpu.memory_space<vmem>>[vector<16xi32>], vector<16xf32>,
        %scatter3A_336 = tpu.memref_slice %arg7[%mul3A_228] : memref<28672xf32, #tpu.memory_space<vmem>> -> memref<256xf32, #tpu.memory_space<vmem>>
        tpu.vector_store_idx %scatter3A_336[%add3A_45], %get3A_311 : memref<256xf32, #tpu.memory_space<vmem>>[vector<16xi32>], vector<16xf32>,
        %scatter3A_337 = tpu.memref_slice %arg7[%mul3A_228] : memref<28672xf32, #tpu.memory_space<vmem>> -> memref<256xf32, #tpu.memory_space<vmem>>
        tpu.vector_store_idx %scatter3A_337[%add3A_48], %get3A_317 : memref<256xf32, #tpu.memory_space<vmem>>[vector<16xi32>], vector<16xf32>,
        %scatter3A_338 = tpu.memref_slice %arg7[%mul3A_228] : memref<28672xf32, #tpu.memory_space<vmem>> -> memref<256xf32, #tpu.memory_space<vmem>>
        tpu.vector_store_idx %scatter3A_338[%add3A_51], %get3A_323 : memref<256xf32, #tpu.memory_space<vmem>>[vector<16xi32>], vector<16xf32>,
        %scan3A_339 = arith.constant 0 : i32
        scf.yield %scan3A_339 : i32
      }
      %scan3A_212 = arith.constant 112 : i32
      %sub3A = arith.constant 32 : i32
      %sub3A_213 = arith.subi %add3A_97, %sub3A : i32
      %mul3A_214 = arith.constant 1792 : i32
      %mul3A_215 = arith.muli %sub3A_213, %mul3A_214 : i32
      %mul3A_216 = arith.constant 16 : i32
      %mul3A_217 = arith.muli %mul3A_215, %mul3A_216 : i32
      %dma_wait3A_218 = tpu.memref_slice %arg4[%mul3A_217] : memref<16000000xf32, #tpu.memory_space<hbm>> -> memref<28672xf32, #tpu.memory_space<hbm>>
      %dma_wait3A_219 = tpu.memref_slice %arg4[%mul3A_217] : memref<16000000xf32, #tpu.memory_space<hbm>> -> memref<28672xf32, #tpu.memory_space<hbm>>
      tpu.wait_dma2 semaphore(%arg11 : memref<!tpu.dma_semaphore, #tpu.memory_space<semaphore_mem>>) src(%arg8 : memref<28672xf32, #tpu.memory_space<vmem>>) dst(%dma_wait3A_219 : memref<28672xf32, #tpu.memory_space<hbm>>)
      %mul3A_220 = arith.constant 1792 : i32
      %mul3A_221 = arith.muli %add3A_97, %mul3A_220 : i32
      %mul3A_222 = arith.constant 16 : i32
      %mul3A_223 = arith.muli %mul3A_221, %mul3A_222 : i32
      %dma_start3A = tpu.memref_slice %arg4[%mul3A_223] : memref<16000000xf32, #tpu.memory_space<hbm>> -> memref<28672xf32, #tpu.memory_space<hbm>>
      %dma_start3A_224 = tpu.memref_slice %arg4[%mul3A_223] : memref<16000000xf32, #tpu.memory_space<hbm>> -> memref<28672xf32, #tpu.memory_space<hbm>>
      tpu.enqueue_dma source(%arg7 : memref<28672xf32, #tpu.memory_space<vmem>>) target(%dma_start3A_224 : memref<28672xf32, #tpu.memory_space<hbm>>) target_semaphore(%arg11 : memref<!tpu.dma_semaphore, #tpu.memory_space<semaphore_mem>>)
    } else {
    }
    %add3A_103 = arith.constant 224 : i32
    %add3A_104 = arith.addi %add3A, %add3A_103 : i32
    %lt3A_105 = arith.constant 558 : i32
    %lt3A_106 = arith.cmpi slt, %add3A_104, %lt3A_105 : i32
    %convert_element_type3A_107 = arith.extui %lt3A_106 : i1 to i32
    %cond3A_108 = arith.constant 0 : i32
    %cond3A_109 = arith.cmpi ne, %convert_element_type3A_107, %cond3A_108 : i32
    scf.if %cond3A_109 {
      %mul3A_195 = arith.constant 1792 : i32
      %mul3A_196 = arith.muli %add3A_104, %mul3A_195 : i32
      %dma_wait3A = arith.constant 0 : i32
      %dma_wait3A_197 = tpu.memref_slice %arg2[%dma_wait3A, %mul3A_196] : memref<16x1000000xf32, #tpu.memory_space<hbm>> -> memref<16x1792xf32, #tpu.memory_space<hbm>>
      %dma_wait3A_198 = arith.constant 0 : i32
      %dma_wait3A_199 = tpu.memref_slice %arg2[%dma_wait3A_198, %mul3A_196] : memref<16x1000000xf32, #tpu.memory_space<hbm>> -> memref<16x1792xf32, #tpu.memory_space<hbm>>
      tpu.wait_dma2 semaphore(%arg10 : memref<!tpu.dma_semaphore, #tpu.memory_space<semaphore_mem>>) src(%dma_wait3A_199 : memref<16x1792xf32, #tpu.memory_space<hbm>>) dst(%arg6 : memref<16x1792xf32, #tpu.memory_space<vmem>>)
      %add3A_200 = arith.constant 32 : i32
      %add3A_201 = arith.addi %add3A_104, %add3A_200 : i32
      %lt3A_202 = arith.constant 558 : i32
      %lt3A_203 = arith.cmpi slt, %add3A_201, %lt3A_202 : i32
      %convert_element_type3A_204 = arith.extui %lt3A_203 : i1 to i32
      %cond3A_205 = arith.constant 0 : i32
      %cond3A_206 = arith.cmpi ne, %convert_element_type3A_204, %cond3A_205 : i32
      scf.if %cond3A_206 {
        %add3A_225 = arith.constant 32 : i32
        %add3A_226 = arith.addi %add3A_104, %add3A_225 : i32
        %mul3A_227 = arith.constant 1792 : i32
        %mul3A_228 = arith.muli %add3A_226, %mul3A_227 : i32
        %dma_start3A_229 = arith.constant 0 : i32
        %dma_start3A_230 = tpu.memref_slice %arg2[%dma_start3A_229, %mul3A_228] : memref<16x1000000xf32, #tpu.memory_space<hbm>> -> memref<16x1792xf32, #tpu.memory_space<hbm>>
        %dma_start3A_231 = arith.constant 0 : i32
        %dma_start3A_232 = tpu.memref_slice %arg2[%dma_start3A_231, %mul3A_228] : memref<16x1000000xf32, #tpu.memory_space<hbm>> -> memref<16x1792xf32, #tpu.memory_space<hbm>>
        tpu.enqueue_dma source(%dma_start3A_232 : memref<16x1792xf32, #tpu.memory_space<hbm>>) target(%arg5 : memref<16x1792xf32, #tpu.memory_space<vmem>>) target_semaphore(%arg9 : memref<!tpu.dma_semaphore, #tpu.memory_space<semaphore_mem>>)
      } else {
      }
      %scan3A = arith.constant 0 : i32
      %scan3A_207 = arith.constant 0 : i32
      %scan3A_208 = arith.constant 112 : i32
      %scan3A_209 = arith.addi %scan3A_207, %scan3A_208 : i32
      %scan3A_210 = arith.constant 1 : i32
      %scan3A_211 = scf.for %scan3A_225 = %scan3A_207 to %scan3A_209 step %scan3A_210 iter_args(%scan3A_226 = %scan3A) -> (i32)  : i32 {
        %mul3A_227 = arith.constant 256 : i32
        %mul3A_228 = arith.muli %scan3A_225, %mul3A_227 : i32
        %mul3A_229 = arith.constant 16 : i32
        %mul3A_230 = arith.muli %scan3A_225, %mul3A_229 : i32
        %get3A = arith.constant 0 : i32
        %get3A_231 = arith.index_cast %get3A : i32 to index
        %get3A_232 = arith.index_cast %mul3A_230 : i32 to index
        %get3A_233 = tpu.vector_load %arg6[%get3A_231, %get3A_232] {strides = array<i32>} : memref<16x1792xf32, #tpu.memory_space<vmem>>, vector<16xf32>,
        %mul3A_234 = arith.constant 16 : i32
        %mul3A_235 = arith.muli %scan3A_225, %mul3A_234 : i32
        %get3A_236 = arith.constant 1 : i32
        %get3A_237 = arith.index_cast %get3A_236 : i32 to index
        %get3A_238 = arith.index_cast %mul3A_235 : i32 to index
        %get3A_239 = tpu.vector_load %arg6[%get3A_237, %get3A_238] {strides = array<i32>} : memref<16x1792xf32, #tpu.memory_space<vmem>>, vector<16xf32>,
        %mul3A_240 = arith.constant 16 : i32
        %mul3A_241 = arith.muli %scan3A_225, %mul3A_240 : i32
        %get3A_242 = arith.constant 2 : i32
        %get3A_243 = arith.index_cast %get3A_242 : i32 to index
        %get3A_244 = arith.index_cast %mul3A_241 : i32 to index
        %get3A_245 = tpu.vector_load %arg6[%get3A_243, %get3A_244] {strides = array<i32>} : memref<16x1792xf32, #tpu.memory_space<vmem>>, vector<16xf32>,
        %mul3A_246 = arith.constant 16 : i32
        %mul3A_247 = arith.muli %scan3A_225, %mul3A_246 : i32
        %get3A_248 = arith.constant 3 : i32
        %get3A_249 = arith.index_cast %get3A_248 : i32 to index
        %get3A_250 = arith.index_cast %mul3A_247 : i32 to index
        %get3A_251 = tpu.vector_load %arg6[%get3A_249, %get3A_250] {strides = array<i32>} : memref<16x1792xf32, #tpu.memory_space<vmem>>, vector<16xf32>,
        %mul3A_252 = arith.constant 16 : i32
        %mul3A_253 = arith.muli %scan3A_225, %mul3A_252 : i32
        %get3A_254 = arith.constant 4 : i32
        %get3A_255 = arith.index_cast %get3A_254 : i32 to index
        %get3A_256 = arith.index_cast %mul3A_253 : i32 to index
        %get3A_257 = tpu.vector_load %arg6[%get3A_255, %get3A_256] {strides = array<i32>} : memref<16x1792xf32, #tpu.memory_space<vmem>>, vector<16xf32>,
        %mul3A_258 = arith.constant 16 : i32
        %mul3A_259 = arith.muli %scan3A_225, %mul3A_258 : i32
        %get3A_260 = arith.constant 5 : i32
        %get3A_261 = arith.index_cast %get3A_260 : i32 to index
        %get3A_262 = arith.index_cast %mul3A_259 : i32 to index
        %get3A_263 = tpu.vector_load %arg6[%get3A_261, %get3A_262] {strides = array<i32>} : memref<16x1792xf32, #tpu.memory_space<vmem>>, vector<16xf32>,
        %mul3A_264 = arith.constant 16 : i32
        %mul3A_265 = arith.muli %scan3A_225, %mul3A_264 : i32
        %get3A_266 = arith.constant 6 : i32
        %get3A_267 = arith.index_cast %get3A_266 : i32 to index
        %get3A_268 = arith.index_cast %mul3A_265 : i32 to index
        %get3A_269 = tpu.vector_load %arg6[%get3A_267, %get3A_268] {strides = array<i32>} : memref<16x1792xf32, #tpu.memory_space<vmem>>, vector<16xf32>,
        %mul3A_270 = arith.constant 16 : i32
        %mul3A_271 = arith.muli %scan3A_225, %mul3A_270 : i32
        %get3A_272 = arith.constant 7 : i32
        %get3A_273 = arith.index_cast %get3A_272 : i32 to index
        %get3A_274 = arith.index_cast %mul3A_271 : i32 to index
        %get3A_275 = tpu.vector_load %arg6[%get3A_273, %get3A_274] {strides = array<i32>} : memref<16x1792xf32, #tpu.memory_space<vmem>>, vector<16xf32>,
        %mul3A_276 = arith.constant 16 : i32
        %mul3A_277 = arith.muli %scan3A_225, %mul3A_276 : i32
        %get3A_278 = arith.constant 8 : i32
        %get3A_279 = arith.index_cast %get3A_278 : i32 to index
        %get3A_280 = arith.index_cast %mul3A_277 : i32 to index
        %get3A_281 = tpu.vector_load %arg6[%get3A_279, %get3A_280] {strides = array<i32>} : memref<16x1792xf32, #tpu.memory_space<vmem>>, vector<16xf32>,
        %mul3A_282 = arith.constant 16 : i32
        %mul3A_283 = arith.muli %scan3A_225, %mul3A_282 : i32
        %get3A_284 = arith.constant 9 : i32
        %get3A_285 = arith.index_cast %get3A_284 : i32 to index
        %get3A_286 = arith.index_cast %mul3A_283 : i32 to index
        %get3A_287 = tpu.vector_load %arg6[%get3A_285, %get3A_286] {strides = array<i32>} : memref<16x1792xf32, #tpu.memory_space<vmem>>, vector<16xf32>,
        %mul3A_288 = arith.constant 16 : i32
        %mul3A_289 = arith.muli %scan3A_225, %mul3A_288 : i32
        %get3A_290 = arith.constant 10 : i32
        %get3A_291 = arith.index_cast %get3A_290 : i32 to index
        %get3A_292 = arith.index_cast %mul3A_289 : i32 to index
        %get3A_293 = tpu.vector_load %arg6[%get3A_291, %get3A_292] {strides = array<i32>} : memref<16x1792xf32, #tpu.memory_space<vmem>>, vector<16xf32>,
        %mul3A_294 = arith.constant 16 : i32
        %mul3A_295 = arith.muli %scan3A_225, %mul3A_294 : i32
        %get3A_296 = arith.constant 11 : i32
        %get3A_297 = arith.index_cast %get3A_296 : i32 to index
        %get3A_298 = arith.index_cast %mul3A_295 : i32 to index
        %get3A_299 = tpu.vector_load %arg6[%get3A_297, %get3A_298] {strides = array<i32>} : memref<16x1792xf32, #tpu.memory_space<vmem>>, vector<16xf32>,
        %mul3A_300 = arith.constant 16 : i32
        %mul3A_301 = arith.muli %scan3A_225, %mul3A_300 : i32
        %get3A_302 = arith.constant 12 : i32
        %get3A_303 = arith.index_cast %get3A_302 : i32 to index
        %get3A_304 = arith.index_cast %mul3A_301 : i32 to index
        %get3A_305 = tpu.vector_load %arg6[%get3A_303, %get3A_304] {strides = array<i32>} : memref<16x1792xf32, #tpu.memory_space<vmem>>, vector<16xf32>,
        %mul3A_306 = arith.constant 16 : i32
        %mul3A_307 = arith.muli %scan3A_225, %mul3A_306 : i32
        %get3A_308 = arith.constant 13 : i32
        %get3A_309 = arith.index_cast %get3A_308 : i32 to index
        %get3A_310 = arith.index_cast %mul3A_307 : i32 to index
        %get3A_311 = tpu.vector_load %arg6[%get3A_309, %get3A_310] {strides = array<i32>} : memref<16x1792xf32, #tpu.memory_space<vmem>>, vector<16xf32>,
        %mul3A_312 = arith.constant 16 : i32
        %mul3A_313 = arith.muli %scan3A_225, %mul3A_312 : i32
        %get3A_314 = arith.constant 14 : i32
        %get3A_315 = arith.index_cast %get3A_314 : i32 to index
        %get3A_316 = arith.index_cast %mul3A_313 : i32 to index
        %get3A_317 = tpu.vector_load %arg6[%get3A_315, %get3A_316] {strides = array<i32>} : memref<16x1792xf32, #tpu.memory_space<vmem>>, vector<16xf32>,
        %mul3A_318 = arith.constant 16 : i32
        %mul3A_319 = arith.muli %scan3A_225, %mul3A_318 : i32
        %get3A_320 = arith.constant 15 : i32
        %get3A_321 = arith.index_cast %get3A_320 : i32 to index
        %get3A_322 = arith.index_cast %mul3A_319 : i32 to index
        %get3A_323 = tpu.vector_load %arg6[%get3A_321, %get3A_322] {strides = array<i32>} : memref<16x1792xf32, #tpu.memory_space<vmem>>, vector<16xf32>,
        %scatter3A = tpu.memref_slice %arg8[%mul3A_228] : memref<28672xf32, #tpu.memory_space<vmem>> -> memref<256xf32, #tpu.memory_space<vmem>>
        tpu.vector_store_idx %scatter3A[%add3A_6], %get3A_233 : memref<256xf32, #tpu.memory_space<vmem>>[vector<16xi32>], vector<16xf32>,
        %scatter3A_324 = tpu.memref_slice %arg8[%mul3A_228] : memref<28672xf32, #tpu.memory_space<vmem>> -> memref<256xf32, #tpu.memory_space<vmem>>
        tpu.vector_store_idx %scatter3A_324[%add3A_9], %get3A_239 : memref<256xf32, #tpu.memory_space<vmem>>[vector<16xi32>], vector<16xf32>,
        %scatter3A_325 = tpu.memref_slice %arg8[%mul3A_228] : memref<28672xf32, #tpu.memory_space<vmem>> -> memref<256xf32, #tpu.memory_space<vmem>>
        tpu.vector_store_idx %scatter3A_325[%add3A_12], %get3A_245 : memref<256xf32, #tpu.memory_space<vmem>>[vector<16xi32>], vector<16xf32>,
        %scatter3A_326 = tpu.memref_slice %arg8[%mul3A_228] : memref<28672xf32, #tpu.memory_space<vmem>> -> memref<256xf32, #tpu.memory_space<vmem>>
        tpu.vector_store_idx %scatter3A_326[%add3A_15], %get3A_251 : memref<256xf32, #tpu.memory_space<vmem>>[vector<16xi32>], vector<16xf32>,
        %scatter3A_327 = tpu.memref_slice %arg8[%mul3A_228] : memref<28672xf32, #tpu.memory_space<vmem>> -> memref<256xf32, #tpu.memory_space<vmem>>
        tpu.vector_store_idx %scatter3A_327[%add3A_18], %get3A_257 : memref<256xf32, #tpu.memory_space<vmem>>[vector<16xi32>], vector<16xf32>,
        %scatter3A_328 = tpu.memref_slice %arg8[%mul3A_228] : memref<28672xf32, #tpu.memory_space<vmem>> -> memref<256xf32, #tpu.memory_space<vmem>>
        tpu.vector_store_idx %scatter3A_328[%add3A_21], %get3A_263 : memref<256xf32, #tpu.memory_space<vmem>>[vector<16xi32>], vector<16xf32>,
        %scatter3A_329 = tpu.memref_slice %arg8[%mul3A_228] : memref<28672xf32, #tpu.memory_space<vmem>> -> memref<256xf32, #tpu.memory_space<vmem>>
        tpu.vector_store_idx %scatter3A_329[%add3A_24], %get3A_269 : memref<256xf32, #tpu.memory_space<vmem>>[vector<16xi32>], vector<16xf32>,
        %scatter3A_330 = tpu.memref_slice %arg8[%mul3A_228] : memref<28672xf32, #tpu.memory_space<vmem>> -> memref<256xf32, #tpu.memory_space<vmem>>
        tpu.vector_store_idx %scatter3A_330[%add3A_27], %get3A_275 : memref<256xf32, #tpu.memory_space<vmem>>[vector<16xi32>], vector<16xf32>,
        %scatter3A_331 = tpu.memref_slice %arg8[%mul3A_228] : memref<28672xf32, #tpu.memory_space<vmem>> -> memref<256xf32, #tpu.memory_space<vmem>>
        tpu.vector_store_idx %scatter3A_331[%add3A_30], %get3A_281 : memref<256xf32, #tpu.memory_space<vmem>>[vector<16xi32>], vector<16xf32>,
        %scatter3A_332 = tpu.memref_slice %arg8[%mul3A_228] : memref<28672xf32, #tpu.memory_space<vmem>> -> memref<256xf32, #tpu.memory_space<vmem>>
        tpu.vector_store_idx %scatter3A_332[%add3A_33], %get3A_287 : memref<256xf32, #tpu.memory_space<vmem>>[vector<16xi32>], vector<16xf32>,
        %scatter3A_333 = tpu.memref_slice %arg8[%mul3A_228] : memref<28672xf32, #tpu.memory_space<vmem>> -> memref<256xf32, #tpu.memory_space<vmem>>
        tpu.vector_store_idx %scatter3A_333[%add3A_36], %get3A_293 : memref<256xf32, #tpu.memory_space<vmem>>[vector<16xi32>], vector<16xf32>,
        %scatter3A_334 = tpu.memref_slice %arg8[%mul3A_228] : memref<28672xf32, #tpu.memory_space<vmem>> -> memref<256xf32, #tpu.memory_space<vmem>>
        tpu.vector_store_idx %scatter3A_334[%add3A_39], %get3A_299 : memref<256xf32, #tpu.memory_space<vmem>>[vector<16xi32>], vector<16xf32>,
        %scatter3A_335 = tpu.memref_slice %arg8[%mul3A_228] : memref<28672xf32, #tpu.memory_space<vmem>> -> memref<256xf32, #tpu.memory_space<vmem>>
        tpu.vector_store_idx %scatter3A_335[%add3A_42], %get3A_305 : memref<256xf32, #tpu.memory_space<vmem>>[vector<16xi32>], vector<16xf32>,
        %scatter3A_336 = tpu.memref_slice %arg8[%mul3A_228] : memref<28672xf32, #tpu.memory_space<vmem>> -> memref<256xf32, #tpu.memory_space<vmem>>
        tpu.vector_store_idx %scatter3A_336[%add3A_45], %get3A_311 : memref<256xf32, #tpu.memory_space<vmem>>[vector<16xi32>], vector<16xf32>,
        %scatter3A_337 = tpu.memref_slice %arg8[%mul3A_228] : memref<28672xf32, #tpu.memory_space<vmem>> -> memref<256xf32, #tpu.memory_space<vmem>>
        tpu.vector_store_idx %scatter3A_337[%add3A_48], %get3A_317 : memref<256xf32, #tpu.memory_space<vmem>>[vector<16xi32>], vector<16xf32>,
        %scatter3A_338 = tpu.memref_slice %arg8[%mul3A_228] : memref<28672xf32, #tpu.memory_space<vmem>> -> memref<256xf32, #tpu.memory_space<vmem>>
        tpu.vector_store_idx %scatter3A_338[%add3A_51], %get3A_323 : memref<256xf32, #tpu.memory_space<vmem>>[vector<16xi32>], vector<16xf32>,
        %scan3A_339 = arith.constant 0 : i32
        scf.yield %scan3A_339 : i32
      }
      %scan3A_212 = arith.constant 112 : i32
      %sub3A = arith.constant 32 : i32
      %sub3A_213 = arith.subi %add3A_104, %sub3A : i32
      %mul3A_214 = arith.constant 1792 : i32
      %mul3A_215 = arith.muli %sub3A_213, %mul3A_214 : i32
      %mul3A_216 = arith.constant 16 : i32
      %mul3A_217 = arith.muli %mul3A_215, %mul3A_216 : i32
      %dma_wait3A_218 = tpu.memref_slice %arg4[%mul3A_217] : memref<16000000xf32, #tpu.memory_space<hbm>> -> memref<28672xf32, #tpu.memory_space<hbm>>
      %dma_wait3A_219 = tpu.memref_slice %arg4[%mul3A_217] : memref<16000000xf32, #tpu.memory_space<hbm>> -> memref<28672xf32, #tpu.memory_space<hbm>>
      tpu.wait_dma2 semaphore(%arg11 : memref<!tpu.dma_semaphore, #tpu.memory_space<semaphore_mem>>) src(%arg7 : memref<28672xf32, #tpu.memory_space<vmem>>) dst(%dma_wait3A_219 : memref<28672xf32, #tpu.memory_space<hbm>>)
      %mul3A_220 = arith.constant 1792 : i32
      %mul3A_221 = arith.muli %add3A_104, %mul3A_220 : i32
      %mul3A_222 = arith.constant 16 : i32
      %mul3A_223 = arith.muli %mul3A_221, %mul3A_222 : i32
      %dma_start3A = tpu.memref_slice %arg4[%mul3A_223] : memref<16000000xf32, #tpu.memory_space<hbm>> -> memref<28672xf32, #tpu.memory_space<hbm>>
      %dma_start3A_224 = tpu.memref_slice %arg4[%mul3A_223] : memref<16000000xf32, #tpu.memory_space<hbm>> -> memref<28672xf32, #tpu.memory_space<hbm>>
      tpu.enqueue_dma source(%arg8 : memref<28672xf32, #tpu.memory_space<vmem>>) target(%dma_start3A_224 : memref<28672xf32, #tpu.memory_space<hbm>>) target_semaphore(%arg11 : memref<!tpu.dma_semaphore, #tpu.memory_space<semaphore_mem>>)
    } else {
    }
    %add3A_110 = arith.constant 256 : i32
    %add3A_111 = arith.addi %add3A, %add3A_110 : i32
    %lt3A_112 = arith.constant 558 : i32
    %lt3A_113 = arith.cmpi slt, %add3A_111, %lt3A_112 : i32
    %convert_element_type3A_114 = arith.extui %lt3A_113 : i1 to i32
    %cond3A_115 = arith.constant 0 : i32
    %cond3A_116 = arith.cmpi ne, %convert_element_type3A_114, %cond3A_115 : i32
    scf.if %cond3A_116 {
      %mul3A_195 = arith.constant 1792 : i32
      %mul3A_196 = arith.muli %add3A_111, %mul3A_195 : i32
      %dma_wait3A = arith.constant 0 : i32
      %dma_wait3A_197 = tpu.memref_slice %arg2[%dma_wait3A, %mul3A_196] : memref<16x1000000xf32, #tpu.memory_space<hbm>> -> memref<16x1792xf32, #tpu.memory_space<hbm>>
      %dma_wait3A_198 = arith.constant 0 : i32
      %dma_wait3A_199 = tpu.memref_slice %arg2[%dma_wait3A_198, %mul3A_196] : memref<16x1000000xf32, #tpu.memory_space<hbm>> -> memref<16x1792xf32, #tpu.memory_space<hbm>>
      tpu.wait_dma2 semaphore(%arg9 : memref<!tpu.dma_semaphore, #tpu.memory_space<semaphore_mem>>) src(%dma_wait3A_199 : memref<16x1792xf32, #tpu.memory_space<hbm>>) dst(%arg5 : memref<16x1792xf32, #tpu.memory_space<vmem>>)
      %add3A_200 = arith.constant 32 : i32
      %add3A_201 = arith.addi %add3A_111, %add3A_200 : i32
      %lt3A_202 = arith.constant 558 : i32
      %lt3A_203 = arith.cmpi slt, %add3A_201, %lt3A_202 : i32
      %convert_element_type3A_204 = arith.extui %lt3A_203 : i1 to i32
      %cond3A_205 = arith.constant 0 : i32
      %cond3A_206 = arith.cmpi ne, %convert_element_type3A_204, %cond3A_205 : i32
      scf.if %cond3A_206 {
        %add3A_225 = arith.constant 32 : i32
        %add3A_226 = arith.addi %add3A_111, %add3A_225 : i32
        %mul3A_227 = arith.constant 1792 : i32
        %mul3A_228 = arith.muli %add3A_226, %mul3A_227 : i32
        %dma_start3A_229 = arith.constant 0 : i32
        %dma_start3A_230 = tpu.memref_slice %arg2[%dma_start3A_229, %mul3A_228] : memref<16x1000000xf32, #tpu.memory_space<hbm>> -> memref<16x1792xf32, #tpu.memory_space<hbm>>
        %dma_start3A_231 = arith.constant 0 : i32
        %dma_start3A_232 = tpu.memref_slice %arg2[%dma_start3A_231, %mul3A_228] : memref<16x1000000xf32, #tpu.memory_space<hbm>> -> memref<16x1792xf32, #tpu.memory_space<hbm>>
        tpu.enqueue_dma source(%dma_start3A_232 : memref<16x1792xf32, #tpu.memory_space<hbm>>) target(%arg6 : memref<16x1792xf32, #tpu.memory_space<vmem>>) target_semaphore(%arg10 : memref<!tpu.dma_semaphore, #tpu.memory_space<semaphore_mem>>)
      } else {
      }
      %scan3A = arith.constant 0 : i32
      %scan3A_207 = arith.constant 0 : i32
      %scan3A_208 = arith.constant 112 : i32
      %scan3A_209 = arith.addi %scan3A_207, %scan3A_208 : i32
      %scan3A_210 = arith.constant 1 : i32
      %scan3A_211 = scf.for %scan3A_225 = %scan3A_207 to %scan3A_209 step %scan3A_210 iter_args(%scan3A_226 = %scan3A) -> (i32)  : i32 {
        %mul3A_227 = arith.constant 256 : i32
        %mul3A_228 = arith.muli %scan3A_225, %mul3A_227 : i32
        %mul3A_229 = arith.constant 16 : i32
        %mul3A_230 = arith.muli %scan3A_225, %mul3A_229 : i32
        %get3A = arith.constant 0 : i32
        %get3A_231 = arith.index_cast %get3A : i32 to index
        %get3A_232 = arith.index_cast %mul3A_230 : i32 to index
        %get3A_233 = tpu.vector_load %arg5[%get3A_231, %get3A_232] {strides = array<i32>} : memref<16x1792xf32, #tpu.memory_space<vmem>>, vector<16xf32>,
        %mul3A_234 = arith.constant 16 : i32
        %mul3A_235 = arith.muli %scan3A_225, %mul3A_234 : i32
        %get3A_236 = arith.constant 1 : i32
        %get3A_237 = arith.index_cast %get3A_236 : i32 to index
        %get3A_238 = arith.index_cast %mul3A_235 : i32 to index
        %get3A_239 = tpu.vector_load %arg5[%get3A_237, %get3A_238] {strides = array<i32>} : memref<16x1792xf32, #tpu.memory_space<vmem>>, vector<16xf32>,
        %mul3A_240 = arith.constant 16 : i32
        %mul3A_241 = arith.muli %scan3A_225, %mul3A_240 : i32
        %get3A_242 = arith.constant 2 : i32
        %get3A_243 = arith.index_cast %get3A_242 : i32 to index
        %get3A_244 = arith.index_cast %mul3A_241 : i32 to index
        %get3A_245 = tpu.vector_load %arg5[%get3A_243, %get3A_244] {strides = array<i32>} : memref<16x1792xf32, #tpu.memory_space<vmem>>, vector<16xf32>,
        %mul3A_246 = arith.constant 16 : i32
        %mul3A_247 = arith.muli %scan3A_225, %mul3A_246 : i32
        %get3A_248 = arith.constant 3 : i32
        %get3A_249 = arith.index_cast %get3A_248 : i32 to index
        %get3A_250 = arith.index_cast %mul3A_247 : i32 to index
        %get3A_251 = tpu.vector_load %arg5[%get3A_249, %get3A_250] {strides = array<i32>} : memref<16x1792xf32, #tpu.memory_space<vmem>>, vector<16xf32>,
        %mul3A_252 = arith.constant 16 : i32
        %mul3A_253 = arith.muli %scan3A_225, %mul3A_252 : i32
        %get3A_254 = arith.constant 4 : i32
        %get3A_255 = arith.index_cast %get3A_254 : i32 to index
        %get3A_256 = arith.index_cast %mul3A_253 : i32 to index
        %get3A_257 = tpu.vector_load %arg5[%get3A_255, %get3A_256] {strides = array<i32>} : memref<16x1792xf32, #tpu.memory_space<vmem>>, vector<16xf32>,
        %mul3A_258 = arith.constant 16 : i32
        %mul3A_259 = arith.muli %scan3A_225, %mul3A_258 : i32
        %get3A_260 = arith.constant 5 : i32
        %get3A_261 = arith.index_cast %get3A_260 : i32 to index
        %get3A_262 = arith.index_cast %mul3A_259 : i32 to index
        %get3A_263 = tpu.vector_load %arg5[%get3A_261, %get3A_262] {strides = array<i32>} : memref<16x1792xf32, #tpu.memory_space<vmem>>, vector<16xf32>,
        %mul3A_264 = arith.constant 16 : i32
        %mul3A_265 = arith.muli %scan3A_225, %mul3A_264 : i32
        %get3A_266 = arith.constant 6 : i32
        %get3A_267 = arith.index_cast %get3A_266 : i32 to index
        %get3A_268 = arith.index_cast %mul3A_265 : i32 to index
        %get3A_269 = tpu.vector_load %arg5[%get3A_267, %get3A_268] {strides = array<i32>} : memref<16x1792xf32, #tpu.memory_space<vmem>>, vector<16xf32>,
        %mul3A_270 = arith.constant 16 : i32
        %mul3A_271 = arith.muli %scan3A_225, %mul3A_270 : i32
        %get3A_272 = arith.constant 7 : i32
        %get3A_273 = arith.index_cast %get3A_272 : i32 to index
        %get3A_274 = arith.index_cast %mul3A_271 : i32 to index
        %get3A_275 = tpu.vector_load %arg5[%get3A_273, %get3A_274] {strides = array<i32>} : memref<16x1792xf32, #tpu.memory_space<vmem>>, vector<16xf32>,
        %mul3A_276 = arith.constant 16 : i32
        %mul3A_277 = arith.muli %scan3A_225, %mul3A_276 : i32
        %get3A_278 = arith.constant 8 : i32
        %get3A_279 = arith.index_cast %get3A_278 : i32 to index
        %get3A_280 = arith.index_cast %mul3A_277 : i32 to index
        %get3A_281 = tpu.vector_load %arg5[%get3A_279, %get3A_280] {strides = array<i32>} : memref<16x1792xf32, #tpu.memory_space<vmem>>, vector<16xf32>,
        %mul3A_282 = arith.constant 16 : i32
        %mul3A_283 = arith.muli %scan3A_225, %mul3A_282 : i32
        %get3A_284 = arith.constant 9 : i32
        %get3A_285 = arith.index_cast %get3A_284 : i32 to index
        %get3A_286 = arith.index_cast %mul3A_283 : i32 to index
        %get3A_287 = tpu.vector_load %arg5[%get3A_285, %get3A_286] {strides = array<i32>} : memref<16x1792xf32, #tpu.memory_space<vmem>>, vector<16xf32>,
        %mul3A_288 = arith.constant 16 : i32
        %mul3A_289 = arith.muli %scan3A_225, %mul3A_288 : i32
        %get3A_290 = arith.constant 10 : i32
        %get3A_291 = arith.index_cast %get3A_290 : i32 to index
        %get3A_292 = arith.index_cast %mul3A_289 : i32 to index
        %get3A_293 = tpu.vector_load %arg5[%get3A_291, %get3A_292] {strides = array<i32>} : memref<16x1792xf32, #tpu.memory_space<vmem>>, vector<16xf32>,
        %mul3A_294 = arith.constant 16 : i32
        %mul3A_295 = arith.muli %scan3A_225, %mul3A_294 : i32
        %get3A_296 = arith.constant 11 : i32
        %get3A_297 = arith.index_cast %get3A_296 : i32 to index
        %get3A_298 = arith.index_cast %mul3A_295 : i32 to index
        %get3A_299 = tpu.vector_load %arg5[%get3A_297, %get3A_298] {strides = array<i32>} : memref<16x1792xf32, #tpu.memory_space<vmem>>, vector<16xf32>,
        %mul3A_300 = arith.constant 16 : i32
        %mul3A_301 = arith.muli %scan3A_225, %mul3A_300 : i32
        %get3A_302 = arith.constant 12 : i32
        %get3A_303 = arith.index_cast %get3A_302 : i32 to index
        %get3A_304 = arith.index_cast %mul3A_301 : i32 to index
        %get3A_305 = tpu.vector_load %arg5[%get3A_303, %get3A_304] {strides = array<i32>} : memref<16x1792xf32, #tpu.memory_space<vmem>>, vector<16xf32>,
        %mul3A_306 = arith.constant 16 : i32
        %mul3A_307 = arith.muli %scan3A_225, %mul3A_306 : i32
        %get3A_308 = arith.constant 13 : i32
        %get3A_309 = arith.index_cast %get3A_308 : i32 to index
        %get3A_310 = arith.index_cast %mul3A_307 : i32 to index
        %get3A_311 = tpu.vector_load %arg5[%get3A_309, %get3A_310] {strides = array<i32>} : memref<16x1792xf32, #tpu.memory_space<vmem>>, vector<16xf32>,
        %mul3A_312 = arith.constant 16 : i32
        %mul3A_313 = arith.muli %scan3A_225, %mul3A_312 : i32
        %get3A_314 = arith.constant 14 : i32
        %get3A_315 = arith.index_cast %get3A_314 : i32 to index
        %get3A_316 = arith.index_cast %mul3A_313 : i32 to index
        %get3A_317 = tpu.vector_load %arg5[%get3A_315, %get3A_316] {strides = array<i32>} : memref<16x1792xf32, #tpu.memory_space<vmem>>, vector<16xf32>,
        %mul3A_318 = arith.constant 16 : i32
        %mul3A_319 = arith.muli %scan3A_225, %mul3A_318 : i32
        %get3A_320 = arith.constant 15 : i32
        %get3A_321 = arith.index_cast %get3A_320 : i32 to index
        %get3A_322 = arith.index_cast %mul3A_319 : i32 to index
        %get3A_323 = tpu.vector_load %arg5[%get3A_321, %get3A_322] {strides = array<i32>} : memref<16x1792xf32, #tpu.memory_space<vmem>>, vector<16xf32>,
        %scatter3A = tpu.memref_slice %arg7[%mul3A_228] : memref<28672xf32, #tpu.memory_space<vmem>> -> memref<256xf32, #tpu.memory_space<vmem>>
        tpu.vector_store_idx %scatter3A[%add3A_6], %get3A_233 : memref<256xf32, #tpu.memory_space<vmem>>[vector<16xi32>], vector<16xf32>,
        %scatter3A_324 = tpu.memref_slice %arg7[%mul3A_228] : memref<28672xf32, #tpu.memory_space<vmem>> -> memref<256xf32, #tpu.memory_space<vmem>>
        tpu.vector_store_idx %scatter3A_324[%add3A_9], %get3A_239 : memref<256xf32, #tpu.memory_space<vmem>>[vector<16xi32>], vector<16xf32>,
        %scatter3A_325 = tpu.memref_slice %arg7[%mul3A_228] : memref<28672xf32, #tpu.memory_space<vmem>> -> memref<256xf32, #tpu.memory_space<vmem>>
        tpu.vector_store_idx %scatter3A_325[%add3A_12], %get3A_245 : memref<256xf32, #tpu.memory_space<vmem>>[vector<16xi32>], vector<16xf32>,
        %scatter3A_326 = tpu.memref_slice %arg7[%mul3A_228] : memref<28672xf32, #tpu.memory_space<vmem>> -> memref<256xf32, #tpu.memory_space<vmem>>
        tpu.vector_store_idx %scatter3A_326[%add3A_15], %get3A_251 : memref<256xf32, #tpu.memory_space<vmem>>[vector<16xi32>], vector<16xf32>,
        %scatter3A_327 = tpu.memref_slice %arg7[%mul3A_228] : memref<28672xf32, #tpu.memory_space<vmem>> -> memref<256xf32, #tpu.memory_space<vmem>>
        tpu.vector_store_idx %scatter3A_327[%add3A_18], %get3A_257 : memref<256xf32, #tpu.memory_space<vmem>>[vector<16xi32>], vector<16xf32>,
        %scatter3A_328 = tpu.memref_slice %arg7[%mul3A_228] : memref<28672xf32, #tpu.memory_space<vmem>> -> memref<256xf32, #tpu.memory_space<vmem>>
        tpu.vector_store_idx %scatter3A_328[%add3A_21], %get3A_263 : memref<256xf32, #tpu.memory_space<vmem>>[vector<16xi32>], vector<16xf32>,
        %scatter3A_329 = tpu.memref_slice %arg7[%mul3A_228] : memref<28672xf32, #tpu.memory_space<vmem>> -> memref<256xf32, #tpu.memory_space<vmem>>
        tpu.vector_store_idx %scatter3A_329[%add3A_24], %get3A_269 : memref<256xf32, #tpu.memory_space<vmem>>[vector<16xi32>], vector<16xf32>,
        %scatter3A_330 = tpu.memref_slice %arg7[%mul3A_228] : memref<28672xf32, #tpu.memory_space<vmem>> -> memref<256xf32, #tpu.memory_space<vmem>>
        tpu.vector_store_idx %scatter3A_330[%add3A_27], %get3A_275 : memref<256xf32, #tpu.memory_space<vmem>>[vector<16xi32>], vector<16xf32>,
        %scatter3A_331 = tpu.memref_slice %arg7[%mul3A_228] : memref<28672xf32, #tpu.memory_space<vmem>> -> memref<256xf32, #tpu.memory_space<vmem>>
        tpu.vector_store_idx %scatter3A_331[%add3A_30], %get3A_281 : memref<256xf32, #tpu.memory_space<vmem>>[vector<16xi32>], vector<16xf32>,
        %scatter3A_332 = tpu.memref_slice %arg7[%mul3A_228] : memref<28672xf32, #tpu.memory_space<vmem>> -> memref<256xf32, #tpu.memory_space<vmem>>
        tpu.vector_store_idx %scatter3A_332[%add3A_33], %get3A_287 : memref<256xf32, #tpu.memory_space<vmem>>[vector<16xi32>], vector<16xf32>,
        %scatter3A_333 = tpu.memref_slice %arg7[%mul3A_228] : memref<28672xf32, #tpu.memory_space<vmem>> -> memref<256xf32, #tpu.memory_space<vmem>>
        tpu.vector_store_idx %scatter3A_333[%add3A_36], %get3A_293 : memref<256xf32, #tpu.memory_space<vmem>>[vector<16xi32>], vector<16xf32>,
        %scatter3A_334 = tpu.memref_slice %arg7[%mul3A_228] : memref<28672xf32, #tpu.memory_space<vmem>> -> memref<256xf32, #tpu.memory_space<vmem>>
        tpu.vector_store_idx %scatter3A_334[%add3A_39], %get3A_299 : memref<256xf32, #tpu.memory_space<vmem>>[vector<16xi32>], vector<16xf32>,
        %scatter3A_335 = tpu.memref_slice %arg7[%mul3A_228] : memref<28672xf32, #tpu.memory_space<vmem>> -> memref<256xf32, #tpu.memory_space<vmem>>
        tpu.vector_store_idx %scatter3A_335[%add3A_42], %get3A_305 : memref<256xf32, #tpu.memory_space<vmem>>[vector<16xi32>], vector<16xf32>,
        %scatter3A_336 = tpu.memref_slice %arg7[%mul3A_228] : memref<28672xf32, #tpu.memory_space<vmem>> -> memref<256xf32, #tpu.memory_space<vmem>>
        tpu.vector_store_idx %scatter3A_336[%add3A_45], %get3A_311 : memref<256xf32, #tpu.memory_space<vmem>>[vector<16xi32>], vector<16xf32>,
        %scatter3A_337 = tpu.memref_slice %arg7[%mul3A_228] : memref<28672xf32, #tpu.memory_space<vmem>> -> memref<256xf32, #tpu.memory_space<vmem>>
        tpu.vector_store_idx %scatter3A_337[%add3A_48], %get3A_317 : memref<256xf32, #tpu.memory_space<vmem>>[vector<16xi32>], vector<16xf32>,
        %scatter3A_338 = tpu.memref_slice %arg7[%mul3A_228] : memref<28672xf32, #tpu.memory_space<vmem>> -> memref<256xf32, #tpu.memory_space<vmem>>
        tpu.vector_store_idx %scatter3A_338[%add3A_51], %get3A_323 : memref<256xf32, #tpu.memory_space<vmem>>[vector<16xi32>], vector<16xf32>,
        %scan3A_339 = arith.constant 0 : i32
        scf.yield %scan3A_339 : i32
      }
      %scan3A_212 = arith.constant 112 : i32
      %sub3A = arith.constant 32 : i32
      %sub3A_213 = arith.subi %add3A_111, %sub3A : i32
      %mul3A_214 = arith.constant 1792 : i32
      %mul3A_215 = arith.muli %sub3A_213, %mul3A_214 : i32
      %mul3A_216 = arith.constant 16 : i32
      %mul3A_217 = arith.muli %mul3A_215, %mul3A_216 : i32
      %dma_wait3A_218 = tpu.memref_slice %arg4[%mul3A_217] : memref<16000000xf32, #tpu.memory_space<hbm>> -> memref<28672xf32, #tpu.memory_space<hbm>>
      %dma_wait3A_219 = tpu.memref_slice %arg4[%mul3A_217] : memref<16000000xf32, #tpu.memory_space<hbm>> -> memref<28672xf32, #tpu.memory_space<hbm>>
      tpu.wait_dma2 semaphore(%arg11 : memref<!tpu.dma_semaphore, #tpu.memory_space<semaphore_mem>>) src(%arg8 : memref<28672xf32, #tpu.memory_space<vmem>>) dst(%dma_wait3A_219 : memref<28672xf32, #tpu.memory_space<hbm>>)
      %mul3A_220 = arith.constant 1792 : i32
      %mul3A_221 = arith.muli %add3A_111, %mul3A_220 : i32
      %mul3A_222 = arith.constant 16 : i32
      %mul3A_223 = arith.muli %mul3A_221, %mul3A_222 : i32
      %dma_start3A = tpu.memref_slice %arg4[%mul3A_223] : memref<16000000xf32, #tpu.memory_space<hbm>> -> memref<28672xf32, #tpu.memory_space<hbm>>
      %dma_start3A_224 = tpu.memref_slice %arg4[%mul3A_223] : memref<16000000xf32, #tpu.memory_space<hbm>> -> memref<28672xf32, #tpu.memory_space<hbm>>
      tpu.enqueue_dma source(%arg7 : memref<28672xf32, #tpu.memory_space<vmem>>) target(%dma_start3A_224 : memref<28672xf32, #tpu.memory_space<hbm>>) target_semaphore(%arg11 : memref<!tpu.dma_semaphore, #tpu.memory_space<semaphore_mem>>)
    } else {
    }
    %add3A_117 = arith.constant 288 : i32
    %add3A_118 = arith.addi %add3A, %add3A_117 : i32
    %lt3A_119 = arith.constant 558 : i32
    %lt3A_120 = arith.cmpi slt, %add3A_118, %lt3A_119 : i32
    %convert_element_type3A_121 = arith.extui %lt3A_120 : i1 to i32
    %cond3A_122 = arith.constant 0 : i32
    %cond3A_123 = arith.cmpi ne, %convert_element_type3A_121, %cond3A_122 : i32
    scf.if %cond3A_123 {
      %mul3A_195 = arith.constant 1792 : i32
      %mul3A_196 = arith.muli %add3A_118, %mul3A_195 : i32
      %dma_wait3A = arith.constant 0 : i32
      %dma_wait3A_197 = tpu.memref_slice %arg2[%dma_wait3A, %mul3A_196] : memref<16x1000000xf32, #tpu.memory_space<hbm>> -> memref<16x1792xf32, #tpu.memory_space<hbm>>
      %dma_wait3A_198 = arith.constant 0 : i32
      %dma_wait3A_199 = tpu.memref_slice %arg2[%dma_wait3A_198, %mul3A_196] : memref<16x1000000xf32, #tpu.memory_space<hbm>> -> memref<16x1792xf32, #tpu.memory_space<hbm>>
      tpu.wait_dma2 semaphore(%arg10 : memref<!tpu.dma_semaphore, #tpu.memory_space<semaphore_mem>>) src(%dma_wait3A_199 : memref<16x1792xf32, #tpu.memory_space<hbm>>) dst(%arg6 : memref<16x1792xf32, #tpu.memory_space<vmem>>)
      %add3A_200 = arith.constant 32 : i32
      %add3A_201 = arith.addi %add3A_118, %add3A_200 : i32
      %lt3A_202 = arith.constant 558 : i32
      %lt3A_203 = arith.cmpi slt, %add3A_201, %lt3A_202 : i32
      %convert_element_type3A_204 = arith.extui %lt3A_203 : i1 to i32
      %cond3A_205 = arith.constant 0 : i32
      %cond3A_206 = arith.cmpi ne, %convert_element_type3A_204, %cond3A_205 : i32
      scf.if %cond3A_206 {
        %add3A_225 = arith.constant 32 : i32
        %add3A_226 = arith.addi %add3A_118, %add3A_225 : i32
        %mul3A_227 = arith.constant 1792 : i32
        %mul3A_228 = arith.muli %add3A_226, %mul3A_227 : i32
        %dma_start3A_229 = arith.constant 0 : i32
        %dma_start3A_230 = tpu.memref_slice %arg2[%dma_start3A_229, %mul3A_228] : memref<16x1000000xf32, #tpu.memory_space<hbm>> -> memref<16x1792xf32, #tpu.memory_space<hbm>>
        %dma_start3A_231 = arith.constant 0 : i32
        %dma_start3A_232 = tpu.memref_slice %arg2[%dma_start3A_231, %mul3A_228] : memref<16x1000000xf32, #tpu.memory_space<hbm>> -> memref<16x1792xf32, #tpu.memory_space<hbm>>
        tpu.enqueue_dma source(%dma_start3A_232 : memref<16x1792xf32, #tpu.memory_space<hbm>>) target(%arg5 : memref<16x1792xf32, #tpu.memory_space<vmem>>) target_semaphore(%arg9 : memref<!tpu.dma_semaphore, #tpu.memory_space<semaphore_mem>>)
      } else {
      }
      %scan3A = arith.constant 0 : i32
      %scan3A_207 = arith.constant 0 : i32
      %scan3A_208 = arith.constant 112 : i32
      %scan3A_209 = arith.addi %scan3A_207, %scan3A_208 : i32
      %scan3A_210 = arith.constant 1 : i32
      %scan3A_211 = scf.for %scan3A_225 = %scan3A_207 to %scan3A_209 step %scan3A_210 iter_args(%scan3A_226 = %scan3A) -> (i32)  : i32 {
        %mul3A_227 = arith.constant 256 : i32
        %mul3A_228 = arith.muli %scan3A_225, %mul3A_227 : i32
        %mul3A_229 = arith.constant 16 : i32
        %mul3A_230 = arith.muli %scan3A_225, %mul3A_229 : i32
        %get3A = arith.constant 0 : i32
        %get3A_231 = arith.index_cast %get3A : i32 to index
        %get3A_232 = arith.index_cast %mul3A_230 : i32 to index
        %get3A_233 = tpu.vector_load %arg6[%get3A_231, %get3A_232] {strides = array<i32>} : memref<16x1792xf32, #tpu.memory_space<vmem>>, vector<16xf32>,
        %mul3A_234 = arith.constant 16 : i32
        %mul3A_235 = arith.muli %scan3A_225, %mul3A_234 : i32
        %get3A_236 = arith.constant 1 : i32
        %get3A_237 = arith.index_cast %get3A_236 : i32 to index
        %get3A_238 = arith.index_cast %mul3A_235 : i32 to index
        %get3A_239 = tpu.vector_load %arg6[%get3A_237, %get3A_238] {strides = array<i32>} : memref<16x1792xf32, #tpu.memory_space<vmem>>, vector<16xf32>,
        %mul3A_240 = arith.constant 16 : i32
        %mul3A_241 = arith.muli %scan3A_225, %mul3A_240 : i32
        %get3A_242 = arith.constant 2 : i32
        %get3A_243 = arith.index_cast %get3A_242 : i32 to index
        %get3A_244 = arith.index_cast %mul3A_241 : i32 to index
        %get3A_245 = tpu.vector_load %arg6[%get3A_243, %get3A_244] {strides = array<i32>} : memref<16x1792xf32, #tpu.memory_space<vmem>>, vector<16xf32>,
        %mul3A_246 = arith.constant 16 : i32
        %mul3A_247 = arith.muli %scan3A_225, %mul3A_246 : i32
        %get3A_248 = arith.constant 3 : i32
        %get3A_249 = arith.index_cast %get3A_248 : i32 to index
        %get3A_250 = arith.index_cast %mul3A_247 : i32 to index
        %get3A_251 = tpu.vector_load %arg6[%get3A_249, %get3A_250] {strides = array<i32>} : memref<16x1792xf32, #tpu.memory_space<vmem>>, vector<16xf32>,
        %mul3A_252 = arith.constant 16 : i32
        %mul3A_253 = arith.muli %scan3A_225, %mul3A_252 : i32
        %get3A_254 = arith.constant 4 : i32
        %get3A_255 = arith.index_cast %get3A_254 : i32 to index
        %get3A_256 = arith.index_cast %mul3A_253 : i32 to index
        %get3A_257 = tpu.vector_load %arg6[%get3A_255, %get3A_256] {strides = array<i32>} : memref<16x1792xf32, #tpu.memory_space<vmem>>, vector<16xf32>,
        %mul3A_258 = arith.constant 16 : i32
        %mul3A_259 = arith.muli %scan3A_225, %mul3A_258 : i32
        %get3A_260 = arith.constant 5 : i32
        %get3A_261 = arith.index_cast %get3A_260 : i32 to index
        %get3A_262 = arith.index_cast %mul3A_259 : i32 to index
        %get3A_263 = tpu.vector_load %arg6[%get3A_261, %get3A_262] {strides = array<i32>} : memref<16x1792xf32, #tpu.memory_space<vmem>>, vector<16xf32>,
        %mul3A_264 = arith.constant 16 : i32
        %mul3A_265 = arith.muli %scan3A_225, %mul3A_264 : i32
        %get3A_266 = arith.constant 6 : i32
        %get3A_267 = arith.index_cast %get3A_266 : i32 to index
        %get3A_268 = arith.index_cast %mul3A_265 : i32 to index
        %get3A_269 = tpu.vector_load %arg6[%get3A_267, %get3A_268] {strides = array<i32>} : memref<16x1792xf32, #tpu.memory_space<vmem>>, vector<16xf32>,
        %mul3A_270 = arith.constant 16 : i32
        %mul3A_271 = arith.muli %scan3A_225, %mul3A_270 : i32
        %get3A_272 = arith.constant 7 : i32
        %get3A_273 = arith.index_cast %get3A_272 : i32 to index
        %get3A_274 = arith.index_cast %mul3A_271 : i32 to index
        %get3A_275 = tpu.vector_load %arg6[%get3A_273, %get3A_274] {strides = array<i32>} : memref<16x1792xf32, #tpu.memory_space<vmem>>, vector<16xf32>,
        %mul3A_276 = arith.constant 16 : i32
        %mul3A_277 = arith.muli %scan3A_225, %mul3A_276 : i32
        %get3A_278 = arith.constant 8 : i32
        %get3A_279 = arith.index_cast %get3A_278 : i32 to index
        %get3A_280 = arith.index_cast %mul3A_277 : i32 to index
        %get3A_281 = tpu.vector_load %arg6[%get3A_279, %get3A_280] {strides = array<i32>} : memref<16x1792xf32, #tpu.memory_space<vmem>>, vector<16xf32>,
        %mul3A_282 = arith.constant 16 : i32
        %mul3A_283 = arith.muli %scan3A_225, %mul3A_282 : i32
        %get3A_284 = arith.constant 9 : i32
        %get3A_285 = arith.index_cast %get3A_284 : i32 to index
        %get3A_286 = arith.index_cast %mul3A_283 : i32 to index
        %get3A_287 = tpu.vector_load %arg6[%get3A_285, %get3A_286] {strides = array<i32>} : memref<16x1792xf32, #tpu.memory_space<vmem>>, vector<16xf32>,
        %mul3A_288 = arith.constant 16 : i32
        %mul3A_289 = arith.muli %scan3A_225, %mul3A_288 : i32
        %get3A_290 = arith.constant 10 : i32
        %get3A_291 = arith.index_cast %get3A_290 : i32 to index
        %get3A_292 = arith.index_cast %mul3A_289 : i32 to index
        %get3A_293 = tpu.vector_load %arg6[%get3A_291, %get3A_292] {strides = array<i32>} : memref<16x1792xf32, #tpu.memory_space<vmem>>, vector<16xf32>,
        %mul3A_294 = arith.constant 16 : i32
        %mul3A_295 = arith.muli %scan3A_225, %mul3A_294 : i32
        %get3A_296 = arith.constant 11 : i32
        %get3A_297 = arith.index_cast %get3A_296 : i32 to index
        %get3A_298 = arith.index_cast %mul3A_295 : i32 to index
        %get3A_299 = tpu.vector_load %arg6[%get3A_297, %get3A_298] {strides = array<i32>} : memref<16x1792xf32, #tpu.memory_space<vmem>>, vector<16xf32>,
        %mul3A_300 = arith.constant 16 : i32
        %mul3A_301 = arith.muli %scan3A_225, %mul3A_300 : i32
        %get3A_302 = arith.constant 12 : i32
        %get3A_303 = arith.index_cast %get3A_302 : i32 to index
        %get3A_304 = arith.index_cast %mul3A_301 : i32 to index
        %get3A_305 = tpu.vector_load %arg6[%get3A_303, %get3A_304] {strides = array<i32>} : memref<16x1792xf32, #tpu.memory_space<vmem>>, vector<16xf32>,
        %mul3A_306 = arith.constant 16 : i32
        %mul3A_307 = arith.muli %scan3A_225, %mul3A_306 : i32
        %get3A_308 = arith.constant 13 : i32
        %get3A_309 = arith.index_cast %get3A_308 : i32 to index
        %get3A_310 = arith.index_cast %mul3A_307 : i32 to index
        %get3A_311 = tpu.vector_load %arg6[%get3A_309, %get3A_310] {strides = array<i32>} : memref<16x1792xf32, #tpu.memory_space<vmem>>, vector<16xf32>,
        %mul3A_312 = arith.constant 16 : i32
        %mul3A_313 = arith.muli %scan3A_225, %mul3A_312 : i32
        %get3A_314 = arith.constant 14 : i32
        %get3A_315 = arith.index_cast %get3A_314 : i32 to index
        %get3A_316 = arith.index_cast %mul3A_313 : i32 to index
        %get3A_317 = tpu.vector_load %arg6[%get3A_315, %get3A_316] {strides = array<i32>} : memref<16x1792xf32, #tpu.memory_space<vmem>>, vector<16xf32>,
        %mul3A_318 = arith.constant 16 : i32
        %mul3A_319 = arith.muli %scan3A_225, %mul3A_318 : i32
        %get3A_320 = arith.constant 15 : i32
        %get3A_321 = arith.index_cast %get3A_320 : i32 to index
        %get3A_322 = arith.index_cast %mul3A_319 : i32 to index
        %get3A_323 = tpu.vector_load %arg6[%get3A_321, %get3A_322] {strides = array<i32>} : memref<16x1792xf32, #tpu.memory_space<vmem>>, vector<16xf32>,
        %scatter3A = tpu.memref_slice %arg8[%mul3A_228] : memref<28672xf32, #tpu.memory_space<vmem>> -> memref<256xf32, #tpu.memory_space<vmem>>
        tpu.vector_store_idx %scatter3A[%add3A_6], %get3A_233 : memref<256xf32, #tpu.memory_space<vmem>>[vector<16xi32>], vector<16xf32>,
        %scatter3A_324 = tpu.memref_slice %arg8[%mul3A_228] : memref<28672xf32, #tpu.memory_space<vmem>> -> memref<256xf32, #tpu.memory_space<vmem>>
        tpu.vector_store_idx %scatter3A_324[%add3A_9], %get3A_239 : memref<256xf32, #tpu.memory_space<vmem>>[vector<16xi32>], vector<16xf32>,
        %scatter3A_325 = tpu.memref_slice %arg8[%mul3A_228] : memref<28672xf32, #tpu.memory_space<vmem>> -> memref<256xf32, #tpu.memory_space<vmem>>
        tpu.vector_store_idx %scatter3A_325[%add3A_12], %get3A_245 : memref<256xf32, #tpu.memory_space<vmem>>[vector<16xi32>], vector<16xf32>,
        %scatter3A_326 = tpu.memref_slice %arg8[%mul3A_228] : memref<28672xf32, #tpu.memory_space<vmem>> -> memref<256xf32, #tpu.memory_space<vmem>>
        tpu.vector_store_idx %scatter3A_326[%add3A_15], %get3A_251 : memref<256xf32, #tpu.memory_space<vmem>>[vector<16xi32>], vector<16xf32>,
        %scatter3A_327 = tpu.memref_slice %arg8[%mul3A_228] : memref<28672xf32, #tpu.memory_space<vmem>> -> memref<256xf32, #tpu.memory_space<vmem>>
        tpu.vector_store_idx %scatter3A_327[%add3A_18], %get3A_257 : memref<256xf32, #tpu.memory_space<vmem>>[vector<16xi32>], vector<16xf32>,
        %scatter3A_328 = tpu.memref_slice %arg8[%mul3A_228] : memref<28672xf32, #tpu.memory_space<vmem>> -> memref<256xf32, #tpu.memory_space<vmem>>
        tpu.vector_store_idx %scatter3A_328[%add3A_21], %get3A_263 : memref<256xf32, #tpu.memory_space<vmem>>[vector<16xi32>], vector<16xf32>,
        %scatter3A_329 = tpu.memref_slice %arg8[%mul3A_228] : memref<28672xf32, #tpu.memory_space<vmem>> -> memref<256xf32, #tpu.memory_space<vmem>>
        tpu.vector_store_idx %scatter3A_329[%add3A_24], %get3A_269 : memref<256xf32, #tpu.memory_space<vmem>>[vector<16xi32>], vector<16xf32>,
        %scatter3A_330 = tpu.memref_slice %arg8[%mul3A_228] : memref<28672xf32, #tpu.memory_space<vmem>> -> memref<256xf32, #tpu.memory_space<vmem>>
        tpu.vector_store_idx %scatter3A_330[%add3A_27], %get3A_275 : memref<256xf32, #tpu.memory_space<vmem>>[vector<16xi32>], vector<16xf32>,
        %scatter3A_331 = tpu.memref_slice %arg8[%mul3A_228] : memref<28672xf32, #tpu.memory_space<vmem>> -> memref<256xf32, #tpu.memory_space<vmem>>
        tpu.vector_store_idx %scatter3A_331[%add3A_30], %get3A_281 : memref<256xf32, #tpu.memory_space<vmem>>[vector<16xi32>], vector<16xf32>,
        %scatter3A_332 = tpu.memref_slice %arg8[%mul3A_228] : memref<28672xf32, #tpu.memory_space<vmem>> -> memref<256xf32, #tpu.memory_space<vmem>>
        tpu.vector_store_idx %scatter3A_332[%add3A_33], %get3A_287 : memref<256xf32, #tpu.memory_space<vmem>>[vector<16xi32>], vector<16xf32>,
        %scatter3A_333 = tpu.memref_slice %arg8[%mul3A_228] : memref<28672xf32, #tpu.memory_space<vmem>> -> memref<256xf32, #tpu.memory_space<vmem>>
        tpu.vector_store_idx %scatter3A_333[%add3A_36], %get3A_293 : memref<256xf32, #tpu.memory_space<vmem>>[vector<16xi32>], vector<16xf32>,
        %scatter3A_334 = tpu.memref_slice %arg8[%mul3A_228] : memref<28672xf32, #tpu.memory_space<vmem>> -> memref<256xf32, #tpu.memory_space<vmem>>
        tpu.vector_store_idx %scatter3A_334[%add3A_39], %get3A_299 : memref<256xf32, #tpu.memory_space<vmem>>[vector<16xi32>], vector<16xf32>,
        %scatter3A_335 = tpu.memref_slice %arg8[%mul3A_228] : memref<28672xf32, #tpu.memory_space<vmem>> -> memref<256xf32, #tpu.memory_space<vmem>>
        tpu.vector_store_idx %scatter3A_335[%add3A_42], %get3A_305 : memref<256xf32, #tpu.memory_space<vmem>>[vector<16xi32>], vector<16xf32>,
        %scatter3A_336 = tpu.memref_slice %arg8[%mul3A_228] : memref<28672xf32, #tpu.memory_space<vmem>> -> memref<256xf32, #tpu.memory_space<vmem>>
        tpu.vector_store_idx %scatter3A_336[%add3A_45], %get3A_311 : memref<256xf32, #tpu.memory_space<vmem>>[vector<16xi32>], vector<16xf32>,
        %scatter3A_337 = tpu.memref_slice %arg8[%mul3A_228] : memref<28672xf32, #tpu.memory_space<vmem>> -> memref<256xf32, #tpu.memory_space<vmem>>
        tpu.vector_store_idx %scatter3A_337[%add3A_48], %get3A_317 : memref<256xf32, #tpu.memory_space<vmem>>[vector<16xi32>], vector<16xf32>,
        %scatter3A_338 = tpu.memref_slice %arg8[%mul3A_228] : memref<28672xf32, #tpu.memory_space<vmem>> -> memref<256xf32, #tpu.memory_space<vmem>>
        tpu.vector_store_idx %scatter3A_338[%add3A_51], %get3A_323 : memref<256xf32, #tpu.memory_space<vmem>>[vector<16xi32>], vector<16xf32>,
        %scan3A_339 = arith.constant 0 : i32
        scf.yield %scan3A_339 : i32
      }
      %scan3A_212 = arith.constant 112 : i32
      %sub3A = arith.constant 32 : i32
      %sub3A_213 = arith.subi %add3A_118, %sub3A : i32
      %mul3A_214 = arith.constant 1792 : i32
      %mul3A_215 = arith.muli %sub3A_213, %mul3A_214 : i32
      %mul3A_216 = arith.constant 16 : i32
      %mul3A_217 = arith.muli %mul3A_215, %mul3A_216 : i32
      %dma_wait3A_218 = tpu.memref_slice %arg4[%mul3A_217] : memref<16000000xf32, #tpu.memory_space<hbm>> -> memref<28672xf32, #tpu.memory_space<hbm>>
      %dma_wait3A_219 = tpu.memref_slice %arg4[%mul3A_217] : memref<16000000xf32, #tpu.memory_space<hbm>> -> memref<28672xf32, #tpu.memory_space<hbm>>
      tpu.wait_dma2 semaphore(%arg11 : memref<!tpu.dma_semaphore, #tpu.memory_space<semaphore_mem>>) src(%arg7 : memref<28672xf32, #tpu.memory_space<vmem>>) dst(%dma_wait3A_219 : memref<28672xf32, #tpu.memory_space<hbm>>)
      %mul3A_220 = arith.constant 1792 : i32
      %mul3A_221 = arith.muli %add3A_118, %mul3A_220 : i32
      %mul3A_222 = arith.constant 16 : i32
      %mul3A_223 = arith.muli %mul3A_221, %mul3A_222 : i32
      %dma_start3A = tpu.memref_slice %arg4[%mul3A_223] : memref<16000000xf32, #tpu.memory_space<hbm>> -> memref<28672xf32, #tpu.memory_space<hbm>>
      %dma_start3A_224 = tpu.memref_slice %arg4[%mul3A_223] : memref<16000000xf32, #tpu.memory_space<hbm>> -> memref<28672xf32, #tpu.memory_space<hbm>>
      tpu.enqueue_dma source(%arg8 : memref<28672xf32, #tpu.memory_space<vmem>>) target(%dma_start3A_224 : memref<28672xf32, #tpu.memory_space<hbm>>) target_semaphore(%arg11 : memref<!tpu.dma_semaphore, #tpu.memory_space<semaphore_mem>>)
    } else {
    }
    %add3A_124 = arith.constant 320 : i32
    %add3A_125 = arith.addi %add3A, %add3A_124 : i32
    %lt3A_126 = arith.constant 558 : i32
    %lt3A_127 = arith.cmpi slt, %add3A_125, %lt3A_126 : i32
    %convert_element_type3A_128 = arith.extui %lt3A_127 : i1 to i32
    %cond3A_129 = arith.constant 0 : i32
    %cond3A_130 = arith.cmpi ne, %convert_element_type3A_128, %cond3A_129 : i32
    scf.if %cond3A_130 {
      %mul3A_195 = arith.constant 1792 : i32
      %mul3A_196 = arith.muli %add3A_125, %mul3A_195 : i32
      %dma_wait3A = arith.constant 0 : i32
      %dma_wait3A_197 = tpu.memref_slice %arg2[%dma_wait3A, %mul3A_196] : memref<16x1000000xf32, #tpu.memory_space<hbm>> -> memref<16x1792xf32, #tpu.memory_space<hbm>>
      %dma_wait3A_198 = arith.constant 0 : i32
      %dma_wait3A_199 = tpu.memref_slice %arg2[%dma_wait3A_198, %mul3A_196] : memref<16x1000000xf32, #tpu.memory_space<hbm>> -> memref<16x1792xf32, #tpu.memory_space<hbm>>
      tpu.wait_dma2 semaphore(%arg9 : memref<!tpu.dma_semaphore, #tpu.memory_space<semaphore_mem>>) src(%dma_wait3A_199 : memref<16x1792xf32, #tpu.memory_space<hbm>>) dst(%arg5 : memref<16x1792xf32, #tpu.memory_space<vmem>>)
      %add3A_200 = arith.constant 32 : i32
      %add3A_201 = arith.addi %add3A_125, %add3A_200 : i32
      %lt3A_202 = arith.constant 558 : i32
      %lt3A_203 = arith.cmpi slt, %add3A_201, %lt3A_202 : i32
      %convert_element_type3A_204 = arith.extui %lt3A_203 : i1 to i32
      %cond3A_205 = arith.constant 0 : i32
      %cond3A_206 = arith.cmpi ne, %convert_element_type3A_204, %cond3A_205 : i32
      scf.if %cond3A_206 {
        %add3A_225 = arith.constant 32 : i32
        %add3A_226 = arith.addi %add3A_125, %add3A_225 : i32
        %mul3A_227 = arith.constant 1792 : i32
        %mul3A_228 = arith.muli %add3A_226, %mul3A_227 : i32
        %dma_start3A_229 = arith.constant 0 : i32
        %dma_start3A_230 = tpu.memref_slice %arg2[%dma_start3A_229, %mul3A_228] : memref<16x1000000xf32, #tpu.memory_space<hbm>> -> memref<16x1792xf32, #tpu.memory_space<hbm>>
        %dma_start3A_231 = arith.constant 0 : i32
        %dma_start3A_232 = tpu.memref_slice %arg2[%dma_start3A_231, %mul3A_228] : memref<16x1000000xf32, #tpu.memory_space<hbm>> -> memref<16x1792xf32, #tpu.memory_space<hbm>>
        tpu.enqueue_dma source(%dma_start3A_232 : memref<16x1792xf32, #tpu.memory_space<hbm>>) target(%arg6 : memref<16x1792xf32, #tpu.memory_space<vmem>>) target_semaphore(%arg10 : memref<!tpu.dma_semaphore, #tpu.memory_space<semaphore_mem>>)
      } else {
      }
      %scan3A = arith.constant 0 : i32
      %scan3A_207 = arith.constant 0 : i32
      %scan3A_208 = arith.constant 112 : i32
      %scan3A_209 = arith.addi %scan3A_207, %scan3A_208 : i32
      %scan3A_210 = arith.constant 1 : i32
      %scan3A_211 = scf.for %scan3A_225 = %scan3A_207 to %scan3A_209 step %scan3A_210 iter_args(%scan3A_226 = %scan3A) -> (i32)  : i32 {
        %mul3A_227 = arith.constant 256 : i32
        %mul3A_228 = arith.muli %scan3A_225, %mul3A_227 : i32
        %mul3A_229 = arith.constant 16 : i32
        %mul3A_230 = arith.muli %scan3A_225, %mul3A_229 : i32
        %get3A = arith.constant 0 : i32
        %get3A_231 = arith.index_cast %get3A : i32 to index
        %get3A_232 = arith.index_cast %mul3A_230 : i32 to index
        %get3A_233 = tpu.vector_load %arg5[%get3A_231, %get3A_232] {strides = array<i32>} : memref<16x1792xf32, #tpu.memory_space<vmem>>, vector<16xf32>,
        %mul3A_234 = arith.constant 16 : i32
        %mul3A_235 = arith.muli %scan3A_225, %mul3A_234 : i32
        %get3A_236 = arith.constant 1 : i32
        %get3A_237 = arith.index_cast %get3A_236 : i32 to index
        %get3A_238 = arith.index_cast %mul3A_235 : i32 to index
        %get3A_239 = tpu.vector_load %arg5[%get3A_237, %get3A_238] {strides = array<i32>} : memref<16x1792xf32, #tpu.memory_space<vmem>>, vector<16xf32>,
        %mul3A_240 = arith.constant 16 : i32
        %mul3A_241 = arith.muli %scan3A_225, %mul3A_240 : i32
        %get3A_242 = arith.constant 2 : i32
        %get3A_243 = arith.index_cast %get3A_242 : i32 to index
        %get3A_244 = arith.index_cast %mul3A_241 : i32 to index
        %get3A_245 = tpu.vector_load %arg5[%get3A_243, %get3A_244] {strides = array<i32>} : memref<16x1792xf32, #tpu.memory_space<vmem>>, vector<16xf32>,
        %mul3A_246 = arith.constant 16 : i32
        %mul3A_247 = arith.muli %scan3A_225, %mul3A_246 : i32
        %get3A_248 = arith.constant 3 : i32
        %get3A_249 = arith.index_cast %get3A_248 : i32 to index
        %get3A_250 = arith.index_cast %mul3A_247 : i32 to index
        %get3A_251 = tpu.vector_load %arg5[%get3A_249, %get3A_250] {strides = array<i32>} : memref<16x1792xf32, #tpu.memory_space<vmem>>, vector<16xf32>,
        %mul3A_252 = arith.constant 16 : i32
        %mul3A_253 = arith.muli %scan3A_225, %mul3A_252 : i32
        %get3A_254 = arith.constant 4 : i32
        %get3A_255 = arith.index_cast %get3A_254 : i32 to index
        %get3A_256 = arith.index_cast %mul3A_253 : i32 to index
        %get3A_257 = tpu.vector_load %arg5[%get3A_255, %get3A_256] {strides = array<i32>} : memref<16x1792xf32, #tpu.memory_space<vmem>>, vector<16xf32>,
        %mul3A_258 = arith.constant 16 : i32
        %mul3A_259 = arith.muli %scan3A_225, %mul3A_258 : i32
        %get3A_260 = arith.constant 5 : i32
        %get3A_261 = arith.index_cast %get3A_260 : i32 to index
        %get3A_262 = arith.index_cast %mul3A_259 : i32 to index
        %get3A_263 = tpu.vector_load %arg5[%get3A_261, %get3A_262] {strides = array<i32>} : memref<16x1792xf32, #tpu.memory_space<vmem>>, vector<16xf32>,
        %mul3A_264 = arith.constant 16 : i32
        %mul3A_265 = arith.muli %scan3A_225, %mul3A_264 : i32
        %get3A_266 = arith.constant 6 : i32
        %get3A_267 = arith.index_cast %get3A_266 : i32 to index
        %get3A_268 = arith.index_cast %mul3A_265 : i32 to index
        %get3A_269 = tpu.vector_load %arg5[%get3A_267, %get3A_268] {strides = array<i32>} : memref<16x1792xf32, #tpu.memory_space<vmem>>, vector<16xf32>,
        %mul3A_270 = arith.constant 16 : i32
        %mul3A_271 = arith.muli %scan3A_225, %mul3A_270 : i32
        %get3A_272 = arith.constant 7 : i32
        %get3A_273 = arith.index_cast %get3A_272 : i32 to index
        %get3A_274 = arith.index_cast %mul3A_271 : i32 to index
        %get3A_275 = tpu.vector_load %arg5[%get3A_273, %get3A_274] {strides = array<i32>} : memref<16x1792xf32, #tpu.memory_space<vmem>>, vector<16xf32>,
        %mul3A_276 = arith.constant 16 : i32
        %mul3A_277 = arith.muli %scan3A_225, %mul3A_276 : i32
        %get3A_278 = arith.constant 8 : i32
        %get3A_279 = arith.index_cast %get3A_278 : i32 to index
        %get3A_280 = arith.index_cast %mul3A_277 : i32 to index
        %get3A_281 = tpu.vector_load %arg5[%get3A_279, %get3A_280] {strides = array<i32>} : memref<16x1792xf32, #tpu.memory_space<vmem>>, vector<16xf32>,
        %mul3A_282 = arith.constant 16 : i32
        %mul3A_283 = arith.muli %scan3A_225, %mul3A_282 : i32
        %get3A_284 = arith.constant 9 : i32
        %get3A_285 = arith.index_cast %get3A_284 : i32 to index
        %get3A_286 = arith.index_cast %mul3A_283 : i32 to index
        %get3A_287 = tpu.vector_load %arg5[%get3A_285, %get3A_286] {strides = array<i32>} : memref<16x1792xf32, #tpu.memory_space<vmem>>, vector<16xf32>,
        %mul3A_288 = arith.constant 16 : i32
        %mul3A_289 = arith.muli %scan3A_225, %mul3A_288 : i32
        %get3A_290 = arith.constant 10 : i32
        %get3A_291 = arith.index_cast %get3A_290 : i32 to index
        %get3A_292 = arith.index_cast %mul3A_289 : i32 to index
        %get3A_293 = tpu.vector_load %arg5[%get3A_291, %get3A_292] {strides = array<i32>} : memref<16x1792xf32, #tpu.memory_space<vmem>>, vector<16xf32>,
        %mul3A_294 = arith.constant 16 : i32
        %mul3A_295 = arith.muli %scan3A_225, %mul3A_294 : i32
        %get3A_296 = arith.constant 11 : i32
        %get3A_297 = arith.index_cast %get3A_296 : i32 to index
        %get3A_298 = arith.index_cast %mul3A_295 : i32 to index
        %get3A_299 = tpu.vector_load %arg5[%get3A_297, %get3A_298] {strides = array<i32>} : memref<16x1792xf32, #tpu.memory_space<vmem>>, vector<16xf32>,
        %mul3A_300 = arith.constant 16 : i32
        %mul3A_301 = arith.muli %scan3A_225, %mul3A_300 : i32
        %get3A_302 = arith.constant 12 : i32
        %get3A_303 = arith.index_cast %get3A_302 : i32 to index
        %get3A_304 = arith.index_cast %mul3A_301 : i32 to index
        %get3A_305 = tpu.vector_load %arg5[%get3A_303, %get3A_304] {strides = array<i32>} : memref<16x1792xf32, #tpu.memory_space<vmem>>, vector<16xf32>,
        %mul3A_306 = arith.constant 16 : i32
        %mul3A_307 = arith.muli %scan3A_225, %mul3A_306 : i32
        %get3A_308 = arith.constant 13 : i32
        %get3A_309 = arith.index_cast %get3A_308 : i32 to index
        %get3A_310 = arith.index_cast %mul3A_307 : i32 to index
        %get3A_311 = tpu.vector_load %arg5[%get3A_309, %get3A_310] {strides = array<i32>} : memref<16x1792xf32, #tpu.memory_space<vmem>>, vector<16xf32>,
        %mul3A_312 = arith.constant 16 : i32
        %mul3A_313 = arith.muli %scan3A_225, %mul3A_312 : i32
        %get3A_314 = arith.constant 14 : i32
        %get3A_315 = arith.index_cast %get3A_314 : i32 to index
        %get3A_316 = arith.index_cast %mul3A_313 : i32 to index
        %get3A_317 = tpu.vector_load %arg5[%get3A_315, %get3A_316] {strides = array<i32>} : memref<16x1792xf32, #tpu.memory_space<vmem>>, vector<16xf32>,
        %mul3A_318 = arith.constant 16 : i32
        %mul3A_319 = arith.muli %scan3A_225, %mul3A_318 : i32
        %get3A_320 = arith.constant 15 : i32
        %get3A_321 = arith.index_cast %get3A_320 : i32 to index
        %get3A_322 = arith.index_cast %mul3A_319 : i32 to index
        %get3A_323 = tpu.vector_load %arg5[%get3A_321, %get3A_322] {strides = array<i32>} : memref<16x1792xf32, #tpu.memory_space<vmem>>, vector<16xf32>,
        %scatter3A = tpu.memref_slice %arg7[%mul3A_228] : memref<28672xf32, #tpu.memory_space<vmem>> -> memref<256xf32, #tpu.memory_space<vmem>>
        tpu.vector_store_idx %scatter3A[%add3A_6], %get3A_233 : memref<256xf32, #tpu.memory_space<vmem>>[vector<16xi32>], vector<16xf32>,
        %scatter3A_324 = tpu.memref_slice %arg7[%mul3A_228] : memref<28672xf32, #tpu.memory_space<vmem>> -> memref<256xf32, #tpu.memory_space<vmem>>
        tpu.vector_store_idx %scatter3A_324[%add3A_9], %get3A_239 : memref<256xf32, #tpu.memory_space<vmem>>[vector<16xi32>], vector<16xf32>,
        %scatter3A_325 = tpu.memref_slice %arg7[%mul3A_228] : memref<28672xf32, #tpu.memory_space<vmem>> -> memref<256xf32, #tpu.memory_space<vmem>>
        tpu.vector_store_idx %scatter3A_325[%add3A_12], %get3A_245 : memref<256xf32, #tpu.memory_space<vmem>>[vector<16xi32>], vector<16xf32>,
        %scatter3A_326 = tpu.memref_slice %arg7[%mul3A_228] : memref<28672xf32, #tpu.memory_space<vmem>> -> memref<256xf32, #tpu.memory_space<vmem>>
        tpu.vector_store_idx %scatter3A_326[%add3A_15], %get3A_251 : memref<256xf32, #tpu.memory_space<vmem>>[vector<16xi32>], vector<16xf32>,
        %scatter3A_327 = tpu.memref_slice %arg7[%mul3A_228] : memref<28672xf32, #tpu.memory_space<vmem>> -> memref<256xf32, #tpu.memory_space<vmem>>
        tpu.vector_store_idx %scatter3A_327[%add3A_18], %get3A_257 : memref<256xf32, #tpu.memory_space<vmem>>[vector<16xi32>], vector<16xf32>,
        %scatter3A_328 = tpu.memref_slice %arg7[%mul3A_228] : memref<28672xf32, #tpu.memory_space<vmem>> -> memref<256xf32, #tpu.memory_space<vmem>>
        tpu.vector_store_idx %scatter3A_328[%add3A_21], %get3A_263 : memref<256xf32, #tpu.memory_space<vmem>>[vector<16xi32>], vector<16xf32>,
        %scatter3A_329 = tpu.memref_slice %arg7[%mul3A_228] : memref<28672xf32, #tpu.memory_space<vmem>> -> memref<256xf32, #tpu.memory_space<vmem>>
        tpu.vector_store_idx %scatter3A_329[%add3A_24], %get3A_269 : memref<256xf32, #tpu.memory_space<vmem>>[vector<16xi32>], vector<16xf32>,
        %scatter3A_330 = tpu.memref_slice %arg7[%mul3A_228] : memref<28672xf32, #tpu.memory_space<vmem>> -> memref<256xf32, #tpu.memory_space<vmem>>
        tpu.vector_store_idx %scatter3A_330[%add3A_27], %get3A_275 : memref<256xf32, #tpu.memory_space<vmem>>[vector<16xi32>], vector<16xf32>,
        %scatter3A_331 = tpu.memref_slice %arg7[%mul3A_228] : memref<28672xf32, #tpu.memory_space<vmem>> -> memref<256xf32, #tpu.memory_space<vmem>>
        tpu.vector_store_idx %scatter3A_331[%add3A_30], %get3A_281 : memref<256xf32, #tpu.memory_space<vmem>>[vector<16xi32>], vector<16xf32>,
        %scatter3A_332 = tpu.memref_slice %arg7[%mul3A_228] : memref<28672xf32, #tpu.memory_space<vmem>> -> memref<256xf32, #tpu.memory_space<vmem>>
        tpu.vector_store_idx %scatter3A_332[%add3A_33], %get3A_287 : memref<256xf32, #tpu.memory_space<vmem>>[vector<16xi32>], vector<16xf32>,
        %scatter3A_333 = tpu.memref_slice %arg7[%mul3A_228] : memref<28672xf32, #tpu.memory_space<vmem>> -> memref<256xf32, #tpu.memory_space<vmem>>
        tpu.vector_store_idx %scatter3A_333[%add3A_36], %get3A_293 : memref<256xf32, #tpu.memory_space<vmem>>[vector<16xi32>], vector<16xf32>,
        %scatter3A_334 = tpu.memref_slice %arg7[%mul3A_228] : memref<28672xf32, #tpu.memory_space<vmem>> -> memref<256xf32, #tpu.memory_space<vmem>>
        tpu.vector_store_idx %scatter3A_334[%add3A_39], %get3A_299 : memref<256xf32, #tpu.memory_space<vmem>>[vector<16xi32>], vector<16xf32>,
        %scatter3A_335 = tpu.memref_slice %arg7[%mul3A_228] : memref<28672xf32, #tpu.memory_space<vmem>> -> memref<256xf32, #tpu.memory_space<vmem>>
        tpu.vector_store_idx %scatter3A_335[%add3A_42], %get3A_305 : memref<256xf32, #tpu.memory_space<vmem>>[vector<16xi32>], vector<16xf32>,
        %scatter3A_336 = tpu.memref_slice %arg7[%mul3A_228] : memref<28672xf32, #tpu.memory_space<vmem>> -> memref<256xf32, #tpu.memory_space<vmem>>
        tpu.vector_store_idx %scatter3A_336[%add3A_45], %get3A_311 : memref<256xf32, #tpu.memory_space<vmem>>[vector<16xi32>], vector<16xf32>,
        %scatter3A_337 = tpu.memref_slice %arg7[%mul3A_228] : memref<28672xf32, #tpu.memory_space<vmem>> -> memref<256xf32, #tpu.memory_space<vmem>>
        tpu.vector_store_idx %scatter3A_337[%add3A_48], %get3A_317 : memref<256xf32, #tpu.memory_space<vmem>>[vector<16xi32>], vector<16xf32>,
        %scatter3A_338 = tpu.memref_slice %arg7[%mul3A_228] : memref<28672xf32, #tpu.memory_space<vmem>> -> memref<256xf32, #tpu.memory_space<vmem>>
        tpu.vector_store_idx %scatter3A_338[%add3A_51], %get3A_323 : memref<256xf32, #tpu.memory_space<vmem>>[vector<16xi32>], vector<16xf32>,
        %scan3A_339 = arith.constant 0 : i32
        scf.yield %scan3A_339 : i32
      }
      %scan3A_212 = arith.constant 112 : i32
      %sub3A = arith.constant 32 : i32
      %sub3A_213 = arith.subi %add3A_125, %sub3A : i32
      %mul3A_214 = arith.constant 1792 : i32
      %mul3A_215 = arith.muli %sub3A_213, %mul3A_214 : i32
      %mul3A_216 = arith.constant 16 : i32
      %mul3A_217 = arith.muli %mul3A_215, %mul3A_216 : i32
      %dma_wait3A_218 = tpu.memref_slice %arg4[%mul3A_217] : memref<16000000xf32, #tpu.memory_space<hbm>> -> memref<28672xf32, #tpu.memory_space<hbm>>
      %dma_wait3A_219 = tpu.memref_slice %arg4[%mul3A_217] : memref<16000000xf32, #tpu.memory_space<hbm>> -> memref<28672xf32, #tpu.memory_space<hbm>>
      tpu.wait_dma2 semaphore(%arg11 : memref<!tpu.dma_semaphore, #tpu.memory_space<semaphore_mem>>) src(%arg8 : memref<28672xf32, #tpu.memory_space<vmem>>) dst(%dma_wait3A_219 : memref<28672xf32, #tpu.memory_space<hbm>>)
      %mul3A_220 = arith.constant 1792 : i32
      %mul3A_221 = arith.muli %add3A_125, %mul3A_220 : i32
      %mul3A_222 = arith.constant 16 : i32
      %mul3A_223 = arith.muli %mul3A_221, %mul3A_222 : i32
      %dma_start3A = tpu.memref_slice %arg4[%mul3A_223] : memref<16000000xf32, #tpu.memory_space<hbm>> -> memref<28672xf32, #tpu.memory_space<hbm>>
      %dma_start3A_224 = tpu.memref_slice %arg4[%mul3A_223] : memref<16000000xf32, #tpu.memory_space<hbm>> -> memref<28672xf32, #tpu.memory_space<hbm>>
      tpu.enqueue_dma source(%arg7 : memref<28672xf32, #tpu.memory_space<vmem>>) target(%dma_start3A_224 : memref<28672xf32, #tpu.memory_space<hbm>>) target_semaphore(%arg11 : memref<!tpu.dma_semaphore, #tpu.memory_space<semaphore_mem>>)
    } else {
    }
    %add3A_131 = arith.constant 352 : i32
    %add3A_132 = arith.addi %add3A, %add3A_131 : i32
    %lt3A_133 = arith.constant 558 : i32
    %lt3A_134 = arith.cmpi slt, %add3A_132, %lt3A_133 : i32
    %convert_element_type3A_135 = arith.extui %lt3A_134 : i1 to i32
    %cond3A_136 = arith.constant 0 : i32
    %cond3A_137 = arith.cmpi ne, %convert_element_type3A_135, %cond3A_136 : i32
    scf.if %cond3A_137 {
      %mul3A_195 = arith.constant 1792 : i32
      %mul3A_196 = arith.muli %add3A_132, %mul3A_195 : i32
      %dma_wait3A = arith.constant 0 : i32
      %dma_wait3A_197 = tpu.memref_slice %arg2[%dma_wait3A, %mul3A_196] : memref<16x1000000xf32, #tpu.memory_space<hbm>> -> memref<16x1792xf32, #tpu.memory_space<hbm>>
      %dma_wait3A_198 = arith.constant 0 : i32
      %dma_wait3A_199 = tpu.memref_slice %arg2[%dma_wait3A_198, %mul3A_196] : memref<16x1000000xf32, #tpu.memory_space<hbm>> -> memref<16x1792xf32, #tpu.memory_space<hbm>>
      tpu.wait_dma2 semaphore(%arg10 : memref<!tpu.dma_semaphore, #tpu.memory_space<semaphore_mem>>) src(%dma_wait3A_199 : memref<16x1792xf32, #tpu.memory_space<hbm>>) dst(%arg6 : memref<16x1792xf32, #tpu.memory_space<vmem>>)
      %add3A_200 = arith.constant 32 : i32
      %add3A_201 = arith.addi %add3A_132, %add3A_200 : i32
      %lt3A_202 = arith.constant 558 : i32
      %lt3A_203 = arith.cmpi slt, %add3A_201, %lt3A_202 : i32
      %convert_element_type3A_204 = arith.extui %lt3A_203 : i1 to i32
      %cond3A_205 = arith.constant 0 : i32
      %cond3A_206 = arith.cmpi ne, %convert_element_type3A_204, %cond3A_205 : i32
      scf.if %cond3A_206 {
        %add3A_225 = arith.constant 32 : i32
        %add3A_226 = arith.addi %add3A_132, %add3A_225 : i32
        %mul3A_227 = arith.constant 1792 : i32
        %mul3A_228 = arith.muli %add3A_226, %mul3A_227 : i32
        %dma_start3A_229 = arith.constant 0 : i32
        %dma_start3A_230 = tpu.memref_slice %arg2[%dma_start3A_229, %mul3A_228] : memref<16x1000000xf32, #tpu.memory_space<hbm>> -> memref<16x1792xf32, #tpu.memory_space<hbm>>
        %dma_start3A_231 = arith.constant 0 : i32
        %dma_start3A_232 = tpu.memref_slice %arg2[%dma_start3A_231, %mul3A_228] : memref<16x1000000xf32, #tpu.memory_space<hbm>> -> memref<16x1792xf32, #tpu.memory_space<hbm>>
        tpu.enqueue_dma source(%dma_start3A_232 : memref<16x1792xf32, #tpu.memory_space<hbm>>) target(%arg5 : memref<16x1792xf32, #tpu.memory_space<vmem>>) target_semaphore(%arg9 : memref<!tpu.dma_semaphore, #tpu.memory_space<semaphore_mem>>)
      } else {
      }
      %scan3A = arith.constant 0 : i32
      %scan3A_207 = arith.constant 0 : i32
      %scan3A_208 = arith.constant 112 : i32
      %scan3A_209 = arith.addi %scan3A_207, %scan3A_208 : i32
      %scan3A_210 = arith.constant 1 : i32
      %scan3A_211 = scf.for %scan3A_225 = %scan3A_207 to %scan3A_209 step %scan3A_210 iter_args(%scan3A_226 = %scan3A) -> (i32)  : i32 {
        %mul3A_227 = arith.constant 256 : i32
        %mul3A_228 = arith.muli %scan3A_225, %mul3A_227 : i32
        %mul3A_229 = arith.constant 16 : i32
        %mul3A_230 = arith.muli %scan3A_225, %mul3A_229 : i32
        %get3A = arith.constant 0 : i32
        %get3A_231 = arith.index_cast %get3A : i32 to index
        %get3A_232 = arith.index_cast %mul3A_230 : i32 to index
        %get3A_233 = tpu.vector_load %arg6[%get3A_231, %get3A_232] {strides = array<i32>} : memref<16x1792xf32, #tpu.memory_space<vmem>>, vector<16xf32>,
        %mul3A_234 = arith.constant 16 : i32
        %mul3A_235 = arith.muli %scan3A_225, %mul3A_234 : i32
        %get3A_236 = arith.constant 1 : i32
        %get3A_237 = arith.index_cast %get3A_236 : i32 to index
        %get3A_238 = arith.index_cast %mul3A_235 : i32 to index
        %get3A_239 = tpu.vector_load %arg6[%get3A_237, %get3A_238] {strides = array<i32>} : memref<16x1792xf32, #tpu.memory_space<vmem>>, vector<16xf32>,
        %mul3A_240 = arith.constant 16 : i32
        %mul3A_241 = arith.muli %scan3A_225, %mul3A_240 : i32
        %get3A_242 = arith.constant 2 : i32
        %get3A_243 = arith.index_cast %get3A_242 : i32 to index
        %get3A_244 = arith.index_cast %mul3A_241 : i32 to index
        %get3A_245 = tpu.vector_load %arg6[%get3A_243, %get3A_244] {strides = array<i32>} : memref<16x1792xf32, #tpu.memory_space<vmem>>, vector<16xf32>,
        %mul3A_246 = arith.constant 16 : i32
        %mul3A_247 = arith.muli %scan3A_225, %mul3A_246 : i32
        %get3A_248 = arith.constant 3 : i32
        %get3A_249 = arith.index_cast %get3A_248 : i32 to index
        %get3A_250 = arith.index_cast %mul3A_247 : i32 to index
        %get3A_251 = tpu.vector_load %arg6[%get3A_249, %get3A_250] {strides = array<i32>} : memref<16x1792xf32, #tpu.memory_space<vmem>>, vector<16xf32>,
        %mul3A_252 = arith.constant 16 : i32
        %mul3A_253 = arith.muli %scan3A_225, %mul3A_252 : i32
        %get3A_254 = arith.constant 4 : i32
        %get3A_255 = arith.index_cast %get3A_254 : i32 to index
        %get3A_256 = arith.index_cast %mul3A_253 : i32 to index
        %get3A_257 = tpu.vector_load %arg6[%get3A_255, %get3A_256] {strides = array<i32>} : memref<16x1792xf32, #tpu.memory_space<vmem>>, vector<16xf32>,
        %mul3A_258 = arith.constant 16 : i32
        %mul3A_259 = arith.muli %scan3A_225, %mul3A_258 : i32
        %get3A_260 = arith.constant 5 : i32
        %get3A_261 = arith.index_cast %get3A_260 : i32 to index
        %get3A_262 = arith.index_cast %mul3A_259 : i32 to index
        %get3A_263 = tpu.vector_load %arg6[%get3A_261, %get3A_262] {strides = array<i32>} : memref<16x1792xf32, #tpu.memory_space<vmem>>, vector<16xf32>,
        %mul3A_264 = arith.constant 16 : i32
        %mul3A_265 = arith.muli %scan3A_225, %mul3A_264 : i32
        %get3A_266 = arith.constant 6 : i32
        %get3A_267 = arith.index_cast %get3A_266 : i32 to index
        %get3A_268 = arith.index_cast %mul3A_265 : i32 to index
        %get3A_269 = tpu.vector_load %arg6[%get3A_267, %get3A_268] {strides = array<i32>} : memref<16x1792xf32, #tpu.memory_space<vmem>>, vector<16xf32>,
        %mul3A_270 = arith.constant 16 : i32
        %mul3A_271 = arith.muli %scan3A_225, %mul3A_270 : i32
        %get3A_272 = arith.constant 7 : i32
        %get3A_273 = arith.index_cast %get3A_272 : i32 to index
        %get3A_274 = arith.index_cast %mul3A_271 : i32 to index
        %get3A_275 = tpu.vector_load %arg6[%get3A_273, %get3A_274] {strides = array<i32>} : memref<16x1792xf32, #tpu.memory_space<vmem>>, vector<16xf32>,
        %mul3A_276 = arith.constant 16 : i32
        %mul3A_277 = arith.muli %scan3A_225, %mul3A_276 : i32
        %get3A_278 = arith.constant 8 : i32
        %get3A_279 = arith.index_cast %get3A_278 : i32 to index
        %get3A_280 = arith.index_cast %mul3A_277 : i32 to index
        %get3A_281 = tpu.vector_load %arg6[%get3A_279, %get3A_280] {strides = array<i32>} : memref<16x1792xf32, #tpu.memory_space<vmem>>, vector<16xf32>,
        %mul3A_282 = arith.constant 16 : i32
        %mul3A_283 = arith.muli %scan3A_225, %mul3A_282 : i32
        %get3A_284 = arith.constant 9 : i32
        %get3A_285 = arith.index_cast %get3A_284 : i32 to index
        %get3A_286 = arith.index_cast %mul3A_283 : i32 to index
        %get3A_287 = tpu.vector_load %arg6[%get3A_285, %get3A_286] {strides = array<i32>} : memref<16x1792xf32, #tpu.memory_space<vmem>>, vector<16xf32>,
        %mul3A_288 = arith.constant 16 : i32
        %mul3A_289 = arith.muli %scan3A_225, %mul3A_288 : i32
        %get3A_290 = arith.constant 10 : i32
        %get3A_291 = arith.index_cast %get3A_290 : i32 to index
        %get3A_292 = arith.index_cast %mul3A_289 : i32 to index
        %get3A_293 = tpu.vector_load %arg6[%get3A_291, %get3A_292] {strides = array<i32>} : memref<16x1792xf32, #tpu.memory_space<vmem>>, vector<16xf32>,
        %mul3A_294 = arith.constant 16 : i32
        %mul3A_295 = arith.muli %scan3A_225, %mul3A_294 : i32
        %get3A_296 = arith.constant 11 : i32
        %get3A_297 = arith.index_cast %get3A_296 : i32 to index
        %get3A_298 = arith.index_cast %mul3A_295 : i32 to index
        %get3A_299 = tpu.vector_load %arg6[%get3A_297, %get3A_298] {strides = array<i32>} : memref<16x1792xf32, #tpu.memory_space<vmem>>, vector<16xf32>,
        %mul3A_300 = arith.constant 16 : i32
        %mul3A_301 = arith.muli %scan3A_225, %mul3A_300 : i32
        %get3A_302 = arith.constant 12 : i32
        %get3A_303 = arith.index_cast %get3A_302 : i32 to index
        %get3A_304 = arith.index_cast %mul3A_301 : i32 to index
        %get3A_305 = tpu.vector_load %arg6[%get3A_303, %get3A_304] {strides = array<i32>} : memref<16x1792xf32, #tpu.memory_space<vmem>>, vector<16xf32>,
        %mul3A_306 = arith.constant 16 : i32
        %mul3A_307 = arith.muli %scan3A_225, %mul3A_306 : i32
        %get3A_308 = arith.constant 13 : i32
        %get3A_309 = arith.index_cast %get3A_308 : i32 to index
        %get3A_310 = arith.index_cast %mul3A_307 : i32 to index
        %get3A_311 = tpu.vector_load %arg6[%get3A_309, %get3A_310] {strides = array<i32>} : memref<16x1792xf32, #tpu.memory_space<vmem>>, vector<16xf32>,
        %mul3A_312 = arith.constant 16 : i32
        %mul3A_313 = arith.muli %scan3A_225, %mul3A_312 : i32
        %get3A_314 = arith.constant 14 : i32
        %get3A_315 = arith.index_cast %get3A_314 : i32 to index
        %get3A_316 = arith.index_cast %mul3A_313 : i32 to index
        %get3A_317 = tpu.vector_load %arg6[%get3A_315, %get3A_316] {strides = array<i32>} : memref<16x1792xf32, #tpu.memory_space<vmem>>, vector<16xf32>,
        %mul3A_318 = arith.constant 16 : i32
        %mul3A_319 = arith.muli %scan3A_225, %mul3A_318 : i32
        %get3A_320 = arith.constant 15 : i32
        %get3A_321 = arith.index_cast %get3A_320 : i32 to index
        %get3A_322 = arith.index_cast %mul3A_319 : i32 to index
        %get3A_323 = tpu.vector_load %arg6[%get3A_321, %get3A_322] {strides = array<i32>} : memref<16x1792xf32, #tpu.memory_space<vmem>>, vector<16xf32>,
        %scatter3A = tpu.memref_slice %arg8[%mul3A_228] : memref<28672xf32, #tpu.memory_space<vmem>> -> memref<256xf32, #tpu.memory_space<vmem>>
        tpu.vector_store_idx %scatter3A[%add3A_6], %get3A_233 : memref<256xf32, #tpu.memory_space<vmem>>[vector<16xi32>], vector<16xf32>,
        %scatter3A_324 = tpu.memref_slice %arg8[%mul3A_228] : memref<28672xf32, #tpu.memory_space<vmem>> -> memref<256xf32, #tpu.memory_space<vmem>>
        tpu.vector_store_idx %scatter3A_324[%add3A_9], %get3A_239 : memref<256xf32, #tpu.memory_space<vmem>>[vector<16xi32>], vector<16xf32>,
        %scatter3A_325 = tpu.memref_slice %arg8[%mul3A_228] : memref<28672xf32, #tpu.memory_space<vmem>> -> memref<256xf32, #tpu.memory_space<vmem>>
        tpu.vector_store_idx %scatter3A_325[%add3A_12], %get3A_245 : memref<256xf32, #tpu.memory_space<vmem>>[vector<16xi32>], vector<16xf32>,
        %scatter3A_326 = tpu.memref_slice %arg8[%mul3A_228] : memref<28672xf32, #tpu.memory_space<vmem>> -> memref<256xf32, #tpu.memory_space<vmem>>
        tpu.vector_store_idx %scatter3A_326[%add3A_15], %get3A_251 : memref<256xf32, #tpu.memory_space<vmem>>[vector<16xi32>], vector<16xf32>,
        %scatter3A_327 = tpu.memref_slice %arg8[%mul3A_228] : memref<28672xf32, #tpu.memory_space<vmem>> -> memref<256xf32, #tpu.memory_space<vmem>>
        tpu.vector_store_idx %scatter3A_327[%add3A_18], %get3A_257 : memref<256xf32, #tpu.memory_space<vmem>>[vector<16xi32>], vector<16xf32>,
        %scatter3A_328 = tpu.memref_slice %arg8[%mul3A_228] : memref<28672xf32, #tpu.memory_space<vmem>> -> memref<256xf32, #tpu.memory_space<vmem>>
        tpu.vector_store_idx %scatter3A_328[%add3A_21], %get3A_263 : memref<256xf32, #tpu.memory_space<vmem>>[vector<16xi32>], vector<16xf32>,
        %scatter3A_329 = tpu.memref_slice %arg8[%mul3A_228] : memref<28672xf32, #tpu.memory_space<vmem>> -> memref<256xf32, #tpu.memory_space<vmem>>
        tpu.vector_store_idx %scatter3A_329[%add3A_24], %get3A_269 : memref<256xf32, #tpu.memory_space<vmem>>[vector<16xi32>], vector<16xf32>,
        %scatter3A_330 = tpu.memref_slice %arg8[%mul3A_228] : memref<28672xf32, #tpu.memory_space<vmem>> -> memref<256xf32, #tpu.memory_space<vmem>>
        tpu.vector_store_idx %scatter3A_330[%add3A_27], %get3A_275 : memref<256xf32, #tpu.memory_space<vmem>>[vector<16xi32>], vector<16xf32>,
        %scatter3A_331 = tpu.memref_slice %arg8[%mul3A_228] : memref<28672xf32, #tpu.memory_space<vmem>> -> memref<256xf32, #tpu.memory_space<vmem>>
        tpu.vector_store_idx %scatter3A_331[%add3A_30], %get3A_281 : memref<256xf32, #tpu.memory_space<vmem>>[vector<16xi32>], vector<16xf32>,
        %scatter3A_332 = tpu.memref_slice %arg8[%mul3A_228] : memref<28672xf32, #tpu.memory_space<vmem>> -> memref<256xf32, #tpu.memory_space<vmem>>
        tpu.vector_store_idx %scatter3A_332[%add3A_33], %get3A_287 : memref<256xf32, #tpu.memory_space<vmem>>[vector<16xi32>], vector<16xf32>,
        %scatter3A_333 = tpu.memref_slice %arg8[%mul3A_228] : memref<28672xf32, #tpu.memory_space<vmem>> -> memref<256xf32, #tpu.memory_space<vmem>>
        tpu.vector_store_idx %scatter3A_333[%add3A_36], %get3A_293 : memref<256xf32, #tpu.memory_space<vmem>>[vector<16xi32>], vector<16xf32>,
        %scatter3A_334 = tpu.memref_slice %arg8[%mul3A_228] : memref<28672xf32, #tpu.memory_space<vmem>> -> memref<256xf32, #tpu.memory_space<vmem>>
        tpu.vector_store_idx %scatter3A_334[%add3A_39], %get3A_299 : memref<256xf32, #tpu.memory_space<vmem>>[vector<16xi32>], vector<16xf32>,
        %scatter3A_335 = tpu.memref_slice %arg8[%mul3A_228] : memref<28672xf32, #tpu.memory_space<vmem>> -> memref<256xf32, #tpu.memory_space<vmem>>
        tpu.vector_store_idx %scatter3A_335[%add3A_42], %get3A_305 : memref<256xf32, #tpu.memory_space<vmem>>[vector<16xi32>], vector<16xf32>,
        %scatter3A_336 = tpu.memref_slice %arg8[%mul3A_228] : memref<28672xf32, #tpu.memory_space<vmem>> -> memref<256xf32, #tpu.memory_space<vmem>>
        tpu.vector_store_idx %scatter3A_336[%add3A_45], %get3A_311 : memref<256xf32, #tpu.memory_space<vmem>>[vector<16xi32>], vector<16xf32>,
        %scatter3A_337 = tpu.memref_slice %arg8[%mul3A_228] : memref<28672xf32, #tpu.memory_space<vmem>> -> memref<256xf32, #tpu.memory_space<vmem>>
        tpu.vector_store_idx %scatter3A_337[%add3A_48], %get3A_317 : memref<256xf32, #tpu.memory_space<vmem>>[vector<16xi32>], vector<16xf32>,
        %scatter3A_338 = tpu.memref_slice %arg8[%mul3A_228] : memref<28672xf32, #tpu.memory_space<vmem>> -> memref<256xf32, #tpu.memory_space<vmem>>
        tpu.vector_store_idx %scatter3A_338[%add3A_51], %get3A_323 : memref<256xf32, #tpu.memory_space<vmem>>[vector<16xi32>], vector<16xf32>,
        %scan3A_339 = arith.constant 0 : i32
        scf.yield %scan3A_339 : i32
      }
      %scan3A_212 = arith.constant 112 : i32
      %sub3A = arith.constant 32 : i32
      %sub3A_213 = arith.subi %add3A_132, %sub3A : i32
      %mul3A_214 = arith.constant 1792 : i32
      %mul3A_215 = arith.muli %sub3A_213, %mul3A_214 : i32
      %mul3A_216 = arith.constant 16 : i32
      %mul3A_217 = arith.muli %mul3A_215, %mul3A_216 : i32
      %dma_wait3A_218 = tpu.memref_slice %arg4[%mul3A_217] : memref<16000000xf32, #tpu.memory_space<hbm>> -> memref<28672xf32, #tpu.memory_space<hbm>>
      %dma_wait3A_219 = tpu.memref_slice %arg4[%mul3A_217] : memref<16000000xf32, #tpu.memory_space<hbm>> -> memref<28672xf32, #tpu.memory_space<hbm>>
      tpu.wait_dma2 semaphore(%arg11 : memref<!tpu.dma_semaphore, #tpu.memory_space<semaphore_mem>>) src(%arg7 : memref<28672xf32, #tpu.memory_space<vmem>>) dst(%dma_wait3A_219 : memref<28672xf32, #tpu.memory_space<hbm>>)
      %mul3A_220 = arith.constant 1792 : i32
      %mul3A_221 = arith.muli %add3A_132, %mul3A_220 : i32
      %mul3A_222 = arith.constant 16 : i32
      %mul3A_223 = arith.muli %mul3A_221, %mul3A_222 : i32
      %dma_start3A = tpu.memref_slice %arg4[%mul3A_223] : memref<16000000xf32, #tpu.memory_space<hbm>> -> memref<28672xf32, #tpu.memory_space<hbm>>
      %dma_start3A_224 = tpu.memref_slice %arg4[%mul3A_223] : memref<16000000xf32, #tpu.memory_space<hbm>> -> memref<28672xf32, #tpu.memory_space<hbm>>
      tpu.enqueue_dma source(%arg8 : memref<28672xf32, #tpu.memory_space<vmem>>) target(%dma_start3A_224 : memref<28672xf32, #tpu.memory_space<hbm>>) target_semaphore(%arg11 : memref<!tpu.dma_semaphore, #tpu.memory_space<semaphore_mem>>)
    } else {
    }
    %add3A_138 = arith.constant 384 : i32
    %add3A_139 = arith.addi %add3A, %add3A_138 : i32
    %lt3A_140 = arith.constant 558 : i32
    %lt3A_141 = arith.cmpi slt, %add3A_139, %lt3A_140 : i32
    %convert_element_type3A_142 = arith.extui %lt3A_141 : i1 to i32
    %cond3A_143 = arith.constant 0 : i32
    %cond3A_144 = arith.cmpi ne, %convert_element_type3A_142, %cond3A_143 : i32
    scf.if %cond3A_144 {
      %mul3A_195 = arith.constant 1792 : i32
      %mul3A_196 = arith.muli %add3A_139, %mul3A_195 : i32
      %dma_wait3A = arith.constant 0 : i32
      %dma_wait3A_197 = tpu.memref_slice %arg2[%dma_wait3A, %mul3A_196] : memref<16x1000000xf32, #tpu.memory_space<hbm>> -> memref<16x1792xf32, #tpu.memory_space<hbm>>
      %dma_wait3A_198 = arith.constant 0 : i32
      %dma_wait3A_199 = tpu.memref_slice %arg2[%dma_wait3A_198, %mul3A_196] : memref<16x1000000xf32, #tpu.memory_space<hbm>> -> memref<16x1792xf32, #tpu.memory_space<hbm>>
      tpu.wait_dma2 semaphore(%arg9 : memref<!tpu.dma_semaphore, #tpu.memory_space<semaphore_mem>>) src(%dma_wait3A_199 : memref<16x1792xf32, #tpu.memory_space<hbm>>) dst(%arg5 : memref<16x1792xf32, #tpu.memory_space<vmem>>)
      %add3A_200 = arith.constant 32 : i32
      %add3A_201 = arith.addi %add3A_139, %add3A_200 : i32
      %lt3A_202 = arith.constant 558 : i32
      %lt3A_203 = arith.cmpi slt, %add3A_201, %lt3A_202 : i32
      %convert_element_type3A_204 = arith.extui %lt3A_203 : i1 to i32
      %cond3A_205 = arith.constant 0 : i32
      %cond3A_206 = arith.cmpi ne, %convert_element_type3A_204, %cond3A_205 : i32
      scf.if %cond3A_206 {
        %add3A_225 = arith.constant 32 : i32
        %add3A_226 = arith.addi %add3A_139, %add3A_225 : i32
        %mul3A_227 = arith.constant 1792 : i32
        %mul3A_228 = arith.muli %add3A_226, %mul3A_227 : i32
        %dma_start3A_229 = arith.constant 0 : i32
        %dma_start3A_230 = tpu.memref_slice %arg2[%dma_start3A_229, %mul3A_228] : memref<16x1000000xf32, #tpu.memory_space<hbm>> -> memref<16x1792xf32, #tpu.memory_space<hbm>>
        %dma_start3A_231 = arith.constant 0 : i32
        %dma_start3A_232 = tpu.memref_slice %arg2[%dma_start3A_231, %mul3A_228] : memref<16x1000000xf32, #tpu.memory_space<hbm>> -> memref<16x1792xf32, #tpu.memory_space<hbm>>
        tpu.enqueue_dma source(%dma_start3A_232 : memref<16x1792xf32, #tpu.memory_space<hbm>>) target(%arg6 : memref<16x1792xf32, #tpu.memory_space<vmem>>) target_semaphore(%arg10 : memref<!tpu.dma_semaphore, #tpu.memory_space<semaphore_mem>>)
      } else {
      }
      %scan3A = arith.constant 0 : i32
      %scan3A_207 = arith.constant 0 : i32
      %scan3A_208 = arith.constant 112 : i32
      %scan3A_209 = arith.addi %scan3A_207, %scan3A_208 : i32
      %scan3A_210 = arith.constant 1 : i32
      %scan3A_211 = scf.for %scan3A_225 = %scan3A_207 to %scan3A_209 step %scan3A_210 iter_args(%scan3A_226 = %scan3A) -> (i32)  : i32 {
        %mul3A_227 = arith.constant 256 : i32
        %mul3A_228 = arith.muli %scan3A_225, %mul3A_227 : i32
        %mul3A_229 = arith.constant 16 : i32
        %mul3A_230 = arith.muli %scan3A_225, %mul3A_229 : i32
        %get3A = arith.constant 0 : i32
        %get3A_231 = arith.index_cast %get3A : i32 to index
        %get3A_232 = arith.index_cast %mul3A_230 : i32 to index
        %get3A_233 = tpu.vector_load %arg5[%get3A_231, %get3A_232] {strides = array<i32>} : memref<16x1792xf32, #tpu.memory_space<vmem>>, vector<16xf32>,
        %mul3A_234 = arith.constant 16 : i32
        %mul3A_235 = arith.muli %scan3A_225, %mul3A_234 : i32
        %get3A_236 = arith.constant 1 : i32
        %get3A_237 = arith.index_cast %get3A_236 : i32 to index
        %get3A_238 = arith.index_cast %mul3A_235 : i32 to index
        %get3A_239 = tpu.vector_load %arg5[%get3A_237, %get3A_238] {strides = array<i32>} : memref<16x1792xf32, #tpu.memory_space<vmem>>, vector<16xf32>,
        %mul3A_240 = arith.constant 16 : i32
        %mul3A_241 = arith.muli %scan3A_225, %mul3A_240 : i32
        %get3A_242 = arith.constant 2 : i32
        %get3A_243 = arith.index_cast %get3A_242 : i32 to index
        %get3A_244 = arith.index_cast %mul3A_241 : i32 to index
        %get3A_245 = tpu.vector_load %arg5[%get3A_243, %get3A_244] {strides = array<i32>} : memref<16x1792xf32, #tpu.memory_space<vmem>>, vector<16xf32>,
        %mul3A_246 = arith.constant 16 : i32
        %mul3A_247 = arith.muli %scan3A_225, %mul3A_246 : i32
        %get3A_248 = arith.constant 3 : i32
        %get3A_249 = arith.index_cast %get3A_248 : i32 to index
        %get3A_250 = arith.index_cast %mul3A_247 : i32 to index
        %get3A_251 = tpu.vector_load %arg5[%get3A_249, %get3A_250] {strides = array<i32>} : memref<16x1792xf32, #tpu.memory_space<vmem>>, vector<16xf32>,
        %mul3A_252 = arith.constant 16 : i32
        %mul3A_253 = arith.muli %scan3A_225, %mul3A_252 : i32
        %get3A_254 = arith.constant 4 : i32
        %get3A_255 = arith.index_cast %get3A_254 : i32 to index
        %get3A_256 = arith.index_cast %mul3A_253 : i32 to index
        %get3A_257 = tpu.vector_load %arg5[%get3A_255, %get3A_256] {strides = array<i32>} : memref<16x1792xf32, #tpu.memory_space<vmem>>, vector<16xf32>,
        %mul3A_258 = arith.constant 16 : i32
        %mul3A_259 = arith.muli %scan3A_225, %mul3A_258 : i32
        %get3A_260 = arith.constant 5 : i32
        %get3A_261 = arith.index_cast %get3A_260 : i32 to index
        %get3A_262 = arith.index_cast %mul3A_259 : i32 to index
        %get3A_263 = tpu.vector_load %arg5[%get3A_261, %get3A_262] {strides = array<i32>} : memref<16x1792xf32, #tpu.memory_space<vmem>>, vector<16xf32>,
        %mul3A_264 = arith.constant 16 : i32
        %mul3A_265 = arith.muli %scan3A_225, %mul3A_264 : i32
        %get3A_266 = arith.constant 6 : i32
        %get3A_267 = arith.index_cast %get3A_266 : i32 to index
        %get3A_268 = arith.index_cast %mul3A_265 : i32 to index
        %get3A_269 = tpu.vector_load %arg5[%get3A_267, %get3A_268] {strides = array<i32>} : memref<16x1792xf32, #tpu.memory_space<vmem>>, vector<16xf32>,
        %mul3A_270 = arith.constant 16 : i32
        %mul3A_271 = arith.muli %scan3A_225, %mul3A_270 : i32
        %get3A_272 = arith.constant 7 : i32
        %get3A_273 = arith.index_cast %get3A_272 : i32 to index
        %get3A_274 = arith.index_cast %mul3A_271 : i32 to index
        %get3A_275 = tpu.vector_load %arg5[%get3A_273, %get3A_274] {strides = array<i32>} : memref<16x1792xf32, #tpu.memory_space<vmem>>, vector<16xf32>,
        %mul3A_276 = arith.constant 16 : i32
        %mul3A_277 = arith.muli %scan3A_225, %mul3A_276 : i32
        %get3A_278 = arith.constant 8 : i32
        %get3A_279 = arith.index_cast %get3A_278 : i32 to index
        %get3A_280 = arith.index_cast %mul3A_277 : i32 to index
        %get3A_281 = tpu.vector_load %arg5[%get3A_279, %get3A_280] {strides = array<i32>} : memref<16x1792xf32, #tpu.memory_space<vmem>>, vector<16xf32>,
        %mul3A_282 = arith.constant 16 : i32
        %mul3A_283 = arith.muli %scan3A_225, %mul3A_282 : i32
        %get3A_284 = arith.constant 9 : i32
        %get3A_285 = arith.index_cast %get3A_284 : i32 to index
        %get3A_286 = arith.index_cast %mul3A_283 : i32 to index
        %get3A_287 = tpu.vector_load %arg5[%get3A_285, %get3A_286] {strides = array<i32>} : memref<16x1792xf32, #tpu.memory_space<vmem>>, vector<16xf32>,
        %mul3A_288 = arith.constant 16 : i32
        %mul3A_289 = arith.muli %scan3A_225, %mul3A_288 : i32
        %get3A_290 = arith.constant 10 : i32
        %get3A_291 = arith.index_cast %get3A_290 : i32 to index
        %get3A_292 = arith.index_cast %mul3A_289 : i32 to index
        %get3A_293 = tpu.vector_load %arg5[%get3A_291, %get3A_292] {strides = array<i32>} : memref<16x1792xf32, #tpu.memory_space<vmem>>, vector<16xf32>,
        %mul3A_294 = arith.constant 16 : i32
        %mul3A_295 = arith.muli %scan3A_225, %mul3A_294 : i32
        %get3A_296 = arith.constant 11 : i32
        %get3A_297 = arith.index_cast %get3A_296 : i32 to index
        %get3A_298 = arith.index_cast %mul3A_295 : i32 to index
        %get3A_299 = tpu.vector_load %arg5[%get3A_297, %get3A_298] {strides = array<i32>} : memref<16x1792xf32, #tpu.memory_space<vmem>>, vector<16xf32>,
        %mul3A_300 = arith.constant 16 : i32
        %mul3A_301 = arith.muli %scan3A_225, %mul3A_300 : i32
        %get3A_302 = arith.constant 12 : i32
        %get3A_303 = arith.index_cast %get3A_302 : i32 to index
        %get3A_304 = arith.index_cast %mul3A_301 : i32 to index
        %get3A_305 = tpu.vector_load %arg5[%get3A_303, %get3A_304] {strides = array<i32>} : memref<16x1792xf32, #tpu.memory_space<vmem>>, vector<16xf32>,
        %mul3A_306 = arith.constant 16 : i32
        %mul3A_307 = arith.muli %scan3A_225, %mul3A_306 : i32
        %get3A_308 = arith.constant 13 : i32
        %get3A_309 = arith.index_cast %get3A_308 : i32 to index
        %get3A_310 = arith.index_cast %mul3A_307 : i32 to index
        %get3A_311 = tpu.vector_load %arg5[%get3A_309, %get3A_310] {strides = array<i32>} : memref<16x1792xf32, #tpu.memory_space<vmem>>, vector<16xf32>,
        %mul3A_312 = arith.constant 16 : i32
        %mul3A_313 = arith.muli %scan3A_225, %mul3A_312 : i32
        %get3A_314 = arith.constant 14 : i32
        %get3A_315 = arith.index_cast %get3A_314 : i32 to index
        %get3A_316 = arith.index_cast %mul3A_313 : i32 to index
        %get3A_317 = tpu.vector_load %arg5[%get3A_315, %get3A_316] {strides = array<i32>} : memref<16x1792xf32, #tpu.memory_space<vmem>>, vector<16xf32>,
        %mul3A_318 = arith.constant 16 : i32
        %mul3A_319 = arith.muli %scan3A_225, %mul3A_318 : i32
        %get3A_320 = arith.constant 15 : i32
        %get3A_321 = arith.index_cast %get3A_320 : i32 to index
        %get3A_322 = arith.index_cast %mul3A_319 : i32 to index
        %get3A_323 = tpu.vector_load %arg5[%get3A_321, %get3A_322] {strides = array<i32>} : memref<16x1792xf32, #tpu.memory_space<vmem>>, vector<16xf32>,
        %scatter3A = tpu.memref_slice %arg7[%mul3A_228] : memref<28672xf32, #tpu.memory_space<vmem>> -> memref<256xf32, #tpu.memory_space<vmem>>
        tpu.vector_store_idx %scatter3A[%add3A_6], %get3A_233 : memref<256xf32, #tpu.memory_space<vmem>>[vector<16xi32>], vector<16xf32>,
        %scatter3A_324 = tpu.memref_slice %arg7[%mul3A_228] : memref<28672xf32, #tpu.memory_space<vmem>> -> memref<256xf32, #tpu.memory_space<vmem>>
        tpu.vector_store_idx %scatter3A_324[%add3A_9], %get3A_239 : memref<256xf32, #tpu.memory_space<vmem>>[vector<16xi32>], vector<16xf32>,
        %scatter3A_325 = tpu.memref_slice %arg7[%mul3A_228] : memref<28672xf32, #tpu.memory_space<vmem>> -> memref<256xf32, #tpu.memory_space<vmem>>
        tpu.vector_store_idx %scatter3A_325[%add3A_12], %get3A_245 : memref<256xf32, #tpu.memory_space<vmem>>[vector<16xi32>], vector<16xf32>,
        %scatter3A_326 = tpu.memref_slice %arg7[%mul3A_228] : memref<28672xf32, #tpu.memory_space<vmem>> -> memref<256xf32, #tpu.memory_space<vmem>>
        tpu.vector_store_idx %scatter3A_326[%add3A_15], %get3A_251 : memref<256xf32, #tpu.memory_space<vmem>>[vector<16xi32>], vector<16xf32>,
        %scatter3A_327 = tpu.memref_slice %arg7[%mul3A_228] : memref<28672xf32, #tpu.memory_space<vmem>> -> memref<256xf32, #tpu.memory_space<vmem>>
        tpu.vector_store_idx %scatter3A_327[%add3A_18], %get3A_257 : memref<256xf32, #tpu.memory_space<vmem>>[vector<16xi32>], vector<16xf32>,
        %scatter3A_328 = tpu.memref_slice %arg7[%mul3A_228] : memref<28672xf32, #tpu.memory_space<vmem>> -> memref<256xf32, #tpu.memory_space<vmem>>
        tpu.vector_store_idx %scatter3A_328[%add3A_21], %get3A_263 : memref<256xf32, #tpu.memory_space<vmem>>[vector<16xi32>], vector<16xf32>,
        %scatter3A_329 = tpu.memref_slice %arg7[%mul3A_228] : memref<28672xf32, #tpu.memory_space<vmem>> -> memref<256xf32, #tpu.memory_space<vmem>>
        tpu.vector_store_idx %scatter3A_329[%add3A_24], %get3A_269 : memref<256xf32, #tpu.memory_space<vmem>>[vector<16xi32>], vector<16xf32>,
        %scatter3A_330 = tpu.memref_slice %arg7[%mul3A_228] : memref<28672xf32, #tpu.memory_space<vmem>> -> memref<256xf32, #tpu.memory_space<vmem>>
        tpu.vector_store_idx %scatter3A_330[%add3A_27], %get3A_275 : memref<256xf32, #tpu.memory_space<vmem>>[vector<16xi32>], vector<16xf32>,
        %scatter3A_331 = tpu.memref_slice %arg7[%mul3A_228] : memref<28672xf32, #tpu.memory_space<vmem>> -> memref<256xf32, #tpu.memory_space<vmem>>
        tpu.vector_store_idx %scatter3A_331[%add3A_30], %get3A_281 : memref<256xf32, #tpu.memory_space<vmem>>[vector<16xi32>], vector<16xf32>,
        %scatter3A_332 = tpu.memref_slice %arg7[%mul3A_228] : memref<28672xf32, #tpu.memory_space<vmem>> -> memref<256xf32, #tpu.memory_space<vmem>>
        tpu.vector_store_idx %scatter3A_332[%add3A_33], %get3A_287 : memref<256xf32, #tpu.memory_space<vmem>>[vector<16xi32>], vector<16xf32>,
        %scatter3A_333 = tpu.memref_slice %arg7[%mul3A_228] : memref<28672xf32, #tpu.memory_space<vmem>> -> memref<256xf32, #tpu.memory_space<vmem>>
        tpu.vector_store_idx %scatter3A_333[%add3A_36], %get3A_293 : memref<256xf32, #tpu.memory_space<vmem>>[vector<16xi32>], vector<16xf32>,
        %scatter3A_334 = tpu.memref_slice %arg7[%mul3A_228] : memref<28672xf32, #tpu.memory_space<vmem>> -> memref<256xf32, #tpu.memory_space<vmem>>
        tpu.vector_store_idx %scatter3A_334[%add3A_39], %get3A_299 : memref<256xf32, #tpu.memory_space<vmem>>[vector<16xi32>], vector<16xf32>,
        %scatter3A_335 = tpu.memref_slice %arg7[%mul3A_228] : memref<28672xf32, #tpu.memory_space<vmem>> -> memref<256xf32, #tpu.memory_space<vmem>>
        tpu.vector_store_idx %scatter3A_335[%add3A_42], %get3A_305 : memref<256xf32, #tpu.memory_space<vmem>>[vector<16xi32>], vector<16xf32>,
        %scatter3A_336 = tpu.memref_slice %arg7[%mul3A_228] : memref<28672xf32, #tpu.memory_space<vmem>> -> memref<256xf32, #tpu.memory_space<vmem>>
        tpu.vector_store_idx %scatter3A_336[%add3A_45], %get3A_311 : memref<256xf32, #tpu.memory_space<vmem>>[vector<16xi32>], vector<16xf32>,
        %scatter3A_337 = tpu.memref_slice %arg7[%mul3A_228] : memref<28672xf32, #tpu.memory_space<vmem>> -> memref<256xf32, #tpu.memory_space<vmem>>
        tpu.vector_store_idx %scatter3A_337[%add3A_48], %get3A_317 : memref<256xf32, #tpu.memory_space<vmem>>[vector<16xi32>], vector<16xf32>,
        %scatter3A_338 = tpu.memref_slice %arg7[%mul3A_228] : memref<28672xf32, #tpu.memory_space<vmem>> -> memref<256xf32, #tpu.memory_space<vmem>>
        tpu.vector_store_idx %scatter3A_338[%add3A_51], %get3A_323 : memref<256xf32, #tpu.memory_space<vmem>>[vector<16xi32>], vector<16xf32>,
        %scan3A_339 = arith.constant 0 : i32
        scf.yield %scan3A_339 : i32
      }
      %scan3A_212 = arith.constant 112 : i32
      %sub3A = arith.constant 32 : i32
      %sub3A_213 = arith.subi %add3A_139, %sub3A : i32
      %mul3A_214 = arith.constant 1792 : i32
      %mul3A_215 = arith.muli %sub3A_213, %mul3A_214 : i32
      %mul3A_216 = arith.constant 16 : i32
      %mul3A_217 = arith.muli %mul3A_215, %mul3A_216 : i32
      %dma_wait3A_218 = tpu.memref_slice %arg4[%mul3A_217] : memref<16000000xf32, #tpu.memory_space<hbm>> -> memref<28672xf32, #tpu.memory_space<hbm>>
      %dma_wait3A_219 = tpu.memref_slice %arg4[%mul3A_217] : memref<16000000xf32, #tpu.memory_space<hbm>> -> memref<28672xf32, #tpu.memory_space<hbm>>
      tpu.wait_dma2 semaphore(%arg11 : memref<!tpu.dma_semaphore, #tpu.memory_space<semaphore_mem>>) src(%arg8 : memref<28672xf32, #tpu.memory_space<vmem>>) dst(%dma_wait3A_219 : memref<28672xf32, #tpu.memory_space<hbm>>)
      %mul3A_220 = arith.constant 1792 : i32
      %mul3A_221 = arith.muli %add3A_139, %mul3A_220 : i32
      %mul3A_222 = arith.constant 16 : i32
      %mul3A_223 = arith.muli %mul3A_221, %mul3A_222 : i32
      %dma_start3A = tpu.memref_slice %arg4[%mul3A_223] : memref<16000000xf32, #tpu.memory_space<hbm>> -> memref<28672xf32, #tpu.memory_space<hbm>>
      %dma_start3A_224 = tpu.memref_slice %arg4[%mul3A_223] : memref<16000000xf32, #tpu.memory_space<hbm>> -> memref<28672xf32, #tpu.memory_space<hbm>>
      tpu.enqueue_dma source(%arg7 : memref<28672xf32, #tpu.memory_space<vmem>>) target(%dma_start3A_224 : memref<28672xf32, #tpu.memory_space<hbm>>) target_semaphore(%arg11 : memref<!tpu.dma_semaphore, #tpu.memory_space<semaphore_mem>>)
    } else {
    }
    %add3A_145 = arith.constant 416 : i32
    %add3A_146 = arith.addi %add3A, %add3A_145 : i32
    %lt3A_147 = arith.constant 558 : i32
    %lt3A_148 = arith.cmpi slt, %add3A_146, %lt3A_147 : i32
    %convert_element_type3A_149 = arith.extui %lt3A_148 : i1 to i32
    %cond3A_150 = arith.constant 0 : i32
    %cond3A_151 = arith.cmpi ne, %convert_element_type3A_149, %cond3A_150 : i32
    scf.if %cond3A_151 {
      %mul3A_195 = arith.constant 1792 : i32
      %mul3A_196 = arith.muli %add3A_146, %mul3A_195 : i32
      %dma_wait3A = arith.constant 0 : i32
      %dma_wait3A_197 = tpu.memref_slice %arg2[%dma_wait3A, %mul3A_196] : memref<16x1000000xf32, #tpu.memory_space<hbm>> -> memref<16x1792xf32, #tpu.memory_space<hbm>>
      %dma_wait3A_198 = arith.constant 0 : i32
      %dma_wait3A_199 = tpu.memref_slice %arg2[%dma_wait3A_198, %mul3A_196] : memref<16x1000000xf32, #tpu.memory_space<hbm>> -> memref<16x1792xf32, #tpu.memory_space<hbm>>
      tpu.wait_dma2 semaphore(%arg10 : memref<!tpu.dma_semaphore, #tpu.memory_space<semaphore_mem>>) src(%dma_wait3A_199 : memref<16x1792xf32, #tpu.memory_space<hbm>>) dst(%arg6 : memref<16x1792xf32, #tpu.memory_space<vmem>>)
      %add3A_200 = arith.constant 32 : i32
      %add3A_201 = arith.addi %add3A_146, %add3A_200 : i32
      %lt3A_202 = arith.constant 558 : i32
      %lt3A_203 = arith.cmpi slt, %add3A_201, %lt3A_202 : i32
      %convert_element_type3A_204 = arith.extui %lt3A_203 : i1 to i32
      %cond3A_205 = arith.constant 0 : i32
      %cond3A_206 = arith.cmpi ne, %convert_element_type3A_204, %cond3A_205 : i32
      scf.if %cond3A_206 {
        %add3A_225 = arith.constant 32 : i32
        %add3A_226 = arith.addi %add3A_146, %add3A_225 : i32
        %mul3A_227 = arith.constant 1792 : i32
        %mul3A_228 = arith.muli %add3A_226, %mul3A_227 : i32
        %dma_start3A_229 = arith.constant 0 : i32
        %dma_start3A_230 = tpu.memref_slice %arg2[%dma_start3A_229, %mul3A_228] : memref<16x1000000xf32, #tpu.memory_space<hbm>> -> memref<16x1792xf32, #tpu.memory_space<hbm>>
        %dma_start3A_231 = arith.constant 0 : i32
        %dma_start3A_232 = tpu.memref_slice %arg2[%dma_start3A_231, %mul3A_228] : memref<16x1000000xf32, #tpu.memory_space<hbm>> -> memref<16x1792xf32, #tpu.memory_space<hbm>>
        tpu.enqueue_dma source(%dma_start3A_232 : memref<16x1792xf32, #tpu.memory_space<hbm>>) target(%arg5 : memref<16x1792xf32, #tpu.memory_space<vmem>>) target_semaphore(%arg9 : memref<!tpu.dma_semaphore, #tpu.memory_space<semaphore_mem>>)
      } else {
      }
      %scan3A = arith.constant 0 : i32
      %scan3A_207 = arith.constant 0 : i32
      %scan3A_208 = arith.constant 112 : i32
      %scan3A_209 = arith.addi %scan3A_207, %scan3A_208 : i32
      %scan3A_210 = arith.constant 1 : i32
      %scan3A_211 = scf.for %scan3A_225 = %scan3A_207 to %scan3A_209 step %scan3A_210 iter_args(%scan3A_226 = %scan3A) -> (i32)  : i32 {
        %mul3A_227 = arith.constant 256 : i32
        %mul3A_228 = arith.muli %scan3A_225, %mul3A_227 : i32
        %mul3A_229 = arith.constant 16 : i32
        %mul3A_230 = arith.muli %scan3A_225, %mul3A_229 : i32
        %get3A = arith.constant 0 : i32
        %get3A_231 = arith.index_cast %get3A : i32 to index
        %get3A_232 = arith.index_cast %mul3A_230 : i32 to index
        %get3A_233 = tpu.vector_load %arg6[%get3A_231, %get3A_232] {strides = array<i32>} : memref<16x1792xf32, #tpu.memory_space<vmem>>, vector<16xf32>,
        %mul3A_234 = arith.constant 16 : i32
        %mul3A_235 = arith.muli %scan3A_225, %mul3A_234 : i32
        %get3A_236 = arith.constant 1 : i32
        %get3A_237 = arith.index_cast %get3A_236 : i32 to index
        %get3A_238 = arith.index_cast %mul3A_235 : i32 to index
        %get3A_239 = tpu.vector_load %arg6[%get3A_237, %get3A_238] {strides = array<i32>} : memref<16x1792xf32, #tpu.memory_space<vmem>>, vector<16xf32>,
        %mul3A_240 = arith.constant 16 : i32
        %mul3A_241 = arith.muli %scan3A_225, %mul3A_240 : i32
        %get3A_242 = arith.constant 2 : i32
        %get3A_243 = arith.index_cast %get3A_242 : i32 to index
        %get3A_244 = arith.index_cast %mul3A_241 : i32 to index
        %get3A_245 = tpu.vector_load %arg6[%get3A_243, %get3A_244] {strides = array<i32>} : memref<16x1792xf32, #tpu.memory_space<vmem>>, vector<16xf32>,
        %mul3A_246 = arith.constant 16 : i32
        %mul3A_247 = arith.muli %scan3A_225, %mul3A_246 : i32
        %get3A_248 = arith.constant 3 : i32
        %get3A_249 = arith.index_cast %get3A_248 : i32 to index
        %get3A_250 = arith.index_cast %mul3A_247 : i32 to index
        %get3A_251 = tpu.vector_load %arg6[%get3A_249, %get3A_250] {strides = array<i32>} : memref<16x1792xf32, #tpu.memory_space<vmem>>, vector<16xf32>,
        %mul3A_252 = arith.constant 16 : i32
        %mul3A_253 = arith.muli %scan3A_225, %mul3A_252 : i32
        %get3A_254 = arith.constant 4 : i32
        %get3A_255 = arith.index_cast %get3A_254 : i32 to index
        %get3A_256 = arith.index_cast %mul3A_253 : i32 to index
        %get3A_257 = tpu.vector_load %arg6[%get3A_255, %get3A_256] {strides = array<i32>} : memref<16x1792xf32, #tpu.memory_space<vmem>>, vector<16xf32>,
        %mul3A_258 = arith.constant 16 : i32
        %mul3A_259 = arith.muli %scan3A_225, %mul3A_258 : i32
        %get3A_260 = arith.constant 5 : i32
        %get3A_261 = arith.index_cast %get3A_260 : i32 to index
        %get3A_262 = arith.index_cast %mul3A_259 : i32 to index
        %get3A_263 = tpu.vector_load %arg6[%get3A_261, %get3A_262] {strides = array<i32>} : memref<16x1792xf32, #tpu.memory_space<vmem>>, vector<16xf32>,
        %mul3A_264 = arith.constant 16 : i32
        %mul3A_265 = arith.muli %scan3A_225, %mul3A_264 : i32
        %get3A_266 = arith.constant 6 : i32
        %get3A_267 = arith.index_cast %get3A_266 : i32 to index
        %get3A_268 = arith.index_cast %mul3A_265 : i32 to index
        %get3A_269 = tpu.vector_load %arg6[%get3A_267, %get3A_268] {strides = array<i32>} : memref<16x1792xf32, #tpu.memory_space<vmem>>, vector<16xf32>,
        %mul3A_270 = arith.constant 16 : i32
        %mul3A_271 = arith.muli %scan3A_225, %mul3A_270 : i32
        %get3A_272 = arith.constant 7 : i32
        %get3A_273 = arith.index_cast %get3A_272 : i32 to index
        %get3A_274 = arith.index_cast %mul3A_271 : i32 to index
        %get3A_275 = tpu.vector_load %arg6[%get3A_273, %get3A_274] {strides = array<i32>} : memref<16x1792xf32, #tpu.memory_space<vmem>>, vector<16xf32>,
        %mul3A_276 = arith.constant 16 : i32
        %mul3A_277 = arith.muli %scan3A_225, %mul3A_276 : i32
        %get3A_278 = arith.constant 8 : i32
        %get3A_279 = arith.index_cast %get3A_278 : i32 to index
        %get3A_280 = arith.index_cast %mul3A_277 : i32 to index
        %get3A_281 = tpu.vector_load %arg6[%get3A_279, %get3A_280] {strides = array<i32>} : memref<16x1792xf32, #tpu.memory_space<vmem>>, vector<16xf32>,
        %mul3A_282 = arith.constant 16 : i32
        %mul3A_283 = arith.muli %scan3A_225, %mul3A_282 : i32
        %get3A_284 = arith.constant 9 : i32
        %get3A_285 = arith.index_cast %get3A_284 : i32 to index
        %get3A_286 = arith.index_cast %mul3A_283 : i32 to index
        %get3A_287 = tpu.vector_load %arg6[%get3A_285, %get3A_286] {strides = array<i32>} : memref<16x1792xf32, #tpu.memory_space<vmem>>, vector<16xf32>,
        %mul3A_288 = arith.constant 16 : i32
        %mul3A_289 = arith.muli %scan3A_225, %mul3A_288 : i32
        %get3A_290 = arith.constant 10 : i32
        %get3A_291 = arith.index_cast %get3A_290 : i32 to index
        %get3A_292 = arith.index_cast %mul3A_289 : i32 to index
        %get3A_293 = tpu.vector_load %arg6[%get3A_291, %get3A_292] {strides = array<i32>} : memref<16x1792xf32, #tpu.memory_space<vmem>>, vector<16xf32>,
        %mul3A_294 = arith.constant 16 : i32
        %mul3A_295 = arith.muli %scan3A_225, %mul3A_294 : i32
        %get3A_296 = arith.constant 11 : i32
        %get3A_297 = arith.index_cast %get3A_296 : i32 to index
        %get3A_298 = arith.index_cast %mul3A_295 : i32 to index
        %get3A_299 = tpu.vector_load %arg6[%get3A_297, %get3A_298] {strides = array<i32>} : memref<16x1792xf32, #tpu.memory_space<vmem>>, vector<16xf32>,
        %mul3A_300 = arith.constant 16 : i32
        %mul3A_301 = arith.muli %scan3A_225, %mul3A_300 : i32
        %get3A_302 = arith.constant 12 : i32
        %get3A_303 = arith.index_cast %get3A_302 : i32 to index
        %get3A_304 = arith.index_cast %mul3A_301 : i32 to index
        %get3A_305 = tpu.vector_load %arg6[%get3A_303, %get3A_304] {strides = array<i32>} : memref<16x1792xf32, #tpu.memory_space<vmem>>, vector<16xf32>,
        %mul3A_306 = arith.constant 16 : i32
        %mul3A_307 = arith.muli %scan3A_225, %mul3A_306 : i32
        %get3A_308 = arith.constant 13 : i32
        %get3A_309 = arith.index_cast %get3A_308 : i32 to index
        %get3A_310 = arith.index_cast %mul3A_307 : i32 to index
        %get3A_311 = tpu.vector_load %arg6[%get3A_309, %get3A_310] {strides = array<i32>} : memref<16x1792xf32, #tpu.memory_space<vmem>>, vector<16xf32>,
        %mul3A_312 = arith.constant 16 : i32
        %mul3A_313 = arith.muli %scan3A_225, %mul3A_312 : i32
        %get3A_314 = arith.constant 14 : i32
        %get3A_315 = arith.index_cast %get3A_314 : i32 to index
        %get3A_316 = arith.index_cast %mul3A_313 : i32 to index
        %get3A_317 = tpu.vector_load %arg6[%get3A_315, %get3A_316] {strides = array<i32>} : memref<16x1792xf32, #tpu.memory_space<vmem>>, vector<16xf32>,
        %mul3A_318 = arith.constant 16 : i32
        %mul3A_319 = arith.muli %scan3A_225, %mul3A_318 : i32
        %get3A_320 = arith.constant 15 : i32
        %get3A_321 = arith.index_cast %get3A_320 : i32 to index
        %get3A_322 = arith.index_cast %mul3A_319 : i32 to index
        %get3A_323 = tpu.vector_load %arg6[%get3A_321, %get3A_322] {strides = array<i32>} : memref<16x1792xf32, #tpu.memory_space<vmem>>, vector<16xf32>,
        %scatter3A = tpu.memref_slice %arg8[%mul3A_228] : memref<28672xf32, #tpu.memory_space<vmem>> -> memref<256xf32, #tpu.memory_space<vmem>>
        tpu.vector_store_idx %scatter3A[%add3A_6], %get3A_233 : memref<256xf32, #tpu.memory_space<vmem>>[vector<16xi32>], vector<16xf32>,
        %scatter3A_324 = tpu.memref_slice %arg8[%mul3A_228] : memref<28672xf32, #tpu.memory_space<vmem>> -> memref<256xf32, #tpu.memory_space<vmem>>
        tpu.vector_store_idx %scatter3A_324[%add3A_9], %get3A_239 : memref<256xf32, #tpu.memory_space<vmem>>[vector<16xi32>], vector<16xf32>,
        %scatter3A_325 = tpu.memref_slice %arg8[%mul3A_228] : memref<28672xf32, #tpu.memory_space<vmem>> -> memref<256xf32, #tpu.memory_space<vmem>>
        tpu.vector_store_idx %scatter3A_325[%add3A_12], %get3A_245 : memref<256xf32, #tpu.memory_space<vmem>>[vector<16xi32>], vector<16xf32>,
        %scatter3A_326 = tpu.memref_slice %arg8[%mul3A_228] : memref<28672xf32, #tpu.memory_space<vmem>> -> memref<256xf32, #tpu.memory_space<vmem>>
        tpu.vector_store_idx %scatter3A_326[%add3A_15], %get3A_251 : memref<256xf32, #tpu.memory_space<vmem>>[vector<16xi32>], vector<16xf32>,
        %scatter3A_327 = tpu.memref_slice %arg8[%mul3A_228] : memref<28672xf32, #tpu.memory_space<vmem>> -> memref<256xf32, #tpu.memory_space<vmem>>
        tpu.vector_store_idx %scatter3A_327[%add3A_18], %get3A_257 : memref<256xf32, #tpu.memory_space<vmem>>[vector<16xi32>], vector<16xf32>,
        %scatter3A_328 = tpu.memref_slice %arg8[%mul3A_228] : memref<28672xf32, #tpu.memory_space<vmem>> -> memref<256xf32, #tpu.memory_space<vmem>>
        tpu.vector_store_idx %scatter3A_328[%add3A_21], %get3A_263 : memref<256xf32, #tpu.memory_space<vmem>>[vector<16xi32>], vector<16xf32>,
        %scatter3A_329 = tpu.memref_slice %arg8[%mul3A_228] : memref<28672xf32, #tpu.memory_space<vmem>> -> memref<256xf32, #tpu.memory_space<vmem>>
        tpu.vector_store_idx %scatter3A_329[%add3A_24], %get3A_269 : memref<256xf32, #tpu.memory_space<vmem>>[vector<16xi32>], vector<16xf32>,
        %scatter3A_330 = tpu.memref_slice %arg8[%mul3A_228] : memref<28672xf32, #tpu.memory_space<vmem>> -> memref<256xf32, #tpu.memory_space<vmem>>
        tpu.vector_store_idx %scatter3A_330[%add3A_27], %get3A_275 : memref<256xf32, #tpu.memory_space<vmem>>[vector<16xi32>], vector<16xf32>,
        %scatter3A_331 = tpu.memref_slice %arg8[%mul3A_228] : memref<28672xf32, #tpu.memory_space<vmem>> -> memref<256xf32, #tpu.memory_space<vmem>>
        tpu.vector_store_idx %scatter3A_331[%add3A_30], %get3A_281 : memref<256xf32, #tpu.memory_space<vmem>>[vector<16xi32>], vector<16xf32>,
        %scatter3A_332 = tpu.memref_slice %arg8[%mul3A_228] : memref<28672xf32, #tpu.memory_space<vmem>> -> memref<256xf32, #tpu.memory_space<vmem>>
        tpu.vector_store_idx %scatter3A_332[%add3A_33], %get3A_287 : memref<256xf32, #tpu.memory_space<vmem>>[vector<16xi32>], vector<16xf32>,
        %scatter3A_333 = tpu.memref_slice %arg8[%mul3A_228] : memref<28672xf32, #tpu.memory_space<vmem>> -> memref<256xf32, #tpu.memory_space<vmem>>
        tpu.vector_store_idx %scatter3A_333[%add3A_36], %get3A_293 : memref<256xf32, #tpu.memory_space<vmem>>[vector<16xi32>], vector<16xf32>,
        %scatter3A_334 = tpu.memref_slice %arg8[%mul3A_228] : memref<28672xf32, #tpu.memory_space<vmem>> -> memref<256xf32, #tpu.memory_space<vmem>>
        tpu.vector_store_idx %scatter3A_334[%add3A_39], %get3A_299 : memref<256xf32, #tpu.memory_space<vmem>>[vector<16xi32>], vector<16xf32>,
        %scatter3A_335 = tpu.memref_slice %arg8[%mul3A_228] : memref<28672xf32, #tpu.memory_space<vmem>> -> memref<256xf32, #tpu.memory_space<vmem>>
        tpu.vector_store_idx %scatter3A_335[%add3A_42], %get3A_305 : memref<256xf32, #tpu.memory_space<vmem>>[vector<16xi32>], vector<16xf32>,
        %scatter3A_336 = tpu.memref_slice %arg8[%mul3A_228] : memref<28672xf32, #tpu.memory_space<vmem>> -> memref<256xf32, #tpu.memory_space<vmem>>
        tpu.vector_store_idx %scatter3A_336[%add3A_45], %get3A_311 : memref<256xf32, #tpu.memory_space<vmem>>[vector<16xi32>], vector<16xf32>,
        %scatter3A_337 = tpu.memref_slice %arg8[%mul3A_228] : memref<28672xf32, #tpu.memory_space<vmem>> -> memref<256xf32, #tpu.memory_space<vmem>>
        tpu.vector_store_idx %scatter3A_337[%add3A_48], %get3A_317 : memref<256xf32, #tpu.memory_space<vmem>>[vector<16xi32>], vector<16xf32>,
        %scatter3A_338 = tpu.memref_slice %arg8[%mul3A_228] : memref<28672xf32, #tpu.memory_space<vmem>> -> memref<256xf32, #tpu.memory_space<vmem>>
        tpu.vector_store_idx %scatter3A_338[%add3A_51], %get3A_323 : memref<256xf32, #tpu.memory_space<vmem>>[vector<16xi32>], vector<16xf32>,
        %scan3A_339 = arith.constant 0 : i32
        scf.yield %scan3A_339 : i32
      }
      %scan3A_212 = arith.constant 112 : i32
      %sub3A = arith.constant 32 : i32
      %sub3A_213 = arith.subi %add3A_146, %sub3A : i32
      %mul3A_214 = arith.constant 1792 : i32
      %mul3A_215 = arith.muli %sub3A_213, %mul3A_214 : i32
      %mul3A_216 = arith.constant 16 : i32
      %mul3A_217 = arith.muli %mul3A_215, %mul3A_216 : i32
      %dma_wait3A_218 = tpu.memref_slice %arg4[%mul3A_217] : memref<16000000xf32, #tpu.memory_space<hbm>> -> memref<28672xf32, #tpu.memory_space<hbm>>
      %dma_wait3A_219 = tpu.memref_slice %arg4[%mul3A_217] : memref<16000000xf32, #tpu.memory_space<hbm>> -> memref<28672xf32, #tpu.memory_space<hbm>>
      tpu.wait_dma2 semaphore(%arg11 : memref<!tpu.dma_semaphore, #tpu.memory_space<semaphore_mem>>) src(%arg7 : memref<28672xf32, #tpu.memory_space<vmem>>) dst(%dma_wait3A_219 : memref<28672xf32, #tpu.memory_space<hbm>>)
      %mul3A_220 = arith.constant 1792 : i32
      %mul3A_221 = arith.muli %add3A_146, %mul3A_220 : i32
      %mul3A_222 = arith.constant 16 : i32
      %mul3A_223 = arith.muli %mul3A_221, %mul3A_222 : i32
      %dma_start3A = tpu.memref_slice %arg4[%mul3A_223] : memref<16000000xf32, #tpu.memory_space<hbm>> -> memref<28672xf32, #tpu.memory_space<hbm>>
      %dma_start3A_224 = tpu.memref_slice %arg4[%mul3A_223] : memref<16000000xf32, #tpu.memory_space<hbm>> -> memref<28672xf32, #tpu.memory_space<hbm>>
      tpu.enqueue_dma source(%arg8 : memref<28672xf32, #tpu.memory_space<vmem>>) target(%dma_start3A_224 : memref<28672xf32, #tpu.memory_space<hbm>>) target_semaphore(%arg11 : memref<!tpu.dma_semaphore, #tpu.memory_space<semaphore_mem>>)
    } else {
    }
    %add3A_152 = arith.constant 448 : i32
    %add3A_153 = arith.addi %add3A, %add3A_152 : i32
    %lt3A_154 = arith.constant 558 : i32
    %lt3A_155 = arith.cmpi slt, %add3A_153, %lt3A_154 : i32
    %convert_element_type3A_156 = arith.extui %lt3A_155 : i1 to i32
    %cond3A_157 = arith.constant 0 : i32
    %cond3A_158 = arith.cmpi ne, %convert_element_type3A_156, %cond3A_157 : i32
    scf.if %cond3A_158 {
      %mul3A_195 = arith.constant 1792 : i32
      %mul3A_196 = arith.muli %add3A_153, %mul3A_195 : i32
      %dma_wait3A = arith.constant 0 : i32
      %dma_wait3A_197 = tpu.memref_slice %arg2[%dma_wait3A, %mul3A_196] : memref<16x1000000xf32, #tpu.memory_space<hbm>> -> memref<16x1792xf32, #tpu.memory_space<hbm>>
      %dma_wait3A_198 = arith.constant 0 : i32
      %dma_wait3A_199 = tpu.memref_slice %arg2[%dma_wait3A_198, %mul3A_196] : memref<16x1000000xf32, #tpu.memory_space<hbm>> -> memref<16x1792xf32, #tpu.memory_space<hbm>>
      tpu.wait_dma2 semaphore(%arg9 : memref<!tpu.dma_semaphore, #tpu.memory_space<semaphore_mem>>) src(%dma_wait3A_199 : memref<16x1792xf32, #tpu.memory_space<hbm>>) dst(%arg5 : memref<16x1792xf32, #tpu.memory_space<vmem>>)
      %add3A_200 = arith.constant 32 : i32
      %add3A_201 = arith.addi %add3A_153, %add3A_200 : i32
      %lt3A_202 = arith.constant 558 : i32
      %lt3A_203 = arith.cmpi slt, %add3A_201, %lt3A_202 : i32
      %convert_element_type3A_204 = arith.extui %lt3A_203 : i1 to i32
      %cond3A_205 = arith.constant 0 : i32
      %cond3A_206 = arith.cmpi ne, %convert_element_type3A_204, %cond3A_205 : i32
      scf.if %cond3A_206 {
        %add3A_225 = arith.constant 32 : i32
        %add3A_226 = arith.addi %add3A_153, %add3A_225 : i32
        %mul3A_227 = arith.constant 1792 : i32
        %mul3A_228 = arith.muli %add3A_226, %mul3A_227 : i32
        %dma_start3A_229 = arith.constant 0 : i32
        %dma_start3A_230 = tpu.memref_slice %arg2[%dma_start3A_229, %mul3A_228] : memref<16x1000000xf32, #tpu.memory_space<hbm>> -> memref<16x1792xf32, #tpu.memory_space<hbm>>
        %dma_start3A_231 = arith.constant 0 : i32
        %dma_start3A_232 = tpu.memref_slice %arg2[%dma_start3A_231, %mul3A_228] : memref<16x1000000xf32, #tpu.memory_space<hbm>> -> memref<16x1792xf32, #tpu.memory_space<hbm>>
        tpu.enqueue_dma source(%dma_start3A_232 : memref<16x1792xf32, #tpu.memory_space<hbm>>) target(%arg6 : memref<16x1792xf32, #tpu.memory_space<vmem>>) target_semaphore(%arg10 : memref<!tpu.dma_semaphore, #tpu.memory_space<semaphore_mem>>)
      } else {
      }
      %scan3A = arith.constant 0 : i32
      %scan3A_207 = arith.constant 0 : i32
      %scan3A_208 = arith.constant 112 : i32
      %scan3A_209 = arith.addi %scan3A_207, %scan3A_208 : i32
      %scan3A_210 = arith.constant 1 : i32
      %scan3A_211 = scf.for %scan3A_225 = %scan3A_207 to %scan3A_209 step %scan3A_210 iter_args(%scan3A_226 = %scan3A) -> (i32)  : i32 {
        %mul3A_227 = arith.constant 256 : i32
        %mul3A_228 = arith.muli %scan3A_225, %mul3A_227 : i32
        %mul3A_229 = arith.constant 16 : i32
        %mul3A_230 = arith.muli %scan3A_225, %mul3A_229 : i32
        %get3A = arith.constant 0 : i32
        %get3A_231 = arith.index_cast %get3A : i32 to index
        %get3A_232 = arith.index_cast %mul3A_230 : i32 to index
        %get3A_233 = tpu.vector_load %arg5[%get3A_231, %get3A_232] {strides = array<i32>} : memref<16x1792xf32, #tpu.memory_space<vmem>>, vector<16xf32>,
        %mul3A_234 = arith.constant 16 : i32
        %mul3A_235 = arith.muli %scan3A_225, %mul3A_234 : i32
        %get3A_236 = arith.constant 1 : i32
        %get3A_237 = arith.index_cast %get3A_236 : i32 to index
        %get3A_238 = arith.index_cast %mul3A_235 : i32 to index
        %get3A_239 = tpu.vector_load %arg5[%get3A_237, %get3A_238] {strides = array<i32>} : memref<16x1792xf32, #tpu.memory_space<vmem>>, vector<16xf32>,
        %mul3A_240 = arith.constant 16 : i32
        %mul3A_241 = arith.muli %scan3A_225, %mul3A_240 : i32
        %get3A_242 = arith.constant 2 : i32
        %get3A_243 = arith.index_cast %get3A_242 : i32 to index
        %get3A_244 = arith.index_cast %mul3A_241 : i32 to index
        %get3A_245 = tpu.vector_load %arg5[%get3A_243, %get3A_244] {strides = array<i32>} : memref<16x1792xf32, #tpu.memory_space<vmem>>, vector<16xf32>,
        %mul3A_246 = arith.constant 16 : i32
        %mul3A_247 = arith.muli %scan3A_225, %mul3A_246 : i32
        %get3A_248 = arith.constant 3 : i32
        %get3A_249 = arith.index_cast %get3A_248 : i32 to index
        %get3A_250 = arith.index_cast %mul3A_247 : i32 to index
        %get3A_251 = tpu.vector_load %arg5[%get3A_249, %get3A_250] {strides = array<i32>} : memref<16x1792xf32, #tpu.memory_space<vmem>>, vector<16xf32>,
        %mul3A_252 = arith.constant 16 : i32
        %mul3A_253 = arith.muli %scan3A_225, %mul3A_252 : i32
        %get3A_254 = arith.constant 4 : i32
        %get3A_255 = arith.index_cast %get3A_254 : i32 to index
        %get3A_256 = arith.index_cast %mul3A_253 : i32 to index
        %get3A_257 = tpu.vector_load %arg5[%get3A_255, %get3A_256] {strides = array<i32>} : memref<16x1792xf32, #tpu.memory_space<vmem>>, vector<16xf32>,
        %mul3A_258 = arith.constant 16 : i32
        %mul3A_259 = arith.muli %scan3A_225, %mul3A_258 : i32
        %get3A_260 = arith.constant 5 : i32
        %get3A_261 = arith.index_cast %get3A_260 : i32 to index
        %get3A_262 = arith.index_cast %mul3A_259 : i32 to index
        %get3A_263 = tpu.vector_load %arg5[%get3A_261, %get3A_262] {strides = array<i32>} : memref<16x1792xf32, #tpu.memory_space<vmem>>, vector<16xf32>,
        %mul3A_264 = arith.constant 16 : i32
        %mul3A_265 = arith.muli %scan3A_225, %mul3A_264 : i32
        %get3A_266 = arith.constant 6 : i32
        %get3A_267 = arith.index_cast %get3A_266 : i32 to index
        %get3A_268 = arith.index_cast %mul3A_265 : i32 to index
        %get3A_269 = tpu.vector_load %arg5[%get3A_267, %get3A_268] {strides = array<i32>} : memref<16x1792xf32, #tpu.memory_space<vmem>>, vector<16xf32>,
        %mul3A_270 = arith.constant 16 : i32
        %mul3A_271 = arith.muli %scan3A_225, %mul3A_270 : i32
        %get3A_272 = arith.constant 7 : i32
        %get3A_273 = arith.index_cast %get3A_272 : i32 to index
        %get3A_274 = arith.index_cast %mul3A_271 : i32 to index
        %get3A_275 = tpu.vector_load %arg5[%get3A_273, %get3A_274] {strides = array<i32>} : memref<16x1792xf32, #tpu.memory_space<vmem>>, vector<16xf32>,
        %mul3A_276 = arith.constant 16 : i32
        %mul3A_277 = arith.muli %scan3A_225, %mul3A_276 : i32
        %get3A_278 = arith.constant 8 : i32
        %get3A_279 = arith.index_cast %get3A_278 : i32 to index
        %get3A_280 = arith.index_cast %mul3A_277 : i32 to index
        %get3A_281 = tpu.vector_load %arg5[%get3A_279, %get3A_280] {strides = array<i32>} : memref<16x1792xf32, #tpu.memory_space<vmem>>, vector<16xf32>,
        %mul3A_282 = arith.constant 16 : i32
        %mul3A_283 = arith.muli %scan3A_225, %mul3A_282 : i32
        %get3A_284 = arith.constant 9 : i32
        %get3A_285 = arith.index_cast %get3A_284 : i32 to index
        %get3A_286 = arith.index_cast %mul3A_283 : i32 to index
        %get3A_287 = tpu.vector_load %arg5[%get3A_285, %get3A_286] {strides = array<i32>} : memref<16x1792xf32, #tpu.memory_space<vmem>>, vector<16xf32>,
        %mul3A_288 = arith.constant 16 : i32
        %mul3A_289 = arith.muli %scan3A_225, %mul3A_288 : i32
        %get3A_290 = arith.constant 10 : i32
        %get3A_291 = arith.index_cast %get3A_290 : i32 to index
        %get3A_292 = arith.index_cast %mul3A_289 : i32 to index
        %get3A_293 = tpu.vector_load %arg5[%get3A_291, %get3A_292] {strides = array<i32>} : memref<16x1792xf32, #tpu.memory_space<vmem>>, vector<16xf32>,
        %mul3A_294 = arith.constant 16 : i32
        %mul3A_295 = arith.muli %scan3A_225, %mul3A_294 : i32
        %get3A_296 = arith.constant 11 : i32
        %get3A_297 = arith.index_cast %get3A_296 : i32 to index
        %get3A_298 = arith.index_cast %mul3A_295 : i32 to index
        %get3A_299 = tpu.vector_load %arg5[%get3A_297, %get3A_298] {strides = array<i32>} : memref<16x1792xf32, #tpu.memory_space<vmem>>, vector<16xf32>,
        %mul3A_300 = arith.constant 16 : i32
        %mul3A_301 = arith.muli %scan3A_225, %mul3A_300 : i32
        %get3A_302 = arith.constant 12 : i32
        %get3A_303 = arith.index_cast %get3A_302 : i32 to index
        %get3A_304 = arith.index_cast %mul3A_301 : i32 to index
        %get3A_305 = tpu.vector_load %arg5[%get3A_303, %get3A_304] {strides = array<i32>} : memref<16x1792xf32, #tpu.memory_space<vmem>>, vector<16xf32>,
        %mul3A_306 = arith.constant 16 : i32
        %mul3A_307 = arith.muli %scan3A_225, %mul3A_306 : i32
        %get3A_308 = arith.constant 13 : i32
        %get3A_309 = arith.index_cast %get3A_308 : i32 to index
        %get3A_310 = arith.index_cast %mul3A_307 : i32 to index
        %get3A_311 = tpu.vector_load %arg5[%get3A_309, %get3A_310] {strides = array<i32>} : memref<16x1792xf32, #tpu.memory_space<vmem>>, vector<16xf32>,
        %mul3A_312 = arith.constant 16 : i32
        %mul3A_313 = arith.muli %scan3A_225, %mul3A_312 : i32
        %get3A_314 = arith.constant 14 : i32
        %get3A_315 = arith.index_cast %get3A_314 : i32 to index
        %get3A_316 = arith.index_cast %mul3A_313 : i32 to index
        %get3A_317 = tpu.vector_load %arg5[%get3A_315, %get3A_316] {strides = array<i32>} : memref<16x1792xf32, #tpu.memory_space<vmem>>, vector<16xf32>,
        %mul3A_318 = arith.constant 16 : i32
        %mul3A_319 = arith.muli %scan3A_225, %mul3A_318 : i32
        %get3A_320 = arith.constant 15 : i32
        %get3A_321 = arith.index_cast %get3A_320 : i32 to index
        %get3A_322 = arith.index_cast %mul3A_319 : i32 to index
        %get3A_323 = tpu.vector_load %arg5[%get3A_321, %get3A_322] {strides = array<i32>} : memref<16x1792xf32, #tpu.memory_space<vmem>>, vector<16xf32>,
        %scatter3A = tpu.memref_slice %arg7[%mul3A_228] : memref<28672xf32, #tpu.memory_space<vmem>> -> memref<256xf32, #tpu.memory_space<vmem>>
        tpu.vector_store_idx %scatter3A[%add3A_6], %get3A_233 : memref<256xf32, #tpu.memory_space<vmem>>[vector<16xi32>], vector<16xf32>,
        %scatter3A_324 = tpu.memref_slice %arg7[%mul3A_228] : memref<28672xf32, #tpu.memory_space<vmem>> -> memref<256xf32, #tpu.memory_space<vmem>>
        tpu.vector_store_idx %scatter3A_324[%add3A_9], %get3A_239 : memref<256xf32, #tpu.memory_space<vmem>>[vector<16xi32>], vector<16xf32>,
        %scatter3A_325 = tpu.memref_slice %arg7[%mul3A_228] : memref<28672xf32, #tpu.memory_space<vmem>> -> memref<256xf32, #tpu.memory_space<vmem>>
        tpu.vector_store_idx %scatter3A_325[%add3A_12], %get3A_245 : memref<256xf32, #tpu.memory_space<vmem>>[vector<16xi32>], vector<16xf32>,
        %scatter3A_326 = tpu.memref_slice %arg7[%mul3A_228] : memref<28672xf32, #tpu.memory_space<vmem>> -> memref<256xf32, #tpu.memory_space<vmem>>
        tpu.vector_store_idx %scatter3A_326[%add3A_15], %get3A_251 : memref<256xf32, #tpu.memory_space<vmem>>[vector<16xi32>], vector<16xf32>,
        %scatter3A_327 = tpu.memref_slice %arg7[%mul3A_228] : memref<28672xf32, #tpu.memory_space<vmem>> -> memref<256xf32, #tpu.memory_space<vmem>>
        tpu.vector_store_idx %scatter3A_327[%add3A_18], %get3A_257 : memref<256xf32, #tpu.memory_space<vmem>>[vector<16xi32>], vector<16xf32>,
        %scatter3A_328 = tpu.memref_slice %arg7[%mul3A_228] : memref<28672xf32, #tpu.memory_space<vmem>> -> memref<256xf32, #tpu.memory_space<vmem>>
        tpu.vector_store_idx %scatter3A_328[%add3A_21], %get3A_263 : memref<256xf32, #tpu.memory_space<vmem>>[vector<16xi32>], vector<16xf32>,
        %scatter3A_329 = tpu.memref_slice %arg7[%mul3A_228] : memref<28672xf32, #tpu.memory_space<vmem>> -> memref<256xf32, #tpu.memory_space<vmem>>
        tpu.vector_store_idx %scatter3A_329[%add3A_24], %get3A_269 : memref<256xf32, #tpu.memory_space<vmem>>[vector<16xi32>], vector<16xf32>,
        %scatter3A_330 = tpu.memref_slice %arg7[%mul3A_228] : memref<28672xf32, #tpu.memory_space<vmem>> -> memref<256xf32, #tpu.memory_space<vmem>>
        tpu.vector_store_idx %scatter3A_330[%add3A_27], %get3A_275 : memref<256xf32, #tpu.memory_space<vmem>>[vector<16xi32>], vector<16xf32>,
        %scatter3A_331 = tpu.memref_slice %arg7[%mul3A_228] : memref<28672xf32, #tpu.memory_space<vmem>> -> memref<256xf32, #tpu.memory_space<vmem>>
        tpu.vector_store_idx %scatter3A_331[%add3A_30], %get3A_281 : memref<256xf32, #tpu.memory_space<vmem>>[vector<16xi32>], vector<16xf32>,
        %scatter3A_332 = tpu.memref_slice %arg7[%mul3A_228] : memref<28672xf32, #tpu.memory_space<vmem>> -> memref<256xf32, #tpu.memory_space<vmem>>
        tpu.vector_store_idx %scatter3A_332[%add3A_33], %get3A_287 : memref<256xf32, #tpu.memory_space<vmem>>[vector<16xi32>], vector<16xf32>,
        %scatter3A_333 = tpu.memref_slice %arg7[%mul3A_228] : memref<28672xf32, #tpu.memory_space<vmem>> -> memref<256xf32, #tpu.memory_space<vmem>>
        tpu.vector_store_idx %scatter3A_333[%add3A_36], %get3A_293 : memref<256xf32, #tpu.memory_space<vmem>>[vector<16xi32>], vector<16xf32>,
        %scatter3A_334 = tpu.memref_slice %arg7[%mul3A_228] : memref<28672xf32, #tpu.memory_space<vmem>> -> memref<256xf32, #tpu.memory_space<vmem>>
        tpu.vector_store_idx %scatter3A_334[%add3A_39], %get3A_299 : memref<256xf32, #tpu.memory_space<vmem>>[vector<16xi32>], vector<16xf32>,
        %scatter3A_335 = tpu.memref_slice %arg7[%mul3A_228] : memref<28672xf32, #tpu.memory_space<vmem>> -> memref<256xf32, #tpu.memory_space<vmem>>
        tpu.vector_store_idx %scatter3A_335[%add3A_42], %get3A_305 : memref<256xf32, #tpu.memory_space<vmem>>[vector<16xi32>], vector<16xf32>,
        %scatter3A_336 = tpu.memref_slice %arg7[%mul3A_228] : memref<28672xf32, #tpu.memory_space<vmem>> -> memref<256xf32, #tpu.memory_space<vmem>>
        tpu.vector_store_idx %scatter3A_336[%add3A_45], %get3A_311 : memref<256xf32, #tpu.memory_space<vmem>>[vector<16xi32>], vector<16xf32>,
        %scatter3A_337 = tpu.memref_slice %arg7[%mul3A_228] : memref<28672xf32, #tpu.memory_space<vmem>> -> memref<256xf32, #tpu.memory_space<vmem>>
        tpu.vector_store_idx %scatter3A_337[%add3A_48], %get3A_317 : memref<256xf32, #tpu.memory_space<vmem>>[vector<16xi32>], vector<16xf32>,
        %scatter3A_338 = tpu.memref_slice %arg7[%mul3A_228] : memref<28672xf32, #tpu.memory_space<vmem>> -> memref<256xf32, #tpu.memory_space<vmem>>
        tpu.vector_store_idx %scatter3A_338[%add3A_51], %get3A_323 : memref<256xf32, #tpu.memory_space<vmem>>[vector<16xi32>], vector<16xf32>,
        %scan3A_339 = arith.constant 0 : i32
        scf.yield %scan3A_339 : i32
      }
      %scan3A_212 = arith.constant 112 : i32
      %sub3A = arith.constant 32 : i32
      %sub3A_213 = arith.subi %add3A_153, %sub3A : i32
      %mul3A_214 = arith.constant 1792 : i32
      %mul3A_215 = arith.muli %sub3A_213, %mul3A_214 : i32
      %mul3A_216 = arith.constant 16 : i32
      %mul3A_217 = arith.muli %mul3A_215, %mul3A_216 : i32
      %dma_wait3A_218 = tpu.memref_slice %arg4[%mul3A_217] : memref<16000000xf32, #tpu.memory_space<hbm>> -> memref<28672xf32, #tpu.memory_space<hbm>>
      %dma_wait3A_219 = tpu.memref_slice %arg4[%mul3A_217] : memref<16000000xf32, #tpu.memory_space<hbm>> -> memref<28672xf32, #tpu.memory_space<hbm>>
      tpu.wait_dma2 semaphore(%arg11 : memref<!tpu.dma_semaphore, #tpu.memory_space<semaphore_mem>>) src(%arg8 : memref<28672xf32, #tpu.memory_space<vmem>>) dst(%dma_wait3A_219 : memref<28672xf32, #tpu.memory_space<hbm>>)
      %mul3A_220 = arith.constant 1792 : i32
      %mul3A_221 = arith.muli %add3A_153, %mul3A_220 : i32
      %mul3A_222 = arith.constant 16 : i32
      %mul3A_223 = arith.muli %mul3A_221, %mul3A_222 : i32
      %dma_start3A = tpu.memref_slice %arg4[%mul3A_223] : memref<16000000xf32, #tpu.memory_space<hbm>> -> memref<28672xf32, #tpu.memory_space<hbm>>
      %dma_start3A_224 = tpu.memref_slice %arg4[%mul3A_223] : memref<16000000xf32, #tpu.memory_space<hbm>> -> memref<28672xf32, #tpu.memory_space<hbm>>
      tpu.enqueue_dma source(%arg7 : memref<28672xf32, #tpu.memory_space<vmem>>) target(%dma_start3A_224 : memref<28672xf32, #tpu.memory_space<hbm>>) target_semaphore(%arg11 : memref<!tpu.dma_semaphore, #tpu.memory_space<semaphore_mem>>)
    } else {
    }
    %add3A_159 = arith.constant 480 : i32
    %add3A_160 = arith.addi %add3A, %add3A_159 : i32
    %lt3A_161 = arith.constant 558 : i32
    %lt3A_162 = arith.cmpi slt, %add3A_160, %lt3A_161 : i32
    %convert_element_type3A_163 = arith.extui %lt3A_162 : i1 to i32
    %cond3A_164 = arith.constant 0 : i32
    %cond3A_165 = arith.cmpi ne, %convert_element_type3A_163, %cond3A_164 : i32
    scf.if %cond3A_165 {
      %mul3A_195 = arith.constant 1792 : i32
      %mul3A_196 = arith.muli %add3A_160, %mul3A_195 : i32
      %dma_wait3A = arith.constant 0 : i32
      %dma_wait3A_197 = tpu.memref_slice %arg2[%dma_wait3A, %mul3A_196] : memref<16x1000000xf32, #tpu.memory_space<hbm>> -> memref<16x1792xf32, #tpu.memory_space<hbm>>
      %dma_wait3A_198 = arith.constant 0 : i32
      %dma_wait3A_199 = tpu.memref_slice %arg2[%dma_wait3A_198, %mul3A_196] : memref<16x1000000xf32, #tpu.memory_space<hbm>> -> memref<16x1792xf32, #tpu.memory_space<hbm>>
      tpu.wait_dma2 semaphore(%arg10 : memref<!tpu.dma_semaphore, #tpu.memory_space<semaphore_mem>>) src(%dma_wait3A_199 : memref<16x1792xf32, #tpu.memory_space<hbm>>) dst(%arg6 : memref<16x1792xf32, #tpu.memory_space<vmem>>)
      %add3A_200 = arith.constant 32 : i32
      %add3A_201 = arith.addi %add3A_160, %add3A_200 : i32
      %lt3A_202 = arith.constant 558 : i32
      %lt3A_203 = arith.cmpi slt, %add3A_201, %lt3A_202 : i32
      %convert_element_type3A_204 = arith.extui %lt3A_203 : i1 to i32
      %cond3A_205 = arith.constant 0 : i32
      %cond3A_206 = arith.cmpi ne, %convert_element_type3A_204, %cond3A_205 : i32
      scf.if %cond3A_206 {
        %add3A_225 = arith.constant 32 : i32
        %add3A_226 = arith.addi %add3A_160, %add3A_225 : i32
        %mul3A_227 = arith.constant 1792 : i32
        %mul3A_228 = arith.muli %add3A_226, %mul3A_227 : i32
        %dma_start3A_229 = arith.constant 0 : i32
        %dma_start3A_230 = tpu.memref_slice %arg2[%dma_start3A_229, %mul3A_228] : memref<16x1000000xf32, #tpu.memory_space<hbm>> -> memref<16x1792xf32, #tpu.memory_space<hbm>>
        %dma_start3A_231 = arith.constant 0 : i32
        %dma_start3A_232 = tpu.memref_slice %arg2[%dma_start3A_231, %mul3A_228] : memref<16x1000000xf32, #tpu.memory_space<hbm>> -> memref<16x1792xf32, #tpu.memory_space<hbm>>
        tpu.enqueue_dma source(%dma_start3A_232 : memref<16x1792xf32, #tpu.memory_space<hbm>>) target(%arg5 : memref<16x1792xf32, #tpu.memory_space<vmem>>) target_semaphore(%arg9 : memref<!tpu.dma_semaphore, #tpu.memory_space<semaphore_mem>>)
      } else {
      }
      %scan3A = arith.constant 0 : i32
      %scan3A_207 = arith.constant 0 : i32
      %scan3A_208 = arith.constant 112 : i32
      %scan3A_209 = arith.addi %scan3A_207, %scan3A_208 : i32
      %scan3A_210 = arith.constant 1 : i32
      %scan3A_211 = scf.for %scan3A_225 = %scan3A_207 to %scan3A_209 step %scan3A_210 iter_args(%scan3A_226 = %scan3A) -> (i32)  : i32 {
        %mul3A_227 = arith.constant 256 : i32
        %mul3A_228 = arith.muli %scan3A_225, %mul3A_227 : i32
        %mul3A_229 = arith.constant 16 : i32
        %mul3A_230 = arith.muli %scan3A_225, %mul3A_229 : i32
        %get3A = arith.constant 0 : i32
        %get3A_231 = arith.index_cast %get3A : i32 to index
        %get3A_232 = arith.index_cast %mul3A_230 : i32 to index
        %get3A_233 = tpu.vector_load %arg6[%get3A_231, %get3A_232] {strides = array<i32>} : memref<16x1792xf32, #tpu.memory_space<vmem>>, vector<16xf32>,
        %mul3A_234 = arith.constant 16 : i32
        %mul3A_235 = arith.muli %scan3A_225, %mul3A_234 : i32
        %get3A_236 = arith.constant 1 : i32
        %get3A_237 = arith.index_cast %get3A_236 : i32 to index
        %get3A_238 = arith.index_cast %mul3A_235 : i32 to index
        %get3A_239 = tpu.vector_load %arg6[%get3A_237, %get3A_238] {strides = array<i32>} : memref<16x1792xf32, #tpu.memory_space<vmem>>, vector<16xf32>,
        %mul3A_240 = arith.constant 16 : i32
        %mul3A_241 = arith.muli %scan3A_225, %mul3A_240 : i32
        %get3A_242 = arith.constant 2 : i32
        %get3A_243 = arith.index_cast %get3A_242 : i32 to index
        %get3A_244 = arith.index_cast %mul3A_241 : i32 to index
        %get3A_245 = tpu.vector_load %arg6[%get3A_243, %get3A_244] {strides = array<i32>} : memref<16x1792xf32, #tpu.memory_space<vmem>>, vector<16xf32>,
        %mul3A_246 = arith.constant 16 : i32
        %mul3A_247 = arith.muli %scan3A_225, %mul3A_246 : i32
        %get3A_248 = arith.constant 3 : i32
        %get3A_249 = arith.index_cast %get3A_248 : i32 to index
        %get3A_250 = arith.index_cast %mul3A_247 : i32 to index
        %get3A_251 = tpu.vector_load %arg6[%get3A_249, %get3A_250] {strides = array<i32>} : memref<16x1792xf32, #tpu.memory_space<vmem>>, vector<16xf32>,
        %mul3A_252 = arith.constant 16 : i32
        %mul3A_253 = arith.muli %scan3A_225, %mul3A_252 : i32
        %get3A_254 = arith.constant 4 : i32
        %get3A_255 = arith.index_cast %get3A_254 : i32 to index
        %get3A_256 = arith.index_cast %mul3A_253 : i32 to index
        %get3A_257 = tpu.vector_load %arg6[%get3A_255, %get3A_256] {strides = array<i32>} : memref<16x1792xf32, #tpu.memory_space<vmem>>, vector<16xf32>,
        %mul3A_258 = arith.constant 16 : i32
        %mul3A_259 = arith.muli %scan3A_225, %mul3A_258 : i32
        %get3A_260 = arith.constant 5 : i32
        %get3A_261 = arith.index_cast %get3A_260 : i32 to index
        %get3A_262 = arith.index_cast %mul3A_259 : i32 to index
        %get3A_263 = tpu.vector_load %arg6[%get3A_261, %get3A_262] {strides = array<i32>} : memref<16x1792xf32, #tpu.memory_space<vmem>>, vector<16xf32>,
        %mul3A_264 = arith.constant 16 : i32
        %mul3A_265 = arith.muli %scan3A_225, %mul3A_264 : i32
        %get3A_266 = arith.constant 6 : i32
        %get3A_267 = arith.index_cast %get3A_266 : i32 to index
        %get3A_268 = arith.index_cast %mul3A_265 : i32 to index
        %get3A_269 = tpu.vector_load %arg6[%get3A_267, %get3A_268] {strides = array<i32>} : memref<16x1792xf32, #tpu.memory_space<vmem>>, vector<16xf32>,
        %mul3A_270 = arith.constant 16 : i32
        %mul3A_271 = arith.muli %scan3A_225, %mul3A_270 : i32
        %get3A_272 = arith.constant 7 : i32
        %get3A_273 = arith.index_cast %get3A_272 : i32 to index
        %get3A_274 = arith.index_cast %mul3A_271 : i32 to index
        %get3A_275 = tpu.vector_load %arg6[%get3A_273, %get3A_274] {strides = array<i32>} : memref<16x1792xf32, #tpu.memory_space<vmem>>, vector<16xf32>,
        %mul3A_276 = arith.constant 16 : i32
        %mul3A_277 = arith.muli %scan3A_225, %mul3A_276 : i32
        %get3A_278 = arith.constant 8 : i32
        %get3A_279 = arith.index_cast %get3A_278 : i32 to index
        %get3A_280 = arith.index_cast %mul3A_277 : i32 to index
        %get3A_281 = tpu.vector_load %arg6[%get3A_279, %get3A_280] {strides = array<i32>} : memref<16x1792xf32, #tpu.memory_space<vmem>>, vector<16xf32>,
        %mul3A_282 = arith.constant 16 : i32
        %mul3A_283 = arith.muli %scan3A_225, %mul3A_282 : i32
        %get3A_284 = arith.constant 9 : i32
        %get3A_285 = arith.index_cast %get3A_284 : i32 to index
        %get3A_286 = arith.index_cast %mul3A_283 : i32 to index
        %get3A_287 = tpu.vector_load %arg6[%get3A_285, %get3A_286] {strides = array<i32>} : memref<16x1792xf32, #tpu.memory_space<vmem>>, vector<16xf32>,
        %mul3A_288 = arith.constant 16 : i32
        %mul3A_289 = arith.muli %scan3A_225, %mul3A_288 : i32
        %get3A_290 = arith.constant 10 : i32
        %get3A_291 = arith.index_cast %get3A_290 : i32 to index
        %get3A_292 = arith.index_cast %mul3A_289 : i32 to index
        %get3A_293 = tpu.vector_load %arg6[%get3A_291, %get3A_292] {strides = array<i32>} : memref<16x1792xf32, #tpu.memory_space<vmem>>, vector<16xf32>,
        %mul3A_294 = arith.constant 16 : i32
        %mul3A_295 = arith.muli %scan3A_225, %mul3A_294 : i32
        %get3A_296 = arith.constant 11 : i32
        %get3A_297 = arith.index_cast %get3A_296 : i32 to index
        %get3A_298 = arith.index_cast %mul3A_295 : i32 to index
        %get3A_299 = tpu.vector_load %arg6[%get3A_297, %get3A_298] {strides = array<i32>} : memref<16x1792xf32, #tpu.memory_space<vmem>>, vector<16xf32>,
        %mul3A_300 = arith.constant 16 : i32
        %mul3A_301 = arith.muli %scan3A_225, %mul3A_300 : i32
        %get3A_302 = arith.constant 12 : i32
        %get3A_303 = arith.index_cast %get3A_302 : i32 to index
        %get3A_304 = arith.index_cast %mul3A_301 : i32 to index
        %get3A_305 = tpu.vector_load %arg6[%get3A_303, %get3A_304] {strides = array<i32>} : memref<16x1792xf32, #tpu.memory_space<vmem>>, vector<16xf32>,
        %mul3A_306 = arith.constant 16 : i32
        %mul3A_307 = arith.muli %scan3A_225, %mul3A_306 : i32
        %get3A_308 = arith.constant 13 : i32
        %get3A_309 = arith.index_cast %get3A_308 : i32 to index
        %get3A_310 = arith.index_cast %mul3A_307 : i32 to index
        %get3A_311 = tpu.vector_load %arg6[%get3A_309, %get3A_310] {strides = array<i32>} : memref<16x1792xf32, #tpu.memory_space<vmem>>, vector<16xf32>,
        %mul3A_312 = arith.constant 16 : i32
        %mul3A_313 = arith.muli %scan3A_225, %mul3A_312 : i32
        %get3A_314 = arith.constant 14 : i32
        %get3A_315 = arith.index_cast %get3A_314 : i32 to index
        %get3A_316 = arith.index_cast %mul3A_313 : i32 to index
        %get3A_317 = tpu.vector_load %arg6[%get3A_315, %get3A_316] {strides = array<i32>} : memref<16x1792xf32, #tpu.memory_space<vmem>>, vector<16xf32>,
        %mul3A_318 = arith.constant 16 : i32
        %mul3A_319 = arith.muli %scan3A_225, %mul3A_318 : i32
        %get3A_320 = arith.constant 15 : i32
        %get3A_321 = arith.index_cast %get3A_320 : i32 to index
        %get3A_322 = arith.index_cast %mul3A_319 : i32 to index
        %get3A_323 = tpu.vector_load %arg6[%get3A_321, %get3A_322] {strides = array<i32>} : memref<16x1792xf32, #tpu.memory_space<vmem>>, vector<16xf32>,
        %scatter3A = tpu.memref_slice %arg8[%mul3A_228] : memref<28672xf32, #tpu.memory_space<vmem>> -> memref<256xf32, #tpu.memory_space<vmem>>
        tpu.vector_store_idx %scatter3A[%add3A_6], %get3A_233 : memref<256xf32, #tpu.memory_space<vmem>>[vector<16xi32>], vector<16xf32>,
        %scatter3A_324 = tpu.memref_slice %arg8[%mul3A_228] : memref<28672xf32, #tpu.memory_space<vmem>> -> memref<256xf32, #tpu.memory_space<vmem>>
        tpu.vector_store_idx %scatter3A_324[%add3A_9], %get3A_239 : memref<256xf32, #tpu.memory_space<vmem>>[vector<16xi32>], vector<16xf32>,
        %scatter3A_325 = tpu.memref_slice %arg8[%mul3A_228] : memref<28672xf32, #tpu.memory_space<vmem>> -> memref<256xf32, #tpu.memory_space<vmem>>
        tpu.vector_store_idx %scatter3A_325[%add3A_12], %get3A_245 : memref<256xf32, #tpu.memory_space<vmem>>[vector<16xi32>], vector<16xf32>,
        %scatter3A_326 = tpu.memref_slice %arg8[%mul3A_228] : memref<28672xf32, #tpu.memory_space<vmem>> -> memref<256xf32, #tpu.memory_space<vmem>>
        tpu.vector_store_idx %scatter3A_326[%add3A_15], %get3A_251 : memref<256xf32, #tpu.memory_space<vmem>>[vector<16xi32>], vector<16xf32>,
        %scatter3A_327 = tpu.memref_slice %arg8[%mul3A_228] : memref<28672xf32, #tpu.memory_space<vmem>> -> memref<256xf32, #tpu.memory_space<vmem>>
        tpu.vector_store_idx %scatter3A_327[%add3A_18], %get3A_257 : memref<256xf32, #tpu.memory_space<vmem>>[vector<16xi32>], vector<16xf32>,
        %scatter3A_328 = tpu.memref_slice %arg8[%mul3A_228] : memref<28672xf32, #tpu.memory_space<vmem>> -> memref<256xf32, #tpu.memory_space<vmem>>
        tpu.vector_store_idx %scatter3A_328[%add3A_21], %get3A_263 : memref<256xf32, #tpu.memory_space<vmem>>[vector<16xi32>], vector<16xf32>,
        %scatter3A_329 = tpu.memref_slice %arg8[%mul3A_228] : memref<28672xf32, #tpu.memory_space<vmem>> -> memref<256xf32, #tpu.memory_space<vmem>>
        tpu.vector_store_idx %scatter3A_329[%add3A_24], %get3A_269 : memref<256xf32, #tpu.memory_space<vmem>>[vector<16xi32>], vector<16xf32>,
        %scatter3A_330 = tpu.memref_slice %arg8[%mul3A_228] : memref<28672xf32, #tpu.memory_space<vmem>> -> memref<256xf32, #tpu.memory_space<vmem>>
        tpu.vector_store_idx %scatter3A_330[%add3A_27], %get3A_275 : memref<256xf32, #tpu.memory_space<vmem>>[vector<16xi32>], vector<16xf32>,
        %scatter3A_331 = tpu.memref_slice %arg8[%mul3A_228] : memref<28672xf32, #tpu.memory_space<vmem>> -> memref<256xf32, #tpu.memory_space<vmem>>
        tpu.vector_store_idx %scatter3A_331[%add3A_30], %get3A_281 : memref<256xf32, #tpu.memory_space<vmem>>[vector<16xi32>], vector<16xf32>,
        %scatter3A_332 = tpu.memref_slice %arg8[%mul3A_228] : memref<28672xf32, #tpu.memory_space<vmem>> -> memref<256xf32, #tpu.memory_space<vmem>>
        tpu.vector_store_idx %scatter3A_332[%add3A_33], %get3A_287 : memref<256xf32, #tpu.memory_space<vmem>>[vector<16xi32>], vector<16xf32>,
        %scatter3A_333 = tpu.memref_slice %arg8[%mul3A_228] : memref<28672xf32, #tpu.memory_space<vmem>> -> memref<256xf32, #tpu.memory_space<vmem>>
        tpu.vector_store_idx %scatter3A_333[%add3A_36], %get3A_293 : memref<256xf32, #tpu.memory_space<vmem>>[vector<16xi32>], vector<16xf32>,
        %scatter3A_334 = tpu.memref_slice %arg8[%mul3A_228] : memref<28672xf32, #tpu.memory_space<vmem>> -> memref<256xf32, #tpu.memory_space<vmem>>
        tpu.vector_store_idx %scatter3A_334[%add3A_39], %get3A_299 : memref<256xf32, #tpu.memory_space<vmem>>[vector<16xi32>], vector<16xf32>,
        %scatter3A_335 = tpu.memref_slice %arg8[%mul3A_228] : memref<28672xf32, #tpu.memory_space<vmem>> -> memref<256xf32, #tpu.memory_space<vmem>>
        tpu.vector_store_idx %scatter3A_335[%add3A_42], %get3A_305 : memref<256xf32, #tpu.memory_space<vmem>>[vector<16xi32>], vector<16xf32>,
        %scatter3A_336 = tpu.memref_slice %arg8[%mul3A_228] : memref<28672xf32, #tpu.memory_space<vmem>> -> memref<256xf32, #tpu.memory_space<vmem>>
        tpu.vector_store_idx %scatter3A_336[%add3A_45], %get3A_311 : memref<256xf32, #tpu.memory_space<vmem>>[vector<16xi32>], vector<16xf32>,
        %scatter3A_337 = tpu.memref_slice %arg8[%mul3A_228] : memref<28672xf32, #tpu.memory_space<vmem>> -> memref<256xf32, #tpu.memory_space<vmem>>
        tpu.vector_store_idx %scatter3A_337[%add3A_48], %get3A_317 : memref<256xf32, #tpu.memory_space<vmem>>[vector<16xi32>], vector<16xf32>,
        %scatter3A_338 = tpu.memref_slice %arg8[%mul3A_228] : memref<28672xf32, #tpu.memory_space<vmem>> -> memref<256xf32, #tpu.memory_space<vmem>>
        tpu.vector_store_idx %scatter3A_338[%add3A_51], %get3A_323 : memref<256xf32, #tpu.memory_space<vmem>>[vector<16xi32>], vector<16xf32>,
        %scan3A_339 = arith.constant 0 : i32
        scf.yield %scan3A_339 : i32
      }
      %scan3A_212 = arith.constant 112 : i32
      %sub3A = arith.constant 32 : i32
      %sub3A_213 = arith.subi %add3A_160, %sub3A : i32
      %mul3A_214 = arith.constant 1792 : i32
      %mul3A_215 = arith.muli %sub3A_213, %mul3A_214 : i32
      %mul3A_216 = arith.constant 16 : i32
      %mul3A_217 = arith.muli %mul3A_215, %mul3A_216 : i32
      %dma_wait3A_218 = tpu.memref_slice %arg4[%mul3A_217] : memref<16000000xf32, #tpu.memory_space<hbm>> -> memref<28672xf32, #tpu.memory_space<hbm>>
      %dma_wait3A_219 = tpu.memref_slice %arg4[%mul3A_217] : memref<16000000xf32, #tpu.memory_space<hbm>> -> memref<28672xf32, #tpu.memory_space<hbm>>
      tpu.wait_dma2 semaphore(%arg11 : memref<!tpu.dma_semaphore, #tpu.memory_space<semaphore_mem>>) src(%arg7 : memref<28672xf32, #tpu.memory_space<vmem>>) dst(%dma_wait3A_219 : memref<28672xf32, #tpu.memory_space<hbm>>)
      %mul3A_220 = arith.constant 1792 : i32
      %mul3A_221 = arith.muli %add3A_160, %mul3A_220 : i32
      %mul3A_222 = arith.constant 16 : i32
      %mul3A_223 = arith.muli %mul3A_221, %mul3A_222 : i32
      %dma_start3A = tpu.memref_slice %arg4[%mul3A_223] : memref<16000000xf32, #tpu.memory_space<hbm>> -> memref<28672xf32, #tpu.memory_space<hbm>>
      %dma_start3A_224 = tpu.memref_slice %arg4[%mul3A_223] : memref<16000000xf32, #tpu.memory_space<hbm>> -> memref<28672xf32, #tpu.memory_space<hbm>>
      tpu.enqueue_dma source(%arg8 : memref<28672xf32, #tpu.memory_space<vmem>>) target(%dma_start3A_224 : memref<28672xf32, #tpu.memory_space<hbm>>) target_semaphore(%arg11 : memref<!tpu.dma_semaphore, #tpu.memory_space<semaphore_mem>>)
    } else {
    }
    %add3A_166 = arith.constant 512 : i32
    %add3A_167 = arith.addi %add3A, %add3A_166 : i32
    %lt3A_168 = arith.constant 558 : i32
    %lt3A_169 = arith.cmpi slt, %add3A_167, %lt3A_168 : i32
    %convert_element_type3A_170 = arith.extui %lt3A_169 : i1 to i32
    %cond3A_171 = arith.constant 0 : i32
    %cond3A_172 = arith.cmpi ne, %convert_element_type3A_170, %cond3A_171 : i32
    scf.if %cond3A_172 {
      %mul3A_195 = arith.constant 1792 : i32
      %mul3A_196 = arith.muli %add3A_167, %mul3A_195 : i32
      %dma_wait3A = arith.constant 0 : i32
      %dma_wait3A_197 = tpu.memref_slice %arg2[%dma_wait3A, %mul3A_196] : memref<16x1000000xf32, #tpu.memory_space<hbm>> -> memref<16x1792xf32, #tpu.memory_space<hbm>>
      %dma_wait3A_198 = arith.constant 0 : i32
      %dma_wait3A_199 = tpu.memref_slice %arg2[%dma_wait3A_198, %mul3A_196] : memref<16x1000000xf32, #tpu.memory_space<hbm>> -> memref<16x1792xf32, #tpu.memory_space<hbm>>
      tpu.wait_dma2 semaphore(%arg9 : memref<!tpu.dma_semaphore, #tpu.memory_space<semaphore_mem>>) src(%dma_wait3A_199 : memref<16x1792xf32, #tpu.memory_space<hbm>>) dst(%arg5 : memref<16x1792xf32, #tpu.memory_space<vmem>>)
      %add3A_200 = arith.constant 32 : i32
      %add3A_201 = arith.addi %add3A_167, %add3A_200 : i32
      %lt3A_202 = arith.constant 558 : i32
      %lt3A_203 = arith.cmpi slt, %add3A_201, %lt3A_202 : i32
      %convert_element_type3A_204 = arith.extui %lt3A_203 : i1 to i32
      %cond3A_205 = arith.constant 0 : i32
      %cond3A_206 = arith.cmpi ne, %convert_element_type3A_204, %cond3A_205 : i32
      scf.if %cond3A_206 {
        %add3A_225 = arith.constant 32 : i32
        %add3A_226 = arith.addi %add3A_167, %add3A_225 : i32
        %mul3A_227 = arith.constant 1792 : i32
        %mul3A_228 = arith.muli %add3A_226, %mul3A_227 : i32
        %dma_start3A_229 = arith.constant 0 : i32
        %dma_start3A_230 = tpu.memref_slice %arg2[%dma_start3A_229, %mul3A_228] : memref<16x1000000xf32, #tpu.memory_space<hbm>> -> memref<16x1792xf32, #tpu.memory_space<hbm>>
        %dma_start3A_231 = arith.constant 0 : i32
        %dma_start3A_232 = tpu.memref_slice %arg2[%dma_start3A_231, %mul3A_228] : memref<16x1000000xf32, #tpu.memory_space<hbm>> -> memref<16x1792xf32, #tpu.memory_space<hbm>>
        tpu.enqueue_dma source(%dma_start3A_232 : memref<16x1792xf32, #tpu.memory_space<hbm>>) target(%arg6 : memref<16x1792xf32, #tpu.memory_space<vmem>>) target_semaphore(%arg10 : memref<!tpu.dma_semaphore, #tpu.memory_space<semaphore_mem>>)
      } else {
      }
      %scan3A = arith.constant 0 : i32
      %scan3A_207 = arith.constant 0 : i32
      %scan3A_208 = arith.constant 112 : i32
      %scan3A_209 = arith.addi %scan3A_207, %scan3A_208 : i32
      %scan3A_210 = arith.constant 1 : i32
      %scan3A_211 = scf.for %scan3A_225 = %scan3A_207 to %scan3A_209 step %scan3A_210 iter_args(%scan3A_226 = %scan3A) -> (i32)  : i32 {
        %mul3A_227 = arith.constant 256 : i32
        %mul3A_228 = arith.muli %scan3A_225, %mul3A_227 : i32
        %mul3A_229 = arith.constant 16 : i32
        %mul3A_230 = arith.muli %scan3A_225, %mul3A_229 : i32
        %get3A = arith.constant 0 : i32
        %get3A_231 = arith.index_cast %get3A : i32 to index
        %get3A_232 = arith.index_cast %mul3A_230 : i32 to index
        %get3A_233 = tpu.vector_load %arg5[%get3A_231, %get3A_232] {strides = array<i32>} : memref<16x1792xf32, #tpu.memory_space<vmem>>, vector<16xf32>,
        %mul3A_234 = arith.constant 16 : i32
        %mul3A_235 = arith.muli %scan3A_225, %mul3A_234 : i32
        %get3A_236 = arith.constant 1 : i32
        %get3A_237 = arith.index_cast %get3A_236 : i32 to index
        %get3A_238 = arith.index_cast %mul3A_235 : i32 to index
        %get3A_239 = tpu.vector_load %arg5[%get3A_237, %get3A_238] {strides = array<i32>} : memref<16x1792xf32, #tpu.memory_space<vmem>>, vector<16xf32>,
        %mul3A_240 = arith.constant 16 : i32
        %mul3A_241 = arith.muli %scan3A_225, %mul3A_240 : i32
        %get3A_242 = arith.constant 2 : i32
        %get3A_243 = arith.index_cast %get3A_242 : i32 to index
        %get3A_244 = arith.index_cast %mul3A_241 : i32 to index
        %get3A_245 = tpu.vector_load %arg5[%get3A_243, %get3A_244] {strides = array<i32>} : memref<16x1792xf32, #tpu.memory_space<vmem>>, vector<16xf32>,
        %mul3A_246 = arith.constant 16 : i32
        %mul3A_247 = arith.muli %scan3A_225, %mul3A_246 : i32
        %get3A_248 = arith.constant 3 : i32
        %get3A_249 = arith.index_cast %get3A_248 : i32 to index
        %get3A_250 = arith.index_cast %mul3A_247 : i32 to index
        %get3A_251 = tpu.vector_load %arg5[%get3A_249, %get3A_250] {strides = array<i32>} : memref<16x1792xf32, #tpu.memory_space<vmem>>, vector<16xf32>,
        %mul3A_252 = arith.constant 16 : i32
        %mul3A_253 = arith.muli %scan3A_225, %mul3A_252 : i32
        %get3A_254 = arith.constant 4 : i32
        %get3A_255 = arith.index_cast %get3A_254 : i32 to index
        %get3A_256 = arith.index_cast %mul3A_253 : i32 to index
        %get3A_257 = tpu.vector_load %arg5[%get3A_255, %get3A_256] {strides = array<i32>} : memref<16x1792xf32, #tpu.memory_space<vmem>>, vector<16xf32>,
        %mul3A_258 = arith.constant 16 : i32
        %mul3A_259 = arith.muli %scan3A_225, %mul3A_258 : i32
        %get3A_260 = arith.constant 5 : i32
        %get3A_261 = arith.index_cast %get3A_260 : i32 to index
        %get3A_262 = arith.index_cast %mul3A_259 : i32 to index
        %get3A_263 = tpu.vector_load %arg5[%get3A_261, %get3A_262] {strides = array<i32>} : memref<16x1792xf32, #tpu.memory_space<vmem>>, vector<16xf32>,
        %mul3A_264 = arith.constant 16 : i32
        %mul3A_265 = arith.muli %scan3A_225, %mul3A_264 : i32
        %get3A_266 = arith.constant 6 : i32
        %get3A_267 = arith.index_cast %get3A_266 : i32 to index
        %get3A_268 = arith.index_cast %mul3A_265 : i32 to index
        %get3A_269 = tpu.vector_load %arg5[%get3A_267, %get3A_268] {strides = array<i32>} : memref<16x1792xf32, #tpu.memory_space<vmem>>, vector<16xf32>,
        %mul3A_270 = arith.constant 16 : i32
        %mul3A_271 = arith.muli %scan3A_225, %mul3A_270 : i32
        %get3A_272 = arith.constant 7 : i32
        %get3A_273 = arith.index_cast %get3A_272 : i32 to index
        %get3A_274 = arith.index_cast %mul3A_271 : i32 to index
        %get3A_275 = tpu.vector_load %arg5[%get3A_273, %get3A_274] {strides = array<i32>} : memref<16x1792xf32, #tpu.memory_space<vmem>>, vector<16xf32>,
        %mul3A_276 = arith.constant 16 : i32
        %mul3A_277 = arith.muli %scan3A_225, %mul3A_276 : i32
        %get3A_278 = arith.constant 8 : i32
        %get3A_279 = arith.index_cast %get3A_278 : i32 to index
        %get3A_280 = arith.index_cast %mul3A_277 : i32 to index
        %get3A_281 = tpu.vector_load %arg5[%get3A_279, %get3A_280] {strides = array<i32>} : memref<16x1792xf32, #tpu.memory_space<vmem>>, vector<16xf32>,
        %mul3A_282 = arith.constant 16 : i32
        %mul3A_283 = arith.muli %scan3A_225, %mul3A_282 : i32
        %get3A_284 = arith.constant 9 : i32
        %get3A_285 = arith.index_cast %get3A_284 : i32 to index
        %get3A_286 = arith.index_cast %mul3A_283 : i32 to index
        %get3A_287 = tpu.vector_load %arg5[%get3A_285, %get3A_286] {strides = array<i32>} : memref<16x1792xf32, #tpu.memory_space<vmem>>, vector<16xf32>,
        %mul3A_288 = arith.constant 16 : i32
        %mul3A_289 = arith.muli %scan3A_225, %mul3A_288 : i32
        %get3A_290 = arith.constant 10 : i32
        %get3A_291 = arith.index_cast %get3A_290 : i32 to index
        %get3A_292 = arith.index_cast %mul3A_289 : i32 to index
        %get3A_293 = tpu.vector_load %arg5[%get3A_291, %get3A_292] {strides = array<i32>} : memref<16x1792xf32, #tpu.memory_space<vmem>>, vector<16xf32>,
        %mul3A_294 = arith.constant 16 : i32
        %mul3A_295 = arith.muli %scan3A_225, %mul3A_294 : i32
        %get3A_296 = arith.constant 11 : i32
        %get3A_297 = arith.index_cast %get3A_296 : i32 to index
        %get3A_298 = arith.index_cast %mul3A_295 : i32 to index
        %get3A_299 = tpu.vector_load %arg5[%get3A_297, %get3A_298] {strides = array<i32>} : memref<16x1792xf32, #tpu.memory_space<vmem>>, vector<16xf32>,
        %mul3A_300 = arith.constant 16 : i32
        %mul3A_301 = arith.muli %scan3A_225, %mul3A_300 : i32
        %get3A_302 = arith.constant 12 : i32
        %get3A_303 = arith.index_cast %get3A_302 : i32 to index
        %get3A_304 = arith.index_cast %mul3A_301 : i32 to index
        %get3A_305 = tpu.vector_load %arg5[%get3A_303, %get3A_304] {strides = array<i32>} : memref<16x1792xf32, #tpu.memory_space<vmem>>, vector<16xf32>,
        %mul3A_306 = arith.constant 16 : i32
        %mul3A_307 = arith.muli %scan3A_225, %mul3A_306 : i32
        %get3A_308 = arith.constant 13 : i32
        %get3A_309 = arith.index_cast %get3A_308 : i32 to index
        %get3A_310 = arith.index_cast %mul3A_307 : i32 to index
        %get3A_311 = tpu.vector_load %arg5[%get3A_309, %get3A_310] {strides = array<i32>} : memref<16x1792xf32, #tpu.memory_space<vmem>>, vector<16xf32>,
        %mul3A_312 = arith.constant 16 : i32
        %mul3A_313 = arith.muli %scan3A_225, %mul3A_312 : i32
        %get3A_314 = arith.constant 14 : i32
        %get3A_315 = arith.index_cast %get3A_314 : i32 to index
        %get3A_316 = arith.index_cast %mul3A_313 : i32 to index
        %get3A_317 = tpu.vector_load %arg5[%get3A_315, %get3A_316] {strides = array<i32>} : memref<16x1792xf32, #tpu.memory_space<vmem>>, vector<16xf32>,
        %mul3A_318 = arith.constant 16 : i32
        %mul3A_319 = arith.muli %scan3A_225, %mul3A_318 : i32
        %get3A_320 = arith.constant 15 : i32
        %get3A_321 = arith.index_cast %get3A_320 : i32 to index
        %get3A_322 = arith.index_cast %mul3A_319 : i32 to index
        %get3A_323 = tpu.vector_load %arg5[%get3A_321, %get3A_322] {strides = array<i32>} : memref<16x1792xf32, #tpu.memory_space<vmem>>, vector<16xf32>,
        %scatter3A = tpu.memref_slice %arg7[%mul3A_228] : memref<28672xf32, #tpu.memory_space<vmem>> -> memref<256xf32, #tpu.memory_space<vmem>>
        tpu.vector_store_idx %scatter3A[%add3A_6], %get3A_233 : memref<256xf32, #tpu.memory_space<vmem>>[vector<16xi32>], vector<16xf32>,
        %scatter3A_324 = tpu.memref_slice %arg7[%mul3A_228] : memref<28672xf32, #tpu.memory_space<vmem>> -> memref<256xf32, #tpu.memory_space<vmem>>
        tpu.vector_store_idx %scatter3A_324[%add3A_9], %get3A_239 : memref<256xf32, #tpu.memory_space<vmem>>[vector<16xi32>], vector<16xf32>,
        %scatter3A_325 = tpu.memref_slice %arg7[%mul3A_228] : memref<28672xf32, #tpu.memory_space<vmem>> -> memref<256xf32, #tpu.memory_space<vmem>>
        tpu.vector_store_idx %scatter3A_325[%add3A_12], %get3A_245 : memref<256xf32, #tpu.memory_space<vmem>>[vector<16xi32>], vector<16xf32>,
        %scatter3A_326 = tpu.memref_slice %arg7[%mul3A_228] : memref<28672xf32, #tpu.memory_space<vmem>> -> memref<256xf32, #tpu.memory_space<vmem>>
        tpu.vector_store_idx %scatter3A_326[%add3A_15], %get3A_251 : memref<256xf32, #tpu.memory_space<vmem>>[vector<16xi32>], vector<16xf32>,
        %scatter3A_327 = tpu.memref_slice %arg7[%mul3A_228] : memref<28672xf32, #tpu.memory_space<vmem>> -> memref<256xf32, #tpu.memory_space<vmem>>
        tpu.vector_store_idx %scatter3A_327[%add3A_18], %get3A_257 : memref<256xf32, #tpu.memory_space<vmem>>[vector<16xi32>], vector<16xf32>,
        %scatter3A_328 = tpu.memref_slice %arg7[%mul3A_228] : memref<28672xf32, #tpu.memory_space<vmem>> -> memref<256xf32, #tpu.memory_space<vmem>>
        tpu.vector_store_idx %scatter3A_328[%add3A_21], %get3A_263 : memref<256xf32, #tpu.memory_space<vmem>>[vector<16xi32>], vector<16xf32>,
        %scatter3A_329 = tpu.memref_slice %arg7[%mul3A_228] : memref<28672xf32, #tpu.memory_space<vmem>> -> memref<256xf32, #tpu.memory_space<vmem>>
        tpu.vector_store_idx %scatter3A_329[%add3A_24], %get3A_269 : memref<256xf32, #tpu.memory_space<vmem>>[vector<16xi32>], vector<16xf32>,
        %scatter3A_330 = tpu.memref_slice %arg7[%mul3A_228] : memref<28672xf32, #tpu.memory_space<vmem>> -> memref<256xf32, #tpu.memory_space<vmem>>
        tpu.vector_store_idx %scatter3A_330[%add3A_27], %get3A_275 : memref<256xf32, #tpu.memory_space<vmem>>[vector<16xi32>], vector<16xf32>,
        %scatter3A_331 = tpu.memref_slice %arg7[%mul3A_228] : memref<28672xf32, #tpu.memory_space<vmem>> -> memref<256xf32, #tpu.memory_space<vmem>>
        tpu.vector_store_idx %scatter3A_331[%add3A_30], %get3A_281 : memref<256xf32, #tpu.memory_space<vmem>>[vector<16xi32>], vector<16xf32>,
        %scatter3A_332 = tpu.memref_slice %arg7[%mul3A_228] : memref<28672xf32, #tpu.memory_space<vmem>> -> memref<256xf32, #tpu.memory_space<vmem>>
        tpu.vector_store_idx %scatter3A_332[%add3A_33], %get3A_287 : memref<256xf32, #tpu.memory_space<vmem>>[vector<16xi32>], vector<16xf32>,
        %scatter3A_333 = tpu.memref_slice %arg7[%mul3A_228] : memref<28672xf32, #tpu.memory_space<vmem>> -> memref<256xf32, #tpu.memory_space<vmem>>
        tpu.vector_store_idx %scatter3A_333[%add3A_36], %get3A_293 : memref<256xf32, #tpu.memory_space<vmem>>[vector<16xi32>], vector<16xf32>,
        %scatter3A_334 = tpu.memref_slice %arg7[%mul3A_228] : memref<28672xf32, #tpu.memory_space<vmem>> -> memref<256xf32, #tpu.memory_space<vmem>>
        tpu.vector_store_idx %scatter3A_334[%add3A_39], %get3A_299 : memref<256xf32, #tpu.memory_space<vmem>>[vector<16xi32>], vector<16xf32>,
        %scatter3A_335 = tpu.memref_slice %arg7[%mul3A_228] : memref<28672xf32, #tpu.memory_space<vmem>> -> memref<256xf32, #tpu.memory_space<vmem>>
        tpu.vector_store_idx %scatter3A_335[%add3A_42], %get3A_305 : memref<256xf32, #tpu.memory_space<vmem>>[vector<16xi32>], vector<16xf32>,
        %scatter3A_336 = tpu.memref_slice %arg7[%mul3A_228] : memref<28672xf32, #tpu.memory_space<vmem>> -> memref<256xf32, #tpu.memory_space<vmem>>
        tpu.vector_store_idx %scatter3A_336[%add3A_45], %get3A_311 : memref<256xf32, #tpu.memory_space<vmem>>[vector<16xi32>], vector<16xf32>,
        %scatter3A_337 = tpu.memref_slice %arg7[%mul3A_228] : memref<28672xf32, #tpu.memory_space<vmem>> -> memref<256xf32, #tpu.memory_space<vmem>>
        tpu.vector_store_idx %scatter3A_337[%add3A_48], %get3A_317 : memref<256xf32, #tpu.memory_space<vmem>>[vector<16xi32>], vector<16xf32>,
        %scatter3A_338 = tpu.memref_slice %arg7[%mul3A_228] : memref<28672xf32, #tpu.memory_space<vmem>> -> memref<256xf32, #tpu.memory_space<vmem>>
        tpu.vector_store_idx %scatter3A_338[%add3A_51], %get3A_323 : memref<256xf32, #tpu.memory_space<vmem>>[vector<16xi32>], vector<16xf32>,
        %scan3A_339 = arith.constant 0 : i32
        scf.yield %scan3A_339 : i32
      }
      %scan3A_212 = arith.constant 112 : i32
      %sub3A = arith.constant 32 : i32
      %sub3A_213 = arith.subi %add3A_167, %sub3A : i32
      %mul3A_214 = arith.constant 1792 : i32
      %mul3A_215 = arith.muli %sub3A_213, %mul3A_214 : i32
      %mul3A_216 = arith.constant 16 : i32
      %mul3A_217 = arith.muli %mul3A_215, %mul3A_216 : i32
      %dma_wait3A_218 = tpu.memref_slice %arg4[%mul3A_217] : memref<16000000xf32, #tpu.memory_space<hbm>> -> memref<28672xf32, #tpu.memory_space<hbm>>
      %dma_wait3A_219 = tpu.memref_slice %arg4[%mul3A_217] : memref<16000000xf32, #tpu.memory_space<hbm>> -> memref<28672xf32, #tpu.memory_space<hbm>>
      tpu.wait_dma2 semaphore(%arg11 : memref<!tpu.dma_semaphore, #tpu.memory_space<semaphore_mem>>) src(%arg8 : memref<28672xf32, #tpu.memory_space<vmem>>) dst(%dma_wait3A_219 : memref<28672xf32, #tpu.memory_space<hbm>>)
      %mul3A_220 = arith.constant 1792 : i32
      %mul3A_221 = arith.muli %add3A_167, %mul3A_220 : i32
      %mul3A_222 = arith.constant 16 : i32
      %mul3A_223 = arith.muli %mul3A_221, %mul3A_222 : i32
      %dma_start3A = tpu.memref_slice %arg4[%mul3A_223] : memref<16000000xf32, #tpu.memory_space<hbm>> -> memref<28672xf32, #tpu.memory_space<hbm>>
      %dma_start3A_224 = tpu.memref_slice %arg4[%mul3A_223] : memref<16000000xf32, #tpu.memory_space<hbm>> -> memref<28672xf32, #tpu.memory_space<hbm>>
      tpu.enqueue_dma source(%arg7 : memref<28672xf32, #tpu.memory_space<vmem>>) target(%dma_start3A_224 : memref<28672xf32, #tpu.memory_space<hbm>>) target_semaphore(%arg11 : memref<!tpu.dma_semaphore, #tpu.memory_space<semaphore_mem>>)
    } else {
    }
    %add3A_173 = arith.constant 544 : i32
    %add3A_174 = arith.addi %add3A, %add3A_173 : i32
    %lt3A_175 = arith.constant 558 : i32
    %lt3A_176 = arith.cmpi slt, %add3A_174, %lt3A_175 : i32
    %convert_element_type3A_177 = arith.extui %lt3A_176 : i1 to i32
    %cond3A_178 = arith.constant 0 : i32
    %cond3A_179 = arith.cmpi ne, %convert_element_type3A_177, %cond3A_178 : i32
    scf.if %cond3A_179 {
      %mul3A_195 = arith.constant 1792 : i32
      %mul3A_196 = arith.muli %add3A_174, %mul3A_195 : i32
      %dma_wait3A = arith.constant 0 : i32
      %dma_wait3A_197 = tpu.memref_slice %arg2[%dma_wait3A, %mul3A_196] : memref<16x1000000xf32, #tpu.memory_space<hbm>> -> memref<16x1792xf32, #tpu.memory_space<hbm>>
      %dma_wait3A_198 = arith.constant 0 : i32
      %dma_wait3A_199 = tpu.memref_slice %arg2[%dma_wait3A_198, %mul3A_196] : memref<16x1000000xf32, #tpu.memory_space<hbm>> -> memref<16x1792xf32, #tpu.memory_space<hbm>>
      tpu.wait_dma2 semaphore(%arg10 : memref<!tpu.dma_semaphore, #tpu.memory_space<semaphore_mem>>) src(%dma_wait3A_199 : memref<16x1792xf32, #tpu.memory_space<hbm>>) dst(%arg6 : memref<16x1792xf32, #tpu.memory_space<vmem>>)
      %add3A_200 = arith.constant 32 : i32
      %add3A_201 = arith.addi %add3A_174, %add3A_200 : i32
      %lt3A_202 = arith.constant 558 : i32
      %lt3A_203 = arith.cmpi slt, %add3A_201, %lt3A_202 : i32
      %convert_element_type3A_204 = arith.extui %lt3A_203 : i1 to i32
      %cond3A_205 = arith.constant 0 : i32
      %cond3A_206 = arith.cmpi ne, %convert_element_type3A_204, %cond3A_205 : i32
      scf.if %cond3A_206 {
        %add3A_225 = arith.constant 32 : i32
        %add3A_226 = arith.addi %add3A_174, %add3A_225 : i32
        %mul3A_227 = arith.constant 1792 : i32
        %mul3A_228 = arith.muli %add3A_226, %mul3A_227 : i32
        %dma_start3A_229 = arith.constant 0 : i32
        %dma_start3A_230 = tpu.memref_slice %arg2[%dma_start3A_229, %mul3A_228] : memref<16x1000000xf32, #tpu.memory_space<hbm>> -> memref<16x1792xf32, #tpu.memory_space<hbm>>
        %dma_start3A_231 = arith.constant 0 : i32
        %dma_start3A_232 = tpu.memref_slice %arg2[%dma_start3A_231, %mul3A_228] : memref<16x1000000xf32, #tpu.memory_space<hbm>> -> memref<16x1792xf32, #tpu.memory_space<hbm>>
        tpu.enqueue_dma source(%dma_start3A_232 : memref<16x1792xf32, #tpu.memory_space<hbm>>) target(%arg5 : memref<16x1792xf32, #tpu.memory_space<vmem>>) target_semaphore(%arg9 : memref<!tpu.dma_semaphore, #tpu.memory_space<semaphore_mem>>)
      } else {
      }
      %scan3A = arith.constant 0 : i32
      %scan3A_207 = arith.constant 0 : i32
      %scan3A_208 = arith.constant 112 : i32
      %scan3A_209 = arith.addi %scan3A_207, %scan3A_208 : i32
      %scan3A_210 = arith.constant 1 : i32
      %scan3A_211 = scf.for %scan3A_225 = %scan3A_207 to %scan3A_209 step %scan3A_210 iter_args(%scan3A_226 = %scan3A) -> (i32)  : i32 {
        %mul3A_227 = arith.constant 256 : i32
        %mul3A_228 = arith.muli %scan3A_225, %mul3A_227 : i32
        %mul3A_229 = arith.constant 16 : i32
        %mul3A_230 = arith.muli %scan3A_225, %mul3A_229 : i32
        %get3A = arith.constant 0 : i32
        %get3A_231 = arith.index_cast %get3A : i32 to index
        %get3A_232 = arith.index_cast %mul3A_230 : i32 to index
        %get3A_233 = tpu.vector_load %arg6[%get3A_231, %get3A_232] {strides = array<i32>} : memref<16x1792xf32, #tpu.memory_space<vmem>>, vector<16xf32>,
        %mul3A_234 = arith.constant 16 : i32
        %mul3A_235 = arith.muli %scan3A_225, %mul3A_234 : i32
        %get3A_236 = arith.constant 1 : i32
        %get3A_237 = arith.index_cast %get3A_236 : i32 to index
        %get3A_238 = arith.index_cast %mul3A_235 : i32 to index
        %get3A_239 = tpu.vector_load %arg6[%get3A_237, %get3A_238] {strides = array<i32>} : memref<16x1792xf32, #tpu.memory_space<vmem>>, vector<16xf32>,
        %mul3A_240 = arith.constant 16 : i32
        %mul3A_241 = arith.muli %scan3A_225, %mul3A_240 : i32
        %get3A_242 = arith.constant 2 : i32
        %get3A_243 = arith.index_cast %get3A_242 : i32 to index
        %get3A_244 = arith.index_cast %mul3A_241 : i32 to index
        %get3A_245 = tpu.vector_load %arg6[%get3A_243, %get3A_244] {strides = array<i32>} : memref<16x1792xf32, #tpu.memory_space<vmem>>, vector<16xf32>,
        %mul3A_246 = arith.constant 16 : i32
        %mul3A_247 = arith.muli %scan3A_225, %mul3A_246 : i32
        %get3A_248 = arith.constant 3 : i32
        %get3A_249 = arith.index_cast %get3A_248 : i32 to index
        %get3A_250 = arith.index_cast %mul3A_247 : i32 to index
        %get3A_251 = tpu.vector_load %arg6[%get3A_249, %get3A_250] {strides = array<i32>} : memref<16x1792xf32, #tpu.memory_space<vmem>>, vector<16xf32>,
        %mul3A_252 = arith.constant 16 : i32
        %mul3A_253 = arith.muli %scan3A_225, %mul3A_252 : i32
        %get3A_254 = arith.constant 4 : i32
        %get3A_255 = arith.index_cast %get3A_254 : i32 to index
        %get3A_256 = arith.index_cast %mul3A_253 : i32 to index
        %get3A_257 = tpu.vector_load %arg6[%get3A_255, %get3A_256] {strides = array<i32>} : memref<16x1792xf32, #tpu.memory_space<vmem>>, vector<16xf32>,
        %mul3A_258 = arith.constant 16 : i32
        %mul3A_259 = arith.muli %scan3A_225, %mul3A_258 : i32
        %get3A_260 = arith.constant 5 : i32
        %get3A_261 = arith.index_cast %get3A_260 : i32 to index
        %get3A_262 = arith.index_cast %mul3A_259 : i32 to index
        %get3A_263 = tpu.vector_load %arg6[%get3A_261, %get3A_262] {strides = array<i32>} : memref<16x1792xf32, #tpu.memory_space<vmem>>, vector<16xf32>,
        %mul3A_264 = arith.constant 16 : i32
        %mul3A_265 = arith.muli %scan3A_225, %mul3A_264 : i32
        %get3A_266 = arith.constant 6 : i32
        %get3A_267 = arith.index_cast %get3A_266 : i32 to index
        %get3A_268 = arith.index_cast %mul3A_265 : i32 to index
        %get3A_269 = tpu.vector_load %arg6[%get3A_267, %get3A_268] {strides = array<i32>} : memref<16x1792xf32, #tpu.memory_space<vmem>>, vector<16xf32>,
        %mul3A_270 = arith.constant 16 : i32
        %mul3A_271 = arith.muli %scan3A_225, %mul3A_270 : i32
        %get3A_272 = arith.constant 7 : i32
        %get3A_273 = arith.index_cast %get3A_272 : i32 to index
        %get3A_274 = arith.index_cast %mul3A_271 : i32 to index
        %get3A_275 = tpu.vector_load %arg6[%get3A_273, %get3A_274] {strides = array<i32>} : memref<16x1792xf32, #tpu.memory_space<vmem>>, vector<16xf32>,
        %mul3A_276 = arith.constant 16 : i32
        %mul3A_277 = arith.muli %scan3A_225, %mul3A_276 : i32
        %get3A_278 = arith.constant 8 : i32
        %get3A_279 = arith.index_cast %get3A_278 : i32 to index
        %get3A_280 = arith.index_cast %mul3A_277 : i32 to index
        %get3A_281 = tpu.vector_load %arg6[%get3A_279, %get3A_280] {strides = array<i32>} : memref<16x1792xf32, #tpu.memory_space<vmem>>, vector<16xf32>,
        %mul3A_282 = arith.constant 16 : i32
        %mul3A_283 = arith.muli %scan3A_225, %mul3A_282 : i32
        %get3A_284 = arith.constant 9 : i32
        %get3A_285 = arith.index_cast %get3A_284 : i32 to index
        %get3A_286 = arith.index_cast %mul3A_283 : i32 to index
        %get3A_287 = tpu.vector_load %arg6[%get3A_285, %get3A_286] {strides = array<i32>} : memref<16x1792xf32, #tpu.memory_space<vmem>>, vector<16xf32>,
        %mul3A_288 = arith.constant 16 : i32
        %mul3A_289 = arith.muli %scan3A_225, %mul3A_288 : i32
        %get3A_290 = arith.constant 10 : i32
        %get3A_291 = arith.index_cast %get3A_290 : i32 to index
        %get3A_292 = arith.index_cast %mul3A_289 : i32 to index
        %get3A_293 = tpu.vector_load %arg6[%get3A_291, %get3A_292] {strides = array<i32>} : memref<16x1792xf32, #tpu.memory_space<vmem>>, vector<16xf32>,
        %mul3A_294 = arith.constant 16 : i32
        %mul3A_295 = arith.muli %scan3A_225, %mul3A_294 : i32
        %get3A_296 = arith.constant 11 : i32
        %get3A_297 = arith.index_cast %get3A_296 : i32 to index
        %get3A_298 = arith.index_cast %mul3A_295 : i32 to index
        %get3A_299 = tpu.vector_load %arg6[%get3A_297, %get3A_298] {strides = array<i32>} : memref<16x1792xf32, #tpu.memory_space<vmem>>, vector<16xf32>,
        %mul3A_300 = arith.constant 16 : i32
        %mul3A_301 = arith.muli %scan3A_225, %mul3A_300 : i32
        %get3A_302 = arith.constant 12 : i32
        %get3A_303 = arith.index_cast %get3A_302 : i32 to index
        %get3A_304 = arith.index_cast %mul3A_301 : i32 to index
        %get3A_305 = tpu.vector_load %arg6[%get3A_303, %get3A_304] {strides = array<i32>} : memref<16x1792xf32, #tpu.memory_space<vmem>>, vector<16xf32>,
        %mul3A_306 = arith.constant 16 : i32
        %mul3A_307 = arith.muli %scan3A_225, %mul3A_306 : i32
        %get3A_308 = arith.constant 13 : i32
        %get3A_309 = arith.index_cast %get3A_308 : i32 to index
        %get3A_310 = arith.index_cast %mul3A_307 : i32 to index
        %get3A_311 = tpu.vector_load %arg6[%get3A_309, %get3A_310] {strides = array<i32>} : memref<16x1792xf32, #tpu.memory_space<vmem>>, vector<16xf32>,
        %mul3A_312 = arith.constant 16 : i32
        %mul3A_313 = arith.muli %scan3A_225, %mul3A_312 : i32
        %get3A_314 = arith.constant 14 : i32
        %get3A_315 = arith.index_cast %get3A_314 : i32 to index
        %get3A_316 = arith.index_cast %mul3A_313 : i32 to index
        %get3A_317 = tpu.vector_load %arg6[%get3A_315, %get3A_316] {strides = array<i32>} : memref<16x1792xf32, #tpu.memory_space<vmem>>, vector<16xf32>,
        %mul3A_318 = arith.constant 16 : i32
        %mul3A_319 = arith.muli %scan3A_225, %mul3A_318 : i32
        %get3A_320 = arith.constant 15 : i32
        %get3A_321 = arith.index_cast %get3A_320 : i32 to index
        %get3A_322 = arith.index_cast %mul3A_319 : i32 to index
        %get3A_323 = tpu.vector_load %arg6[%get3A_321, %get3A_322] {strides = array<i32>} : memref<16x1792xf32, #tpu.memory_space<vmem>>, vector<16xf32>,
        %scatter3A = tpu.memref_slice %arg8[%mul3A_228] : memref<28672xf32, #tpu.memory_space<vmem>> -> memref<256xf32, #tpu.memory_space<vmem>>
        tpu.vector_store_idx %scatter3A[%add3A_6], %get3A_233 : memref<256xf32, #tpu.memory_space<vmem>>[vector<16xi32>], vector<16xf32>,
        %scatter3A_324 = tpu.memref_slice %arg8[%mul3A_228] : memref<28672xf32, #tpu.memory_space<vmem>> -> memref<256xf32, #tpu.memory_space<vmem>>
        tpu.vector_store_idx %scatter3A_324[%add3A_9], %get3A_239 : memref<256xf32, #tpu.memory_space<vmem>>[vector<16xi32>], vector<16xf32>,
        %scatter3A_325 = tpu.memref_slice %arg8[%mul3A_228] : memref<28672xf32, #tpu.memory_space<vmem>> -> memref<256xf32, #tpu.memory_space<vmem>>
        tpu.vector_store_idx %scatter3A_325[%add3A_12], %get3A_245 : memref<256xf32, #tpu.memory_space<vmem>>[vector<16xi32>], vector<16xf32>,
        %scatter3A_326 = tpu.memref_slice %arg8[%mul3A_228] : memref<28672xf32, #tpu.memory_space<vmem>> -> memref<256xf32, #tpu.memory_space<vmem>>
        tpu.vector_store_idx %scatter3A_326[%add3A_15], %get3A_251 : memref<256xf32, #tpu.memory_space<vmem>>[vector<16xi32>], vector<16xf32>,
        %scatter3A_327 = tpu.memref_slice %arg8[%mul3A_228] : memref<28672xf32, #tpu.memory_space<vmem>> -> memref<256xf32, #tpu.memory_space<vmem>>
        tpu.vector_store_idx %scatter3A_327[%add3A_18], %get3A_257 : memref<256xf32, #tpu.memory_space<vmem>>[vector<16xi32>], vector<16xf32>,
        %scatter3A_328 = tpu.memref_slice %arg8[%mul3A_228] : memref<28672xf32, #tpu.memory_space<vmem>> -> memref<256xf32, #tpu.memory_space<vmem>>
        tpu.vector_store_idx %scatter3A_328[%add3A_21], %get3A_263 : memref<256xf32, #tpu.memory_space<vmem>>[vector<16xi32>], vector<16xf32>,
        %scatter3A_329 = tpu.memref_slice %arg8[%mul3A_228] : memref<28672xf32, #tpu.memory_space<vmem>> -> memref<256xf32, #tpu.memory_space<vmem>>
        tpu.vector_store_idx %scatter3A_329[%add3A_24], %get3A_269 : memref<256xf32, #tpu.memory_space<vmem>>[vector<16xi32>], vector<16xf32>,
        %scatter3A_330 = tpu.memref_slice %arg8[%mul3A_228] : memref<28672xf32, #tpu.memory_space<vmem>> -> memref<256xf32, #tpu.memory_space<vmem>>
        tpu.vector_store_idx %scatter3A_330[%add3A_27], %get3A_275 : memref<256xf32, #tpu.memory_space<vmem>>[vector<16xi32>], vector<16xf32>,
        %scatter3A_331 = tpu.memref_slice %arg8[%mul3A_228] : memref<28672xf32, #tpu.memory_space<vmem>> -> memref<256xf32, #tpu.memory_space<vmem>>
        tpu.vector_store_idx %scatter3A_331[%add3A_30], %get3A_281 : memref<256xf32, #tpu.memory_space<vmem>>[vector<16xi32>], vector<16xf32>,
        %scatter3A_332 = tpu.memref_slice %arg8[%mul3A_228] : memref<28672xf32, #tpu.memory_space<vmem>> -> memref<256xf32, #tpu.memory_space<vmem>>
        tpu.vector_store_idx %scatter3A_332[%add3A_33], %get3A_287 : memref<256xf32, #tpu.memory_space<vmem>>[vector<16xi32>], vector<16xf32>,
        %scatter3A_333 = tpu.memref_slice %arg8[%mul3A_228] : memref<28672xf32, #tpu.memory_space<vmem>> -> memref<256xf32, #tpu.memory_space<vmem>>
        tpu.vector_store_idx %scatter3A_333[%add3A_36], %get3A_293 : memref<256xf32, #tpu.memory_space<vmem>>[vector<16xi32>], vector<16xf32>,
        %scatter3A_334 = tpu.memref_slice %arg8[%mul3A_228] : memref<28672xf32, #tpu.memory_space<vmem>> -> memref<256xf32, #tpu.memory_space<vmem>>
        tpu.vector_store_idx %scatter3A_334[%add3A_39], %get3A_299 : memref<256xf32, #tpu.memory_space<vmem>>[vector<16xi32>], vector<16xf32>,
        %scatter3A_335 = tpu.memref_slice %arg8[%mul3A_228] : memref<28672xf32, #tpu.memory_space<vmem>> -> memref<256xf32, #tpu.memory_space<vmem>>
        tpu.vector_store_idx %scatter3A_335[%add3A_42], %get3A_305 : memref<256xf32, #tpu.memory_space<vmem>>[vector<16xi32>], vector<16xf32>,
        %scatter3A_336 = tpu.memref_slice %arg8[%mul3A_228] : memref<28672xf32, #tpu.memory_space<vmem>> -> memref<256xf32, #tpu.memory_space<vmem>>
        tpu.vector_store_idx %scatter3A_336[%add3A_45], %get3A_311 : memref<256xf32, #tpu.memory_space<vmem>>[vector<16xi32>], vector<16xf32>,
        %scatter3A_337 = tpu.memref_slice %arg8[%mul3A_228] : memref<28672xf32, #tpu.memory_space<vmem>> -> memref<256xf32, #tpu.memory_space<vmem>>
        tpu.vector_store_idx %scatter3A_337[%add3A_48], %get3A_317 : memref<256xf32, #tpu.memory_space<vmem>>[vector<16xi32>], vector<16xf32>,
        %scatter3A_338 = tpu.memref_slice %arg8[%mul3A_228] : memref<28672xf32, #tpu.memory_space<vmem>> -> memref<256xf32, #tpu.memory_space<vmem>>
        tpu.vector_store_idx %scatter3A_338[%add3A_51], %get3A_323 : memref<256xf32, #tpu.memory_space<vmem>>[vector<16xi32>], vector<16xf32>,
        %scan3A_339 = arith.constant 0 : i32
        scf.yield %scan3A_339 : i32
      }
      %scan3A_212 = arith.constant 112 : i32
      %sub3A = arith.constant 32 : i32
      %sub3A_213 = arith.subi %add3A_174, %sub3A : i32
      %mul3A_214 = arith.constant 1792 : i32
      %mul3A_215 = arith.muli %sub3A_213, %mul3A_214 : i32
      %mul3A_216 = arith.constant 16 : i32
      %mul3A_217 = arith.muli %mul3A_215, %mul3A_216 : i32
      %dma_wait3A_218 = tpu.memref_slice %arg4[%mul3A_217] : memref<16000000xf32, #tpu.memory_space<hbm>> -> memref<28672xf32, #tpu.memory_space<hbm>>
      %dma_wait3A_219 = tpu.memref_slice %arg4[%mul3A_217] : memref<16000000xf32, #tpu.memory_space<hbm>> -> memref<28672xf32, #tpu.memory_space<hbm>>
      tpu.wait_dma2 semaphore(%arg11 : memref<!tpu.dma_semaphore, #tpu.memory_space<semaphore_mem>>) src(%arg7 : memref<28672xf32, #tpu.memory_space<vmem>>) dst(%dma_wait3A_219 : memref<28672xf32, #tpu.memory_space<hbm>>)
      %mul3A_220 = arith.constant 1792 : i32
      %mul3A_221 = arith.muli %add3A_174, %mul3A_220 : i32
      %mul3A_222 = arith.constant 16 : i32
      %mul3A_223 = arith.muli %mul3A_221, %mul3A_222 : i32
      %dma_start3A = tpu.memref_slice %arg4[%mul3A_223] : memref<16000000xf32, #tpu.memory_space<hbm>> -> memref<28672xf32, #tpu.memory_space<hbm>>
      %dma_start3A_224 = tpu.memref_slice %arg4[%mul3A_223] : memref<16000000xf32, #tpu.memory_space<hbm>> -> memref<28672xf32, #tpu.memory_space<hbm>>
      tpu.enqueue_dma source(%arg8 : memref<28672xf32, #tpu.memory_space<vmem>>) target(%dma_start3A_224 : memref<28672xf32, #tpu.memory_space<hbm>>) target_semaphore(%arg11 : memref<!tpu.dma_semaphore, #tpu.memory_space<semaphore_mem>>)
    } else {
    }
    %add3A_180 = arith.constant 544 : i32
    %add3A_181 = arith.addi %add3A, %add3A_180 : i32
    %lt3A_182 = arith.constant 558 : i32
    %lt3A_183 = arith.cmpi slt, %add3A_181, %lt3A_182 : i32
    %convert_element_type3A_184 = arith.extui %lt3A_183 : i1 to i32
    %cond3A_185 = arith.constant 0 : i32
    %cond3A_186 = arith.cmpi ne, %convert_element_type3A_184, %cond3A_185 : i32
    scf.if %cond3A_186 {
      %mul3A_195 = arith.constant 1792 : i32
      %mul3A_196 = arith.muli %add3A_181, %mul3A_195 : i32
      %mul3A_197 = arith.constant 16 : i32
      %mul3A_198 = arith.muli %mul3A_196, %mul3A_197 : i32
      %dma_wait3A = tpu.memref_slice %arg4[%mul3A_198] : memref<16000000xf32, #tpu.memory_space<hbm>> -> memref<28672xf32, #tpu.memory_space<hbm>>
      %dma_wait3A_199 = tpu.memref_slice %arg4[%mul3A_198] : memref<16000000xf32, #tpu.memory_space<hbm>> -> memref<28672xf32, #tpu.memory_space<hbm>>
      tpu.wait_dma2 semaphore(%arg11 : memref<!tpu.dma_semaphore, #tpu.memory_space<semaphore_mem>>) src(%arg8 : memref<28672xf32, #tpu.memory_space<vmem>>) dst(%dma_wait3A_199 : memref<28672xf32, #tpu.memory_space<hbm>>)
    } else {
    }
    %not3A = arith.constant true
    %not3A_187 = arith.xori %lt3A_183, %not3A : i1
    %convert_element_type3A_188 = arith.extui %not3A_187 : i1 to i32
    %cond3A_189 = arith.constant 0 : i32
    %cond3A_190 = arith.cmpi ne, %convert_element_type3A_188, %cond3A_189 : i32
    scf.if %cond3A_190 {
      %add3A_195 = arith.constant 512 : i32
      %add3A_196 = arith.addi %add3A, %add3A_195 : i32
      %mul3A_197 = arith.constant 1792 : i32
      %mul3A_198 = arith.muli %add3A_196, %mul3A_197 : i32
      %mul3A_199 = arith.constant 16 : i32
      %mul3A_200 = arith.muli %mul3A_198, %mul3A_199 : i32
      %dma_wait3A = tpu.memref_slice %arg4[%mul3A_200] : memref<16000000xf32, #tpu.memory_space<hbm>> -> memref<28672xf32, #tpu.memory_space<hbm>>
      %dma_wait3A_201 = tpu.memref_slice %arg4[%mul3A_200] : memref<16000000xf32, #tpu.memory_space<hbm>> -> memref<28672xf32, #tpu.memory_space<hbm>>
      tpu.wait_dma2 semaphore(%arg11 : memref<!tpu.dma_semaphore, #tpu.memory_space<semaphore_mem>>) src(%arg7 : memref<28672xf32, #tpu.memory_space<vmem>>) dst(%dma_wait3A_201 : memref<28672xf32, #tpu.memory_space<hbm>>)
    } else {
    }
    %eq3A = arith.constant 0 : i32
    %eq3A_191 = arith.cmpi eq, %add3A, %eq3A : i32
    %convert_element_type3A_192 = arith.extui %eq3A_191 : i1 to i32
    %cond3A_193 = arith.constant 0 : i32
    %cond3A_194 = arith.cmpi ne, %convert_element_type3A_192, %cond3A_193 : i32
    scf.if %cond3A_194 {
      "tpu.region"() ({
        %run_scoped3A = tpu.sem_alloc : memref<!tpu.dma_semaphore, #tpu.memory_space<semaphore_mem>>
        %dma_start3A = arith.constant 0 : i32
        %dma_start3A_195 = tpu.memref_slice %arg7[%dma_start3A] : memref<28672xf32, #tpu.memory_space<vmem>> -> memref<1024xf32, #tpu.memory_space<vmem>>
        %dma_start3A_196 = arith.constant 0 : i32
        %dma_start3A_197 = tpu.memref_slice %arg7[%dma_start3A_196] : memref<28672xf32, #tpu.memory_space<vmem>> -> memref<1024xf32, #tpu.memory_space<vmem>>
        tpu.enqueue_dma source(%arg3 : memref<1024xf32, #tpu.memory_space<hbm>>) target(%dma_start3A_197 : memref<1024xf32, #tpu.memory_space<vmem>>) target_semaphore(%run_scoped3A : memref<!tpu.dma_semaphore, #tpu.memory_space<semaphore_mem>>)
        %dma_wait3A = arith.constant 0 : i32
        %dma_wait3A_198 = tpu.memref_slice %arg7[%dma_wait3A] : memref<28672xf32, #tpu.memory_space<vmem>> -> memref<1024xf32, #tpu.memory_space<vmem>>
        %dma_wait3A_199 = arith.constant 0 : i32
        %dma_wait3A_200 = tpu.memref_slice %arg7[%dma_wait3A_199] : memref<28672xf32, #tpu.memory_space<vmem>> -> memref<1024xf32, #tpu.memory_space<vmem>>
        tpu.wait_dma2 semaphore(%run_scoped3A : memref<!tpu.dma_semaphore, #tpu.memory_space<semaphore_mem>>) src(%arg3 : memref<1024xf32, #tpu.memory_space<hbm>>) dst(%dma_wait3A_200 : memref<1024xf32, #tpu.memory_space<vmem>>)
        tpu.yield
      }) : () -> ()
      "tpu.region"() ({
        %run_scoped3A = tpu.sem_alloc : memref<!tpu.dma_semaphore, #tpu.memory_space<semaphore_mem>>
        %dma_start3A = arith.constant 0 : i32
        %dma_start3A_195 = tpu.memref_slice %arg7[%dma_start3A] : memref<28672xf32, #tpu.memory_space<vmem>> -> memref<1024xf32, #tpu.memory_space<vmem>>
        %dma_start3A_196 = arith.constant 15998976 : i32
        %dma_start3A_197 = tpu.memref_slice %arg4[%dma_start3A_196] : memref<16000000xf32, #tpu.memory_space<hbm>> -> memref<1024xf32, #tpu.memory_space<hbm>>
        %dma_start3A_198 = arith.constant 15998976 : i32
        %dma_start3A_199 = tpu.memref_slice %arg4[%dma_start3A_198] : memref<16000000xf32, #tpu.memory_space<hbm>> -> memref<1024xf32, #tpu.memory_space<hbm>>
        %dma_start3A_200 = arith.constant 0 : i32
        %dma_start3A_201 = tpu.memref_slice %arg7[%dma_start3A_200] : memref<28672xf32, #tpu.memory_space<vmem>> -> memref<1024xf32, #tpu.memory_space<vmem>>
        tpu.enqueue_dma source(%dma_start3A_201 : memref<1024xf32, #tpu.memory_space<vmem>>) target(%dma_start3A_199 : memref<1024xf32, #tpu.memory_space<hbm>>) target_semaphore(%run_scoped3A : memref<!tpu.dma_semaphore, #tpu.memory_space<semaphore_mem>>)
        %dma_wait3A = arith.constant 0 : i32
        %dma_wait3A_202 = tpu.memref_slice %arg7[%dma_wait3A] : memref<28672xf32, #tpu.memory_space<vmem>> -> memref<1024xf32, #tpu.memory_space<vmem>>
        %dma_wait3A_203 = arith.constant 15998976 : i32
        %dma_wait3A_204 = tpu.memref_slice %arg4[%dma_wait3A_203] : memref<16000000xf32, #tpu.memory_space<hbm>> -> memref<1024xf32, #tpu.memory_space<hbm>>
        %dma_wait3A_205 = arith.constant 15998976 : i32
        %dma_wait3A_206 = tpu.memref_slice %arg4[%dma_wait3A_205] : memref<16000000xf32, #tpu.memory_space<hbm>> -> memref<1024xf32, #tpu.memory_space<hbm>>
        %dma_wait3A_207 = arith.constant 0 : i32
        %dma_wait3A_208 = tpu.memref_slice %arg7[%dma_wait3A_207] : memref<28672xf32, #tpu.memory_space<vmem>> -> memref<1024xf32, #tpu.memory_space<vmem>>
        tpu.wait_dma2 semaphore(%run_scoped3A : memref<!tpu.dma_semaphore, #tpu.memory_space<semaphore_mem>>) src(%dma_wait3A_208 : memref<1024xf32, #tpu.memory_space<vmem>>) dst(%dma_wait3A_206 : memref<1024xf32, #tpu.memory_space<hbm>>)
        tpu.yield
      }) : () -> ()
    } else {
    }
    return
  }
}

module attributes {stable_mosaic.version = 14 : i64} {
  func.func @_tc_body(%arg0: i32, %arg1: memref<512x416xf32, #tpu.memory_space<vmem>>, %arg2: memref<512x26xf32, #tpu.memory_space<vmem>>, %arg3: memref<416x400xf32, #tpu.memory_space<vmem>>, %arg4: memref<1x400xf32, #tpu.memory_space<vmem>>, %arg5: memref<400x400xf32, #tpu.memory_space<vmem>>, %arg6: memref<1x400xf32, #tpu.memory_space<vmem>>, %arg7: memref<400x400xf32, #tpu.memory_space<vmem>>, %arg8: memref<1x400xf32, #tpu.memory_space<vmem>>, %arg9: memref<400x1xf32, #tpu.memory_space<vmem>>, %arg10: memref<1x416xf32, #tpu.memory_space<vmem>>, %arg11: memref<2xf32, #tpu.memory_space<smem>>, %arg12: memref<512x1xf32, #tpu.memory_space<vmem>>) attributes {dimension_semantics = [#tpu.dimension_semantics<arbitrary>], iteration_bounds = array<i64: 8>, scalar_prefetch = 0 : i64, scratch_operands = 0 : i64, tpu.core_type = #tpu.core_type<tc>, window_params = [{transform_indices = @transform_0, window_bounds = array<i64: 512, 416>}, {transform_indices = @transform_1, window_bounds = array<i64: 512, 26>}, {pipeline_mode = #tpu.pipeline_mode<synchronous>, transform_indices = @transform_2, window_bounds = array<i64: 416, 400>}, {pipeline_mode = #tpu.pipeline_mode<synchronous>, transform_indices = @transform_3, window_bounds = array<i64: 1, 400>}, {pipeline_mode = #tpu.pipeline_mode<synchronous>, transform_indices = @transform_4, window_bounds = array<i64: 400, 400>}, {pipeline_mode = #tpu.pipeline_mode<synchronous>, transform_indices = @transform_5, window_bounds = array<i64: 1, 400>}, {pipeline_mode = #tpu.pipeline_mode<synchronous>, transform_indices = @transform_6, window_bounds = array<i64: 400, 400>}, {pipeline_mode = #tpu.pipeline_mode<synchronous>, transform_indices = @transform_7, window_bounds = array<i64: 1, 400>}, {pipeline_mode = #tpu.pipeline_mode<synchronous>, transform_indices = @transform_8, window_bounds = array<i64: 400, 1>}, {pipeline_mode = #tpu.pipeline_mode<synchronous>, transform_indices = @transform_9, window_bounds = array<i64: 1, 416>}, {transform_indices = @transform_10, window_bounds = array<i64: 2>}, {transform_indices = @transform_11, window_bounds = array<i64: 512, 1>}]} {
    %get3A = arith.constant 0 : index
    %get3A_0 = arith.constant 0 : index
    %get3A_1 = vector.load %arg1[%get3A, %get3A_0] : memref<512x416xf32, #tpu.memory_space<vmem>>, vector<512x416xf32>
    %get3A_2 = arith.constant 0 : index
    %get3A_3 = arith.constant 0 : index
    %get3A_4 = vector.load %arg3[%get3A_2, %get3A_3] : memref<416x400xf32, #tpu.memory_space<vmem>>, vector<416x400xf32>
    %dot_general3A = arith.constant dense<0.000000e+00> : vector<512x400xf32>
    %dot_general3A_5 = tpu.matmul %get3A_1, %get3A_4, %dot_general3A {dimension_numbers = #tpu.dot_dimension_numbers<[1], [0], [0], [1], [0, 0, 1, 1], [], []>, transpose_lhs_hint = false} : vector<512x416xf32>, vector<416x400xf32>, vector<512x400xf32> -> vector<512x400xf32>
    %get3A_6 = arith.constant 0 : index
    %get3A_7 = arith.constant 0 : index
    %get3A_8 = vector.load %arg4[%get3A_6, %get3A_7] : memref<1x400xf32, #tpu.memory_space<vmem>>, vector<1x400xf32>
    %add3A = vector.broadcast %get3A_8 : vector<1x400xf32> to vector<512x400xf32>
    %add3A_9 = arith.addf %dot_general3A_5, %add3A : vector<512x400xf32>
    %max3A = arith.constant 0.000000e+00 : f32
    %max3A_10 = vector.broadcast %max3A : f32 to vector<512x400xf32>
    %max3A_11 = arith.maximumf %add3A_9, %max3A_10 : vector<512x400xf32>
    %get3A_12 = arith.constant 0 : index
    %get3A_13 = arith.constant 0 : index
    %get3A_14 = vector.load %arg5[%get3A_12, %get3A_13] : memref<400x400xf32, #tpu.memory_space<vmem>>, vector<400x400xf32>
    %dot_general3A_15 = arith.constant dense<0.000000e+00> : vector<512x400xf32>
    %dot_general3A_16 = tpu.matmul %max3A_11, %get3A_14, %dot_general3A_15 {dimension_numbers = #tpu.dot_dimension_numbers<[1], [0], [0], [1], [0, 0, 1, 1], [], []>, transpose_lhs_hint = false} : vector<512x400xf32>, vector<400x400xf32>, vector<512x400xf32> -> vector<512x400xf32>
    %get3A_17 = arith.constant 0 : index
    %get3A_18 = arith.constant 0 : index
    %get3A_19 = vector.load %arg6[%get3A_17, %get3A_18] : memref<1x400xf32, #tpu.memory_space<vmem>>, vector<1x400xf32>
    %add3A_20 = vector.broadcast %get3A_19 : vector<1x400xf32> to vector<512x400xf32>
    %add3A_21 = arith.addf %dot_general3A_16, %add3A_20 : vector<512x400xf32>
    %max3A_22 = arith.constant 0.000000e+00 : f32
    %max3A_23 = vector.broadcast %max3A_22 : f32 to vector<512x400xf32>
    %max3A_24 = arith.maximumf %add3A_21, %max3A_23 : vector<512x400xf32>
    %get3A_25 = arith.constant 0 : index
    %get3A_26 = arith.constant 0 : index
    %get3A_27 = vector.load %arg7[%get3A_25, %get3A_26] : memref<400x400xf32, #tpu.memory_space<vmem>>, vector<400x400xf32>
    %dot_general3A_28 = arith.constant dense<0.000000e+00> : vector<512x400xf32>
    %dot_general3A_29 = tpu.matmul %max3A_24, %get3A_27, %dot_general3A_28 {dimension_numbers = #tpu.dot_dimension_numbers<[1], [0], [0], [1], [0, 0, 1, 1], [], []>, transpose_lhs_hint = false} : vector<512x400xf32>, vector<400x400xf32>, vector<512x400xf32> -> vector<512x400xf32>
    %get3A_30 = arith.constant 0 : index
    %get3A_31 = arith.constant 0 : index
    %get3A_32 = vector.load %arg8[%get3A_30, %get3A_31] : memref<1x400xf32, #tpu.memory_space<vmem>>, vector<1x400xf32>
    %add3A_33 = vector.broadcast %get3A_32 : vector<1x400xf32> to vector<512x400xf32>
    %add3A_34 = arith.addf %dot_general3A_29, %add3A_33 : vector<512x400xf32>
    %max3A_35 = arith.constant 0.000000e+00 : f32
    %max3A_36 = vector.broadcast %max3A_35 : f32 to vector<512x400xf32>
    %max3A_37 = arith.maximumf %add3A_34, %max3A_36 : vector<512x400xf32>
    %mul3A = arith.mulf %get3A_1, %get3A_1 : vector<512x416xf32>
    %get3A_38 = arith.constant 0 : index
    %get3A_39 = arith.constant 0 : index
    %get3A_40 = vector.load %arg10[%get3A_38, %get3A_39] : memref<1x416xf32, #tpu.memory_space<vmem>>, vector<1x416xf32>
    %mul3A_41 = vector.broadcast %get3A_40 : vector<1x416xf32> to vector<512x416xf32>
    %mul3A_42 = arith.mulf %mul3A, %mul3A_41 : vector<512x416xf32>
    %reduce_sum3A = arith.constant dense<0.000000e+00> : vector<512xf32>
    %reduce_sum3A_43 = vector.multi_reduction <add>, %mul3A_42, %reduce_sum3A [1] : vector<512x416xf32> to vector<512xf32>
    %broadcast_in_dim3A = vector.shape_cast %reduce_sum3A_43 : vector<512xf32> to vector<512x1xf32>
    %get3A_44 = arith.constant 0 : index
    %get3A_45 = arith.constant 0 : index
    %get3A_46 = vector.load %arg2[%get3A_44, %get3A_45] : memref<512x26xf32, #tpu.memory_space<vmem>>, vector<512x26xf32>
    %reduce_sum3A_47 = arith.constant dense<0.000000e+00> : vector<512xf32>
    %reduce_sum3A_48 = vector.multi_reduction <add>, %get3A_46, %reduce_sum3A_47 [1] : vector<512x26xf32> to vector<512xf32>
    %broadcast_in_dim3A_49 = vector.shape_cast %reduce_sum3A_48 : vector<512xf32> to vector<512x1xf32>
    %get3A_50 = arith.constant 0 : index
    %get3A_51 = memref.load %arg11[%get3A_50] : memref<2xf32, #tpu.memory_space<smem>>
    %get3A_52 = arith.constant 1 : index
    %get3A_53 = memref.load %arg11[%get3A_52] : memref<2xf32, #tpu.memory_space<smem>>
    %get3A_54 = arith.constant 0 : index
    %get3A_55 = arith.constant 0 : index
    %get3A_56 = vector.load %arg9[%get3A_54, %get3A_55] : memref<400x1xf32, #tpu.memory_space<vmem>>, vector<400x1xf32>
    %dot_general3A_57 = arith.constant dense<0.000000e+00> : vector<512x1xf32>
    %dot_general3A_58 = tpu.matmul %max3A_37, %get3A_56, %dot_general3A_57 {dimension_numbers = #tpu.dot_dimension_numbers<[1], [0], [0], [1], [0, 0, 1, 1], [], []>, transpose_lhs_hint = false} : vector<512x400xf32>, vector<400x1xf32>, vector<512x1xf32> -> vector<512x1xf32>
    %add3A_59 = arith.addf %broadcast_in_dim3A_49, %broadcast_in_dim3A : vector<512x1xf32>
    %mul3A_60 = vector.broadcast %get3A_51 : f32 to vector<512x1xf32>
    %mul3A_61 = arith.mulf %add3A_59, %mul3A_60 : vector<512x1xf32>
    %add3A_62 = arith.addf %dot_general3A_58, %mul3A_61 : vector<512x1xf32>
    %add3A_63 = vector.broadcast %get3A_53 : f32 to vector<512x1xf32>
    %add3A_64 = arith.addf %add3A_62, %add3A_63 : vector<512x1xf32>
    %logistic3A = arith.negf %add3A_64 : vector<512x1xf32>
    %logistic3A_65 = math.exp %logistic3A : vector<512x1xf32>
    %logistic3A_66 = arith.constant 1.000000e+00 : f32
    %logistic3A_67 = vector.broadcast %logistic3A_66 : f32 to vector<512x1xf32>
    %logistic3A_68 = arith.addf %logistic3A_67, %logistic3A_65 : vector<512x1xf32>
    %logistic3A_69 = arith.divf %logistic3A_67, %logistic3A_68 : vector<512x1xf32>
    %swap3A = arith.constant 0 : index
    %swap3A_70 = arith.constant 0 : index
    %swap3A_71 = vector.load %arg12[%swap3A, %swap3A_70] : memref<512x1xf32, #tpu.memory_space<vmem>>, vector<512x1xf32>
    tpu.vector_store %arg12[%swap3A, %swap3A_70], %logistic3A_69 {strides = array<i32>} : memref<512x1xf32, #tpu.memory_space<vmem>>, vector<512x1xf32>,
    return
  }
  func.func @transform_0(%arg0: i32) -> (i32, i32) {
    %c0_i32 = arith.constant 0 : i32
    %c0_i32_0 = arith.constant 0 : i32
    return %arg0, %c0_i32 : i32, i32
  }
  func.func @transform_1(%arg0: i32) -> (i32, i32) {
    %c0_i32 = arith.constant 0 : i32
    %c0_i32_0 = arith.constant 0 : i32
    return %arg0, %c0_i32 : i32, i32
  }
  func.func @transform_2(%arg0: i32) -> (i32, i32) {
    %c0_i32 = arith.constant 0 : i32
    %c0_i32_0 = arith.constant 0 : i32
    %c0_i32_1 = arith.constant 0 : i32
    return %c0_i32, %c0_i32_0 : i32, i32
  }
  func.func @transform_3(%arg0: i32) -> (i32, i32) {
    %c0_i32 = arith.constant 0 : i32
    %c0_i32_0 = arith.constant 0 : i32
    %c0_i32_1 = arith.constant 0 : i32
    return %c0_i32, %c0_i32_0 : i32, i32
  }
  func.func @transform_4(%arg0: i32) -> (i32, i32) {
    %c0_i32 = arith.constant 0 : i32
    %c0_i32_0 = arith.constant 0 : i32
    %c0_i32_1 = arith.constant 0 : i32
    return %c0_i32, %c0_i32_0 : i32, i32
  }
  func.func @transform_5(%arg0: i32) -> (i32, i32) {
    %c0_i32 = arith.constant 0 : i32
    %c0_i32_0 = arith.constant 0 : i32
    %c0_i32_1 = arith.constant 0 : i32
    return %c0_i32, %c0_i32_0 : i32, i32
  }
  func.func @transform_6(%arg0: i32) -> (i32, i32) {
    %c0_i32 = arith.constant 0 : i32
    %c0_i32_0 = arith.constant 0 : i32
    %c0_i32_1 = arith.constant 0 : i32
    return %c0_i32, %c0_i32_0 : i32, i32
  }
  func.func @transform_7(%arg0: i32) -> (i32, i32) {
    %c0_i32 = arith.constant 0 : i32
    %c0_i32_0 = arith.constant 0 : i32
    %c0_i32_1 = arith.constant 0 : i32
    return %c0_i32, %c0_i32_0 : i32, i32
  }
  func.func @transform_8(%arg0: i32) -> (i32, i32) {
    %c0_i32 = arith.constant 0 : i32
    %c0_i32_0 = arith.constant 0 : i32
    %c0_i32_1 = arith.constant 0 : i32
    return %c0_i32, %c0_i32_0 : i32, i32
  }
  func.func @transform_9(%arg0: i32) -> (i32, i32) {
    %c0_i32 = arith.constant 0 : i32
    %c0_i32_0 = arith.constant 0 : i32
    %c0_i32_1 = arith.constant 0 : i32
    return %c0_i32, %c0_i32_0 : i32, i32
  }
  func.func @transform_10(%arg0: i32) -> i32 {
    %c0_i32 = arith.constant 0 : i32
    %c0_i32_0 = arith.constant 0 : i32
    return %c0_i32 : i32
  }
  func.func @transform_11(%arg0: i32) -> (i32, i32) {
    %c0_i32 = arith.constant 0 : i32
    %c0_i32_0 = arith.constant 0 : i32
    return %arg0, %c0_i32 : i32, i32
  }
}

</mosaic_0001>

<sc_bundles>
// kernel: kernel.5.cloned.1.call-start
scs
__scs_entry_jumppad:
0x0: {  	(pc) =	sbr.rel $0x88, $3  }
0x1: {  	(tag) =	ssettag $0x0;
	lr =	simm.s32 $0x1  }
0x2: {  	[smem:$0x3F95] =	sst lr;
	_ =	strace $0xD0000000  }
0x3: {  	_ = 	snop  }
0x4: {  	_ = 	snop  }
0x5: {  	_ = 	snop  }
0x6: {  	_ = 	snop  }
0x7: {  	_ = 	snop  }
__scs_overlays_trampoline_lowered:
0x8: {  	[smem:$0x3FA4] =	sst s0  }
0x9: {  	[smem:$0x3FA5] =	sst s1  }
0xa: {  	[smem:$0x3FA6] =	sst s2  }
0xb: {  	[smem:$0x3FA7] =	sst s3  }
0xc: {  	[smem:$0x3FA8] =	sst s4  }
0xd: {  	[smem:$0x3FA9] =	sst s5  }
0xe: {  	[smem:$0x3FAA] =	sst s6  }
0xf: {  	[smem:$0x3FAB] =	sst s7  }
0x10: {  	[smem:$0x3FAC] =	sst s8  }
0x11: {  	[smem:$0x3FAD] =	sst s9;
	s0 =	simm.s32 @!p0 $0x0  }
0x12: {  	s1 =	sld [smem:$0x3F93];
	s0 =	simm.s32 @p0 $0x1  }
0x13: {  	[smem:$0x3FAE] =	sst s0;
	s0 =	simm.s32 @!p1 $0x0  }
0x14: {  	s2 =	sld [smem:$0x3F92];
	s0 =	simm.s32 @p1 $0x1  }
0x15: {  	[smem:$0x3FAF] =	sst s0;
	s0 =	simm.s32 @!p2 $0x0  }
0x16: {  	s3 =	sld [smem:$0x3FDB];
	s0 =	simm.s32 @p2 $0x1  }
0x17: {  	s4 =	simm.s32 $0x1BF5;
	[smem:$0x3FB1] =	sst s0  }
0x18: {  	s0 =	sld [smem:$0x3F94];
	_ =	swait.ge [sflag:s4], $0x0  }
0x19: {  	s7 =	sld [smem:$0x3F95]  }
0x1a: {  	s8 =	sadd.s32 $0xFFFFE003, lr  }
0x1b: {  	s9 =	sadd.s32 $0xFFFFFEF7, lr;
	s5 =	simm.s32 $0xFFFFFFFF;
	p2 =	slt.u32 s8, $0xFFFFF086  }
0x1c: {  	p1 =	slt.u32 s9, $0xF7A;
	s5 =	simm.s32 @!p2 $0x0  }
0x1d: {  	s5 =	simm.s32 @p1 $0x1;
	p0 =	seq.s32 s7, s2  }
0x1e: {  	s7 =	smul.u32 @!p0 $0xF7A, s2;
	p2 =	seq.s32 @!p0 s5, $0x0  }
0x1f: {  	s9 =	smul.u32 $0xF7A, s1;
	s8 =	simm.s32 @!p0 $0x1BF5;
	p2 =	por !p2, p0  }
0x20: {  	[sflag:s8] =	ssyncset.s32 @!p0 $0xFFFFF086;
	s6 =	sadd.s32 @!p0 s3, s7;
	s7 =	simm.s32 @!p0 $0x108  }
0x21: {  	s3 =	sadd.s32 s3, s9;
	s6 =	sadd.s32 @!p0 $0x88, s6;
	s7 =	simm.s32 @p2 $0x1082  }
0x22: {  	[simem:s7], [sflag:s8] =	dma.local @!p0 [hbm:s6], $0xF7A  }
0x23: {  	s9 =	sor.u32 $0xD0000000, s2;
	s6 =	simm.s32 $0x108;
	_ =	swait.ge @!p0 [sflag:s8], $0x0  }
0x24: {  	s3 =	sadd.s32 $0x88, s3;
	s6 =	simm.s32 @!p1 $0x1082;
	[sflag:s4] =	ssyncset.s32 $0xFFFFF086  }
0x25: {  	[simem:s6], [sflag:s4] =	dma.local [hbm:s3], $0xF7A  }
0x26: {  	[smem:$0x3F95] =	sst s1;
	(tag) =	ssettag s2;
	_ =	strace s9  }
0x27: {  	s1 =	sld [smem:$0x3FA5]  }
0x28: {  	s2 =	sld [smem:$0x3FA6]  }
0x29: {  	s4 =	sld [smem:$0x3FA8]  }
0x2a: {  	p0 =	seq.s32 s5, $0x0;
	s5 =	sld [smem:$0x3FA9]  }
0x2b: {  	s6 =	sld [smem:$0x3FAA]  }
0x2c: {  	s7 =	sld [smem:$0x3FAB]  }
0x2d: {  	s3 =	simm.s32 $0x108;
	s8 =	sld [smem:$0x3FAC]  }
0x2e: {  	s3 =	simm.s32 @!p0 $0x1082;
	s9 =	sld [smem:$0x3FAD]  }
0x2f: {  	lr =	sadd.s32 s0, s3;
	s0 =	sld [smem:$0x3FA4]  }
0x30: {  	s3 =	sld [smem:$0x3FA7]  }
0x31: {  	[smem:$0x3FB0] =	sst s10  }
0x32: {  	s10 =	sld [smem:$0x3FAE];
	_ =	sdelay $0x3  }
0x33: {  	p0 =	seq.s32 s10, $0x1;
	s10 =	sld [smem:$0x3FB0];
	_ =	sdelay $0x3  }
0x34: {  	[smem:$0x3FB0] =	sst s10  }
0x35: {  	s10 =	sld [smem:$0x3FAF];
	_ =	sdelay $0x3  }
0x36: {  	p1 =	seq.s32 s10, $0x1;
	s10 =	sld [smem:$0x3FB0];
	_ =	sdelay $0x3  }
0x37: {  	[smem:$0x3FB0] =	sst s10  }
0x38: {  	s10 =	sld [smem:$0x3FB1]  }
0x39: {  	_ = 	snop;
	(pc) =	sbr.ind lr, $3  }
0x3a: {  	_ = 	snop  }
0x3b: {  	_ = 	snop  }
0x3c: {  	p2 =	seq.s32 s10, $0x1;
	s10 =	sld [smem:$0x3FB0]  }
0x3d: {  	_ =	shalt  }
0x3e: {  	_ =	shalt  }
0x3f: {  	_ =	shalt  }
0x40: {  	_ =	shalt  }
0x41: {  	_ =	shalt  }
0x42: {  	_ =	shalt  }
0x43: {  	_ =	shalt  }
0x44: {  	_ =	shalt  }
0x45: {  	_ =	shalt  }
0x46: {  	_ =	shalt  }
0x47: {  	_ =	shalt  }
0x48: {  	_ =	shalt  }
0x49: {  	_ =	shalt  }
0x4a: {  	_ =	shalt  }
0x4b: {  	_ =	shalt  }
0x4c: {  	_ =	shalt  }
0x4d: {  	_ =	shalt  }
0x4e: {  	_ =	shalt  }
0x4f: {  	_ =	shalt  }
0x50: {  	_ =	shalt  }
0x51: {  	_ =	shalt  }
0x52: {  	_ =	shalt  }
0x53: {  	_ =	shalt  }
0x54: {  	_ =	shalt  }
0x55: {  	_ =	shalt  }
0x56: {  	_ =	shalt  }
0x57: {  	_ =	shalt  }
0x58: {  	_ =	shalt  }
0x59: {  	_ =	shalt  }
0x5a: {  	_ =	shalt  }
0x5b: {  	_ =	shalt  }
0x5c: {  	_ =	shalt  }
0x5d: {  	_ =	shalt  }
0x5e: {  	_ =	shalt  }
0x5f: {  	_ =	shalt  }
0x60: {  	_ =	shalt  }
0x61: {  	_ =	shalt  }
0x62: {  	_ =	shalt  }
0x63: {  	_ =	shalt  }
0x64: {  	_ =	shalt  }
0x65: {  	_ =	shalt  }
0x66: {  	_ =	shalt  }
0x67: {  	_ =	shalt  }
0x68: {  	_ =	shalt  }
0x69: {  	_ =	shalt  }
0x6a: {  	_ =	shalt  }
0x6b: {  	_ =	shalt  }
0x6c: {  	_ =	shalt  }
0x6d: {  	_ =	shalt  }
0x6e: {  	_ =	shalt  }
0x6f: {  	_ =	shalt  }
0x70: {  	_ =	shalt  }
0x71: {  	_ =	shalt  }
0x72: {  	_ =	shalt  }
0x73: {  	_ =	shalt  }
0x74: {  	_ =	shalt  }
0x75: {  	_ =	shalt  }
0x76: {  	_ =	shalt  }
0x77: {  	_ =	shalt  }
0x78: {  	_ =	shalt  }
0x79: {  	_ =	shalt  }
0x7a: {  	_ =	shalt  }
0x7b: {  	_ =	shalt  }
0x7c: {  	_ =	shalt  }
0x7d: {  	_ =	shalt  }
0x7e: {  	_ =	shalt  }
0x7f: {  	_ =	shalt  }
0x80: {  	_ =	shalt  }
0x81: {  	_ =	shalt  }
0x82: {  	_ =	shalt  }
0x83: {  	_ =	shalt  }
0x84: {  	_ =	shalt  }
0x85: {  	_ =	shalt  }
0x86: {  	_ =	shalt  }
0x87: {  	_ =	shalt  }
.Lfunc_end0:
.L_simem_size_0:
called_computation_lowered:
.L_overlay_start_0:
0x88: {  	s2 =	sld [smem:$0x3FD9]  }
0x89: {  	s3 =	sld [smem:$0x3FFE];
	_ =	sdelay $0x1  }
0x8a: {  	s1 =	srdreg.scid  }
0x8b: {  	s0 =	sand.u32 $0x1, s1  }
0x8c: {  	s17 =	sshll.u32 s0, $0xA;
	s2 =	sadd.s32 s3, s2  }
0x8d: {  	s2 =	sadd.s32 s2, s17  }
0x8e: {  	[smem:$0x3FBC] =	sst s2  }
0x8f: {  	_ = 	snop  }
0x90: {  	s2 =	sld [smem:$0x3FC8]  }
0x91: {  	s18 =	sld [smem:$0x3FD0];
	(tm) =	ssettm $0x1  }
0x92: {  	s4 =	sld [smem:$0x3FFB];
	_ =	sdelay $0x3  }
0x93: {  	_ =	strace s4  }
0x94: {  	s4 =	sld [smem:$0x3FFC];
	_ =	sdelay $0x3  }
0x95: {  	_ =	strace s4  }
0x96: {  	s4 =	sld [smem:$0x3FFD];
	_ =	sdelay $0x3  }
0x97: {  	_ =	strace s4  }
0x98: {  	_ =	strace $0x8FFFFFFF  }
0x99: {  	s19 =	sld [smem:$0x3FDB];
	_ =	sdelay $0x1  }
0x9a: {  	s5 =	simm.s32 $_scs_section_size  }
0x9b: {  	s6 =	simm.s32 $_size__tile_overlayer_lowered;
	s7 =	simm.s32 $_tile_overlayer_lowered  }
0x9c: {  	s22 =	simm.s32 $0x1BFF;
	s21 =	sshll.u32 s7, $0x1;
	s4 =	sadd.s32 s5, s19  }
0x9d: {  	s8 =	simm.s32 $0x0;
	s20 =	sshll.u32 s6, $0x1;
	s6 =	sadd.s32 s21, s4  }
0x9e: {  	[timem:s8], [sflag:s22] =	dma.local [hbm:s6], s20  }
0x9f: {  	_ =	swait.ge [sflag:s22], s20  }
0xa0: {  	s5 =	ssub.s32 $0x0, s20;
	[sflag:s22] =	ssyncset.done $0x0  }
0xa1: {  	[sflag:s22] =	ssyncadd.s32 s5;
	_ =	sdelay $0x1  }
0xa2: {  	s23 =	simm.s32 $0x1B8B  }
0xa3: {  	_ =	swait.ge [sflag:s23], $0x1  }
0xa4: {  	[sflag:s23] =	ssyncset.done $0x0  }
0xa5: {  	s25 =	simm.s32 $0x1B8E;
	s24 =	sld [smem:$0x3FFE];
	[sflag:s23] =	ssyncadd.s32 $0xFFFFFFFF  }
0xa6: {  	s26 =	simm.s32 $execute0_lowered;
	[smem:$0x3FD2] =	sst s25  }
0xa7: {  	s6 =	sshll.u32 s26, $0x1;
	_ =	strace $0x80000046;
	[dreg:$0x1] =	wrdreg $0xFFFFFFFF  }
0xa8: {  	s28 =	simm.s32 $_size_execute0_lowered;
	s4 =	sadd.s32 s4, s6;
	[dreg:$0x0] =	wrdreg $0x0  }
0xa9: {  	s6 =	sshll.u32 s28, $0x1;
	[dreg:$0x2] =	wrdreg s4  }
0xaa: {  	[dreg:$0x3] =	wrdreg s6  }
0xab: {  	[dreg:$0x4] =	wrdreg $0xC0  }
0xac: {  	_ =	task [dreg:s8], $0x5FFFF  }
0xad: {  	[dreg:$0x1] =	wrdreg $0xFFFFFFFF  }
0xae: {  	[dreg:$0x0] =	wrdreg $0x60  }
0xaf: {  	[dreg:$0x2] =	wrdreg s2  }
0xb0: {  	[dreg:$0x3] =	wrdreg s18  }
0xb1: {  	[dreg:$0x4] =	wrdreg s24  }
0xb2: {  	[dreg:$0x5] =	wrdreg $0x9  }
0xb3: {  	_ =	task.clear_ibuf [dreg:s8], $0x6FFFF;
	_ =	strace $0x90000046  }
0xb4: {  	s29 =	simm.s32 $0x9;
	_ =	strace $0x80000048  }
0xb5: {  	_ =	swait.ge [sflag:s29], $0x1  }
0xb6: {  	[sflag:s29] =	ssyncadd.s32 $0xFFFFFFFF  }
0xb7: {  	_ =	strace $0x90000048  }
0xb8: {  	_ =	sfence  }
0xb9: {  	s30 =	sld [smem:$0x0];
	_ =	sdelay $0x2  }
0xba: {  	s31 =	sshll.u32 s1, $0xD;
	s1 =	sshrl.u32 s1, $0x2  }
0xbb: {  	s3 =	sand.u32 $0x4000, s31;
	s1 =	sadd.s32 s1, s30  }
0xbc: {  	s0 =	sor.u32 s3, s0;
	s1 =	sshll.u32 s1, $0x11  }
0xbd: {  	s0 =	sor.u32 s1, s0  }
0xbe: {  	s0 =	sadd.s32 $0x8F2B, s0  }
0xbf: {  	[sflag:s0] =	ssyncadd.remote.s32 $0x1  }
0xc0: {  	_ =	sfence.sel $0xFFFF  }
0xc1: {  	[dreg:$0x0] =	wrdreg $0xFFFFFFFF;
	(pc) =	sbr.abs _section_cstart, $3  }
0xc2: {  	[dreg:$0x1] =	wrdreg $0xFFFFFFFF  }
0xc3: {  	_ =	task.clear_ibuf [dreg:s8], $0x2FFFF;
	_ =	strace $0x9FFFFFFF  }
0xc4: {  	(tm) =	ssettm $0x7FFFFFFF  }
0xc5: {  	_ =	shalt  }
tec
execute0_lowered:
.L_overlay_start_1:
0x0: {  	(tag) =	ssettag $0x1  }
0x1: {  	s1 =	srdreg.scid;
	s11 =	stileid.u32  }
0x2: {  	s1 =	sand.u32 $0x1, s1;
	s2 =	sshll.u32 s11, $0x1  }
0x3: {  	s0 =	rddreg [dreg:$0x0];
	s2 =	sor.u32 s1, s2  }
0x4: {  	s7 =	rddreg [dreg:$0x2];
	s3 =	simm.s32 $0x0;
	s4 =	smul.u32 $0x3800, s2  }
0x5: {  	[smem:$0x7FF] =	sst s3;
	s6 =	smul.u32 $0x700, s2  }
0x6: {  	s5 =	sadd.s32 $0x1E00, s7;
	s9 =	smul.u32 $0x7000, s2;
	s4 =	sshrl.u32 s4, $0x3  }
0x7: {  	_ =	strace $0x80000047;
	s25 =	smul.u32 $0xE00, s2;
	s10 =	sadd.s32 s0, s4  }
0x8: {  	s28 =	sshrl.u32 s9, $0x3;
	s4 =	sadd.s32 s0, s6;
	s26 =	sadd.s32 $0xE000, s10  }
0x9: {  	s0 =	sadd.s32 s5, s28;
	s29 =	sadd.s32 $0x1C000, s10;
	[dreg:$0x4] =	wrdreg s26  }
0xa: {  	s30 =	sadd.s32 $0x1C000, s0;
	[dreg:$0x5] =	wrdreg s29  }
0xb: {  	s6 =	sadd.s32 s5, s25;
	s5 =	sadd.s32 $0x2A000, s10;
	[dreg:$0x6] =	wrdreg s30  }
0xc: {  	s9 =	sadd.s32 $0x38000, s0;
	[dreg:$0x7] =	wrdreg s5  }
0xd: {  	s12 =	sadd.s32 $0x54000, s0;
	[dreg:$0x8] =	wrdreg s9  }
0xe: {  	s13 =	sadd.s32 $0x70000, s0;
	[dreg:$0x9] =	wrdreg s12  }
0xf: {  	s14 =	sadd.s32 $0x8C000, s0;
	[dreg:$0xa] =	wrdreg s13  }
0x10: {  	s15 =	sadd.s32 $0xA8000, s0;
	[dreg:$0xb] =	wrdreg s14  }
0x11: {  	s16 =	sadd.s32 $0xC4000, s0;
	[dreg:$0xc] =	wrdreg s15  }
0x12: {  	s7 =	sadd.s32 $0x1EA200, s7;
	s17 =	sadd.s32 $0xFC000, s0;
	[dreg:$0xd] =	wrdreg s16  }
0x13: {  	p1 =	sgt.u32 s11, $0x6;
	s18 =	sadd.s32 $0x118000, s0;
	[dreg:$0xe] =	wrdreg s17  }
0x14: {  	s1 =	ssub.s32 $0x2, s1;
	s19 =	sadd.s32 $0x134000, s0;
	[dreg:$0xf] =	wrdreg s18  }
0x15: {  	s8 =	sshrl.u32 s1, $0x1;
	s20 =	sadd.s32 $0x150000, s0;
	[dreg:$0x10] =	wrdreg s19  }
0x16: {  	p0 =	sne.s32 s2, $0x0;
	s21 =	sadd.s32 $0x16C000, s0;
	[dreg:$0x11] =	wrdreg s20  }
0x17: {  	s8 =	ssub.s32 s1, s8;
	s22 =	sadd.s32 $0x188000, s0;
	[dreg:$0x12] =	wrdreg s21  }
0x18: {  	s8 =	smax.u32 s8, $0x1;
	s0 =	sadd.s32 $0x1A4000, s0;
	[dreg:$0x13] =	wrdreg s22  }
0x19: {  	s23 =	sadd.s32 $0x38000, s10;
	s24 =	sadd.s32 $0x46000, s10;
	[dreg:$0x14] =	wrdreg s0  }
0x1a: {  	s25 =	sadd.s32 $0x54000, s10;
	s28 =	sadd.s32 $0x7E000, s10;
	[dreg:$0x15] =	wrdreg s23  }
0x1b: {  	s31 =	sadd.s32 $0xA8000, s10;
	s1 =	sadd.s32 $0xC4000, s10;
	[dreg:$0x16] =	wrdreg s24  }
0x1c: {  	s2 =	sadd.s32 $0xD2000, s10;
	s11 =	sadd.s32 $0xE0000, s4;
	[dreg:$0x17] =	wrdreg s25  }
0x1d: {  	v0 =	vlaneseq.u32;
	s26 =	sadd.s32 $0x62000, s10;
	[dreg:$0x19] =	wrdreg s28;
	s29 =	sadd.s32 $0x8C000, s10  }
0x1e: {  	v0 =	vmul.u32 $0x10, v0;
	s30 =	sadd.s32 $0x9A000, s10;
	s0 =	sadd.s32 $0xB6000, s10;
	s5 =	sadd.s32 $0xEE000, s10  }
0x1f: {  	s9 =	sadd.s32 $0x70000, s4;
	s10 =	sadd.s32 $0xE0000, s6;
	s12 =	sadd.s32 $0x1C0000, s6  }
.Ltmp0:
0x20: {  	v1 =	vor.u32 $0x1, v0;
	v2 =	vor.u32 $0x2, v0;
	v5 =	vor.u32 $0x5, v0;
	s13 =	sadd.s32 $0x1DC000, s6;
	s14 =	simm.s32 $0x7A1400;
	(pc) =	sbr.rel .LBB2_1-.Ltmp0, $4  }
0x21: {  	v3 =	vor.u32 $0x3, v0;
	v4 =	vor.u32 $0x4, v0;
	v6 =	vor.u32 $0x6, v0;
	s15 =	simm.s32 $0x1;
	s16 =	simm.s32 $0x7000;
	[dreg:$0x18] =	wrdreg s26  }
0x22: {  	v7 =	vor.u32 $0x7, v0;
	v8 =	vor.u32 $0x8, v0;
	v9 =	vor.u32 $0x9, v0;
	s17 =	simm.s32 $0xE000;
	s18 =	simm.s32 $0x2;
	[dreg:$0x1a] =	wrdreg s29  }
0x23: {  	v10 =	vor.u32 $0xA, v0;
	v11 =	vor.u32 $0xB, v0;
	v12 =	vor.u32 $0xC, v0;
	s19 =	simm.s32 $0x3;
	s20 =	simm.s32 $0x15000;
	[dreg:$0x1b] =	wrdreg s30  }
0x24: {  	v13 =	vor.u32 $0xD, v0;
	v14 =	vor.u32 $0xE, v0;
	v15 =	vor.u32 $0xF, v0;
	s21 =	simm.s32 $0x0;
	[dreg:$0x1c] =	wrdreg s13;
	s13 =	simm.s32 $0x3800  }
.LBB2_38:
0x25: {  	_ =	sdelay $0x3  }
0x26: {  	[tilespmem:v5+s23+$0x0] =	vst.idx.msk $0xffff, v23  }
0x27: {  	[tilespmem:v6+s23+$0x0] =	vst.idx.msk $0xffff, v20  }
0x28: {  	[tilespmem:v7+s23+$0x0] =	vst.idx.msk $0xffff, v18  }
0x29: {  	[tilespmem:v8+s23+$0x0] =	vst.idx.msk $0xffff, v26  }
0x2a: {  	[tilespmem:v9+s23+$0x0] =	vst.idx.msk $0xffff, v21  }
0x2b: {  	[tilespmem:v10+s23+$0x0] =	vst.idx.msk $0xffff, v25  }
0x2c: {  	[tilespmem:v11+s23+$0x0] =	vst.idx.msk $0xffff, v22  }
0x2d: {  	[tilespmem:v12+s23+$0x0] =	vst.idx.msk $0xffff, v19  }
0x2e: {  	[tilespmem:v13+s23+$0x0] =	vst.idx.msk $0xffff, v24  }
0x2f: {  	[tilespmem:v14+s23+$0x0] =	vst.idx.msk $0xffff, v17  }
0x30: {  	[tilespmem:v15+s23+$0x0] =	vst.idx.msk $0xffff, v16  }
0x31: {  	_ =	swait.ge [sflag:s19], $0x7000  }
0x32: {  	[sflag:s19] =	ssyncset.done $0x0  }
0x33: {  	s22 =	rddreg [dreg:$0x1c];
	[sflag:s19] =	ssyncadd.s32 $0xFFFF9000  }
0x34: {  	[hbm4b:s22+s3] =	stream.linear.scatter [tilespmem:s20], [sflag:$0x3], $0x7000, $0x38;
	[tilespmem:$0x1C000] =	vst v63  }
.LBB2_39:
0x35: {  	_ =	swait.ge [sflag:s19], $0x7000  }
0x36: {  	[sflag:s19] =	ssyncset.done $0x0  }
0x37: {  	[sflag:s19] =	ssyncadd.s32 $0xFFFF9000  }
0x38: {  	s22 =	simm.s32 @!p0 $0x0;
	s23 =	simm.s32 @!p0 $0xE000;
	s24 =	rddreg [dreg:$0x1]  }
0x39: {  	[tilespmem:s23], [sflag:$0x4] =	stream.linear.gather @!p0 [hbm4b:s24+s22], $0x400, $0x38;
	[tilespmem:$0x1C000] =	vst v63  }
0x3a: {  	s24 =	simm.s32 @!p0 $0x4  }
0x3b: {  	s21 =	sadd.s32 $0x1, s21;
	_ =	swait.ge @!p0 [sflag:s24], $0x400  }
0x3c: {  	p2 =	sne.s32 s21, s8;
	[sflag:s24] =	ssyncset.done @!p0 $0x0  }
.Ltmp1:
0x3d: {  	[sflag:s24] =	ssyncadd.s32 @!p0 $0xFFFFFC00;
	(pc) =	sbr.rel @!p2 .LBB2_40-.Ltmp1, $4  }
0x3e: {  	[hbm4b:s7+s22] =	stream.linear.scatter @!p0 [tilespmem:s23], [sflag:$0x4], $0x400, $0x38;
	[tilespmem:$0x1C000] =	vst v63  }
0x3f: {  	_ =	swait.ge @!p0 [sflag:s24], $0x400  }
0x40: {  	[sflag:s24] =	ssyncset.done @!p0 $0x0  }
0x41: {  	[sflag:s24] =	ssyncadd.s32 @!p0 $0xFFFFFC00  }
.LBB2_1:
0x42: {  	[tilespmem:s3], [sflag:$0x1] =	stream.strided.gather [hbm4b:s4+s13], $0x7000, s14, s13, $0x38;
	[tilespmem:$0x1C000] =	vst v63  }
0x43: {  	_ =	swait.ge [sflag:s15], $0x7000  }
0x44: {  	s23 =	sand.u32 $0x70, s3;
	s24 =	sand.u32 $0x3C00, s3;
	[sflag:s15] =	ssyncset.done $0x0  }
0x45: {  	s23 =	sor.u32 s23, s24;
	s22 =	rddreg [dreg:$0x4];
	[sflag:s15] =	ssyncadd.s32 $0xFFFF9000  }
0x46: {  	[tilespmem:s16], [sflag:$0x2] =	stream.strided.gather [hbm4b:s22+s13], $0x7000, s14, s13, $0x38;
	[tilespmem:$0x1C000] =	vst v63  }
0x47: {  	v20 =	vld [tilespmem:s23+$0x300]  }
0x48: {  	v23 =	vld [tilespmem:s23+$0x280]  }
0x49: {  	v16 =	vld [tilespmem:s23+$0x3B80]  }
0x4a: {  	v17 =	vld [tilespmem:s23+$0x3B00]  }
0x4b: {  	v21 =	vld [tilespmem:s23+$0x3880]  }
0x4c: {  	v19 =	vld [tilespmem:s23+$0x3A00]  }
0x4d: {  	v22 =	vld [tilespmem:s23+$0x3980]  }
0x4e: {  	v27 =	vld [tilespmem:s23+$0x180]  }
0x4f: {  	v28 =	vld [tilespmem:s23+$0x100]  }
0x50: {  	v29 =	vld [tilespmem:s23+$0x80]  }
0x51: {  	v30 =	vld [tilespmem:s23+$0x0]  }
0x52: {  	s30 =	sand.u32 $0x7, s3;
	v31 =	vld [tilespmem:s23+$0x200]  }
0x53: {  	s22 =	sshll.u32 s30, $0x4;
	v25 =	vld [tilespmem:s23+$0x3900]  }
0x54: {  	s22 =	sadd.s32 $0x0, s22;
	v26 =	vld [tilespmem:s23+$0x3800]  }
0x55: {  	v24 =	vld [tilespmem:s23+$0x3A80];
	s22 =	sor.u32 $0x380, s22  }
0x56: {  	v18 =	vld [tilespmem:s22+$0x0];
	[tilespmem:v0+s17+$0x0] =	vst.idx.msk $0xffff, v30  }
0x57: {  	[tilespmem:v1+s17+$0x0] =	vst.idx.msk $0xffff, v29  }
0x58: {  	[tilespmem:v2+s17+$0x0] =	vst.idx.msk $0xffff, v28  }
0x59: {  	s25 =	simm.s32 $0x0;
	s26 =	simm.s32 $0x0;
	[tilespmem:v3+s17+$0x0] =	vst.idx.msk $0xffff, v27  }
0x5a: {  	s24 =	simm.s32 $0xE000;
	s23 =	simm.s32 $0x10;
	s22 =	simm.s32 $0xE000;
	[tilespmem:v4+s17+$0x0] =	vst.idx.msk $0xffff, v31  }
.LBB2_2:
0x5b: {  	[tilespmem:v5+s22+$0x0] =	vst.idx.msk $0xffff, v23;
	s24 =	sadd.s32 $0x100, s24;
	s25 =	sadd.s32 $0x80, s25;
	s26 =	sadd.s32 $0x1, s26  }
0x5c: {  	p2 =	sne.s32 s23, $0x6F0;
	s28 =	smov.u32 s23;
	s23 =	sadd.s32 $0x10, s23;
	[tilespmem:v6+s22+$0x0] =	vst.idx.msk $0xffff, v20  }
0x5d: {  	[tilespmem:v7+s22+$0x0] =	vst.idx.msk $0xffff, v18  }
0x5e: {  	[tilespmem:v8+s22+$0x0] =	vst.idx.msk $0xffff, v26  }
0x5f: {  	[tilespmem:v9+s22+$0x0] =	vst.idx.msk $0xffff, v21  }
0x60: {  	[tilespmem:v10+s22+$0x0] =	vst.idx.msk $0xffff, v25  }
0x61: {  	[tilespmem:v11+s22+$0x0] =	vst.idx.msk $0xffff, v22  }
0x62: {  	s29 =	sand.u32 $0x7, s26;
	[tilespmem:v12+s22+$0x0] =	vst.idx.msk $0xffff, v19  }
0x63: {  	s29 =	sshll.u32 s29, $0x4;
	[tilespmem:v13+s22+$0x0] =	vst.idx.msk $0xffff, v24  }
0x64: {  	s29 =	sadd.s32 s29, s25;
	[tilespmem:v14+s22+$0x0] =	vst.idx.msk $0xffff, v17  }
0x65: {  	s28 =	sand.u32 $0x70, s28;
	s30 =	sand.u32 $0x3C00, s25;
	s29 =	sor.u32 $0x380, s29;
	[tilespmem:v15+s22+$0x0] =	vst.idx.msk $0xffff, v16  }
0x66: {  	s28 =	sor.u32 s28, s30;
	s22 =	smov.u32 s24;
	v18 =	vld [tilespmem:s29+$0x0]  }
0x67: {  	v20 =	vld [tilespmem:s28+$0x300]  }
0x68: {  	v23 =	vld [tilespmem:s28+$0x280]  }
0x69: {  	v16 =	vld [tilespmem:s28+$0x3B80]  }
0x6a: {  	v17 =	vld [tilespmem:s28+$0x3B00]  }
0x6b: {  	v21 =	vld [tilespmem:s28+$0x3880]  }
0x6c: {  	v19 =	vld [tilespmem:s28+$0x3A00]  }
0x6d: {  	v22 =	vld [tilespmem:s28+$0x3980]  }
0x6e: {  	v27 =	vld [tilespmem:s28+$0x180]  }
0x6f: {  	v28 =	vld [tilespmem:s28+$0x100]  }
0x70: {  	v29 =	vld [tilespmem:s28+$0x80]  }
0x71: {  	v30 =	vld [tilespmem:s28+$0x0]  }
0x72: {  	v31 =	vld [tilespmem:s28+$0x200]  }
0x73: {  	v25 =	vld [tilespmem:s28+$0x3900]  }
0x74: {  	v26 =	vld [tilespmem:s28+$0x3800]  }
0x75: {  	v24 =	vld [tilespmem:s28+$0x3A80]  }
.Ltmp2:
0x76: {  	[tilespmem:v0+s24+$0x0] =	vst.idx.msk $0xffff, v30;
	(pc) =	sbr.rel @p2 .LBB2_2-.Ltmp2, $4  }
0x77: {  	[tilespmem:v1+s24+$0x0] =	vst.idx.msk $0xffff, v29  }
0x78: {  	[tilespmem:v2+s24+$0x0] =	vst.idx.msk $0xffff, v28  }
0x79: {  	[tilespmem:v3+s24+$0x0] =	vst.idx.msk $0xffff, v27  }
0x7a: {  	[tilespmem:v4+s24+$0x0] =	vst.idx.msk $0xffff, v31  }
0x7b: {  	_ =	sdelay $0x3  }
0x7c: {  	[tilespmem:v5+s22+$0x0] =	vst.idx.msk $0xffff, v23  }
0x7d: {  	[tilespmem:v6+s22+$0x0] =	vst.idx.msk $0xffff, v20  }
0x7e: {  	[tilespmem:v7+s22+$0x0] =	vst.idx.msk $0xffff, v18  }
0x7f: {  	[tilespmem:v8+s22+$0x0] =	vst.idx.msk $0xffff, v26  }
0x80: {  	[tilespmem:v9+s22+$0x0] =	vst.idx.msk $0xffff, v21  }
0x81: {  	[tilespmem:v10+s22+$0x0] =	vst.idx.msk $0xffff, v25  }
0x82: {  	[tilespmem:v11+s22+$0x0] =	vst.idx.msk $0xffff, v22  }
0x83: {  	[tilespmem:v12+s22+$0x0] =	vst.idx.msk $0xffff, v19  }
0x84: {  	[tilespmem:v13+s22+$0x0] =	vst.idx.msk $0xffff, v24  }
0x85: {  	[tilespmem:v14+s22+$0x0] =	vst.idx.msk $0xffff, v17  }
0x86: {  	[tilespmem:v15+s22+$0x0] =	vst.idx.msk $0xffff, v16;
	s22 =	simm.s32 $0x0  }
0x87: {  	[hbm4b:s6+s22] =	stream.linear.scatter [tilespmem:s17], [sflag:$0x3], $0x7000, $0x38;
	[tilespmem:$0x1C000] =	vst v63  }
0x88: {  	_ =	swait.ge [sflag:s18], $0x7000  }
0x89: {  	s24 =	sand.u32 $0x70, s22;
	s25 =	sand.u32 $0x3C00, s22;
	[sflag:s18] =	ssyncset.done $0x0  }
0x8a: {  	s24 =	sor.u32 s24, s25;
	s23 =	rddreg [dreg:$0x5];
	[sflag:s18] =	ssyncadd.s32 $0xFFFF9000  }
0x8b: {  	[tilespmem:s22], [sflag:$0x1] =	stream.strided.gather [hbm4b:s23+s13], $0x7000, s14, s13, $0x38;
	[tilespmem:$0x1C000] =	vst v63  }
0x8c: {  	v20 =	vld [tilespmem:s24+$0x7300]  }
0x8d: {  	v23 =	vld [tilespmem:s24+$0x7280]  }
0x8e: {  	v16 =	vld [tilespmem:s24+$0xAB80]  }
0x8f: {  	v17 =	vld [tilespmem:s24+$0xAB00]  }
0x90: {  	v21 =	vld [tilespmem:s24+$0xA880]  }
0x91: {  	v19 =	vld [tilespmem:s24+$0xAA00]  }
0x92: {  	v22 =	vld [tilespmem:s24+$0xA980]  }
0x93: {  	v27 =	vld [tilespmem:s24+$0x7180]  }
0x94: {  	v28 =	vld [tilespmem:s24+$0x7100]  }
0x95: {  	v29 =	vld [tilespmem:s24+$0x7080]  }
0x96: {  	s30 =	sand.u32 $0x7, s22;
	v30 =	vld [tilespmem:s24+$0x7000]  }
0x97: {  	s23 =	sshll.u32 s30, $0x4;
	v31 =	vld [tilespmem:s24+$0x7200]  }
0x98: {  	s23 =	sadd.s32 $0x0, s23;
	v25 =	vld [tilespmem:s24+$0xA900]  }
0x99: {  	v26 =	vld [tilespmem:s24+$0xA800];
	s23 =	sor.u32 $0x380, s23  }
0x9a: {  	v18 =	vld [tilespmem:s23+$0x7000];
	s23 =	simm.s32 $0x15000  }
0x9b: {  	v24 =	vld [tilespmem:s24+$0xAA80];
	[tilespmem:v0+s23+$0x0] =	vst.idx.msk $0xffff, v30  }
0x9c: {  	[tilespmem:v1+s23+$0x0] =	vst.idx.msk $0xffff, v29  }
0x9d: {  	[tilespmem:v2+s23+$0x0] =	vst.idx.msk $0xffff, v28  }
0x9e: {  	[tilespmem:v3+s23+$0x0] =	vst.idx.msk $0xffff, v27  }
0x9f: {  	s26 =	simm.s32 $0x0;
	s25 =	simm.s32 $0x15000;
	s24 =	simm.s32 $0x10;
	[tilespmem:v4+s23+$0x0] =	vst.idx.msk $0xffff, v31  }
.LBB2_4:
0xa0: {  	[tilespmem:v5+s23+$0x0] =	vst.idx.msk $0xffff, v23;
	s25 =	sadd.s32 $0x100, s25;
	s22 =	sadd.s32 $0x80, s22;
	s26 =	sadd.s32 $0x1, s26  }
0xa1: {  	p2 =	sne.s32 s24, $0x6F0;
	s28 =	smov.u32 s24;
	s24 =	sadd.s32 $0x10, s24;
	[tilespmem:v6+s23+$0x0] =	vst.idx.msk $0xffff, v20  }
0xa2: {  	[tilespmem:v7+s23+$0x0] =	vst.idx.msk $0xffff, v18  }
0xa3: {  	[tilespmem:v8+s23+$0x0] =	vst.idx.msk $0xffff, v26  }
0xa4: {  	[tilespmem:v9+s23+$0x0] =	vst.idx.msk $0xffff, v21  }
0xa5: {  	[tilespmem:v10+s23+$0x0] =	vst.idx.msk $0xffff, v25  }
0xa6: {  	[tilespmem:v11+s23+$0x0] =	vst.idx.msk $0xffff, v22  }
0xa7: {  	s29 =	sand.u32 $0x7, s26;
	[tilespmem:v12+s23+$0x0] =	vst.idx.msk $0xffff, v19  }
0xa8: {  	s29 =	sshll.u32 s29, $0x4;
	[tilespmem:v13+s23+$0x0] =	vst.idx.msk $0xffff, v24  }
0xa9: {  	s29 =	sadd.s32 s29, s22;
	[tilespmem:v14+s23+$0x0] =	vst.idx.msk $0xffff, v17  }
0xaa: {  	s28 =	sand.u32 $0x70, s28;
	s30 =	sand.u32 $0x3C00, s22;
	s29 =	sor.u32 $0x380, s29;
	[tilespmem:v15+s23+$0x0] =	vst.idx.msk $0xffff, v16  }
0xab: {  	s28 =	sor.u32 s28, s30;
	s23 =	smov.u32 s25;
	v18 =	vld [tilespmem:s29+$0x7000]  }
0xac: {  	v20 =	vld [tilespmem:s28+$0x7300]  }
0xad: {  	v23 =	vld [tilespmem:s28+$0x7280]  }
0xae: {  	v16 =	vld [tilespmem:s28+$0xAB80]  }
0xaf: {  	v17 =	vld [tilespmem:s28+$0xAB00]  }
0xb0: {  	v21 =	vld [tilespmem:s28+$0xA880]  }
0xb1: {  	v19 =	vld [tilespmem:s28+$0xAA00]  }
0xb2: {  	v22 =	vld [tilespmem:s28+$0xA980]  }
0xb3: {  	v27 =	vld [tilespmem:s28+$0x7180]  }
0xb4: {  	v28 =	vld [tilespmem:s28+$0x7100]  }
0xb5: {  	v29 =	vld [tilespmem:s28+$0x7080]  }
0xb6: {  	v30 =	vld [tilespmem:s28+$0x7000]  }
0xb7: {  	v31 =	vld [tilespmem:s28+$0x7200]  }
0xb8: {  	v25 =	vld [tilespmem:s28+$0xA900]  }
0xb9: {  	v26 =	vld [tilespmem:s28+$0xA800]  }
0xba: {  	v24 =	vld [tilespmem:s28+$0xAA80]  }
.Ltmp3:
0xbb: {  	[tilespmem:v0+s25+$0x0] =	vst.idx.msk $0xffff, v30;
	(pc) =	sbr.rel @p2 .LBB2_4-.Ltmp3, $4  }
0xbc: {  	[tilespmem:v1+s25+$0x0] =	vst.idx.msk $0xffff, v29  }
0xbd: {  	[tilespmem:v2+s25+$0x0] =	vst.idx.msk $0xffff, v28  }
0xbe: {  	[tilespmem:v3+s25+$0x0] =	vst.idx.msk $0xffff, v27  }
0xbf: {  	[tilespmem:v4+s25+$0x0] =	vst.idx.msk $0xffff, v31  }
0xc0: {  	_ =	sdelay $0x3  }
0xc1: {  	[tilespmem:v5+s23+$0x0] =	vst.idx.msk $0xffff, v23  }
0xc2: {  	[tilespmem:v6+s23+$0x0] =	vst.idx.msk $0xffff, v20  }
0xc3: {  	[tilespmem:v7+s23+$0x0] =	vst.idx.msk $0xffff, v18  }
0xc4: {  	[tilespmem:v8+s23+$0x0] =	vst.idx.msk $0xffff, v26  }
0xc5: {  	[tilespmem:v9+s23+$0x0] =	vst.idx.msk $0xffff, v21  }
0xc6: {  	[tilespmem:v10+s23+$0x0] =	vst.idx.msk $0xffff, v25  }
0xc7: {  	[tilespmem:v11+s23+$0x0] =	vst.idx.msk $0xffff, v22  }
0xc8: {  	[tilespmem:v12+s23+$0x0] =	vst.idx.msk $0xffff, v19  }
0xc9: {  	[tilespmem:v13+s23+$0x0] =	vst.idx.msk $0xffff, v24  }
0xca: {  	[tilespmem:v14+s23+$0x0] =	vst.idx.msk $0xffff, v17  }
0xcb: {  	[tilespmem:v15+s23+$0x0] =	vst.idx.msk $0xffff, v16  }
0xcc: {  	_ =	swait.ge [sflag:s19], $0x7000  }
0xcd: {  	s22 =	simm.s32 $0x0;
	[sflag:s19] =	ssyncset.done $0x0  }
0xce: {  	s30 =	sand.u32 $0x7, s22;
	s28 =	rddreg [dreg:$0x6];
	[sflag:s19] =	ssyncadd.s32 $0xFFFF9000  }
0xcf: {  	[hbm4b:s28+s22] =	stream.linear.scatter [tilespmem:s20], [sflag:$0x3], $0x7000, $0x38;
	[tilespmem:$0x1C000] =	vst v63  }
0xd0: {  	s24 =	sand.u32 $0x70, s22;
	s23 =	sshll.u32 s30, $0x4;
	_ =	swait.ge [sflag:s15], $0x7000  }
0xd1: {  	s25 =	sand.u32 $0x3C00, s22;
	s23 =	sadd.s32 $0x0, s23;
	[sflag:s15] =	ssyncset.done $0x0  }
0xd2: {  	s23 =	sor.u32 $0x380, s23;
	s29 =	rddreg [dreg:$0x7];
	[sflag:s15] =	ssyncadd.s32 $0xFFFF9000  }
0xd3: {  	[tilespmem:s16], [sflag:$0x2] =	stream.strided.gather [hbm4b:s29+s13], $0x7000, s14, s13, $0x38;
	[tilespmem:$0x1C000] =	vst v63  }
0xd4: {  	s24 =	sor.u32 s24, s25;
	v18 =	vld [tilespmem:s23+$0x0]  }
0xd5: {  	v20 =	vld [tilespmem:s24+$0x300]  }
0xd6: {  	v23 =	vld [tilespmem:s24+$0x280]  }
0xd7: {  	v16 =	vld [tilespmem:s24+$0x3B80]  }
0xd8: {  	v17 =	vld [tilespmem:s24+$0x3B00]  }
0xd9: {  	v21 =	vld [tilespmem:s24+$0x3880]  }
0xda: {  	v19 =	vld [tilespmem:s24+$0x3A00]  }
0xdb: {  	v22 =	vld [tilespmem:s24+$0x3980]  }
0xdc: {  	v27 =	vld [tilespmem:s24+$0x180]  }
0xdd: {  	v28 =	vld [tilespmem:s24+$0x100]  }
0xde: {  	v30 =	vld [tilespmem:s24+$0x0]  }
0xdf: {  	v29 =	vld [tilespmem:s24+$0x80]  }
0xe0: {  	v31 =	vld [tilespmem:s24+$0x200]  }
0xe1: {  	v25 =	vld [tilespmem:s24+$0x3900]  }
0xe2: {  	v26 =	vld [tilespmem:s24+$0x3800];
	s23 =	simm.s32 $0xE000  }
0xe3: {  	v24 =	vld [tilespmem:s24+$0x3A80];
	[tilespmem:v0+s23+$0x0] =	vst.idx.msk $0xffff, v30  }
0xe4: {  	[tilespmem:v1+s23+$0x0] =	vst.idx.msk $0xffff, v29  }
0xe5: {  	[tilespmem:v2+s23+$0x0] =	vst.idx.msk $0xffff, v28  }
0xe6: {  	[tilespmem:v3+s23+$0x0] =	vst.idx.msk $0xffff, v27  }
0xe7: {  	s26 =	simm.s32 $0x0;
	s25 =	simm.s32 $0xE000;
	s24 =	simm.s32 $0x10;
	[tilespmem:v4+s23+$0x0] =	vst.idx.msk $0xffff, v31  }
.LBB2_6:
0xe8: {  	[tilespmem:v5+s23+$0x0] =	vst.idx.msk $0xffff, v23;
	s25 =	sadd.s32 $0x100, s25;
	s22 =	sadd.s32 $0x80, s22;
	s26 =	sadd.s32 $0x1, s26  }
0xe9: {  	p2 =	sne.s32 s24, $0x6F0;
	s28 =	smov.u32 s24;
	s24 =	sadd.s32 $0x10, s24;
	[tilespmem:v6+s23+$0x0] =	vst.idx.msk $0xffff, v20  }
0xea: {  	[tilespmem:v7+s23+$0x0] =	vst.idx.msk $0xffff, v18  }
0xeb: {  	[tilespmem:v8+s23+$0x0] =	vst.idx.msk $0xffff, v26  }
0xec: {  	[tilespmem:v9+s23+$0x0] =	vst.idx.msk $0xffff, v21  }
0xed: {  	[tilespmem:v10+s23+$0x0] =	vst.idx.msk $0xffff, v25  }
0xee: {  	[tilespmem:v11+s23+$0x0] =	vst.idx.msk $0xffff, v22  }
0xef: {  	s29 =	sand.u32 $0x7, s26;
	[tilespmem:v12+s23+$0x0] =	vst.idx.msk $0xffff, v19  }
0xf0: {  	s29 =	sshll.u32 s29, $0x4;
	[tilespmem:v13+s23+$0x0] =	vst.idx.msk $0xffff, v24  }
0xf1: {  	s29 =	sadd.s32 s29, s22;
	[tilespmem:v14+s23+$0x0] =	vst.idx.msk $0xffff, v17  }
0xf2: {  	s28 =	sand.u32 $0x70, s28;
	s30 =	sand.u32 $0x3C00, s22;
	s29 =	sor.u32 $0x380, s29;
	[tilespmem:v15+s23+$0x0] =	vst.idx.msk $0xffff, v16  }
0xf3: {  	s28 =	sor.u32 s28, s30;
	s23 =	smov.u32 s25;
	v18 =	vld [tilespmem:s29+$0x0]  }
0xf4: {  	v20 =	vld [tilespmem:s28+$0x300]  }
0xf5: {  	v23 =	vld [tilespmem:s28+$0x280]  }
0xf6: {  	v16 =	vld [tilespmem:s28+$0x3B80]  }
0xf7: {  	v17 =	vld [tilespmem:s28+$0x3B00]  }
0xf8: {  	v21 =	vld [tilespmem:s28+$0x3880]  }
0xf9: {  	v19 =	vld [tilespmem:s28+$0x3A00]  }
0xfa: {  	v22 =	vld [tilespmem:s28+$0x3980]  }
0xfb: {  	v27 =	vld [tilespmem:s28+$0x180]  }
0xfc: {  	v28 =	vld [tilespmem:s28+$0x100]  }
0xfd: {  	v29 =	vld [tilespmem:s28+$0x80]  }
0xfe: {  	v30 =	vld [tilespmem:s28+$0x0]  }
0xff: {  	v31 =	vld [tilespmem:s28+$0x200]  }
0x100: {  	v25 =	vld [tilespmem:s28+$0x3900]  }
0x101: {  	v26 =	vld [tilespmem:s28+$0x3800]  }
0x102: {  	v24 =	vld [tilespmem:s28+$0x3A80]  }
.Ltmp4:
0x103: {  	[tilespmem:v0+s25+$0x0] =	vst.idx.msk $0xffff, v30;
	(pc) =	sbr.rel @p2 .LBB2_6-.Ltmp4, $4  }
0x104: {  	[tilespmem:v1+s25+$0x0] =	vst.idx.msk $0xffff, v29  }
0x105: {  	[tilespmem:v2+s25+$0x0] =	vst.idx.msk $0xffff, v28  }
0x106: {  	[tilespmem:v3+s25+$0x0] =	vst.idx.msk $0xffff, v27  }
0x107: {  	[tilespmem:v4+s25+$0x0] =	vst.idx.msk $0xffff, v31  }
0x108: {  	_ =	sdelay $0x3  }
0x109: {  	[tilespmem:v5+s23+$0x0] =	vst.idx.msk $0xffff, v23  }
0x10a: {  	[tilespmem:v6+s23+$0x0] =	vst.idx.msk $0xffff, v20  }
0x10b: {  	[tilespmem:v7+s23+$0x0] =	vst.idx.msk $0xffff, v18  }
0x10c: {  	[tilespmem:v8+s23+$0x0] =	vst.idx.msk $0xffff, v26  }
0x10d: {  	[tilespmem:v9+s23+$0x0] =	vst.idx.msk $0xffff, v21  }
0x10e: {  	[tilespmem:v10+s23+$0x0] =	vst.idx.msk $0xffff, v25  }
0x10f: {  	[tilespmem:v11+s23+$0x0] =	vst.idx.msk $0xffff, v22  }
0x110: {  	[tilespmem:v12+s23+$0x0] =	vst.idx.msk $0xffff, v19  }
0x111: {  	[tilespmem:v13+s23+$0x0] =	vst.idx.msk $0xffff, v24  }
0x112: {  	[tilespmem:v14+s23+$0x0] =	vst.idx.msk $0xffff, v17  }
0x113: {  	[tilespmem:v15+s23+$0x0] =	vst.idx.msk $0xffff, v16  }
0x114: {  	_ =	swait.ge [sflag:s19], $0x7000  }
0x115: {  	s22 =	simm.s32 $0x0;
	[sflag:s19] =	ssyncset.done $0x0  }
0x116: {  	s30 =	sand.u32 $0x7, s22;
	s28 =	rddreg [dreg:$0x8];
	[sflag:s19] =	ssyncadd.s32 $0xFFFF9000  }
0x117: {  	[hbm4b:s28+s22] =	stream.linear.scatter [tilespmem:s17], [sflag:$0x3], $0x7000, $0x38;
	[tilespmem:$0x1C000] =	vst v63  }
0x118: {  	s24 =	sand.u32 $0x70, s22;
	s23 =	sshll.u32 s30, $0x4;
	_ =	swait.ge [sflag:s18], $0x7000  }
0x119: {  	s25 =	sand.u32 $0x3C00, s22;
	s23 =	sadd.s32 $0x0, s23;
	[sflag:s18] =	ssyncset.done $0x0  }
0x11a: {  	s23 =	sor.u32 $0x380, s23;
	s29 =	rddreg [dreg:$0x15];
	[sflag:s18] =	ssyncadd.s32 $0xFFFF9000  }
0x11b: {  	[tilespmem:s22], [sflag:$0x1] =	stream.strided.gather [hbm4b:s29+s13], $0x7000, s14, s13, $0x38;
	[tilespmem:$0x1C000] =	vst v63  }
0x11c: {  	s24 =	sor.u32 s24, s25;
	v18 =	vld [tilespmem:s23+$0x7000]  }
0x11d: {  	v20 =	vld [tilespmem:s24+$0x7300]  }
0x11e: {  	v23 =	vld [tilespmem:s24+$0x7280]  }
0x11f: {  	v16 =	vld [tilespmem:s24+$0xAB80]  }
0x120: {  	v17 =	vld [tilespmem:s24+$0xAB00]  }
0x121: {  	v21 =	vld [tilespmem:s24+$0xA880]  }
0x122: {  	v19 =	vld [tilespmem:s24+$0xAA00]  }
0x123: {  	v22 =	vld [tilespmem:s24+$0xA980]  }
0x124: {  	v27 =	vld [tilespmem:s24+$0x7180]  }
0x125: {  	v28 =	vld [tilespmem:s24+$0x7100]  }
0x126: {  	v30 =	vld [tilespmem:s24+$0x7000]  }
0x127: {  	v29 =	vld [tilespmem:s24+$0x7080]  }
0x128: {  	v31 =	vld [tilespmem:s24+$0x7200]  }
0x129: {  	v25 =	vld [tilespmem:s24+$0xA900]  }
0x12a: {  	v26 =	vld [tilespmem:s24+$0xA800];
	s23 =	simm.s32 $0x15000  }
0x12b: {  	v24 =	vld [tilespmem:s24+$0xAA80];
	[tilespmem:v0+s23+$0x0] =	vst.idx.msk $0xffff, v30  }
0x12c: {  	[tilespmem:v1+s23+$0x0] =	vst.idx.msk $0xffff, v29  }
0x12d: {  	[tilespmem:v2+s23+$0x0] =	vst.idx.msk $0xffff, v28  }
0x12e: {  	[tilespmem:v3+s23+$0x0] =	vst.idx.msk $0xffff, v27  }
0x12f: {  	s26 =	simm.s32 $0x0;
	s25 =	simm.s32 $0x15000;
	s24 =	simm.s32 $0x10;
	[tilespmem:v4+s23+$0x0] =	vst.idx.msk $0xffff, v31  }
.LBB2_8:
0x130: {  	[tilespmem:v5+s23+$0x0] =	vst.idx.msk $0xffff, v23;
	s25 =	sadd.s32 $0x100, s25;
	s22 =	sadd.s32 $0x80, s22;
	s26 =	sadd.s32 $0x1, s26  }
0x131: {  	p2 =	sne.s32 s24, $0x6F0;
	s28 =	smov.u32 s24;
	s24 =	sadd.s32 $0x10, s24;
	[tilespmem:v6+s23+$0x0] =	vst.idx.msk $0xffff, v20  }
0x132: {  	[tilespmem:v7+s23+$0x0] =	vst.idx.msk $0xffff, v18  }
0x133: {  	[tilespmem:v8+s23+$0x0] =	vst.idx.msk $0xffff, v26  }
0x134: {  	[tilespmem:v9+s23+$0x0] =	vst.idx.msk $0xffff, v21  }
0x135: {  	[tilespmem:v10+s23+$0x0] =	vst.idx.msk $0xffff, v25  }
0x136: {  	[tilespmem:v11+s23+$0x0] =	vst.idx.msk $0xffff, v22  }
0x137: {  	s29 =	sand.u32 $0x7, s26;
	[tilespmem:v12+s23+$0x0] =	vst.idx.msk $0xffff, v19  }
0x138: {  	s29 =	sshll.u32 s29, $0x4;
	[tilespmem:v13+s23+$0x0] =	vst.idx.msk $0xffff, v24  }
0x139: {  	s29 =	sadd.s32 s29, s22;
	[tilespmem:v14+s23+$0x0] =	vst.idx.msk $0xffff, v17  }
0x13a: {  	s28 =	sand.u32 $0x70, s28;
	s30 =	sand.u32 $0x3C00, s22;
	s29 =	sor.u32 $0x380, s29;
	[tilespmem:v15+s23+$0x0] =	vst.idx.msk $0xffff, v16  }
0x13b: {  	s28 =	sor.u32 s28, s30;
	s23 =	smov.u32 s25;
	v18 =	vld [tilespmem:s29+$0x7000]  }
0x13c: {  	v20 =	vld [tilespmem:s28+$0x7300]  }
0x13d: {  	v23 =	vld [tilespmem:s28+$0x7280]  }
0x13e: {  	v16 =	vld [tilespmem:s28+$0xAB80]  }
0x13f: {  	v17 =	vld [tilespmem:s28+$0xAB00]  }
0x140: {  	v21 =	vld [tilespmem:s28+$0xA880]  }
0x141: {  	v19 =	vld [tilespmem:s28+$0xAA00]  }
0x142: {  	v22 =	vld [tilespmem:s28+$0xA980]  }
0x143: {  	v27 =	vld [tilespmem:s28+$0x7180]  }
0x144: {  	v28 =	vld [tilespmem:s28+$0x7100]  }
0x145: {  	v29 =	vld [tilespmem:s28+$0x7080]  }
0x146: {  	v30 =	vld [tilespmem:s28+$0x7000]  }
0x147: {  	v31 =	vld [tilespmem:s28+$0x7200]  }
0x148: {  	v25 =	vld [tilespmem:s28+$0xA900]  }
0x149: {  	v26 =	vld [tilespmem:s28+$0xA800]  }
0x14a: {  	v24 =	vld [tilespmem:s28+$0xAA80]  }
.Ltmp5:
0x14b: {  	[tilespmem:v0+s25+$0x0] =	vst.idx.msk $0xffff, v30;
	(pc) =	sbr.rel @p2 .LBB2_8-.Ltmp5, $4  }
0x14c: {  	[tilespmem:v1+s25+$0x0] =	vst.idx.msk $0xffff, v29  }
0x14d: {  	[tilespmem:v2+s25+$0x0] =	vst.idx.msk $0xffff, v28  }
0x14e: {  	[tilespmem:v3+s25+$0x0] =	vst.idx.msk $0xffff, v27  }
0x14f: {  	[tilespmem:v4+s25+$0x0] =	vst.idx.msk $0xffff, v31  }
0x150: {  	_ =	sdelay $0x3  }
0x151: {  	[tilespmem:v5+s23+$0x0] =	vst.idx.msk $0xffff, v23  }
0x152: {  	[tilespmem:v6+s23+$0x0] =	vst.idx.msk $0xffff, v20  }
0x153: {  	[tilespmem:v7+s23+$0x0] =	vst.idx.msk $0xffff, v18  }
0x154: {  	[tilespmem:v8+s23+$0x0] =	vst.idx.msk $0xffff, v26  }
0x155: {  	[tilespmem:v9+s23+$0x0] =	vst.idx.msk $0xffff, v21  }
0x156: {  	[tilespmem:v10+s23+$0x0] =	vst.idx.msk $0xffff, v25  }
0x157: {  	[tilespmem:v11+s23+$0x0] =	vst.idx.msk $0xffff, v22  }
0x158: {  	[tilespmem:v12+s23+$0x0] =	vst.idx.msk $0xffff, v19  }
0x159: {  	[tilespmem:v13+s23+$0x0] =	vst.idx.msk $0xffff, v24  }
0x15a: {  	[tilespmem:v14+s23+$0x0] =	vst.idx.msk $0xffff, v17  }
0x15b: {  	[tilespmem:v15+s23+$0x0] =	vst.idx.msk $0xffff, v16  }
0x15c: {  	_ =	swait.ge [sflag:s19], $0x7000  }
0x15d: {  	s22 =	simm.s32 $0x0;
	[sflag:s19] =	ssyncset.done $0x0  }
0x15e: {  	s30 =	sand.u32 $0x7, s22;
	s28 =	rddreg [dreg:$0x9];
	[sflag:s19] =	ssyncadd.s32 $0xFFFF9000  }
0x15f: {  	[hbm4b:s28+s22] =	stream.linear.scatter [tilespmem:s20], [sflag:$0x3], $0x7000, $0x38;
	[tilespmem:$0x1C000] =	vst v63  }
0x160: {  	s24 =	sand.u32 $0x70, s22;
	s23 =	sshll.u32 s30, $0x4;
	_ =	swait.ge [sflag:s15], $0x7000  }
0x161: {  	s25 =	sand.u32 $0x3C00, s22;
	s23 =	sadd.s32 $0x0, s23;
	[sflag:s15] =	ssyncset.done $0x0  }
0x162: {  	s23 =	sor.u32 $0x380, s23;
	s29 =	rddreg [dreg:$0x16];
	[sflag:s15] =	ssyncadd.s32 $0xFFFF9000  }
0x163: {  	[tilespmem:s16], [sflag:$0x2] =	stream.strided.gather [hbm4b:s29+s13], $0x7000, s14, s13, $0x38;
	[tilespmem:$0x1C000] =	vst v63  }
0x164: {  	s24 =	sor.u32 s24, s25;
	v18 =	vld [tilespmem:s23+$0x0]  }
0x165: {  	v20 =	vld [tilespmem:s24+$0x300]  }
0x166: {  	v23 =	vld [tilespmem:s24+$0x280]  }
0x167: {  	v16 =	vld [tilespmem:s24+$0x3B80]  }
0x168: {  	v17 =	vld [tilespmem:s24+$0x3B00]  }
0x169: {  	v21 =	vld [tilespmem:s24+$0x3880]  }
0x16a: {  	v19 =	vld [tilespmem:s24+$0x3A00]  }
0x16b: {  	v22 =	vld [tilespmem:s24+$0x3980]  }
0x16c: {  	v27 =	vld [tilespmem:s24+$0x180]  }
0x16d: {  	v28 =	vld [tilespmem:s24+$0x100]  }
0x16e: {  	v30 =	vld [tilespmem:s24+$0x0]  }
0x16f: {  	v29 =	vld [tilespmem:s24+$0x80]  }
0x170: {  	v31 =	vld [tilespmem:s24+$0x200]  }
0x171: {  	v25 =	vld [tilespmem:s24+$0x3900]  }
0x172: {  	v26 =	vld [tilespmem:s24+$0x3800];
	s23 =	simm.s32 $0xE000  }
0x173: {  	v24 =	vld [tilespmem:s24+$0x3A80];
	[tilespmem:v0+s23+$0x0] =	vst.idx.msk $0xffff, v30  }
0x174: {  	[tilespmem:v1+s23+$0x0] =	vst.idx.msk $0xffff, v29  }
0x175: {  	[tilespmem:v2+s23+$0x0] =	vst.idx.msk $0xffff, v28  }
0x176: {  	[tilespmem:v3+s23+$0x0] =	vst.idx.msk $0xffff, v27  }
0x177: {  	s26 =	simm.s32 $0x0;
	s25 =	simm.s32 $0xE000;
	s24 =	simm.s32 $0x10;
	[tilespmem:v4+s23+$0x0] =	vst.idx.msk $0xffff, v31  }
.LBB2_10:
0x178: {  	[tilespmem:v5+s23+$0x0] =	vst.idx.msk $0xffff, v23;
	s25 =	sadd.s32 $0x100, s25;
	s22 =	sadd.s32 $0x80, s22;
	s26 =	sadd.s32 $0x1, s26  }
0x179: {  	p2 =	sne.s32 s24, $0x6F0;
	s28 =	smov.u32 s24;
	s24 =	sadd.s32 $0x10, s24;
	[tilespmem:v6+s23+$0x0] =	vst.idx.msk $0xffff, v20  }
0x17a: {  	[tilespmem:v7+s23+$0x0] =	vst.idx.msk $0xffff, v18  }
0x17b: {  	[tilespmem:v8+s23+$0x0] =	vst.idx.msk $0xffff, v26  }
0x17c: {  	[tilespmem:v9+s23+$0x0] =	vst.idx.msk $0xffff, v21  }
0x17d: {  	[tilespmem:v10+s23+$0x0] =	vst.idx.msk $0xffff, v25  }
0x17e: {  	[tilespmem:v11+s23+$0x0] =	vst.idx.msk $0xffff, v22  }
0x17f: {  	s29 =	sand.u32 $0x7, s26;
	[tilespmem:v12+s23+$0x0] =	vst.idx.msk $0xffff, v19  }
0x180: {  	s29 =	sshll.u32 s29, $0x4;
	[tilespmem:v13+s23+$0x0] =	vst.idx.msk $0xffff, v24  }
0x181: {  	s29 =	sadd.s32 s29, s22;
	[tilespmem:v14+s23+$0x0] =	vst.idx.msk $0xffff, v17  }
0x182: {  	s28 =	sand.u32 $0x70, s28;
	s30 =	sand.u32 $0x3C00, s22;
	s29 =	sor.u32 $0x380, s29;
	[tilespmem:v15+s23+$0x0] =	vst.idx.msk $0xffff, v16  }
0x183: {  	s28 =	sor.u32 s28, s30;
	s23 =	smov.u32 s25;
	v18 =	vld [tilespmem:s29+$0x0]  }
0x184: {  	v20 =	vld [tilespmem:s28+$0x300]  }
0x185: {  	v23 =	vld [tilespmem:s28+$0x280]  }
0x186: {  	v16 =	vld [tilespmem:s28+$0x3B80]  }
0x187: {  	v17 =	vld [tilespmem:s28+$0x3B00]  }
0x188: {  	v21 =	vld [tilespmem:s28+$0x3880]  }
0x189: {  	v19 =	vld [tilespmem:s28+$0x3A00]  }
0x18a: {  	v22 =	vld [tilespmem:s28+$0x3980]  }
0x18b: {  	v27 =	vld [tilespmem:s28+$0x180]  }
0x18c: {  	v28 =	vld [tilespmem:s28+$0x100]  }
0x18d: {  	v29 =	vld [tilespmem:s28+$0x80]  }
0x18e: {  	v30 =	vld [tilespmem:s28+$0x0]  }
0x18f: {  	v31 =	vld [tilespmem:s28+$0x200]  }
0x190: {  	v25 =	vld [tilespmem:s28+$0x3900]  }
0x191: {  	v26 =	vld [tilespmem:s28+$0x3800]  }
0x192: {  	v24 =	vld [tilespmem:s28+$0x3A80]  }
.Ltmp6:
0x193: {  	[tilespmem:v0+s25+$0x0] =	vst.idx.msk $0xffff, v30;
	(pc) =	sbr.rel @p2 .LBB2_10-.Ltmp6, $4  }
0x194: {  	[tilespmem:v1+s25+$0x0] =	vst.idx.msk $0xffff, v29  }
0x195: {  	[tilespmem:v2+s25+$0x0] =	vst.idx.msk $0xffff, v28  }
0x196: {  	[tilespmem:v3+s25+$0x0] =	vst.idx.msk $0xffff, v27  }
0x197: {  	[tilespmem:v4+s25+$0x0] =	vst.idx.msk $0xffff, v31  }
0x198: {  	_ =	sdelay $0x3  }
0x199: {  	[tilespmem:v5+s23+$0x0] =	vst.idx.msk $0xffff, v23  }
0x19a: {  	[tilespmem:v6+s23+$0x0] =	vst.idx.msk $0xffff, v20  }
0x19b: {  	[tilespmem:v7+s23+$0x0] =	vst.idx.msk $0xffff, v18  }
0x19c: {  	[tilespmem:v8+s23+$0x0] =	vst.idx.msk $0xffff, v26  }
0x19d: {  	[tilespmem:v9+s23+$0x0] =	vst.idx.msk $0xffff, v21  }
0x19e: {  	[tilespmem:v10+s23+$0x0] =	vst.idx.msk $0xffff, v25  }
0x19f: {  	[tilespmem:v11+s23+$0x0] =	vst.idx.msk $0xffff, v22  }
0x1a0: {  	[tilespmem:v12+s23+$0x0] =	vst.idx.msk $0xffff, v19  }
0x1a1: {  	[tilespmem:v13+s23+$0x0] =	vst.idx.msk $0xffff, v24  }
0x1a2: {  	[tilespmem:v14+s23+$0x0] =	vst.idx.msk $0xffff, v17  }
0x1a3: {  	[tilespmem:v15+s23+$0x0] =	vst.idx.msk $0xffff, v16  }
0x1a4: {  	_ =	swait.ge [sflag:s19], $0x7000  }
0x1a5: {  	s22 =	simm.s32 $0x0;
	[sflag:s19] =	ssyncset.done $0x0  }
0x1a6: {  	s30 =	sand.u32 $0x7, s22;
	s28 =	rddreg [dreg:$0xa];
	[sflag:s19] =	ssyncadd.s32 $0xFFFF9000  }
0x1a7: {  	[hbm4b:s28+s22] =	stream.linear.scatter [tilespmem:s17], [sflag:$0x3], $0x7000, $0x38;
	[tilespmem:$0x1C000] =	vst v63  }
0x1a8: {  	s24 =	sand.u32 $0x70, s22;
	s23 =	sshll.u32 s30, $0x4;
	_ =	swait.ge [sflag:s18], $0x7000  }
0x1a9: {  	s25 =	sand.u32 $0x3C00, s22;
	s23 =	sadd.s32 $0x0, s23;
	[sflag:s18] =	ssyncset.done $0x0  }
0x1aa: {  	s23 =	sor.u32 $0x380, s23;
	s29 =	rddreg [dreg:$0x17];
	[sflag:s18] =	ssyncadd.s32 $0xFFFF9000  }
0x1ab: {  	[tilespmem:s22], [sflag:$0x1] =	stream.strided.gather [hbm4b:s29+s13], $0x7000, s14, s13, $0x38;
	[tilespmem:$0x1C000] =	vst v63  }
0x1ac: {  	s24 =	sor.u32 s24, s25;
	v18 =	vld [tilespmem:s23+$0x7000]  }
0x1ad: {  	v20 =	vld [tilespmem:s24+$0x7300]  }
0x1ae: {  	v23 =	vld [tilespmem:s24+$0x7280]  }
0x1af: {  	v16 =	vld [tilespmem:s24+$0xAB80]  }
0x1b0: {  	v17 =	vld [tilespmem:s24+$0xAB00]  }
0x1b1: {  	v21 =	vld [tilespmem:s24+$0xA880]  }
0x1b2: {  	v19 =	vld [tilespmem:s24+$0xAA00]  }
0x1b3: {  	v22 =	vld [tilespmem:s24+$0xA980]  }
0x1b4: {  	v27 =	vld [tilespmem:s24+$0x7180]  }
0x1b5: {  	v28 =	vld [tilespmem:s24+$0x7100]  }
0x1b6: {  	v30 =	vld [tilespmem:s24+$0x7000]  }
0x1b7: {  	v29 =	vld [tilespmem:s24+$0x7080]  }
0x1b8: {  	v31 =	vld [tilespmem:s24+$0x7200]  }
0x1b9: {  	v25 =	vld [tilespmem:s24+$0xA900]  }
0x1ba: {  	v26 =	vld [tilespmem:s24+$0xA800];
	s23 =	simm.s32 $0x15000  }
0x1bb: {  	v24 =	vld [tilespmem:s24+$0xAA80];
	[tilespmem:v0+s23+$0x0] =	vst.idx.msk $0xffff, v30  }
0x1bc: {  	[tilespmem:v1+s23+$0x0] =	vst.idx.msk $0xffff, v29  }
0x1bd: {  	[tilespmem:v2+s23+$0x0] =	vst.idx.msk $0xffff, v28  }
0x1be: {  	[tilespmem:v3+s23+$0x0] =	vst.idx.msk $0xffff, v27  }
0x1bf: {  	s26 =	simm.s32 $0x0;
	s25 =	simm.s32 $0x15000;
	s24 =	simm.s32 $0x10;
	[tilespmem:v4+s23+$0x0] =	vst.idx.msk $0xffff, v31  }
.LBB2_12:
0x1c0: {  	[tilespmem:v5+s23+$0x0] =	vst.idx.msk $0xffff, v23;
	s25 =	sadd.s32 $0x100, s25;
	s22 =	sadd.s32 $0x80, s22;
	s26 =	sadd.s32 $0x1, s26  }
0x1c1: {  	p2 =	sne.s32 s24, $0x6F0;
	s28 =	smov.u32 s24;
	s24 =	sadd.s32 $0x10, s24;
	[tilespmem:v6+s23+$0x0] =	vst.idx.msk $0xffff, v20  }
0x1c2: {  	[tilespmem:v7+s23+$0x0] =	vst.idx.msk $0xffff, v18  }
0x1c3: {  	[tilespmem:v8+s23+$0x0] =	vst.idx.msk $0xffff, v26  }
0x1c4: {  	[tilespmem:v9+s23+$0x0] =	vst.idx.msk $0xffff, v21  }
0x1c5: {  	[tilespmem:v10+s23+$0x0] =	vst.idx.msk $0xffff, v25  }
0x1c6: {  	[tilespmem:v11+s23+$0x0] =	vst.idx.msk $0xffff, v22  }
0x1c7: {  	s29 =	sand.u32 $0x7, s26;
	[tilespmem:v12+s23+$0x0] =	vst.idx.msk $0xffff, v19  }
0x1c8: {  	s29 =	sshll.u32 s29, $0x4;
	[tilespmem:v13+s23+$0x0] =	vst.idx.msk $0xffff, v24  }
0x1c9: {  	s29 =	sadd.s32 s29, s22;
	[tilespmem:v14+s23+$0x0] =	vst.idx.msk $0xffff, v17  }
0x1ca: {  	s28 =	sand.u32 $0x70, s28;
	s30 =	sand.u32 $0x3C00, s22;
	s29 =	sor.u32 $0x380, s29;
	[tilespmem:v15+s23+$0x0] =	vst.idx.msk $0xffff, v16  }
0x1cb: {  	s28 =	sor.u32 s28, s30;
	s23 =	smov.u32 s25;
	v18 =	vld [tilespmem:s29+$0x7000]  }
0x1cc: {  	v20 =	vld [tilespmem:s28+$0x7300]  }
0x1cd: {  	v23 =	vld [tilespmem:s28+$0x7280]  }
0x1ce: {  	v16 =	vld [tilespmem:s28+$0xAB80]  }
0x1cf: {  	v17 =	vld [tilespmem:s28+$0xAB00]  }
0x1d0: {  	v21 =	vld [tilespmem:s28+$0xA880]  }
0x1d1: {  	v19 =	vld [tilespmem:s28+$0xAA00]  }
0x1d2: {  	v22 =	vld [tilespmem:s28+$0xA980]  }
0x1d3: {  	v27 =	vld [tilespmem:s28+$0x7180]  }
0x1d4: {  	v28 =	vld [tilespmem:s28+$0x7100]  }
0x1d5: {  	v29 =	vld [tilespmem:s28+$0x7080]  }
0x1d6: {  	v30 =	vld [tilespmem:s28+$0x7000]  }
0x1d7: {  	v31 =	vld [tilespmem:s28+$0x7200]  }
0x1d8: {  	v25 =	vld [tilespmem:s28+$0xA900]  }
0x1d9: {  	v26 =	vld [tilespmem:s28+$0xA800]  }
0x1da: {  	v24 =	vld [tilespmem:s28+$0xAA80]  }
.Ltmp7:
0x1db: {  	[tilespmem:v0+s25+$0x0] =	vst.idx.msk $0xffff, v30;
	(pc) =	sbr.rel @p2 .LBB2_12-.Ltmp7, $4  }
0x1dc: {  	[tilespmem:v1+s25+$0x0] =	vst.idx.msk $0xffff, v29  }
0x1dd: {  	[tilespmem:v2+s25+$0x0] =	vst.idx.msk $0xffff, v28  }
0x1de: {  	[tilespmem:v3+s25+$0x0] =	vst.idx.msk $0xffff, v27  }
0x1df: {  	[tilespmem:v4+s25+$0x0] =	vst.idx.msk $0xffff, v31  }
0x1e0: {  	_ =	sdelay $0x3  }
0x1e1: {  	[tilespmem:v5+s23+$0x0] =	vst.idx.msk $0xffff, v23  }
0x1e2: {  	[tilespmem:v6+s23+$0x0] =	vst.idx.msk $0xffff, v20  }
0x1e3: {  	[tilespmem:v7+s23+$0x0] =	vst.idx.msk $0xffff, v18  }
0x1e4: {  	[tilespmem:v8+s23+$0x0] =	vst.idx.msk $0xffff, v26  }
0x1e5: {  	[tilespmem:v9+s23+$0x0] =	vst.idx.msk $0xffff, v21  }
0x1e6: {  	[tilespmem:v10+s23+$0x0] =	vst.idx.msk $0xffff, v25  }
0x1e7: {  	[tilespmem:v11+s23+$0x0] =	vst.idx.msk $0xffff, v22  }
0x1e8: {  	[tilespmem:v12+s23+$0x0] =	vst.idx.msk $0xffff, v19  }
0x1e9: {  	[tilespmem:v13+s23+$0x0] =	vst.idx.msk $0xffff, v24  }
0x1ea: {  	[tilespmem:v14+s23+$0x0] =	vst.idx.msk $0xffff, v17  }
0x1eb: {  	[tilespmem:v15+s23+$0x0] =	vst.idx.msk $0xffff, v16  }
0x1ec: {  	_ =	swait.ge [sflag:s19], $0x7000  }
0x1ed: {  	s22 =	simm.s32 $0x0;
	[sflag:s19] =	ssyncset.done $0x0  }
0x1ee: {  	s30 =	sand.u32 $0x7, s22;
	s28 =	rddreg [dreg:$0xb];
	[sflag:s19] =	ssyncadd.s32 $0xFFFF9000  }
0x1ef: {  	[hbm4b:s28+s22] =	stream.linear.scatter [tilespmem:s20], [sflag:$0x3], $0x7000, $0x38;
	[tilespmem:$0x1C000] =	vst v63  }
0x1f0: {  	s24 =	sand.u32 $0x70, s22;
	s23 =	sshll.u32 s30, $0x4;
	_ =	swait.ge [sflag:s15], $0x7000  }
0x1f1: {  	s25 =	sand.u32 $0x3C00, s22;
	s23 =	sadd.s32 $0x0, s23;
	[sflag:s15] =	ssyncset.done $0x0  }
0x1f2: {  	s23 =	sor.u32 $0x380, s23;
	s29 =	rddreg [dreg:$0x18];
	[sflag:s15] =	ssyncadd.s32 $0xFFFF9000  }
0x1f3: {  	[tilespmem:s16], [sflag:$0x2] =	stream.strided.gather [hbm4b:s29+s13], $0x7000, s14, s13, $0x38;
	[tilespmem:$0x1C000] =	vst v63  }
0x1f4: {  	s24 =	sor.u32 s24, s25;
	v18 =	vld [tilespmem:s23+$0x0]  }
0x1f5: {  	v20 =	vld [tilespmem:s24+$0x300]  }
0x1f6: {  	v23 =	vld [tilespmem:s24+$0x280]  }
0x1f7: {  	v16 =	vld [tilespmem:s24+$0x3B80]  }
0x1f8: {  	v17 =	vld [tilespmem:s24+$0x3B00]  }
0x1f9: {  	v21 =	vld [tilespmem:s24+$0x3880]  }
0x1fa: {  	v19 =	vld [tilespmem:s24+$0x3A00]  }
0x1fb: {  	v22 =	vld [tilespmem:s24+$0x3980]  }
0x1fc: {  	v27 =	vld [tilespmem:s24+$0x180]  }
0x1fd: {  	v28 =	vld [tilespmem:s24+$0x100]  }
0x1fe: {  	v30 =	vld [tilespmem:s24+$0x0]  }
0x1ff: {  	v29 =	vld [tilespmem:s24+$0x80]  }
0x200: {  	v31 =	vld [tilespmem:s24+$0x200]  }
0x201: {  	v25 =	vld [tilespmem:s24+$0x3900]  }
0x202: {  	v26 =	vld [tilespmem:s24+$0x3800];
	s23 =	simm.s32 $0xE000  }
0x203: {  	v24 =	vld [tilespmem:s24+$0x3A80];
	[tilespmem:v0+s23+$0x0] =	vst.idx.msk $0xffff, v30  }
0x204: {  	[tilespmem:v1+s23+$0x0] =	vst.idx.msk $0xffff, v29  }
0x205: {  	[tilespmem:v2+s23+$0x0] =	vst.idx.msk $0xffff, v28  }
0x206: {  	[tilespmem:v3+s23+$0x0] =	vst.idx.msk $0xffff, v27  }
0x207: {  	s26 =	simm.s32 $0x0;
	s25 =	simm.s32 $0xE000;
	s24 =	simm.s32 $0x10;
	[tilespmem:v4+s23+$0x0] =	vst.idx.msk $0xffff, v31  }
.LBB2_14:
0x208: {  	[tilespmem:v5+s23+$0x0] =	vst.idx.msk $0xffff, v23;
	s25 =	sadd.s32 $0x100, s25;
	s22 =	sadd.s32 $0x80, s22;
	s26 =	sadd.s32 $0x1, s26  }
0x209: {  	p2 =	sne.s32 s24, $0x6F0;
	s28 =	smov.u32 s24;
	s24 =	sadd.s32 $0x10, s24;
	[tilespmem:v6+s23+$0x0] =	vst.idx.msk $0xffff, v20  }
0x20a: {  	[tilespmem:v7+s23+$0x0] =	vst.idx.msk $0xffff, v18  }
0x20b: {  	[tilespmem:v8+s23+$0x0] =	vst.idx.msk $0xffff, v26  }
0x20c: {  	[tilespmem:v9+s23+$0x0] =	vst.idx.msk $0xffff, v21  }
0x20d: {  	[tilespmem:v10+s23+$0x0] =	vst.idx.msk $0xffff, v25  }
0x20e: {  	[tilespmem:v11+s23+$0x0] =	vst.idx.msk $0xffff, v22  }
0x20f: {  	s29 =	sand.u32 $0x7, s26;
	[tilespmem:v12+s23+$0x0] =	vst.idx.msk $0xffff, v19  }
0x210: {  	s29 =	sshll.u32 s29, $0x4;
	[tilespmem:v13+s23+$0x0] =	vst.idx.msk $0xffff, v24  }
0x211: {  	s29 =	sadd.s32 s29, s22;
	[tilespmem:v14+s23+$0x0] =	vst.idx.msk $0xffff, v17  }
0x212: {  	s28 =	sand.u32 $0x70, s28;
	s30 =	sand.u32 $0x3C00, s22;
	s29 =	sor.u32 $0x380, s29;
	[tilespmem:v15+s23+$0x0] =	vst.idx.msk $0xffff, v16  }
0x213: {  	s28 =	sor.u32 s28, s30;
	s23 =	smov.u32 s25;
	v18 =	vld [tilespmem:s29+$0x0]  }
0x214: {  	v20 =	vld [tilespmem:s28+$0x300]  }
0x215: {  	v23 =	vld [tilespmem:s28+$0x280]  }
0x216: {  	v16 =	vld [tilespmem:s28+$0x3B80]  }
0x217: {  	v17 =	vld [tilespmem:s28+$0x3B00]  }
0x218: {  	v21 =	vld [tilespmem:s28+$0x3880]  }
0x219: {  	v19 =	vld [tilespmem:s28+$0x3A00]  }
0x21a: {  	v22 =	vld [tilespmem:s28+$0x3980]  }
0x21b: {  	v27 =	vld [tilespmem:s28+$0x180]  }
0x21c: {  	v28 =	vld [tilespmem:s28+$0x100]  }
0x21d: {  	v29 =	vld [tilespmem:s28+$0x80]  }
0x21e: {  	v30 =	vld [tilespmem:s28+$0x0]  }
0x21f: {  	v31 =	vld [tilespmem:s28+$0x200]  }
0x220: {  	v25 =	vld [tilespmem:s28+$0x3900]  }
0x221: {  	v26 =	vld [tilespmem:s28+$0x3800]  }
0x222: {  	v24 =	vld [tilespmem:s28+$0x3A80]  }
.Ltmp8:
0x223: {  	[tilespmem:v0+s25+$0x0] =	vst.idx.msk $0xffff, v30;
	(pc) =	sbr.rel @p2 .LBB2_14-.Ltmp8, $4  }
0x224: {  	[tilespmem:v1+s25+$0x0] =	vst.idx.msk $0xffff, v29  }
0x225: {  	[tilespmem:v2+s25+$0x0] =	vst.idx.msk $0xffff, v28  }
0x226: {  	[tilespmem:v3+s25+$0x0] =	vst.idx.msk $0xffff, v27  }
0x227: {  	[tilespmem:v4+s25+$0x0] =	vst.idx.msk $0xffff, v31  }
0x228: {  	_ =	sdelay $0x3  }
0x229: {  	[tilespmem:v5+s23+$0x0] =	vst.idx.msk $0xffff, v23  }
0x22a: {  	[tilespmem:v6+s23+$0x0] =	vst.idx.msk $0xffff, v20  }
0x22b: {  	[tilespmem:v7+s23+$0x0] =	vst.idx.msk $0xffff, v18  }
0x22c: {  	[tilespmem:v8+s23+$0x0] =	vst.idx.msk $0xffff, v26  }
0x22d: {  	[tilespmem:v9+s23+$0x0] =	vst.idx.msk $0xffff, v21  }
0x22e: {  	[tilespmem:v10+s23+$0x0] =	vst.idx.msk $0xffff, v25  }
0x22f: {  	[tilespmem:v11+s23+$0x0] =	vst.idx.msk $0xffff, v22  }
0x230: {  	[tilespmem:v12+s23+$0x0] =	vst.idx.msk $0xffff, v19  }
0x231: {  	[tilespmem:v13+s23+$0x0] =	vst.idx.msk $0xffff, v24  }
0x232: {  	[tilespmem:v14+s23+$0x0] =	vst.idx.msk $0xffff, v17  }
0x233: {  	[tilespmem:v15+s23+$0x0] =	vst.idx.msk $0xffff, v16  }
0x234: {  	_ =	swait.ge [sflag:s19], $0x7000  }
0x235: {  	s22 =	simm.s32 $0x0;
	[sflag:s19] =	ssyncset.done $0x0  }
0x236: {  	s30 =	sand.u32 $0x7, s22;
	s29 =	rddreg [dreg:$0xc];
	[sflag:s19] =	ssyncadd.s32 $0xFFFF9000  }
0x237: {  	[hbm4b:s29+s22] =	stream.linear.scatter [tilespmem:s17], [sflag:$0x3], $0x7000, $0x38;
	[tilespmem:$0x1C000] =	vst v63  }
0x238: {  	s23 =	sshll.u32 s30, $0x4;
	_ =	swait.ge [sflag:s18], $0x7000  }
0x239: {  	s24 =	sand.u32 $0x70, s22;
	s23 =	sadd.s32 $0x0, s23;
	[sflag:s18] =	ssyncset.done $0x0  }
0x23a: {  	s25 =	sand.u32 $0x3C00, s22;
	s23 =	sor.u32 $0x380, s23;
	[sflag:s18] =	ssyncadd.s32 $0xFFFF9000  }
0x23b: {  	[tilespmem:s22], [sflag:$0x1] =	stream.strided.gather [hbm4b:s9+s13], $0x7000, s14, s13, $0x38;
	[tilespmem:$0x1C000] =	vst v63  }
0x23c: {  	s24 =	sor.u32 s24, s25;
	v18 =	vld [tilespmem:s23+$0x7000]  }
0x23d: {  	v20 =	vld [tilespmem:s24+$0x7300]  }
0x23e: {  	v23 =	vld [tilespmem:s24+$0x7280]  }
0x23f: {  	v16 =	vld [tilespmem:s24+$0xAB80]  }
0x240: {  	v17 =	vld [tilespmem:s24+$0xAB00]  }
0x241: {  	v21 =	vld [tilespmem:s24+$0xA880]  }
0x242: {  	v19 =	vld [tilespmem:s24+$0xAA00]  }
0x243: {  	v22 =	vld [tilespmem:s24+$0xA980]  }
0x244: {  	v27 =	vld [tilespmem:s24+$0x7180]  }
0x245: {  	v28 =	vld [tilespmem:s24+$0x7100]  }
0x246: {  	v30 =	vld [tilespmem:s24+$0x7000]  }
0x247: {  	v29 =	vld [tilespmem:s24+$0x7080]  }
0x248: {  	v31 =	vld [tilespmem:s24+$0x7200]  }
0x249: {  	v25 =	vld [tilespmem:s24+$0xA900]  }
0x24a: {  	v26 =	vld [tilespmem:s24+$0xA800];
	s23 =	simm.s32 $0x15000  }
0x24b: {  	v24 =	vld [tilespmem:s24+$0xAA80];
	[tilespmem:v0+s23+$0x0] =	vst.idx.msk $0xffff, v30  }
0x24c: {  	[tilespmem:v1+s23+$0x0] =	vst.idx.msk $0xffff, v29  }
0x24d: {  	[tilespmem:v2+s23+$0x0] =	vst.idx.msk $0xffff, v28  }
0x24e: {  	[tilespmem:v3+s23+$0x0] =	vst.idx.msk $0xffff, v27  }
0x24f: {  	s26 =	simm.s32 $0x0;
	s25 =	simm.s32 $0x15000;
	s24 =	simm.s32 $0x10;
	[tilespmem:v4+s23+$0x0] =	vst.idx.msk $0xffff, v31  }
.LBB2_16:
0x250: {  	[tilespmem:v5+s23+$0x0] =	vst.idx.msk $0xffff, v23;
	s25 =	sadd.s32 $0x100, s25;
	s22 =	sadd.s32 $0x80, s22;
	s26 =	sadd.s32 $0x1, s26  }
0x251: {  	p2 =	sne.s32 s24, $0x6F0;
	s28 =	smov.u32 s24;
	s24 =	sadd.s32 $0x10, s24;
	[tilespmem:v6+s23+$0x0] =	vst.idx.msk $0xffff, v20  }
0x252: {  	[tilespmem:v7+s23+$0x0] =	vst.idx.msk $0xffff, v18  }
0x253: {  	[tilespmem:v8+s23+$0x0] =	vst.idx.msk $0xffff, v26  }
0x254: {  	[tilespmem:v9+s23+$0x0] =	vst.idx.msk $0xffff, v21  }
0x255: {  	[tilespmem:v10+s23+$0x0] =	vst.idx.msk $0xffff, v25  }
0x256: {  	[tilespmem:v11+s23+$0x0] =	vst.idx.msk $0xffff, v22  }
0x257: {  	s29 =	sand.u32 $0x7, s26;
	[tilespmem:v12+s23+$0x0] =	vst.idx.msk $0xffff, v19  }
0x258: {  	s29 =	sshll.u32 s29, $0x4;
	[tilespmem:v13+s23+$0x0] =	vst.idx.msk $0xffff, v24  }
0x259: {  	s29 =	sadd.s32 s29, s22;
	[tilespmem:v14+s23+$0x0] =	vst.idx.msk $0xffff, v17  }
0x25a: {  	s28 =	sand.u32 $0x70, s28;
	s30 =	sand.u32 $0x3C00, s22;
	s29 =	sor.u32 $0x380, s29;
	[tilespmem:v15+s23+$0x0] =	vst.idx.msk $0xffff, v16  }
0x25b: {  	s28 =	sor.u32 s28, s30;
	s23 =	smov.u32 s25;
	v18 =	vld [tilespmem:s29+$0x7000]  }
0x25c: {  	v20 =	vld [tilespmem:s28+$0x7300]  }
0x25d: {  	v23 =	vld [tilespmem:s28+$0x7280]  }
0x25e: {  	v16 =	vld [tilespmem:s28+$0xAB80]  }
0x25f: {  	v17 =	vld [tilespmem:s28+$0xAB00]  }
0x260: {  	v21 =	vld [tilespmem:s28+$0xA880]  }
0x261: {  	v19 =	vld [tilespmem:s28+$0xAA00]  }
0x262: {  	v22 =	vld [tilespmem:s28+$0xA980]  }
0x263: {  	v27 =	vld [tilespmem:s28+$0x7180]  }
0x264: {  	v28 =	vld [tilespmem:s28+$0x7100]  }
0x265: {  	v29 =	vld [tilespmem:s28+$0x7080]  }
0x266: {  	v30 =	vld [tilespmem:s28+$0x7000]  }
0x267: {  	v31 =	vld [tilespmem:s28+$0x7200]  }
0x268: {  	v25 =	vld [tilespmem:s28+$0xA900]  }
0x269: {  	v26 =	vld [tilespmem:s28+$0xA800]  }
0x26a: {  	v24 =	vld [tilespmem:s28+$0xAA80]  }
.Ltmp9:
0x26b: {  	[tilespmem:v0+s25+$0x0] =	vst.idx.msk $0xffff, v30;
	(pc) =	sbr.rel @p2 .LBB2_16-.Ltmp9, $4  }
0x26c: {  	[tilespmem:v1+s25+$0x0] =	vst.idx.msk $0xffff, v29  }
0x26d: {  	[tilespmem:v2+s25+$0x0] =	vst.idx.msk $0xffff, v28  }
0x26e: {  	[tilespmem:v3+s25+$0x0] =	vst.idx.msk $0xffff, v27  }
0x26f: {  	[tilespmem:v4+s25+$0x0] =	vst.idx.msk $0xffff, v31  }
0x270: {  	_ =	sdelay $0x3  }
0x271: {  	[tilespmem:v5+s23+$0x0] =	vst.idx.msk $0xffff, v23  }
0x272: {  	[tilespmem:v6+s23+$0x0] =	vst.idx.msk $0xffff, v20  }
0x273: {  	[tilespmem:v7+s23+$0x0] =	vst.idx.msk $0xffff, v18  }
0x274: {  	[tilespmem:v8+s23+$0x0] =	vst.idx.msk $0xffff, v26  }
0x275: {  	[tilespmem:v9+s23+$0x0] =	vst.idx.msk $0xffff, v21  }
0x276: {  	[tilespmem:v10+s23+$0x0] =	vst.idx.msk $0xffff, v25  }
0x277: {  	[tilespmem:v11+s23+$0x0] =	vst.idx.msk $0xffff, v22  }
0x278: {  	[tilespmem:v12+s23+$0x0] =	vst.idx.msk $0xffff, v19  }
0x279: {  	[tilespmem:v13+s23+$0x0] =	vst.idx.msk $0xffff, v24  }
0x27a: {  	[tilespmem:v14+s23+$0x0] =	vst.idx.msk $0xffff, v17  }
0x27b: {  	[tilespmem:v15+s23+$0x0] =	vst.idx.msk $0xffff, v16  }
0x27c: {  	_ =	swait.ge [sflag:s19], $0x7000  }
0x27d: {  	s22 =	simm.s32 $0x0;
	[sflag:s19] =	ssyncset.done $0x0  }
0x27e: {  	s30 =	sand.u32 $0x7, s22;
	s28 =	rddreg [dreg:$0xd];
	[sflag:s19] =	ssyncadd.s32 $0xFFFF9000  }
0x27f: {  	[hbm4b:s28+s22] =	stream.linear.scatter [tilespmem:s20], [sflag:$0x3], $0x7000, $0x38;
	[tilespmem:$0x1C000] =	vst v63  }
0x280: {  	s24 =	sand.u32 $0x70, s22;
	s23 =	sshll.u32 s30, $0x4;
	_ =	swait.ge [sflag:s15], $0x7000  }
0x281: {  	s25 =	sand.u32 $0x3C00, s22;
	s23 =	sadd.s32 $0x0, s23;
	[sflag:s15] =	ssyncset.done $0x0  }
0x282: {  	s23 =	sor.u32 $0x380, s23;
	s29 =	rddreg [dreg:$0x19];
	[sflag:s15] =	ssyncadd.s32 $0xFFFF9000  }
0x283: {  	[tilespmem:s16], [sflag:$0x2] =	stream.strided.gather [hbm4b:s29+s13], $0x7000, s14, s13, $0x38;
	[tilespmem:$0x1C000] =	vst v63  }
0x284: {  	s24 =	sor.u32 s24, s25;
	v18 =	vld [tilespmem:s23+$0x0]  }
0x285: {  	v20 =	vld [tilespmem:s24+$0x300]  }
0x286: {  	v23 =	vld [tilespmem:s24+$0x280]  }
0x287: {  	v16 =	vld [tilespmem:s24+$0x3B80]  }
0x288: {  	v17 =	vld [tilespmem:s24+$0x3B00]  }
0x289: {  	v21 =	vld [tilespmem:s24+$0x3880]  }
0x28a: {  	v19 =	vld [tilespmem:s24+$0x3A00]  }
0x28b: {  	v22 =	vld [tilespmem:s24+$0x3980]  }
0x28c: {  	v27 =	vld [tilespmem:s24+$0x180]  }
0x28d: {  	v28 =	vld [tilespmem:s24+$0x100]  }
0x28e: {  	v30 =	vld [tilespmem:s24+$0x0]  }
0x28f: {  	v29 =	vld [tilespmem:s24+$0x80]  }
0x290: {  	v31 =	vld [tilespmem:s24+$0x200]  }
0x291: {  	v25 =	vld [tilespmem:s24+$0x3900]  }
0x292: {  	v26 =	vld [tilespmem:s24+$0x3800];
	s23 =	simm.s32 $0xE000  }
0x293: {  	v24 =	vld [tilespmem:s24+$0x3A80];
	[tilespmem:v0+s23+$0x0] =	vst.idx.msk $0xffff, v30  }
0x294: {  	[tilespmem:v1+s23+$0x0] =	vst.idx.msk $0xffff, v29  }
0x295: {  	[tilespmem:v2+s23+$0x0] =	vst.idx.msk $0xffff, v28  }
0x296: {  	[tilespmem:v3+s23+$0x0] =	vst.idx.msk $0xffff, v27  }
0x297: {  	s26 =	simm.s32 $0x0;
	s25 =	simm.s32 $0xE000;
	s24 =	simm.s32 $0x10;
	[tilespmem:v4+s23+$0x0] =	vst.idx.msk $0xffff, v31  }
.LBB2_18:
0x298: {  	[tilespmem:v5+s23+$0x0] =	vst.idx.msk $0xffff, v23;
	s25 =	sadd.s32 $0x100, s25;
	s22 =	sadd.s32 $0x80, s22;
	s26 =	sadd.s32 $0x1, s26  }
0x299: {  	p2 =	sne.s32 s24, $0x6F0;
	s28 =	smov.u32 s24;
	s24 =	sadd.s32 $0x10, s24;
	[tilespmem:v6+s23+$0x0] =	vst.idx.msk $0xffff, v20  }
0x29a: {  	[tilespmem:v7+s23+$0x0] =	vst.idx.msk $0xffff, v18  }
0x29b: {  	[tilespmem:v8+s23+$0x0] =	vst.idx.msk $0xffff, v26  }
0x29c: {  	[tilespmem:v9+s23+$0x0] =	vst.idx.msk $0xffff, v21  }
0x29d: {  	[tilespmem:v10+s23+$0x0] =	vst.idx.msk $0xffff, v25  }
0x29e: {  	[tilespmem:v11+s23+$0x0] =	vst.idx.msk $0xffff, v22  }
0x29f: {  	s29 =	sand.u32 $0x7, s26;
	[tilespmem:v12+s23+$0x0] =	vst.idx.msk $0xffff, v19  }
0x2a0: {  	s29 =	sshll.u32 s29, $0x4;
	[tilespmem:v13+s23+$0x0] =	vst.idx.msk $0xffff, v24  }
0x2a1: {  	s29 =	sadd.s32 s29, s22;
	[tilespmem:v14+s23+$0x0] =	vst.idx.msk $0xffff, v17  }
0x2a2: {  	s28 =	sand.u32 $0x70, s28;
	s30 =	sand.u32 $0x3C00, s22;
	s29 =	sor.u32 $0x380, s29;
	[tilespmem:v15+s23+$0x0] =	vst.idx.msk $0xffff, v16  }
0x2a3: {  	s28 =	sor.u32 s28, s30;
	s23 =	smov.u32 s25;
	v18 =	vld [tilespmem:s29+$0x0]  }
0x2a4: {  	v20 =	vld [tilespmem:s28+$0x300]  }
0x2a5: {  	v23 =	vld [tilespmem:s28+$0x280]  }
0x2a6: {  	v16 =	vld [tilespmem:s28+$0x3B80]  }
0x2a7: {  	v17 =	vld [tilespmem:s28+$0x3B00]  }
0x2a8: {  	v21 =	vld [tilespmem:s28+$0x3880]  }
0x2a9: {  	v19 =	vld [tilespmem:s28+$0x3A00]  }
0x2aa: {  	v22 =	vld [tilespmem:s28+$0x3980]  }
0x2ab: {  	v27 =	vld [tilespmem:s28+$0x180]  }
0x2ac: {  	v28 =	vld [tilespmem:s28+$0x100]  }
0x2ad: {  	v29 =	vld [tilespmem:s28+$0x80]  }
0x2ae: {  	v30 =	vld [tilespmem:s28+$0x0]  }
0x2af: {  	v31 =	vld [tilespmem:s28+$0x200]  }
0x2b0: {  	v25 =	vld [tilespmem:s28+$0x3900]  }
0x2b1: {  	v26 =	vld [tilespmem:s28+$0x3800]  }
0x2b2: {  	v24 =	vld [tilespmem:s28+$0x3A80]  }
.Ltmp10:
0x2b3: {  	[tilespmem:v0+s25+$0x0] =	vst.idx.msk $0xffff, v30;
	(pc) =	sbr.rel @p2 .LBB2_18-.Ltmp10, $4  }
0x2b4: {  	[tilespmem:v1+s25+$0x0] =	vst.idx.msk $0xffff, v29  }
0x2b5: {  	[tilespmem:v2+s25+$0x0] =	vst.idx.msk $0xffff, v28  }
0x2b6: {  	[tilespmem:v3+s25+$0x0] =	vst.idx.msk $0xffff, v27  }
0x2b7: {  	[tilespmem:v4+s25+$0x0] =	vst.idx.msk $0xffff, v31  }
0x2b8: {  	_ =	sdelay $0x3  }
0x2b9: {  	[tilespmem:v5+s23+$0x0] =	vst.idx.msk $0xffff, v23  }
0x2ba: {  	[tilespmem:v6+s23+$0x0] =	vst.idx.msk $0xffff, v20  }
0x2bb: {  	[tilespmem:v7+s23+$0x0] =	vst.idx.msk $0xffff, v18  }
0x2bc: {  	[tilespmem:v8+s23+$0x0] =	vst.idx.msk $0xffff, v26  }
0x2bd: {  	[tilespmem:v9+s23+$0x0] =	vst.idx.msk $0xffff, v21  }
0x2be: {  	[tilespmem:v10+s23+$0x0] =	vst.idx.msk $0xffff, v25  }
0x2bf: {  	[tilespmem:v11+s23+$0x0] =	vst.idx.msk $0xffff, v22  }
0x2c0: {  	[tilespmem:v12+s23+$0x0] =	vst.idx.msk $0xffff, v19  }
0x2c1: {  	[tilespmem:v13+s23+$0x0] =	vst.idx.msk $0xffff, v24  }
0x2c2: {  	[tilespmem:v14+s23+$0x0] =	vst.idx.msk $0xffff, v17  }
0x2c3: {  	[tilespmem:v15+s23+$0x0] =	vst.idx.msk $0xffff, v16  }
0x2c4: {  	_ =	swait.ge [sflag:s19], $0x7000  }
0x2c5: {  	s22 =	simm.s32 $0x0;
	[sflag:s19] =	ssyncset.done $0x0  }
0x2c6: {  	s30 =	sand.u32 $0x7, s22;
	[sflag:s19] =	ssyncadd.s32 $0xFFFF9000  }
0x2c7: {  	[hbm4b:s10+s22] =	stream.linear.scatter [tilespmem:s17], [sflag:$0x3], $0x7000, $0x38;
	[tilespmem:$0x1C000] =	vst v63  }
0x2c8: {  	s24 =	sand.u32 $0x70, s22;
	s23 =	sshll.u32 s30, $0x4;
	_ =	swait.ge [sflag:s18], $0x7000  }
0x2c9: {  	s25 =	sand.u32 $0x3C00, s22;
	s23 =	sadd.s32 $0x0, s23;
	[sflag:s18] =	ssyncset.done $0x0  }
0x2ca: {  	s23 =	sor.u32 $0x380, s23;
	s29 =	rddreg [dreg:$0x1a];
	[sflag:s18] =	ssyncadd.s32 $0xFFFF9000  }
0x2cb: {  	[tilespmem:s22], [sflag:$0x1] =	stream.strided.gather [hbm4b:s29+s13], $0x7000, s14, s13, $0x38;
	[tilespmem:$0x1C000] =	vst v63  }
0x2cc: {  	s24 =	sor.u32 s24, s25;
	v18 =	vld [tilespmem:s23+$0x7000]  }
0x2cd: {  	v20 =	vld [tilespmem:s24+$0x7300]  }
0x2ce: {  	v23 =	vld [tilespmem:s24+$0x7280]  }
0x2cf: {  	v16 =	vld [tilespmem:s24+$0xAB80]  }
0x2d0: {  	v17 =	vld [tilespmem:s24+$0xAB00]  }
0x2d1: {  	v21 =	vld [tilespmem:s24+$0xA880]  }
0x2d2: {  	v19 =	vld [tilespmem:s24+$0xAA00]  }
0x2d3: {  	v22 =	vld [tilespmem:s24+$0xA980]  }
0x2d4: {  	v27 =	vld [tilespmem:s24+$0x7180]  }
0x2d5: {  	v28 =	vld [tilespmem:s24+$0x7100]  }
0x2d6: {  	v30 =	vld [tilespmem:s24+$0x7000]  }
0x2d7: {  	v29 =	vld [tilespmem:s24+$0x7080]  }
0x2d8: {  	v31 =	vld [tilespmem:s24+$0x7200]  }
0x2d9: {  	v25 =	vld [tilespmem:s24+$0xA900]  }
0x2da: {  	v26 =	vld [tilespmem:s24+$0xA800];
	s23 =	simm.s32 $0x15000  }
0x2db: {  	v24 =	vld [tilespmem:s24+$0xAA80];
	[tilespmem:v0+s23+$0x0] =	vst.idx.msk $0xffff, v30  }
0x2dc: {  	[tilespmem:v1+s23+$0x0] =	vst.idx.msk $0xffff, v29  }
0x2dd: {  	[tilespmem:v2+s23+$0x0] =	vst.idx.msk $0xffff, v28  }
0x2de: {  	[tilespmem:v3+s23+$0x0] =	vst.idx.msk $0xffff, v27  }
0x2df: {  	s26 =	simm.s32 $0x0;
	s25 =	simm.s32 $0x15000;
	s24 =	simm.s32 $0x10;
	[tilespmem:v4+s23+$0x0] =	vst.idx.msk $0xffff, v31  }
.LBB2_20:
0x2e0: {  	[tilespmem:v5+s23+$0x0] =	vst.idx.msk $0xffff, v23;
	s25 =	sadd.s32 $0x100, s25;
	s22 =	sadd.s32 $0x80, s22;
	s26 =	sadd.s32 $0x1, s26  }
0x2e1: {  	p2 =	sne.s32 s24, $0x6F0;
	s28 =	smov.u32 s24;
	s24 =	sadd.s32 $0x10, s24;
	[tilespmem:v6+s23+$0x0] =	vst.idx.msk $0xffff, v20  }
0x2e2: {  	[tilespmem:v7+s23+$0x0] =	vst.idx.msk $0xffff, v18  }
0x2e3: {  	[tilespmem:v8+s23+$0x0] =	vst.idx.msk $0xffff, v26  }
0x2e4: {  	[tilespmem:v9+s23+$0x0] =	vst.idx.msk $0xffff, v21  }
0x2e5: {  	[tilespmem:v10+s23+$0x0] =	vst.idx.msk $0xffff, v25  }
0x2e6: {  	[tilespmem:v11+s23+$0x0] =	vst.idx.msk $0xffff, v22  }
0x2e7: {  	s29 =	sand.u32 $0x7, s26;
	[tilespmem:v12+s23+$0x0] =	vst.idx.msk $0xffff, v19  }
0x2e8: {  	s29 =	sshll.u32 s29, $0x4;
	[tilespmem:v13+s23+$0x0] =	vst.idx.msk $0xffff, v24  }
0x2e9: {  	s29 =	sadd.s32 s29, s22;
	[tilespmem:v14+s23+$0x0] =	vst.idx.msk $0xffff, v17  }
0x2ea: {  	s28 =	sand.u32 $0x70, s28;
	s30 =	sand.u32 $0x3C00, s22;
	s29 =	sor.u32 $0x380, s29;
	[tilespmem:v15+s23+$0x0] =	vst.idx.msk $0xffff, v16  }
0x2eb: {  	s28 =	sor.u32 s28, s30;
	s23 =	smov.u32 s25;
	v18 =	vld [tilespmem:s29+$0x7000]  }
0x2ec: {  	v20 =	vld [tilespmem:s28+$0x7300]  }
0x2ed: {  	v23 =	vld [tilespmem:s28+$0x7280]  }
0x2ee: {  	v16 =	vld [tilespmem:s28+$0xAB80]  }
0x2ef: {  	v17 =	vld [tilespmem:s28+$0xAB00]  }
0x2f0: {  	v21 =	vld [tilespmem:s28+$0xA880]  }
0x2f1: {  	v19 =	vld [tilespmem:s28+$0xAA00]  }
0x2f2: {  	v22 =	vld [tilespmem:s28+$0xA980]  }
0x2f3: {  	v27 =	vld [tilespmem:s28+$0x7180]  }
0x2f4: {  	v28 =	vld [tilespmem:s28+$0x7100]  }
0x2f5: {  	v29 =	vld [tilespmem:s28+$0x7080]  }
0x2f6: {  	v30 =	vld [tilespmem:s28+$0x7000]  }
0x2f7: {  	v31 =	vld [tilespmem:s28+$0x7200]  }
0x2f8: {  	v25 =	vld [tilespmem:s28+$0xA900]  }
0x2f9: {  	v26 =	vld [tilespmem:s28+$0xA800]  }
0x2fa: {  	v24 =	vld [tilespmem:s28+$0xAA80]  }
.Ltmp11:
0x2fb: {  	[tilespmem:v0+s25+$0x0] =	vst.idx.msk $0xffff, v30;
	(pc) =	sbr.rel @p2 .LBB2_20-.Ltmp11, $4  }
0x2fc: {  	[tilespmem:v1+s25+$0x0] =	vst.idx.msk $0xffff, v29  }
0x2fd: {  	[tilespmem:v2+s25+$0x0] =	vst.idx.msk $0xffff, v28  }
0x2fe: {  	[tilespmem:v3+s25+$0x0] =	vst.idx.msk $0xffff, v27  }
0x2ff: {  	[tilespmem:v4+s25+$0x0] =	vst.idx.msk $0xffff, v31  }
0x300: {  	_ =	sdelay $0x3  }
0x301: {  	[tilespmem:v5+s23+$0x0] =	vst.idx.msk $0xffff, v23  }
0x302: {  	[tilespmem:v6+s23+$0x0] =	vst.idx.msk $0xffff, v20  }
0x303: {  	[tilespmem:v7+s23+$0x0] =	vst.idx.msk $0xffff, v18  }
0x304: {  	[tilespmem:v8+s23+$0x0] =	vst.idx.msk $0xffff, v26  }
0x305: {  	[tilespmem:v9+s23+$0x0] =	vst.idx.msk $0xffff, v21  }
0x306: {  	[tilespmem:v10+s23+$0x0] =	vst.idx.msk $0xffff, v25  }
0x307: {  	[tilespmem:v11+s23+$0x0] =	vst.idx.msk $0xffff, v22  }
0x308: {  	[tilespmem:v12+s23+$0x0] =	vst.idx.msk $0xffff, v19  }
0x309: {  	[tilespmem:v13+s23+$0x0] =	vst.idx.msk $0xffff, v24  }
0x30a: {  	[tilespmem:v14+s23+$0x0] =	vst.idx.msk $0xffff, v17  }
0x30b: {  	[tilespmem:v15+s23+$0x0] =	vst.idx.msk $0xffff, v16  }
0x30c: {  	_ =	swait.ge [sflag:s19], $0x7000  }
0x30d: {  	s22 =	simm.s32 $0x0;
	[sflag:s19] =	ssyncset.done $0x0  }
0x30e: {  	s30 =	sand.u32 $0x7, s22;
	s28 =	rddreg [dreg:$0xe];
	[sflag:s19] =	ssyncadd.s32 $0xFFFF9000  }
0x30f: {  	[hbm4b:s28+s22] =	stream.linear.scatter [tilespmem:s20], [sflag:$0x3], $0x7000, $0x38;
	[tilespmem:$0x1C000] =	vst v63  }
0x310: {  	s24 =	sand.u32 $0x70, s22;
	s23 =	sshll.u32 s30, $0x4;
	_ =	swait.ge [sflag:s15], $0x7000  }
0x311: {  	s25 =	sand.u32 $0x3C00, s22;
	s23 =	sadd.s32 $0x0, s23;
	[sflag:s15] =	ssyncset.done $0x0  }
0x312: {  	s23 =	sor.u32 $0x380, s23;
	s29 =	rddreg [dreg:$0x1b];
	[sflag:s15] =	ssyncadd.s32 $0xFFFF9000  }
0x313: {  	[tilespmem:s16], [sflag:$0x2] =	stream.strided.gather [hbm4b:s29+s13], $0x7000, s14, s13, $0x38;
	[tilespmem:$0x1C000] =	vst v63  }
0x314: {  	s24 =	sor.u32 s24, s25;
	v18 =	vld [tilespmem:s23+$0x0]  }
0x315: {  	v20 =	vld [tilespmem:s24+$0x300]  }
0x316: {  	v23 =	vld [tilespmem:s24+$0x280]  }
0x317: {  	v16 =	vld [tilespmem:s24+$0x3B80]  }
0x318: {  	v17 =	vld [tilespmem:s24+$0x3B00]  }
0x319: {  	v21 =	vld [tilespmem:s24+$0x3880]  }
0x31a: {  	v19 =	vld [tilespmem:s24+$0x3A00]  }
0x31b: {  	v22 =	vld [tilespmem:s24+$0x3980]  }
0x31c: {  	v27 =	vld [tilespmem:s24+$0x180]  }
0x31d: {  	v28 =	vld [tilespmem:s24+$0x100]  }
0x31e: {  	v30 =	vld [tilespmem:s24+$0x0]  }
0x31f: {  	v29 =	vld [tilespmem:s24+$0x80]  }
0x320: {  	v31 =	vld [tilespmem:s24+$0x200]  }
0x321: {  	v25 =	vld [tilespmem:s24+$0x3900]  }
0x322: {  	v26 =	vld [tilespmem:s24+$0x3800];
	s23 =	simm.s32 $0xE000  }
0x323: {  	v24 =	vld [tilespmem:s24+$0x3A80];
	[tilespmem:v0+s23+$0x0] =	vst.idx.msk $0xffff, v30  }
0x324: {  	[tilespmem:v1+s23+$0x0] =	vst.idx.msk $0xffff, v29  }
0x325: {  	[tilespmem:v2+s23+$0x0] =	vst.idx.msk $0xffff, v28  }
0x326: {  	[tilespmem:v3+s23+$0x0] =	vst.idx.msk $0xffff, v27  }
0x327: {  	s26 =	simm.s32 $0x0;
	s25 =	simm.s32 $0xE000;
	s24 =	simm.s32 $0x10;
	[tilespmem:v4+s23+$0x0] =	vst.idx.msk $0xffff, v31  }
.LBB2_22:
0x328: {  	[tilespmem:v5+s23+$0x0] =	vst.idx.msk $0xffff, v23;
	s25 =	sadd.s32 $0x100, s25;
	s22 =	sadd.s32 $0x80, s22;
	s26 =	sadd.s32 $0x1, s26  }
0x329: {  	p2 =	sne.s32 s24, $0x6F0;
	s28 =	smov.u32 s24;
	s24 =	sadd.s32 $0x10, s24;
	[tilespmem:v6+s23+$0x0] =	vst.idx.msk $0xffff, v20  }
0x32a: {  	[tilespmem:v7+s23+$0x0] =	vst.idx.msk $0xffff, v18  }
0x32b: {  	[tilespmem:v8+s23+$0x0] =	vst.idx.msk $0xffff, v26  }
0x32c: {  	[tilespmem:v9+s23+$0x0] =	vst.idx.msk $0xffff, v21  }
0x32d: {  	[tilespmem:v10+s23+$0x0] =	vst.idx.msk $0xffff, v25  }
0x32e: {  	[tilespmem:v11+s23+$0x0] =	vst.idx.msk $0xffff, v22  }
0x32f: {  	s29 =	sand.u32 $0x7, s26;
	[tilespmem:v12+s23+$0x0] =	vst.idx.msk $0xffff, v19  }
0x330: {  	s29 =	sshll.u32 s29, $0x4;
	[tilespmem:v13+s23+$0x0] =	vst.idx.msk $0xffff, v24  }
0x331: {  	s29 =	sadd.s32 s29, s22;
	[tilespmem:v14+s23+$0x0] =	vst.idx.msk $0xffff, v17  }
0x332: {  	s28 =	sand.u32 $0x70, s28;
	s30 =	sand.u32 $0x3C00, s22;
	s29 =	sor.u32 $0x380, s29;
	[tilespmem:v15+s23+$0x0] =	vst.idx.msk $0xffff, v16  }
0x333: {  	s28 =	sor.u32 s28, s30;
	s23 =	smov.u32 s25;
	v18 =	vld [tilespmem:s29+$0x0]  }
0x334: {  	v20 =	vld [tilespmem:s28+$0x300]  }
0x335: {  	v23 =	vld [tilespmem:s28+$0x280]  }
0x336: {  	v16 =	vld [tilespmem:s28+$0x3B80]  }
0x337: {  	v17 =	vld [tilespmem:s28+$0x3B00]  }
0x338: {  	v21 =	vld [tilespmem:s28+$0x3880]  }
0x339: {  	v19 =	vld [tilespmem:s28+$0x3A00]  }
0x33a: {  	v22 =	vld [tilespmem:s28+$0x3980]  }
0x33b: {  	v27 =	vld [tilespmem:s28+$0x180]  }
0x33c: {  	v28 =	vld [tilespmem:s28+$0x100]  }
0x33d: {  	v29 =	vld [tilespmem:s28+$0x80]  }
0x33e: {  	v30 =	vld [tilespmem:s28+$0x0]  }
0x33f: {  	v31 =	vld [tilespmem:s28+$0x200]  }
0x340: {  	v25 =	vld [tilespmem:s28+$0x3900]  }
0x341: {  	v26 =	vld [tilespmem:s28+$0x3800]  }
0x342: {  	v24 =	vld [tilespmem:s28+$0x3A80]  }
.Ltmp12:
0x343: {  	[tilespmem:v0+s25+$0x0] =	vst.idx.msk $0xffff, v30;
	(pc) =	sbr.rel @p2 .LBB2_22-.Ltmp12, $4  }
0x344: {  	[tilespmem:v1+s25+$0x0] =	vst.idx.msk $0xffff, v29  }
0x345: {  	[tilespmem:v2+s25+$0x0] =	vst.idx.msk $0xffff, v28  }
0x346: {  	[tilespmem:v3+s25+$0x0] =	vst.idx.msk $0xffff, v27  }
0x347: {  	[tilespmem:v4+s25+$0x0] =	vst.idx.msk $0xffff, v31  }
0x348: {  	_ =	sdelay $0x3  }
0x349: {  	[tilespmem:v5+s23+$0x0] =	vst.idx.msk $0xffff, v23  }
0x34a: {  	[tilespmem:v6+s23+$0x0] =	vst.idx.msk $0xffff, v20  }
0x34b: {  	[tilespmem:v7+s23+$0x0] =	vst.idx.msk $0xffff, v18  }
0x34c: {  	[tilespmem:v8+s23+$0x0] =	vst.idx.msk $0xffff, v26  }
0x34d: {  	[tilespmem:v9+s23+$0x0] =	vst.idx.msk $0xffff, v21  }
0x34e: {  	[tilespmem:v10+s23+$0x0] =	vst.idx.msk $0xffff, v25  }
0x34f: {  	[tilespmem:v11+s23+$0x0] =	vst.idx.msk $0xffff, v22  }
0x350: {  	[tilespmem:v12+s23+$0x0] =	vst.idx.msk $0xffff, v19  }
0x351: {  	[tilespmem:v13+s23+$0x0] =	vst.idx.msk $0xffff, v24  }
0x352: {  	[tilespmem:v14+s23+$0x0] =	vst.idx.msk $0xffff, v17  }
0x353: {  	[tilespmem:v15+s23+$0x0] =	vst.idx.msk $0xffff, v16  }
0x354: {  	_ =	swait.ge [sflag:s19], $0x7000  }
0x355: {  	s22 =	simm.s32 $0x0;
	[sflag:s19] =	ssyncset.done $0x0  }
0x356: {  	s30 =	sand.u32 $0x7, s22;
	s29 =	rddreg [dreg:$0xf];
	[sflag:s19] =	ssyncadd.s32 $0xFFFF9000  }
0x357: {  	[hbm4b:s29+s22] =	stream.linear.scatter [tilespmem:s17], [sflag:$0x3], $0x7000, $0x38;
	[tilespmem:$0x1C000] =	vst v63  }
0x358: {  	s23 =	sshll.u32 s30, $0x4;
	_ =	swait.ge [sflag:s18], $0x7000  }
0x359: {  	s24 =	sand.u32 $0x70, s22;
	s23 =	sadd.s32 $0x0, s23;
	[sflag:s18] =	ssyncset.done $0x0  }
0x35a: {  	s25 =	sand.u32 $0x3C00, s22;
	s23 =	sor.u32 $0x380, s23;
	[sflag:s18] =	ssyncadd.s32 $0xFFFF9000  }
0x35b: {  	[tilespmem:s22], [sflag:$0x1] =	stream.strided.gather [hbm4b:s31+s13], $0x7000, s14, s13, $0x38;
	[tilespmem:$0x1C000] =	vst v63  }
0x35c: {  	s24 =	sor.u32 s24, s25;
	v18 =	vld [tilespmem:s23+$0x7000]  }
0x35d: {  	v20 =	vld [tilespmem:s24+$0x7300]  }
0x35e: {  	v23 =	vld [tilespmem:s24+$0x7280]  }
0x35f: {  	v16 =	vld [tilespmem:s24+$0xAB80]  }
0x360: {  	v17 =	vld [tilespmem:s24+$0xAB00]  }
0x361: {  	v21 =	vld [tilespmem:s24+$0xA880]  }
0x362: {  	v19 =	vld [tilespmem:s24+$0xAA00]  }
0x363: {  	v22 =	vld [tilespmem:s24+$0xA980]  }
0x364: {  	v27 =	vld [tilespmem:s24+$0x7180]  }
0x365: {  	v28 =	vld [tilespmem:s24+$0x7100]  }
0x366: {  	v30 =	vld [tilespmem:s24+$0x7000]  }
0x367: {  	v29 =	vld [tilespmem:s24+$0x7080]  }
0x368: {  	v31 =	vld [tilespmem:s24+$0x7200]  }
0x369: {  	v25 =	vld [tilespmem:s24+$0xA900]  }
0x36a: {  	v26 =	vld [tilespmem:s24+$0xA800];
	s23 =	simm.s32 $0x15000  }
0x36b: {  	v24 =	vld [tilespmem:s24+$0xAA80];
	[tilespmem:v0+s23+$0x0] =	vst.idx.msk $0xffff, v30  }
0x36c: {  	[tilespmem:v1+s23+$0x0] =	vst.idx.msk $0xffff, v29  }
0x36d: {  	[tilespmem:v2+s23+$0x0] =	vst.idx.msk $0xffff, v28  }
0x36e: {  	[tilespmem:v3+s23+$0x0] =	vst.idx.msk $0xffff, v27  }
0x36f: {  	s26 =	simm.s32 $0x0;
	s25 =	simm.s32 $0x15000;
	s24 =	simm.s32 $0x10;
	[tilespmem:v4+s23+$0x0] =	vst.idx.msk $0xffff, v31  }
.LBB2_24:
0x370: {  	[tilespmem:v5+s23+$0x0] =	vst.idx.msk $0xffff, v23;
	s25 =	sadd.s32 $0x100, s25;
	s22 =	sadd.s32 $0x80, s22;
	s26 =	sadd.s32 $0x1, s26  }
0x371: {  	p2 =	sne.s32 s24, $0x6F0;
	s28 =	smov.u32 s24;
	s24 =	sadd.s32 $0x10, s24;
	[tilespmem:v6+s23+$0x0] =	vst.idx.msk $0xffff, v20  }
0x372: {  	[tilespmem:v7+s23+$0x0] =	vst.idx.msk $0xffff, v18  }
0x373: {  	[tilespmem:v8+s23+$0x0] =	vst.idx.msk $0xffff, v26  }
0x374: {  	[tilespmem:v9+s23+$0x0] =	vst.idx.msk $0xffff, v21  }
0x375: {  	[tilespmem:v10+s23+$0x0] =	vst.idx.msk $0xffff, v25  }
0x376: {  	[tilespmem:v11+s23+$0x0] =	vst.idx.msk $0xffff, v22  }
0x377: {  	s29 =	sand.u32 $0x7, s26;
	[tilespmem:v12+s23+$0x0] =	vst.idx.msk $0xffff, v19  }
0x378: {  	s29 =	sshll.u32 s29, $0x4;
	[tilespmem:v13+s23+$0x0] =	vst.idx.msk $0xffff, v24  }
0x379: {  	s29 =	sadd.s32 s29, s22;
	[tilespmem:v14+s23+$0x0] =	vst.idx.msk $0xffff, v17  }
0x37a: {  	s28 =	sand.u32 $0x70, s28;
	s30 =	sand.u32 $0x3C00, s22;
	s29 =	sor.u32 $0x380, s29;
	[tilespmem:v15+s23+$0x0] =	vst.idx.msk $0xffff, v16  }
0x37b: {  	s28 =	sor.u32 s28, s30;
	s23 =	smov.u32 s25;
	v18 =	vld [tilespmem:s29+$0x7000]  }
0x37c: {  	v20 =	vld [tilespmem:s28+$0x7300]  }
0x37d: {  	v23 =	vld [tilespmem:s28+$0x7280]  }
0x37e: {  	v16 =	vld [tilespmem:s28+$0xAB80]  }
0x37f: {  	v17 =	vld [tilespmem:s28+$0xAB00]  }
0x380: {  	v21 =	vld [tilespmem:s28+$0xA880]  }
0x381: {  	v19 =	vld [tilespmem:s28+$0xAA00]  }
0x382: {  	v22 =	vld [tilespmem:s28+$0xA980]  }
0x383: {  	v27 =	vld [tilespmem:s28+$0x7180]  }
0x384: {  	v28 =	vld [tilespmem:s28+$0x7100]  }
0x385: {  	v29 =	vld [tilespmem:s28+$0x7080]  }
0x386: {  	v30 =	vld [tilespmem:s28+$0x7000]  }
0x387: {  	v31 =	vld [tilespmem:s28+$0x7200]  }
0x388: {  	v25 =	vld [tilespmem:s28+$0xA900]  }
0x389: {  	v26 =	vld [tilespmem:s28+$0xA800]  }
0x38a: {  	v24 =	vld [tilespmem:s28+$0xAA80]  }
.Ltmp13:
0x38b: {  	[tilespmem:v0+s25+$0x0] =	vst.idx.msk $0xffff, v30;
	(pc) =	sbr.rel @p2 .LBB2_24-.Ltmp13, $4  }
0x38c: {  	[tilespmem:v1+s25+$0x0] =	vst.idx.msk $0xffff, v29  }
0x38d: {  	[tilespmem:v2+s25+$0x0] =	vst.idx.msk $0xffff, v28  }
0x38e: {  	[tilespmem:v3+s25+$0x0] =	vst.idx.msk $0xffff, v27  }
0x38f: {  	[tilespmem:v4+s25+$0x0] =	vst.idx.msk $0xffff, v31  }
0x390: {  	_ =	sdelay $0x3  }
0x391: {  	[tilespmem:v5+s23+$0x0] =	vst.idx.msk $0xffff, v23  }
0x392: {  	[tilespmem:v6+s23+$0x0] =	vst.idx.msk $0xffff, v20  }
0x393: {  	[tilespmem:v7+s23+$0x0] =	vst.idx.msk $0xffff, v18  }
0x394: {  	[tilespmem:v8+s23+$0x0] =	vst.idx.msk $0xffff, v26  }
0x395: {  	[tilespmem:v9+s23+$0x0] =	vst.idx.msk $0xffff, v21  }
0x396: {  	[tilespmem:v10+s23+$0x0] =	vst.idx.msk $0xffff, v25  }
0x397: {  	[tilespmem:v11+s23+$0x0] =	vst.idx.msk $0xffff, v22  }
0x398: {  	[tilespmem:v12+s23+$0x0] =	vst.idx.msk $0xffff, v19  }
0x399: {  	[tilespmem:v13+s23+$0x0] =	vst.idx.msk $0xffff, v24  }
0x39a: {  	[tilespmem:v14+s23+$0x0] =	vst.idx.msk $0xffff, v17  }
0x39b: {  	[tilespmem:v15+s23+$0x0] =	vst.idx.msk $0xffff, v16  }
0x39c: {  	_ =	swait.ge [sflag:s19], $0x7000  }
0x39d: {  	s22 =	simm.s32 $0x0;
	[sflag:s19] =	ssyncset.done $0x0  }
0x39e: {  	s30 =	sand.u32 $0x7, s22;
	s29 =	rddreg [dreg:$0x10];
	[sflag:s19] =	ssyncadd.s32 $0xFFFF9000  }
0x39f: {  	[hbm4b:s29+s22] =	stream.linear.scatter [tilespmem:s20], [sflag:$0x3], $0x7000, $0x38;
	[tilespmem:$0x1C000] =	vst v63  }
0x3a0: {  	s23 =	sshll.u32 s30, $0x4;
	_ =	swait.ge [sflag:s15], $0x7000  }
0x3a1: {  	s24 =	sand.u32 $0x70, s22;
	s23 =	sadd.s32 $0x0, s23;
	[sflag:s15] =	ssyncset.done $0x0  }
0x3a2: {  	s25 =	sand.u32 $0x3C00, s22;
	s23 =	sor.u32 $0x380, s23;
	[sflag:s15] =	ssyncadd.s32 $0xFFFF9000  }
0x3a3: {  	[tilespmem:s16], [sflag:$0x2] =	stream.strided.gather [hbm4b:s0+s13], $0x7000, s14, s13, $0x38;
	[tilespmem:$0x1C000] =	vst v63  }
0x3a4: {  	s24 =	sor.u32 s24, s25;
	v18 =	vld [tilespmem:s23+$0x0]  }
0x3a5: {  	v20 =	vld [tilespmem:s24+$0x300]  }
0x3a6: {  	v23 =	vld [tilespmem:s24+$0x280]  }
0x3a7: {  	v16 =	vld [tilespmem:s24+$0x3B80]  }
0x3a8: {  	v17 =	vld [tilespmem:s24+$0x3B00]  }
0x3a9: {  	v21 =	vld [tilespmem:s24+$0x3880]  }
0x3aa: {  	v19 =	vld [tilespmem:s24+$0x3A00]  }
0x3ab: {  	v22 =	vld [tilespmem:s24+$0x3980]  }
0x3ac: {  	v27 =	vld [tilespmem:s24+$0x180]  }
0x3ad: {  	v28 =	vld [tilespmem:s24+$0x100]  }
0x3ae: {  	v30 =	vld [tilespmem:s24+$0x0]  }
0x3af: {  	v29 =	vld [tilespmem:s24+$0x80]  }
0x3b0: {  	v31 =	vld [tilespmem:s24+$0x200]  }
0x3b1: {  	v25 =	vld [tilespmem:s24+$0x3900]  }
0x3b2: {  	v26 =	vld [tilespmem:s24+$0x3800];
	s23 =	simm.s32 $0xE000  }
0x3b3: {  	v24 =	vld [tilespmem:s24+$0x3A80];
	[tilespmem:v0+s23+$0x0] =	vst.idx.msk $0xffff, v30  }
0x3b4: {  	[tilespmem:v1+s23+$0x0] =	vst.idx.msk $0xffff, v29  }
0x3b5: {  	[tilespmem:v2+s23+$0x0] =	vst.idx.msk $0xffff, v28  }
0x3b6: {  	[tilespmem:v3+s23+$0x0] =	vst.idx.msk $0xffff, v27  }
0x3b7: {  	s26 =	simm.s32 $0x0;
	s25 =	simm.s32 $0xE000;
	s24 =	simm.s32 $0x10;
	[tilespmem:v4+s23+$0x0] =	vst.idx.msk $0xffff, v31  }
.LBB2_26:
0x3b8: {  	[tilespmem:v5+s23+$0x0] =	vst.idx.msk $0xffff, v23;
	s25 =	sadd.s32 $0x100, s25;
	s22 =	sadd.s32 $0x80, s22;
	s26 =	sadd.s32 $0x1, s26  }
0x3b9: {  	p2 =	sne.s32 s24, $0x6F0;
	s28 =	smov.u32 s24;
	s24 =	sadd.s32 $0x10, s24;
	[tilespmem:v6+s23+$0x0] =	vst.idx.msk $0xffff, v20  }
0x3ba: {  	[tilespmem:v7+s23+$0x0] =	vst.idx.msk $0xffff, v18  }
0x3bb: {  	[tilespmem:v8+s23+$0x0] =	vst.idx.msk $0xffff, v26  }
0x3bc: {  	[tilespmem:v9+s23+$0x0] =	vst.idx.msk $0xffff, v21  }
0x3bd: {  	[tilespmem:v10+s23+$0x0] =	vst.idx.msk $0xffff, v25  }
0x3be: {  	[tilespmem:v11+s23+$0x0] =	vst.idx.msk $0xffff, v22  }
0x3bf: {  	s29 =	sand.u32 $0x7, s26;
	[tilespmem:v12+s23+$0x0] =	vst.idx.msk $0xffff, v19  }
0x3c0: {  	s29 =	sshll.u32 s29, $0x4;
	[tilespmem:v13+s23+$0x0] =	vst.idx.msk $0xffff, v24  }
0x3c1: {  	s29 =	sadd.s32 s29, s22;
	[tilespmem:v14+s23+$0x0] =	vst.idx.msk $0xffff, v17  }
0x3c2: {  	s28 =	sand.u32 $0x70, s28;
	s30 =	sand.u32 $0x3C00, s22;
	s29 =	sor.u32 $0x380, s29;
	[tilespmem:v15+s23+$0x0] =	vst.idx.msk $0xffff, v16  }
0x3c3: {  	s28 =	sor.u32 s28, s30;
	s23 =	smov.u32 s25;
	v18 =	vld [tilespmem:s29+$0x0]  }
0x3c4: {  	v20 =	vld [tilespmem:s28+$0x300]  }
0x3c5: {  	v23 =	vld [tilespmem:s28+$0x280]  }
0x3c6: {  	v16 =	vld [tilespmem:s28+$0x3B80]  }
0x3c7: {  	v17 =	vld [tilespmem:s28+$0x3B00]  }
0x3c8: {  	v21 =	vld [tilespmem:s28+$0x3880]  }
0x3c9: {  	v19 =	vld [tilespmem:s28+$0x3A00]  }
0x3ca: {  	v22 =	vld [tilespmem:s28+$0x3980]  }
0x3cb: {  	v27 =	vld [tilespmem:s28+$0x180]  }
0x3cc: {  	v28 =	vld [tilespmem:s28+$0x100]  }
0x3cd: {  	v29 =	vld [tilespmem:s28+$0x80]  }
0x3ce: {  	v30 =	vld [tilespmem:s28+$0x0]  }
0x3cf: {  	v31 =	vld [tilespmem:s28+$0x200]  }
0x3d0: {  	v25 =	vld [tilespmem:s28+$0x3900]  }
0x3d1: {  	v26 =	vld [tilespmem:s28+$0x3800]  }
0x3d2: {  	v24 =	vld [tilespmem:s28+$0x3A80]  }
.Ltmp14:
0x3d3: {  	[tilespmem:v0+s25+$0x0] =	vst.idx.msk $0xffff, v30;
	(pc) =	sbr.rel @p2 .LBB2_26-.Ltmp14, $4  }
0x3d4: {  	[tilespmem:v1+s25+$0x0] =	vst.idx.msk $0xffff, v29  }
0x3d5: {  	[tilespmem:v2+s25+$0x0] =	vst.idx.msk $0xffff, v28  }
0x3d6: {  	[tilespmem:v3+s25+$0x0] =	vst.idx.msk $0xffff, v27  }
0x3d7: {  	[tilespmem:v4+s25+$0x0] =	vst.idx.msk $0xffff, v31  }
0x3d8: {  	_ =	sdelay $0x3  }
0x3d9: {  	[tilespmem:v5+s23+$0x0] =	vst.idx.msk $0xffff, v23  }
0x3da: {  	[tilespmem:v6+s23+$0x0] =	vst.idx.msk $0xffff, v20  }
0x3db: {  	[tilespmem:v7+s23+$0x0] =	vst.idx.msk $0xffff, v18  }
0x3dc: {  	[tilespmem:v8+s23+$0x0] =	vst.idx.msk $0xffff, v26  }
0x3dd: {  	[tilespmem:v9+s23+$0x0] =	vst.idx.msk $0xffff, v21  }
0x3de: {  	[tilespmem:v10+s23+$0x0] =	vst.idx.msk $0xffff, v25  }
0x3df: {  	[tilespmem:v11+s23+$0x0] =	vst.idx.msk $0xffff, v22  }
0x3e0: {  	[tilespmem:v12+s23+$0x0] =	vst.idx.msk $0xffff, v19  }
0x3e1: {  	[tilespmem:v13+s23+$0x0] =	vst.idx.msk $0xffff, v24  }
0x3e2: {  	[tilespmem:v14+s23+$0x0] =	vst.idx.msk $0xffff, v17  }
0x3e3: {  	[tilespmem:v15+s23+$0x0] =	vst.idx.msk $0xffff, v16  }
0x3e4: {  	_ =	swait.ge [sflag:s19], $0x7000  }
0x3e5: {  	s22 =	simm.s32 $0x0;
	[sflag:s19] =	ssyncset.done $0x0  }
0x3e6: {  	s30 =	sand.u32 $0x7, s22;
	s29 =	rddreg [dreg:$0x11];
	[sflag:s19] =	ssyncadd.s32 $0xFFFF9000  }
0x3e7: {  	[hbm4b:s29+s22] =	stream.linear.scatter [tilespmem:s17], [sflag:$0x3], $0x7000, $0x38;
	[tilespmem:$0x1C000] =	vst v63  }
0x3e8: {  	s23 =	sshll.u32 s30, $0x4;
	_ =	swait.ge [sflag:s18], $0x7000  }
0x3e9: {  	s24 =	sand.u32 $0x70, s22;
	s23 =	sadd.s32 $0x0, s23;
	[sflag:s18] =	ssyncset.done $0x0  }
0x3ea: {  	s25 =	sand.u32 $0x3C00, s22;
	s23 =	sor.u32 $0x380, s23;
	[sflag:s18] =	ssyncadd.s32 $0xFFFF9000  }
0x3eb: {  	[tilespmem:s22], [sflag:$0x1] =	stream.strided.gather [hbm4b:s1+s13], $0x7000, s14, s13, $0x38;
	[tilespmem:$0x1C000] =	vst v63  }
0x3ec: {  	s24 =	sor.u32 s24, s25;
	v18 =	vld [tilespmem:s23+$0x7000]  }
0x3ed: {  	v20 =	vld [tilespmem:s24+$0x7300]  }
0x3ee: {  	v23 =	vld [tilespmem:s24+$0x7280]  }
0x3ef: {  	v16 =	vld [tilespmem:s24+$0xAB80]  }
0x3f0: {  	v17 =	vld [tilespmem:s24+$0xAB00]  }
0x3f1: {  	v21 =	vld [tilespmem:s24+$0xA880]  }
0x3f2: {  	v19 =	vld [tilespmem:s24+$0xAA00]  }
0x3f3: {  	v22 =	vld [tilespmem:s24+$0xA980]  }
0x3f4: {  	v27 =	vld [tilespmem:s24+$0x7180]  }
0x3f5: {  	v28 =	vld [tilespmem:s24+$0x7100]  }
0x3f6: {  	v30 =	vld [tilespmem:s24+$0x7000]  }
0x3f7: {  	v29 =	vld [tilespmem:s24+$0x7080]  }
0x3f8: {  	v31 =	vld [tilespmem:s24+$0x7200]  }
0x3f9: {  	v25 =	vld [tilespmem:s24+$0xA900]  }
0x3fa: {  	v26 =	vld [tilespmem:s24+$0xA800];
	s23 =	simm.s32 $0x15000  }
0x3fb: {  	v24 =	vld [tilespmem:s24+$0xAA80];
	[tilespmem:v0+s23+$0x0] =	vst.idx.msk $0xffff, v30  }
0x3fc: {  	[tilespmem:v1+s23+$0x0] =	vst.idx.msk $0xffff, v29  }
0x3fd: {  	[tilespmem:v2+s23+$0x0] =	vst.idx.msk $0xffff, v28  }
0x3fe: {  	[tilespmem:v3+s23+$0x0] =	vst.idx.msk $0xffff, v27  }
0x3ff: {  	s26 =	simm.s32 $0x0;
	s25 =	simm.s32 $0x15000;
	s24 =	simm.s32 $0x10;
	[tilespmem:v4+s23+$0x0] =	vst.idx.msk $0xffff, v31  }
.LBB2_28:
0x400: {  	[tilespmem:v5+s23+$0x0] =	vst.idx.msk $0xffff, v23;
	s25 =	sadd.s32 $0x100, s25;
	s22 =	sadd.s32 $0x80, s22;
	s26 =	sadd.s32 $0x1, s26  }
0x401: {  	p2 =	sne.s32 s24, $0x6F0;
	s28 =	smov.u32 s24;
	s24 =	sadd.s32 $0x10, s24;
	[tilespmem:v6+s23+$0x0] =	vst.idx.msk $0xffff, v20  }
0x402: {  	[tilespmem:v7+s23+$0x0] =	vst.idx.msk $0xffff, v18  }
0x403: {  	[tilespmem:v8+s23+$0x0] =	vst.idx.msk $0xffff, v26  }
0x404: {  	[tilespmem:v9+s23+$0x0] =	vst.idx.msk $0xffff, v21  }
0x405: {  	[tilespmem:v10+s23+$0x0] =	vst.idx.msk $0xffff, v25  }
0x406: {  	[tilespmem:v11+s23+$0x0] =	vst.idx.msk $0xffff, v22  }
0x407: {  	s29 =	sand.u32 $0x7, s26;
	[tilespmem:v12+s23+$0x0] =	vst.idx.msk $0xffff, v19  }
0x408: {  	s29 =	sshll.u32 s29, $0x4;
	[tilespmem:v13+s23+$0x0] =	vst.idx.msk $0xffff, v24  }
0x409: {  	s29 =	sadd.s32 s29, s22;
	[tilespmem:v14+s23+$0x0] =	vst.idx.msk $0xffff, v17  }
0x40a: {  	s28 =	sand.u32 $0x70, s28;
	s30 =	sand.u32 $0x3C00, s22;
	s29 =	sor.u32 $0x380, s29;
	[tilespmem:v15+s23+$0x0] =	vst.idx.msk $0xffff, v16  }
0x40b: {  	s28 =	sor.u32 s28, s30;
	s23 =	smov.u32 s25;
	v18 =	vld [tilespmem:s29+$0x7000]  }
0x40c: {  	v20 =	vld [tilespmem:s28+$0x7300]  }
0x40d: {  	v23 =	vld [tilespmem:s28+$0x7280]  }
0x40e: {  	v16 =	vld [tilespmem:s28+$0xAB80]  }
0x40f: {  	v17 =	vld [tilespmem:s28+$0xAB00]  }
0x410: {  	v21 =	vld [tilespmem:s28+$0xA880]  }
0x411: {  	v19 =	vld [tilespmem:s28+$0xAA00]  }
0x412: {  	v22 =	vld [tilespmem:s28+$0xA980]  }
0x413: {  	v27 =	vld [tilespmem:s28+$0x7180]  }
0x414: {  	v28 =	vld [tilespmem:s28+$0x7100]  }
0x415: {  	v29 =	vld [tilespmem:s28+$0x7080]  }
0x416: {  	v30 =	vld [tilespmem:s28+$0x7000]  }
0x417: {  	v31 =	vld [tilespmem:s28+$0x7200]  }
0x418: {  	v25 =	vld [tilespmem:s28+$0xA900]  }
0x419: {  	v26 =	vld [tilespmem:s28+$0xA800]  }
0x41a: {  	v24 =	vld [tilespmem:s28+$0xAA80]  }
.Ltmp15:
0x41b: {  	[tilespmem:v0+s25+$0x0] =	vst.idx.msk $0xffff, v30;
	(pc) =	sbr.rel @p2 .LBB2_28-.Ltmp15, $4  }
0x41c: {  	[tilespmem:v1+s25+$0x0] =	vst.idx.msk $0xffff, v29  }
0x41d: {  	[tilespmem:v2+s25+$0x0] =	vst.idx.msk $0xffff, v28  }
0x41e: {  	[tilespmem:v3+s25+$0x0] =	vst.idx.msk $0xffff, v27  }
0x41f: {  	[tilespmem:v4+s25+$0x0] =	vst.idx.msk $0xffff, v31  }
0x420: {  	_ =	sdelay $0x3  }
0x421: {  	[tilespmem:v5+s23+$0x0] =	vst.idx.msk $0xffff, v23  }
0x422: {  	[tilespmem:v6+s23+$0x0] =	vst.idx.msk $0xffff, v20  }
0x423: {  	[tilespmem:v7+s23+$0x0] =	vst.idx.msk $0xffff, v18  }
0x424: {  	[tilespmem:v8+s23+$0x0] =	vst.idx.msk $0xffff, v26  }
0x425: {  	[tilespmem:v9+s23+$0x0] =	vst.idx.msk $0xffff, v21  }
0x426: {  	[tilespmem:v10+s23+$0x0] =	vst.idx.msk $0xffff, v25  }
0x427: {  	[tilespmem:v11+s23+$0x0] =	vst.idx.msk $0xffff, v22  }
0x428: {  	[tilespmem:v12+s23+$0x0] =	vst.idx.msk $0xffff, v19  }
0x429: {  	[tilespmem:v13+s23+$0x0] =	vst.idx.msk $0xffff, v24  }
0x42a: {  	[tilespmem:v14+s23+$0x0] =	vst.idx.msk $0xffff, v17  }
0x42b: {  	[tilespmem:v15+s23+$0x0] =	vst.idx.msk $0xffff, v16  }
0x42c: {  	_ =	swait.ge [sflag:s19], $0x7000  }
0x42d: {  	s22 =	simm.s32 $0x0;
	[sflag:s19] =	ssyncset.done $0x0  }
0x42e: {  	s30 =	sand.u32 $0x7, s22;
	s29 =	rddreg [dreg:$0x12];
	[sflag:s19] =	ssyncadd.s32 $0xFFFF9000  }
0x42f: {  	[hbm4b:s29+s22] =	stream.linear.scatter [tilespmem:s20], [sflag:$0x3], $0x7000, $0x38;
	[tilespmem:$0x1C000] =	vst v63  }
0x430: {  	s23 =	sshll.u32 s30, $0x4;
	_ =	swait.ge [sflag:s15], $0x7000  }
0x431: {  	s24 =	sand.u32 $0x70, s22;
	s23 =	sadd.s32 $0x0, s23;
	[sflag:s15] =	ssyncset.done $0x0  }
0x432: {  	s25 =	sand.u32 $0x3C00, s22;
	s23 =	sor.u32 $0x380, s23;
	[sflag:s15] =	ssyncadd.s32 $0xFFFF9000  }
0x433: {  	[tilespmem:s16], [sflag:$0x2] =	stream.strided.gather [hbm4b:s2+s13], $0x7000, s14, s13, $0x38;
	[tilespmem:$0x1C000] =	vst v63  }
0x434: {  	s24 =	sor.u32 s24, s25;
	v18 =	vld [tilespmem:s23+$0x0]  }
0x435: {  	v20 =	vld [tilespmem:s24+$0x300]  }
0x436: {  	v23 =	vld [tilespmem:s24+$0x280]  }
0x437: {  	v16 =	vld [tilespmem:s24+$0x3B80]  }
0x438: {  	v17 =	vld [tilespmem:s24+$0x3B00]  }
0x439: {  	v21 =	vld [tilespmem:s24+$0x3880]  }
0x43a: {  	v19 =	vld [tilespmem:s24+$0x3A00]  }
0x43b: {  	v22 =	vld [tilespmem:s24+$0x3980]  }
0x43c: {  	v27 =	vld [tilespmem:s24+$0x180]  }
0x43d: {  	v28 =	vld [tilespmem:s24+$0x100]  }
0x43e: {  	v30 =	vld [tilespmem:s24+$0x0]  }
0x43f: {  	v29 =	vld [tilespmem:s24+$0x80]  }
0x440: {  	v31 =	vld [tilespmem:s24+$0x200]  }
0x441: {  	v25 =	vld [tilespmem:s24+$0x3900]  }
0x442: {  	v26 =	vld [tilespmem:s24+$0x3800];
	s23 =	simm.s32 $0xE000  }
0x443: {  	v24 =	vld [tilespmem:s24+$0x3A80];
	[tilespmem:v0+s23+$0x0] =	vst.idx.msk $0xffff, v30  }
0x444: {  	[tilespmem:v1+s23+$0x0] =	vst.idx.msk $0xffff, v29  }
0x445: {  	[tilespmem:v2+s23+$0x0] =	vst.idx.msk $0xffff, v28  }
0x446: {  	[tilespmem:v3+s23+$0x0] =	vst.idx.msk $0xffff, v27  }
0x447: {  	s26 =	simm.s32 $0x0;
	s25 =	simm.s32 $0xE000;
	s24 =	simm.s32 $0x10;
	[tilespmem:v4+s23+$0x0] =	vst.idx.msk $0xffff, v31  }
.LBB2_30:
0x448: {  	[tilespmem:v5+s23+$0x0] =	vst.idx.msk $0xffff, v23;
	s25 =	sadd.s32 $0x100, s25;
	s22 =	sadd.s32 $0x80, s22;
	s26 =	sadd.s32 $0x1, s26  }
0x449: {  	p2 =	sne.s32 s24, $0x6F0;
	s28 =	smov.u32 s24;
	s24 =	sadd.s32 $0x10, s24;
	[tilespmem:v6+s23+$0x0] =	vst.idx.msk $0xffff, v20  }
0x44a: {  	[tilespmem:v7+s23+$0x0] =	vst.idx.msk $0xffff, v18  }
0x44b: {  	[tilespmem:v8+s23+$0x0] =	vst.idx.msk $0xffff, v26  }
0x44c: {  	[tilespmem:v9+s23+$0x0] =	vst.idx.msk $0xffff, v21  }
0x44d: {  	[tilespmem:v10+s23+$0x0] =	vst.idx.msk $0xffff, v25  }
0x44e: {  	[tilespmem:v11+s23+$0x0] =	vst.idx.msk $0xffff, v22  }
0x44f: {  	s29 =	sand.u32 $0x7, s26;
	[tilespmem:v12+s23+$0x0] =	vst.idx.msk $0xffff, v19  }
0x450: {  	s29 =	sshll.u32 s29, $0x4;
	[tilespmem:v13+s23+$0x0] =	vst.idx.msk $0xffff, v24  }
0x451: {  	s29 =	sadd.s32 s29, s22;
	[tilespmem:v14+s23+$0x0] =	vst.idx.msk $0xffff, v17  }
0x452: {  	s28 =	sand.u32 $0x70, s28;
	s30 =	sand.u32 $0x3C00, s22;
	s29 =	sor.u32 $0x380, s29;
	[tilespmem:v15+s23+$0x0] =	vst.idx.msk $0xffff, v16  }
0x453: {  	s28 =	sor.u32 s28, s30;
	s23 =	smov.u32 s25;
	v18 =	vld [tilespmem:s29+$0x0]  }
0x454: {  	v20 =	vld [tilespmem:s28+$0x300]  }
0x455: {  	v23 =	vld [tilespmem:s28+$0x280]  }
0x456: {  	v16 =	vld [tilespmem:s28+$0x3B80]  }
0x457: {  	v17 =	vld [tilespmem:s28+$0x3B00]  }
0x458: {  	v21 =	vld [tilespmem:s28+$0x3880]  }
0x459: {  	v19 =	vld [tilespmem:s28+$0x3A00]  }
0x45a: {  	v22 =	vld [tilespmem:s28+$0x3980]  }
0x45b: {  	v27 =	vld [tilespmem:s28+$0x180]  }
0x45c: {  	v28 =	vld [tilespmem:s28+$0x100]  }
0x45d: {  	v29 =	vld [tilespmem:s28+$0x80]  }
0x45e: {  	v30 =	vld [tilespmem:s28+$0x0]  }
0x45f: {  	v31 =	vld [tilespmem:s28+$0x200]  }
0x460: {  	v25 =	vld [tilespmem:s28+$0x3900]  }
0x461: {  	v26 =	vld [tilespmem:s28+$0x3800]  }
0x462: {  	v24 =	vld [tilespmem:s28+$0x3A80]  }
.Ltmp16:
0x463: {  	[tilespmem:v0+s25+$0x0] =	vst.idx.msk $0xffff, v30;
	(pc) =	sbr.rel @p2 .LBB2_30-.Ltmp16, $4  }
0x464: {  	[tilespmem:v1+s25+$0x0] =	vst.idx.msk $0xffff, v29  }
0x465: {  	[tilespmem:v2+s25+$0x0] =	vst.idx.msk $0xffff, v28  }
0x466: {  	[tilespmem:v3+s25+$0x0] =	vst.idx.msk $0xffff, v27  }
0x467: {  	[tilespmem:v4+s25+$0x0] =	vst.idx.msk $0xffff, v31  }
0x468: {  	_ =	sdelay $0x3  }
0x469: {  	[tilespmem:v5+s23+$0x0] =	vst.idx.msk $0xffff, v23  }
0x46a: {  	[tilespmem:v6+s23+$0x0] =	vst.idx.msk $0xffff, v20  }
0x46b: {  	[tilespmem:v7+s23+$0x0] =	vst.idx.msk $0xffff, v18  }
0x46c: {  	[tilespmem:v8+s23+$0x0] =	vst.idx.msk $0xffff, v26  }
0x46d: {  	[tilespmem:v9+s23+$0x0] =	vst.idx.msk $0xffff, v21  }
0x46e: {  	[tilespmem:v10+s23+$0x0] =	vst.idx.msk $0xffff, v25  }
0x46f: {  	[tilespmem:v11+s23+$0x0] =	vst.idx.msk $0xffff, v22  }
0x470: {  	[tilespmem:v12+s23+$0x0] =	vst.idx.msk $0xffff, v19  }
0x471: {  	[tilespmem:v13+s23+$0x0] =	vst.idx.msk $0xffff, v24  }
0x472: {  	[tilespmem:v14+s23+$0x0] =	vst.idx.msk $0xffff, v17  }
0x473: {  	[tilespmem:v15+s23+$0x0] =	vst.idx.msk $0xffff, v16  }
0x474: {  	_ =	swait.ge [sflag:s19], $0x7000  }
0x475: {  	s22 =	simm.s32 $0x0;
	[sflag:s19] =	ssyncset.done $0x0  }
0x476: {  	s30 =	sand.u32 $0x7, s22;
	s29 =	rddreg [dreg:$0x13];
	[sflag:s19] =	ssyncadd.s32 $0xFFFF9000  }
0x477: {  	[hbm4b:s29+s22] =	stream.linear.scatter [tilespmem:s17], [sflag:$0x3], $0x7000, $0x38;
	[tilespmem:$0x1C000] =	vst v63  }
0x478: {  	s23 =	sshll.u32 s30, $0x4;
	_ =	swait.ge [sflag:s18], $0x7000  }
0x479: {  	s24 =	sand.u32 $0x70, s22;
	s23 =	sadd.s32 $0x0, s23;
	[sflag:s18] =	ssyncset.done $0x0  }
0x47a: {  	s25 =	sand.u32 $0x3C00, s22;
	s23 =	sor.u32 $0x380, s23;
	[sflag:s18] =	ssyncadd.s32 $0xFFFF9000  }
0x47b: {  	[tilespmem:s22], [sflag:$0x1] =	stream.strided.gather [hbm4b:s11+s13], $0x7000, s14, s13, $0x38;
	[tilespmem:$0x1C000] =	vst v63  }
0x47c: {  	s24 =	sor.u32 s24, s25;
	v18 =	vld [tilespmem:s23+$0x7000]  }
0x47d: {  	v20 =	vld [tilespmem:s24+$0x7300]  }
0x47e: {  	v23 =	vld [tilespmem:s24+$0x7280]  }
0x47f: {  	v16 =	vld [tilespmem:s24+$0xAB80]  }
0x480: {  	v17 =	vld [tilespmem:s24+$0xAB00]  }
0x481: {  	v21 =	vld [tilespmem:s24+$0xA880]  }
0x482: {  	v19 =	vld [tilespmem:s24+$0xAA00]  }
0x483: {  	v22 =	vld [tilespmem:s24+$0xA980]  }
0x484: {  	v27 =	vld [tilespmem:s24+$0x7180]  }
0x485: {  	v28 =	vld [tilespmem:s24+$0x7100]  }
0x486: {  	v30 =	vld [tilespmem:s24+$0x7000]  }
0x487: {  	v29 =	vld [tilespmem:s24+$0x7080]  }
0x488: {  	v31 =	vld [tilespmem:s24+$0x7200]  }
0x489: {  	v25 =	vld [tilespmem:s24+$0xA900]  }
0x48a: {  	v26 =	vld [tilespmem:s24+$0xA800];
	s23 =	simm.s32 $0x15000  }
0x48b: {  	v24 =	vld [tilespmem:s24+$0xAA80];
	[tilespmem:v0+s23+$0x0] =	vst.idx.msk $0xffff, v30  }
0x48c: {  	[tilespmem:v1+s23+$0x0] =	vst.idx.msk $0xffff, v29  }
0x48d: {  	[tilespmem:v2+s23+$0x0] =	vst.idx.msk $0xffff, v28  }
0x48e: {  	[tilespmem:v3+s23+$0x0] =	vst.idx.msk $0xffff, v27  }
0x48f: {  	s26 =	simm.s32 $0x0;
	s25 =	simm.s32 $0x15000;
	s24 =	simm.s32 $0x10;
	[tilespmem:v4+s23+$0x0] =	vst.idx.msk $0xffff, v31  }
.LBB2_32:
0x490: {  	[tilespmem:v5+s23+$0x0] =	vst.idx.msk $0xffff, v23;
	s25 =	sadd.s32 $0x100, s25;
	s22 =	sadd.s32 $0x80, s22;
	s26 =	sadd.s32 $0x1, s26  }
0x491: {  	p2 =	sne.s32 s24, $0x6F0;
	s28 =	smov.u32 s24;
	s24 =	sadd.s32 $0x10, s24;
	[tilespmem:v6+s23+$0x0] =	vst.idx.msk $0xffff, v20  }
0x492: {  	[tilespmem:v7+s23+$0x0] =	vst.idx.msk $0xffff, v18  }
0x493: {  	[tilespmem:v8+s23+$0x0] =	vst.idx.msk $0xffff, v26  }
0x494: {  	[tilespmem:v9+s23+$0x0] =	vst.idx.msk $0xffff, v21  }
0x495: {  	[tilespmem:v10+s23+$0x0] =	vst.idx.msk $0xffff, v25  }
0x496: {  	[tilespmem:v11+s23+$0x0] =	vst.idx.msk $0xffff, v22  }
0x497: {  	s29 =	sand.u32 $0x7, s26;
	[tilespmem:v12+s23+$0x0] =	vst.idx.msk $0xffff, v19  }
0x498: {  	s29 =	sshll.u32 s29, $0x4;
	[tilespmem:v13+s23+$0x0] =	vst.idx.msk $0xffff, v24  }
0x499: {  	s29 =	sadd.s32 s29, s22;
	[tilespmem:v14+s23+$0x0] =	vst.idx.msk $0xffff, v17  }
0x49a: {  	s28 =	sand.u32 $0x70, s28;
	s30 =	sand.u32 $0x3C00, s22;
	s29 =	sor.u32 $0x380, s29;
	[tilespmem:v15+s23+$0x0] =	vst.idx.msk $0xffff, v16  }
0x49b: {  	s28 =	sor.u32 s28, s30;
	s23 =	smov.u32 s25;
	v18 =	vld [tilespmem:s29+$0x7000]  }
0x49c: {  	v20 =	vld [tilespmem:s28+$0x7300]  }
0x49d: {  	v23 =	vld [tilespmem:s28+$0x7280]  }
0x49e: {  	v16 =	vld [tilespmem:s28+$0xAB80]  }
0x49f: {  	v17 =	vld [tilespmem:s28+$0xAB00]  }
0x4a0: {  	v21 =	vld [tilespmem:s28+$0xA880]  }
0x4a1: {  	v19 =	vld [tilespmem:s28+$0xAA00]  }
0x4a2: {  	v22 =	vld [tilespmem:s28+$0xA980]  }
0x4a3: {  	v27 =	vld [tilespmem:s28+$0x7180]  }
0x4a4: {  	v28 =	vld [tilespmem:s28+$0x7100]  }
0x4a5: {  	v29 =	vld [tilespmem:s28+$0x7080]  }
0x4a6: {  	v30 =	vld [tilespmem:s28+$0x7000]  }
0x4a7: {  	v31 =	vld [tilespmem:s28+$0x7200]  }
0x4a8: {  	v25 =	vld [tilespmem:s28+$0xA900]  }
0x4a9: {  	v26 =	vld [tilespmem:s28+$0xA800]  }
0x4aa: {  	v24 =	vld [tilespmem:s28+$0xAA80]  }
.Ltmp17:
0x4ab: {  	[tilespmem:v0+s25+$0x0] =	vst.idx.msk $0xffff, v30;
	(pc) =	sbr.rel @p2 .LBB2_32-.Ltmp17, $4  }
0x4ac: {  	[tilespmem:v1+s25+$0x0] =	vst.idx.msk $0xffff, v29  }
0x4ad: {  	[tilespmem:v2+s25+$0x0] =	vst.idx.msk $0xffff, v28  }
0x4ae: {  	[tilespmem:v3+s25+$0x0] =	vst.idx.msk $0xffff, v27  }
0x4af: {  	[tilespmem:v4+s25+$0x0] =	vst.idx.msk $0xffff, v31  }
0x4b0: {  	_ =	sdelay $0x3  }
0x4b1: {  	[tilespmem:v5+s23+$0x0] =	vst.idx.msk $0xffff, v23  }
0x4b2: {  	[tilespmem:v6+s23+$0x0] =	vst.idx.msk $0xffff, v20  }
0x4b3: {  	[tilespmem:v7+s23+$0x0] =	vst.idx.msk $0xffff, v18  }
0x4b4: {  	[tilespmem:v8+s23+$0x0] =	vst.idx.msk $0xffff, v26  }
0x4b5: {  	[tilespmem:v9+s23+$0x0] =	vst.idx.msk $0xffff, v21  }
0x4b6: {  	[tilespmem:v10+s23+$0x0] =	vst.idx.msk $0xffff, v25  }
0x4b7: {  	[tilespmem:v11+s23+$0x0] =	vst.idx.msk $0xffff, v22  }
0x4b8: {  	[tilespmem:v12+s23+$0x0] =	vst.idx.msk $0xffff, v19  }
0x4b9: {  	[tilespmem:v13+s23+$0x0] =	vst.idx.msk $0xffff, v24  }
0x4ba: {  	[tilespmem:v14+s23+$0x0] =	vst.idx.msk $0xffff, v17  }
0x4bb: {  	[tilespmem:v15+s23+$0x0] =	vst.idx.msk $0xffff, v16  }
0x4bc: {  	_ =	swait.ge [sflag:s19], $0x7000  }
0x4bd: {  	[sflag:s19] =	ssyncset.done $0x0  }
0x4be: {  	s22 =	rddreg [dreg:$0x14];
	[sflag:s19] =	ssyncadd.s32 $0xFFFF9000  }
0x4bf: {  	[hbm4b:s22+s3] =	stream.linear.scatter [tilespmem:s20], [sflag:$0x3], $0x7000, $0x38;
	[tilespmem:$0x1C000] =	vst v63  }
0x4c0: {  	_ =	swait.ge [sflag:s15], $0x7000  }
0x4c1: {  	s24 =	simm.s32 @!p1 $0x7000;
	[sflag:s15] =	ssyncset.done $0x0  }
0x4c2: {  	s23 =	simm.s32 @!p1 $0x7A1400;
	s22 =	simm.s32 @!p1 $0x3800;
	[sflag:s15] =	ssyncadd.s32 $0xFFFF9000  }
0x4c3: {  	[tilespmem:s24], [sflag:$0x2] =	stream.strided.gather @!p1 [hbm4b:s5+s22], $0x7000, s23, s22, $0x38;
	[tilespmem:$0x1C000] =	vst v63  }
0x4c4: {  	s22 =	simm.s32 $0x0  }
0x4c5: {  	s30 =	sand.u32 $0x70, s22;
	s25 =	sand.u32 $0x3C00, s22  }
0x4c6: {  	s24 =	sor.u32 s30, s25  }
0x4c7: {  	v20 =	vld [tilespmem:s24+$0x300]  }
0x4c8: {  	v23 =	vld [tilespmem:s24+$0x280]  }
0x4c9: {  	v16 =	vld [tilespmem:s24+$0x3B80]  }
0x4ca: {  	v17 =	vld [tilespmem:s24+$0x3B00]  }
0x4cb: {  	v21 =	vld [tilespmem:s24+$0x3880]  }
0x4cc: {  	v19 =	vld [tilespmem:s24+$0x3A00]  }
0x4cd: {  	v22 =	vld [tilespmem:s24+$0x3980]  }
0x4ce: {  	v27 =	vld [tilespmem:s24+$0x180]  }
0x4cf: {  	v28 =	vld [tilespmem:s24+$0x100]  }
0x4d0: {  	v29 =	vld [tilespmem:s24+$0x80]  }
0x4d1: {  	s29 =	sand.u32 $0x7, s22;
	v30 =	vld [tilespmem:s24+$0x0]  }
0x4d2: {  	s23 =	sshll.u32 s29, $0x4;
	v31 =	vld [tilespmem:s24+$0x200]  }
0x4d3: {  	s23 =	sadd.s32 $0x0, s23;
	v25 =	vld [tilespmem:s24+$0x3900]  }
0x4d4: {  	v26 =	vld [tilespmem:s24+$0x3800];
	s23 =	sor.u32 $0x380, s23  }
0x4d5: {  	v18 =	vld [tilespmem:s23+$0x0];
	s23 =	simm.s32 $0xE000  }
0x4d6: {  	v24 =	vld [tilespmem:s24+$0x3A80];
	[tilespmem:v0+s23+$0x0] =	vst.idx.msk $0xffff, v30  }
0x4d7: {  	[tilespmem:v1+s23+$0x0] =	vst.idx.msk $0xffff, v29  }
0x4d8: {  	[tilespmem:v2+s23+$0x0] =	vst.idx.msk $0xffff, v28  }
0x4d9: {  	[tilespmem:v3+s23+$0x0] =	vst.idx.msk $0xffff, v27  }
0x4da: {  	s26 =	simm.s32 $0x0;
	s25 =	simm.s32 $0xE000;
	s24 =	simm.s32 $0x10;
	[tilespmem:v4+s23+$0x0] =	vst.idx.msk $0xffff, v31  }
.LBB2_34:
0x4db: {  	[tilespmem:v5+s23+$0x0] =	vst.idx.msk $0xffff, v23;
	s25 =	sadd.s32 $0x100, s25;
	s22 =	sadd.s32 $0x80, s22;
	s26 =	sadd.s32 $0x1, s26  }
0x4dc: {  	p2 =	sne.s32 s24, $0x6F0;
	s28 =	smov.u32 s24;
	s24 =	sadd.s32 $0x10, s24;
	[tilespmem:v6+s23+$0x0] =	vst.idx.msk $0xffff, v20  }
0x4dd: {  	[tilespmem:v7+s23+$0x0] =	vst.idx.msk $0xffff, v18  }
0x4de: {  	[tilespmem:v8+s23+$0x0] =	vst.idx.msk $0xffff, v26  }
0x4df: {  	[tilespmem:v9+s23+$0x0] =	vst.idx.msk $0xffff, v21  }
0x4e0: {  	[tilespmem:v10+s23+$0x0] =	vst.idx.msk $0xffff, v25  }
0x4e1: {  	[tilespmem:v11+s23+$0x0] =	vst.idx.msk $0xffff, v22  }
0x4e2: {  	s29 =	sand.u32 $0x7, s26;
	[tilespmem:v12+s23+$0x0] =	vst.idx.msk $0xffff, v19  }
0x4e3: {  	s29 =	sshll.u32 s29, $0x4;
	[tilespmem:v13+s23+$0x0] =	vst.idx.msk $0xffff, v24  }
0x4e4: {  	s29 =	sadd.s32 s29, s22;
	[tilespmem:v14+s23+$0x0] =	vst.idx.msk $0xffff, v17  }
0x4e5: {  	s28 =	sand.u32 $0x70, s28;
	s30 =	sand.u32 $0x3C00, s22;
	s29 =	sor.u32 $0x380, s29;
	[tilespmem:v15+s23+$0x0] =	vst.idx.msk $0xffff, v16  }
0x4e6: {  	s28 =	sor.u32 s28, s30;
	s23 =	smov.u32 s25;
	v18 =	vld [tilespmem:s29+$0x0]  }
0x4e7: {  	v20 =	vld [tilespmem:s28+$0x300]  }
0x4e8: {  	v23 =	vld [tilespmem:s28+$0x280]  }
0x4e9: {  	v16 =	vld [tilespmem:s28+$0x3B80]  }
0x4ea: {  	v17 =	vld [tilespmem:s28+$0x3B00]  }
0x4eb: {  	v21 =	vld [tilespmem:s28+$0x3880]  }
0x4ec: {  	v19 =	vld [tilespmem:s28+$0x3A00]  }
0x4ed: {  	v22 =	vld [tilespmem:s28+$0x3980]  }
0x4ee: {  	v27 =	vld [tilespmem:s28+$0x180]  }
0x4ef: {  	v28 =	vld [tilespmem:s28+$0x100]  }
0x4f0: {  	v29 =	vld [tilespmem:s28+$0x80]  }
0x4f1: {  	v30 =	vld [tilespmem:s28+$0x0]  }
0x4f2: {  	v31 =	vld [tilespmem:s28+$0x200]  }
0x4f3: {  	v25 =	vld [tilespmem:s28+$0x3900]  }
0x4f4: {  	v26 =	vld [tilespmem:s28+$0x3800]  }
0x4f5: {  	v24 =	vld [tilespmem:s28+$0x3A80]  }
.Ltmp18:
0x4f6: {  	[tilespmem:v0+s25+$0x0] =	vst.idx.msk $0xffff, v30;
	(pc) =	sbr.rel @p2 .LBB2_34-.Ltmp18, $4  }
0x4f7: {  	[tilespmem:v1+s25+$0x0] =	vst.idx.msk $0xffff, v29  }
0x4f8: {  	[tilespmem:v2+s25+$0x0] =	vst.idx.msk $0xffff, v28  }
0x4f9: {  	[tilespmem:v3+s25+$0x0] =	vst.idx.msk $0xffff, v27  }
0x4fa: {  	[tilespmem:v4+s25+$0x0] =	vst.idx.msk $0xffff, v31  }
0x4fb: {  	_ =	sdelay $0x3  }
0x4fc: {  	[tilespmem:v5+s23+$0x0] =	vst.idx.msk $0xffff, v23  }
0x4fd: {  	[tilespmem:v6+s23+$0x0] =	vst.idx.msk $0xffff, v20  }
0x4fe: {  	[tilespmem:v7+s23+$0x0] =	vst.idx.msk $0xffff, v18  }
0x4ff: {  	[tilespmem:v8+s23+$0x0] =	vst.idx.msk $0xffff, v26  }
0x500: {  	[tilespmem:v9+s23+$0x0] =	vst.idx.msk $0xffff, v21  }
0x501: {  	[tilespmem:v10+s23+$0x0] =	vst.idx.msk $0xffff, v25  }
0x502: {  	[tilespmem:v11+s23+$0x0] =	vst.idx.msk $0xffff, v22  }
0x503: {  	[tilespmem:v12+s23+$0x0] =	vst.idx.msk $0xffff, v19  }
0x504: {  	[tilespmem:v13+s23+$0x0] =	vst.idx.msk $0xffff, v24  }
0x505: {  	[tilespmem:v14+s23+$0x0] =	vst.idx.msk $0xffff, v17  }
.Ltmp19:
0x506: {  	[tilespmem:v15+s23+$0x0] =	vst.idx.msk $0xffff, v16;
	(pc) =	sbr.rel @p1 .LBB2_39-.Ltmp19, $4  }
0x507: {  	_ =	swait.ge [sflag:s19], $0x7000  }
0x508: {  	[sflag:s19] =	ssyncset.done $0x0  }
0x509: {  	[sflag:s19] =	ssyncadd.s32 $0xFFFF9000  }
0x50a: {  	[hbm4b:s12+s3] =	stream.linear.scatter [tilespmem:s17], [sflag:$0x3], $0x7000, $0x38;
	[tilespmem:$0x1C000] =	vst v63  }
0x50b: {  	s22 =	simm.s32 $0x0;
	_ =	swait.ge [sflag:s18], $0x7000  }
0x50c: {  	[sflag:s18] =	ssyncset.done $0x0;
	s24 =	sand.u32 $0x70, s22;
	s25 =	sand.u32 $0x3C00, s22  }
0x50d: {  	[sflag:s18] =	ssyncadd.s32 $0xFFFF9000;
	s24 =	sor.u32 s24, s25  }
0x50e: {  	v20 =	vld [tilespmem:s24+$0x7300]  }
0x50f: {  	v23 =	vld [tilespmem:s24+$0x7280]  }
0x510: {  	v16 =	vld [tilespmem:s24+$0xAB80]  }
0x511: {  	v17 =	vld [tilespmem:s24+$0xAB00]  }
0x512: {  	v21 =	vld [tilespmem:s24+$0xA880]  }
0x513: {  	v19 =	vld [tilespmem:s24+$0xAA00]  }
0x514: {  	v22 =	vld [tilespmem:s24+$0xA980]  }
0x515: {  	v27 =	vld [tilespmem:s24+$0x7180]  }
0x516: {  	v28 =	vld [tilespmem:s24+$0x7100]  }
0x517: {  	v29 =	vld [tilespmem:s24+$0x7080]  }
0x518: {  	s23 =	sand.u32 $0x7, s22;
	v30 =	vld [tilespmem:s24+$0x7000]  }
0x519: {  	s23 =	sshll.u32 s23, $0x4;
	v31 =	vld [tilespmem:s24+$0x7200]  }
0x51a: {  	s23 =	sadd.s32 $0x0, s23;
	v25 =	vld [tilespmem:s24+$0xA900]  }
0x51b: {  	v26 =	vld [tilespmem:s24+$0xA800];
	s23 =	sor.u32 $0x380, s23  }
0x51c: {  	v18 =	vld [tilespmem:s23+$0x7000];
	s23 =	simm.s32 $0x15000  }
0x51d: {  	v24 =	vld [tilespmem:s24+$0xAA80];
	[tilespmem:v0+s23+$0x0] =	vst.idx.msk $0xffff, v30  }
0x51e: {  	[tilespmem:v1+s23+$0x0] =	vst.idx.msk $0xffff, v29  }
0x51f: {  	[tilespmem:v2+s23+$0x0] =	vst.idx.msk $0xffff, v28  }
0x520: {  	[tilespmem:v3+s23+$0x0] =	vst.idx.msk $0xffff, v27  }
0x521: {  	s26 =	simm.s32 $0x0;
	s25 =	simm.s32 $0x15000;
	s24 =	simm.s32 $0x10;
	[tilespmem:v4+s23+$0x0] =	vst.idx.msk $0xffff, v31  }
.LBB2_37:
0x522: {  	[tilespmem:v5+s23+$0x0] =	vst.idx.msk $0xffff, v23;
	s25 =	sadd.s32 $0x100, s25;
	s22 =	sadd.s32 $0x80, s22;
	s26 =	sadd.s32 $0x1, s26  }
0x523: {  	p2 =	sne.s32 s24, $0x6F0;
	s28 =	smov.u32 s24;
	s24 =	sadd.s32 $0x10, s24;
	[tilespmem:v6+s23+$0x0] =	vst.idx.msk $0xffff, v20  }
0x524: {  	[tilespmem:v7+s23+$0x0] =	vst.idx.msk $0xffff, v18  }
0x525: {  	[tilespmem:v8+s23+$0x0] =	vst.idx.msk $0xffff, v26  }
0x526: {  	[tilespmem:v9+s23+$0x0] =	vst.idx.msk $0xffff, v21  }
0x527: {  	[tilespmem:v10+s23+$0x0] =	vst.idx.msk $0xffff, v25  }
0x528: {  	[tilespmem:v11+s23+$0x0] =	vst.idx.msk $0xffff, v22  }
0x529: {  	s29 =	sand.u32 $0x7, s26;
	[tilespmem:v12+s23+$0x0] =	vst.idx.msk $0xffff, v19  }
0x52a: {  	s29 =	sshll.u32 s29, $0x4;
	[tilespmem:v13+s23+$0x0] =	vst.idx.msk $0xffff, v24  }
0x52b: {  	s29 =	sadd.s32 s29, s22;
	[tilespmem:v14+s23+$0x0] =	vst.idx.msk $0xffff, v17  }
0x52c: {  	s28 =	sand.u32 $0x70, s28;
	s30 =	sand.u32 $0x3C00, s22;
	s29 =	sor.u32 $0x380, s29;
	[tilespmem:v15+s23+$0x0] =	vst.idx.msk $0xffff, v16  }
0x52d: {  	s28 =	sor.u32 s28, s30;
	s23 =	smov.u32 s25;
	v18 =	vld [tilespmem:s29+$0x7000]  }
0x52e: {  	v20 =	vld [tilespmem:s28+$0x7300]  }
0x52f: {  	v23 =	vld [tilespmem:s28+$0x7280]  }
0x530: {  	v16 =	vld [tilespmem:s28+$0xAB80]  }
0x531: {  	v17 =	vld [tilespmem:s28+$0xAB00]  }
0x532: {  	v21 =	vld [tilespmem:s28+$0xA880]  }
0x533: {  	v19 =	vld [tilespmem:s28+$0xAA00]  }
0x534: {  	v22 =	vld [tilespmem:s28+$0xA980]  }
0x535: {  	v27 =	vld [tilespmem:s28+$0x7180]  }
0x536: {  	v28 =	vld [tilespmem:s28+$0x7100]  }
0x537: {  	v29 =	vld [tilespmem:s28+$0x7080]  }
0x538: {  	v30 =	vld [tilespmem:s28+$0x7000]  }
0x539: {  	v31 =	vld [tilespmem:s28+$0x7200]  }
0x53a: {  	v25 =	vld [tilespmem:s28+$0xA900]  }
0x53b: {  	v26 =	vld [tilespmem:s28+$0xA800]  }
0x53c: {  	v24 =	vld [tilespmem:s28+$0xAA80]  }
.Ltmp20:
0x53d: {  	[tilespmem:v0+s25+$0x0] =	vst.idx.msk $0xffff, v30;
	(pc) =	sbr.rel @p2 .LBB2_37-.Ltmp20, $4  }
0x53e: {  	[tilespmem:v1+s25+$0x0] =	vst.idx.msk $0xffff, v29  }
0x53f: {  	[tilespmem:v2+s25+$0x0] =	vst.idx.msk $0xffff, v28  }
0x540: {  	[tilespmem:v3+s25+$0x0] =	vst.idx.msk $0xffff, v27  }
0x541: {  	[tilespmem:v4+s25+$0x0] =	vst.idx.msk $0xffff, v31  }
.Ltmp21:
0x542: {  	_ = 	snop;
	(pc) =	sbr.rel .LBB2_38-.Ltmp21, $1  }
0x543: {  	_ =	sdelay $0x3  }
.LBB2_40:
0x544: {  	_ =	sfence.sel $0x180000  }
0x545: {  	[bflag:$0x0] =	sbarrier.arrive $0xFFFF  }
0x546: {  	_ =	strace $0x90000047  }
0x547: {  	s0 =	stileid.u32;
	[bflag:$0x2] =	sbarrier.arrive $0xFFFF  }
0x548: {  	p0 =	sne.s32 s0, $0x0;
	s0 =	rddreg [dreg:$0x3]  }
0x549: {  	s0 =	sadd.s32 @!p0 $0x100000, s0  }
0x54a: {  	[sflag:s0] =	ssyncadd.tile.s32 @!p0 $0x1;
	_ =	shalt  }
.Lfunc_end2:
_tile_overlayer_lowered:
.L_overlay_start_2:
0x54b: {  	(tag) =	ssettag $0x2  }
0x54c: {  	s0 =	rddreg [dreg:$0x0];
	s2 =	stileid.u32  }
0x54d: {  	s1 =	rddreg [dreg:$0x1];
	p0 =	sne.s32 s2, $0x0  }
0x54e: {  	s3 =	rddreg [dreg:$0x2];
	[bflag:$0x3] =	sbarrier.arrive $0xFFFF;
	s2 =	simm.s32 @!p0 $0x1C04  }
0x54f: {  	[timem:s3], [sflag:s2] =	dma.local @!p0 [hbm:s0], s1  }
0x550: {  	s0 =	simm.s32 @!p0 $0x4  }
0x551: {  	_ =	swait.ge @!p0 [sflag:s0], s1  }
0x552: {  	s1 =	ssub.s32 @!p0 $0x0, s1;
	[sflag:s0] =	ssyncset.done @!p0 $0x0  }
0x553: {  	[sflag:s0] =	ssyncadd.s32 @!p0 s1  }
0x554: {  	[bflag:$0x3] =	sbarrier.arrive $0xFFFF  }
0x555: {  	_ =	shalt  }

// kernel: kernel.8.cloned.1.call-start
scs
__scs_entry_jumppad:
0x0: {  	(pc) =	sbr.rel $0x88, $3  }
0x1: {  	(tag) =	ssettag $0x0;
	lr =	simm.s32 $0x1  }
0x2: {  	[smem:$0x3F95] =	sst lr;
	_ =	strace $0xD0000000  }
0x3: {  	_ = 	snop  }
0x4: {  	_ = 	snop  }
0x5: {  	_ = 	snop  }
0x6: {  	_ = 	snop  }
0x7: {  	_ = 	snop  }
__scs_overlays_trampoline_lowered:
0x8: {  	[smem:$0x3FA4] =	sst s0  }
0x9: {  	[smem:$0x3FA5] =	sst s1  }
0xa: {  	[smem:$0x3FA6] =	sst s2  }
0xb: {  	[smem:$0x3FA7] =	sst s3  }
0xc: {  	[smem:$0x3FA8] =	sst s4  }
0xd: {  	[smem:$0x3FA9] =	sst s5  }
0xe: {  	[smem:$0x3FAA] =	sst s6  }
0xf: {  	[smem:$0x3FAB] =	sst s7  }
0x10: {  	[smem:$0x3FAC] =	sst s8  }
0x11: {  	[smem:$0x3FAD] =	sst s9;
	s0 =	simm.s32 @!p0 $0x0  }
0x12: {  	s1 =	sld [smem:$0x3F93];
	s0 =	simm.s32 @p0 $0x1  }
0x13: {  	[smem:$0x3FAE] =	sst s0;
	s0 =	simm.s32 @!p1 $0x0  }
0x14: {  	s2 =	sld [smem:$0x3F92];
	s0 =	simm.s32 @p1 $0x1  }
0x15: {  	[smem:$0x3FAF] =	sst s0;
	s0 =	simm.s32 @!p2 $0x0  }
0x16: {  	s3 =	sld [smem:$0x3FDB];
	s0 =	simm.s32 @p2 $0x1  }
0x17: {  	s4 =	simm.s32 $0x1BF5;
	[smem:$0x3FB1] =	sst s0  }
0x18: {  	s0 =	sld [smem:$0x3F94];
	_ =	swait.ge [sflag:s4], $0x0  }
0x19: {  	s7 =	sld [smem:$0x3F95]  }
0x1a: {  	s8 =	sadd.s32 $0xFFFFE003, lr  }
0x1b: {  	s9 =	sadd.s32 $0xFFFFFEF7, lr;
	s5 =	simm.s32 $0xFFFFFFFF;
	p2 =	slt.u32 s8, $0xFFFFF086  }
0x1c: {  	p1 =	slt.u32 s9, $0xF7A;
	s5 =	simm.s32 @!p2 $0x0  }
0x1d: {  	s5 =	simm.s32 @p1 $0x1;
	p0 =	seq.s32 s7, s2  }
0x1e: {  	s7 =	smul.u32 @!p0 $0xF7A, s2;
	p2 =	seq.s32 @!p0 s5, $0x0  }
0x1f: {  	s9 =	smul.u32 $0xF7A, s1;
	s8 =	simm.s32 @!p0 $0x1BF5;
	p2 =	por !p2, p0  }
0x20: {  	[sflag:s8] =	ssyncset.s32 @!p0 $0xFFFFF086;
	s6 =	sadd.s32 @!p0 s3, s7;
	s7 =	simm.s32 @!p0 $0x108  }
0x21: {  	s3 =	sadd.s32 s3, s9;
	s6 =	sadd.s32 @!p0 $0x88, s6;
	s7 =	simm.s32 @p2 $0x1082  }
0x22: {  	[simem:s7], [sflag:s8] =	dma.local @!p0 [hbm:s6], $0xF7A  }
0x23: {  	s9 =	sor.u32 $0xD0000000, s2;
	s6 =	simm.s32 $0x108;
	_ =	swait.ge @!p0 [sflag:s8], $0x0  }
0x24: {  	s3 =	sadd.s32 $0x88, s3;
	s6 =	simm.s32 @!p1 $0x1082;
	[sflag:s4] =	ssyncset.s32 $0xFFFFF086  }
0x25: {  	[simem:s6], [sflag:s4] =	dma.local [hbm:s3], $0xF7A  }
0x26: {  	[smem:$0x3F95] =	sst s1;
	(tag) =	ssettag s2;
	_ =	strace s9  }
0x27: {  	s1 =	sld [smem:$0x3FA5]  }
0x28: {  	s2 =	sld [smem:$0x3FA6]  }
0x29: {  	s4 =	sld [smem:$0x3FA8]  }
0x2a: {  	p0 =	seq.s32 s5, $0x0;
	s5 =	sld [smem:$0x3FA9]  }
0x2b: {  	s6 =	sld [smem:$0x3FAA]  }
0x2c: {  	s7 =	sld [smem:$0x3FAB]  }
0x2d: {  	s3 =	simm.s32 $0x108;
	s8 =	sld [smem:$0x3FAC]  }
0x2e: {  	s3 =	simm.s32 @!p0 $0x1082;
	s9 =	sld [smem:$0x3FAD]  }
0x2f: {  	lr =	sadd.s32 s0, s3;
	s0 =	sld [smem:$0x3FA4]  }
0x30: {  	s3 =	sld [smem:$0x3FA7]  }
0x31: {  	[smem:$0x3FB0] =	sst s10  }
0x32: {  	s10 =	sld [smem:$0x3FAE];
	_ =	sdelay $0x3  }
0x33: {  	p0 =	seq.s32 s10, $0x1;
	s10 =	sld [smem:$0x3FB0];
	_ =	sdelay $0x3  }
0x34: {  	[smem:$0x3FB0] =	sst s10  }
0x35: {  	s10 =	sld [smem:$0x3FAF];
	_ =	sdelay $0x3  }
0x36: {  	p1 =	seq.s32 s10, $0x1;
	s10 =	sld [smem:$0x3FB0];
	_ =	sdelay $0x3  }
0x37: {  	[smem:$0x3FB0] =	sst s10  }
0x38: {  	s10 =	sld [smem:$0x3FB1]  }
0x39: {  	_ = 	snop;
	(pc) =	sbr.ind lr, $3  }
0x3a: {  	_ = 	snop  }
0x3b: {  	_ = 	snop  }
0x3c: {  	p2 =	seq.s32 s10, $0x1;
	s10 =	sld [smem:$0x3FB0]  }
0x3d: {  	_ =	shalt  }
0x3e: {  	_ =	shalt  }
0x3f: {  	_ =	shalt  }
0x40: {  	_ =	shalt  }
0x41: {  	_ =	shalt  }
0x42: {  	_ =	shalt  }
0x43: {  	_ =	shalt  }
0x44: {  	_ =	shalt  }
0x45: {  	_ =	shalt  }
0x46: {  	_ =	shalt  }
0x47: {  	_ =	shalt  }
0x48: {  	_ =	shalt  }
0x49: {  	_ =	shalt  }
0x4a: {  	_ =	shalt  }
0x4b: {  	_ =	shalt  }
0x4c: {  	_ =	shalt  }
0x4d: {  	_ =	shalt  }
0x4e: {  	_ =	shalt  }
0x4f: {  	_ =	shalt  }
0x50: {  	_ =	shalt  }
0x51: {  	_ =	shalt  }
0x52: {  	_ =	shalt  }
0x53: {  	_ =	shalt  }
0x54: {  	_ =	shalt  }
0x55: {  	_ =	shalt  }
0x56: {  	_ =	shalt  }
0x57: {  	_ =	shalt  }
0x58: {  	_ =	shalt  }
0x59: {  	_ =	shalt  }
0x5a: {  	_ =	shalt  }
0x5b: {  	_ =	shalt  }
0x5c: {  	_ =	shalt  }
0x5d: {  	_ =	shalt  }
0x5e: {  	_ =	shalt  }
0x5f: {  	_ =	shalt  }
0x60: {  	_ =	shalt  }
0x61: {  	_ =	shalt  }
0x62: {  	_ =	shalt  }
0x63: {  	_ =	shalt  }
0x64: {  	_ =	shalt  }
0x65: {  	_ =	shalt  }
0x66: {  	_ =	shalt  }
0x67: {  	_ =	shalt  }
0x68: {  	_ =	shalt  }
0x69: {  	_ =	shalt  }
0x6a: {  	_ =	shalt  }
0x6b: {  	_ =	shalt  }
0x6c: {  	_ =	shalt  }
0x6d: {  	_ =	shalt  }
0x6e: {  	_ =	shalt  }
0x6f: {  	_ =	shalt  }
0x70: {  	_ =	shalt  }
0x71: {  	_ =	shalt  }
0x72: {  	_ =	shalt  }
0x73: {  	_ =	shalt  }
0x74: {  	_ =	shalt  }
0x75: {  	_ =	shalt  }
0x76: {  	_ =	shalt  }
0x77: {  	_ =	shalt  }
0x78: {  	_ =	shalt  }
0x79: {  	_ =	shalt  }
0x7a: {  	_ =	shalt  }
0x7b: {  	_ =	shalt  }
0x7c: {  	_ =	shalt  }
0x7d: {  	_ =	shalt  }
0x7e: {  	_ =	shalt  }
0x7f: {  	_ =	shalt  }
0x80: {  	_ =	shalt  }
0x81: {  	_ =	shalt  }
0x82: {  	_ =	shalt  }
0x83: {  	_ =	shalt  }
0x84: {  	_ =	shalt  }
0x85: {  	_ =	shalt  }
0x86: {  	_ =	shalt  }
0x87: {  	_ =	shalt  }
.Lfunc_end0:
.L_simem_size_0:
called_computation.1_lowered:
.L_overlay_start_0:
0x88: {  	s2 =	sld [smem:$0x3FD9]  }
0x89: {  	s3 =	sld [smem:$0x3FFE];
	_ =	sdelay $0x1  }
0x8a: {  	s1 =	srdreg.scid  }
0x8b: {  	s0 =	sand.u32 $0x1, s1  }
0x8c: {  	s16 =	sshll.u32 s0, $0xA;
	s2 =	sadd.s32 s3, s2  }
0x8d: {  	s2 =	sadd.s32 s2, s16  }
0x8e: {  	[smem:$0x3FBC] =	sst s2  }
0x8f: {  	_ = 	snop  }
0x90: {  	(tm) =	ssettm $0x1  }
0x91: {  	s17 =	sld [smem:$0x3FFB];
	_ =	sdelay $0x3  }
0x92: {  	_ =	strace s17  }
0x93: {  	s2 =	sld [smem:$0x3FFC];
	_ =	sdelay $0x3  }
0x94: {  	_ =	strace s2  }
0x95: {  	s2 =	sld [smem:$0x3FFD];
	_ =	sdelay $0x3  }
0x96: {  	_ =	strace s2  }
0x97: {  	_ =	strace $0x8FFFFFFF  }
0x98: {  	s18 =	sld [smem:$0x3FDB];
	_ =	sdelay $0x1  }
0x99: {  	s19 =	simm.s32 $_scs_section_size  }
0x9a: {  	s4 =	simm.s32 $_size__tile_overlayer_lowered;
	s5 =	simm.s32 $_tile_overlayer_lowered  }
0x9b: {  	s22 =	simm.s32 $0x1BFF;
	s21 =	sshll.u32 s5, $0x1;
	s2 =	sadd.s32 s19, s18  }
0x9c: {  	s6 =	simm.s32 $0x0;
	s20 =	sshll.u32 s4, $0x1;
	s4 =	sadd.s32 s21, s2  }
0x9d: {  	[timem:s6], [sflag:s22] =	dma.local [hbm:s4], s20  }
0x9e: {  	_ =	swait.ge [sflag:s22], s20  }
0x9f: {  	s3 =	ssub.s32 $0x0, s20;
	[sflag:s22] =	ssyncset.done $0x0  }
0xa0: {  	[sflag:s22] =	ssyncadd.s32 s3;
	_ =	sdelay $0x1  }
0xa1: {  	s23 =	simm.s32 $0x1B8B  }
0xa2: {  	_ =	swait.ge [sflag:s23], $0x1  }
0xa3: {  	[sflag:s23] =	ssyncset.done $0x0  }
0xa4: {  	s25 =	simm.s32 $0x1B8E;
	s24 =	sld [smem:$0x3FFE];
	[sflag:s23] =	ssyncadd.s32 $0xFFFFFFFF  }
0xa5: {  	s26 =	simm.s32 $execute0_lowered;
	[smem:$0x3FD2] =	sst s25  }
0xa6: {  	s4 =	sshll.u32 s26, $0x1;
	_ =	strace $0x80000049;
	[dreg:$0x1] =	wrdreg $0xFFFFFFFF  }
0xa7: {  	s28 =	simm.s32 $_size_execute0_lowered;
	s2 =	sadd.s32 s2, s4;
	[dreg:$0x0] =	wrdreg $0x0  }
0xa8: {  	s4 =	sshll.u32 s28, $0x1;
	[dreg:$0x2] =	wrdreg s2  }
0xa9: {  	[dreg:$0x3] =	wrdreg s4  }
0xaa: {  	[dreg:$0x4] =	wrdreg $0xC0  }
0xab: {  	_ =	task [dreg:s6], $0x5FFFF  }
0xac: {  	[dreg:$0x1] =	wrdreg $0xFFFFFFFF  }
0xad: {  	[dreg:$0x0] =	wrdreg $0x60  }
0xae: {  	[dreg:$0x2] =	wrdreg s24  }
0xaf: {  	[dreg:$0x3] =	wrdreg $0x9  }
0xb0: {  	_ =	task.clear_ibuf [dreg:s6], $0x4FFFF;
	_ =	strace $0x90000049  }
0xb1: {  	s29 =	simm.s32 $0x9;
	_ =	strace $0x8000004B  }
0xb2: {  	_ =	swait.ge [sflag:s29], $0x1  }
0xb3: {  	[sflag:s29] =	ssyncadd.s32 $0xFFFFFFFF  }
0xb4: {  	_ =	strace $0x9000004B  }
0xb5: {  	_ =	sfence  }
0xb6: {  	s30 =	sld [smem:$0x0];
	_ =	sdelay $0x2  }
0xb7: {  	s31 =	sshll.u32 s1, $0xD;
	s1 =	sshrl.u32 s1, $0x2  }
0xb8: {  	s3 =	sand.u32 $0x4000, s31;
	s1 =	sadd.s32 s1, s30  }
0xb9: {  	s0 =	sor.u32 s3, s0;
	s1 =	sshll.u32 s1, $0x11  }
0xba: {  	s0 =	sor.u32 s1, s0  }
0xbb: {  	s0 =	sadd.s32 $0x8F2B, s0  }
0xbc: {  	[sflag:s0] =	ssyncadd.remote.s32 $0x1  }
0xbd: {  	_ =	sfence.sel $0xFFFF  }
0xbe: {  	[dreg:$0x0] =	wrdreg $0xFFFFFFFF;
	(pc) =	sbr.abs _section_cstart, $3  }
0xbf: {  	[dreg:$0x1] =	wrdreg $0xFFFFFFFF  }
0xc0: {  	_ =	task.clear_ibuf [dreg:s6], $0x2FFFF;
	_ =	strace $0x9FFFFFFF  }
0xc1: {  	(tm) =	ssettm $0x7FFFFFFF  }
tec
execute0_lowered:
.L_overlay_start_1:
0x0: {  	(tag) =	ssettag $0x1  }
0x1: {  	s1 =	srdreg.scid;
	s0 =	stileid.u32  }
0x2: {  	s11 =	sand.u32 $0x1, s1;
	s28 =	sshll.u32 s0, $0x1  }
0x3: {  	s10 =	sor.u32 s11, s28  }
0x4: {  	s12 =	rddreg [dreg:$0x0];
	s3 =	smul.u32 $0x1A0, s10  }
0x5: {  	s2 =	simm.s32 $0x0;
	s1 =	rddreg [dreg:$0x1]  }
0x6: {  	[smem:$0x7FF] =	sst s2;
	s13 =	sadd.s32 s3, s12  }
0x7: {  	_ =	strace $0x8000004A;
	s3 =	simm.s32 $0x3;
	s4 =	sadd.s32 $0x1EA400, s13  }
0x8: {  	[tilespmem:s2], [sflag:$0x3] =	stream.linear.gather [hbm4b:s4+s2], $0xD00, $0x38;
	[tilespmem:$0xEA00] =	vst v63  }
0x9: {  	_ =	swait.ge [sflag:s3], $0xD00  }
0xa: {  	[sflag:s3] =	ssyncset.done $0x0  }
0xb: {  	s6 =	simm.s32 $0xD00;
	s5 =	sadd.s32 $0x1E00, s12;
	[sflag:s3] =	ssyncadd.s32 $0xFFFFF300  }
0xc: {  	[tilespmem:s6], [sflag:$0x1] =	stream.indirect.gather [hbm4b:s5+s6], $0x10, s2, s6, $0xb8;
	[tilespmem:$0xEA00] =	vst v63  }
0xd: {  	s8 =	simm.s32 $0xDD00;
	s9 =	simm.s32 $0x1;
	s7 =	sadd.s32 $0x1ED800, s12  }
0xe: {  	[tilespmem:s8], [sflag:$0x2] =	stream.indirect.gather [hbm4b:s7+s6], $0x1, s2, s6, $0xb8;
	[tilespmem:$0xEA00] =	vst v63  }
0xf: {  	_ =	swait.ge [sflag:s9], $0xD000  }
0x10: {  	s29 =	ssub.s32 $0x2, s11;
	[sflag:s9] =	ssyncset.done $0x0  }
0x11: {  	s14 =	smul.u32 $0x1A00, s10;
	s10 =	simm.s32 $0x2;
	[sflag:s9] =	ssyncadd.s32 $0xFFFF3000  }
0x12: {  	s30 =	sshrl.u32 s29, $0x1;
	_ =	swait.ge [sflag:s10], $0xD00  }
0x13: {  	s12 =	sadd.s32 s14, s12;
	s14 =	ssub.s32 s29, s30;
	[sflag:s10] =	ssyncset.done $0x0  }
0x14: {  	s11 =	sadd.s32 $0x20C200, s12;
	s31 =	smax.u32 s14, $0x1;
	[sflag:s10] =	ssyncadd.s32 $0xFFFFF300  }
0x15: {  	[hbm4b:s11+s2] =	stream.linear.scatter [tilespmem:s6], [sflag:$0x3], $0xD000, $0x38;
	[tilespmem:$0xEA00] =	vst v63  }
0x16: {  	p0 =	sne.s32 s31, $0x1;
	_ =	swait.ge [sflag:s3], $0xD000  }
.Ltmp0:
0x17: {  	[sflag:s3] =	ssyncset.done $0x0;
	(pc) =	sbr.rel @!p0 .LBB2_2-.Ltmp0, $4  }
0x18: {  	s12 =	sadd.s32 $0x240200, s13;
	[sflag:s3] =	ssyncadd.s32 $0xFFFF3000  }
0x19: {  	[hbm4b:s12+s2] =	stream.linear.scatter [tilespmem:s8], [sflag:$0x3], $0xD00, $0x38;
	[tilespmem:$0xEA00] =	vst v63  }
0x1a: {  	_ =	swait.ge [sflag:s3], $0xD00  }
0x1b: {  	s13 =	sadd.s32 $0xFFFFFFFF, s31;
	[sflag:s3] =	ssyncset.done $0x0  }
.LBB2_1:
0x1c: {  	p0 =	sne.s32 s13, $0x1;
	s13 =	sadd.s32 $0xFFFFFFFF, s13;
	[sflag:s3] =	ssyncadd.s32 $0xFFFFF300  }
0x1d: {  	[tilespmem:s2], [sflag:$0x3] =	stream.linear.gather [hbm4b:s4+s2], $0xD00, $0x38;
	[tilespmem:$0xEA00] =	vst v63  }
0x1e: {  	_ =	swait.ge [sflag:s3], $0xD00  }
0x1f: {  	[sflag:s3] =	ssyncset.done $0x0  }
0x20: {  	[sflag:s3] =	ssyncadd.s32 $0xFFFFF300  }
0x21: {  	[tilespmem:s6], [sflag:$0x1] =	stream.indirect.gather [hbm4b:s5+s6], $0x10, s2, s6, $0xb8;
	[tilespmem:$0xEA00] =	vst v63  }
0x22: {  	_ = 	snop  }
0x23: {  	[tilespmem:s8], [sflag:$0x2] =	stream.indirect.gather [hbm4b:s7+s6], $0x1, s2, s6, $0xb8;
	[tilespmem:$0xEA00] =	vst v63  }
0x24: {  	_ =	swait.ge [sflag:s9], $0xD000  }
0x25: {  	[sflag:s9] =	ssyncset.done $0x0  }
0x26: {  	[sflag:s9] =	ssyncadd.s32 $0xFFFF3000  }
0x27: {  	_ =	swait.ge [sflag:s10], $0xD00  }
0x28: {  	[sflag:s10] =	ssyncset.done $0x0  }
0x29: {  	[sflag:s10] =	ssyncadd.s32 $0xFFFFF300  }
0x2a: {  	[hbm4b:s11+s2] =	stream.linear.scatter [tilespmem:s6], [sflag:$0x3], $0xD000, $0x38;
	[tilespmem:$0xEA00] =	vst v63  }
0x2b: {  	_ =	swait.ge [sflag:s3], $0xD000  }
.Ltmp1:
0x2c: {  	[sflag:s3] =	ssyncset.done $0x0;
	(pc) =	sbr.rel @p0 .LBB2_1-.Ltmp1, $4  }
0x2d: {  	[sflag:s3] =	ssyncadd.s32 $0xFFFF3000  }
0x2e: {  	[hbm4b:s12+s2] =	stream.linear.scatter [tilespmem:s8], [sflag:$0x3], $0xD00, $0x38;
	[tilespmem:$0xEA00] =	vst v63  }
0x2f: {  	_ =	swait.ge [sflag:s3], $0xD00  }
0x30: {  	[sflag:s3] =	ssyncset.done $0x0  }
.LBB2_2:
0x31: {  	[sflag:s3] =	ssyncadd.s32 $0xFFFFF300  }
0x32: {  	_ =	sfence.sel $0x180000  }
0x33: {  	[bflag:$0x0] =	sbarrier.arrive $0xFFFF  }
0x34: {  	p0 =	sne.s32 s0, $0x0;
	_ =	strace $0x9000004A  }
0x35: {  	s0 =	sadd.s32 @!p0 $0x100000, s1;
	[bflag:$0x2] =	sbarrier.arrive $0xFFFF  }
0x36: {  	[sflag:s0] =	ssyncadd.tile.s32 @!p0 $0x1;
	_ =	shalt  }
.Lfunc_end2:
_tile_overlayer_lowered:
.L_overlay_start_2:
0x37: {  	(tag) =	ssettag $0x2  }
0x38: {  	s0 =	rddreg [dreg:$0x0];
	s2 =	stileid.u32  }
0x39: {  	s1 =	rddreg [dreg:$0x1];
	p0 =	sne.s32 s2, $0x0  }
0x3a: {  	s3 =	rddreg [dreg:$0x2];
	[bflag:$0x3] =	sbarrier.arrive $0xFFFF;
	s2 =	simm.s32 @!p0 $0x1C03  }
0x3b: {  	[timem:s3], [sflag:s2] =	dma.local @!p0 [hbm:s0], s1  }
0x3c: {  	s0 =	simm.s32 @!p0 $0x3  }
0x3d: {  	_ =	swait.ge @!p0 [sflag:s0], s1  }
0x3e: {  	s1 =	ssub.s32 @!p0 $0x0, s1;
	[sflag:s0] =	ssyncset.done @!p0 $0x0  }
0x3f: {  	[sflag:s0] =	ssyncadd.s32 @!p0 s1  }
0x40: {  	[bflag:$0x3] =	sbarrier.arrive $0xFFFF  }
0x41: {  	_ =	shalt  }

</sc_bundles>
